<compile_context>
chip_gen: v7x
topology: tpu7x:2x2x1
jax: 0.10.2.dev20260603
libtpu: 0.0.44.dev20260713+nightly
codegen_flags: <defaults>
</compile_context>

<pallas_src>
import functools

import jax
import jax.numpy as jnp
from jax import lax
from jax.experimental import pallas as pl
from jax.experimental.pallas import tpu as pltpu
from jax.experimental.pallas import tpu_sc as plsc

N = 10000
D = 128
H = 128
E = 320000
OUT = 40

NC = 2
NS = 16
NW = NC * NS

CK = 128
NBUF = 2
CH_BIG = 80
CH_SMALL = 80
BIG_ON_C0 = True
SEG = 80
TOT_CH = NS * (CH_BIG + CH_SMALL)
E_PAD = TOT_CH * CK
ACC_ROWS = 10240
ZROWS_W = ACC_ROWS // NS

BROWS = 2000


def _make_segsum(want_deg: bool):
    mesh = plsc.VectorSubcoreMesh(core_axis_name="c", subcore_axis_name="s")
    out_type = [jax.ShapeDtypeStruct((NC, ACC_ROWS, H), jnp.float32)]
    scratch = [
        pltpu.VMEM((SEG * CK,), jnp.int32),
        [pltpu.VMEM((1, CK), jnp.int32) for _ in range(NBUF)],
        [pltpu.VMEM((CK, H), jnp.float32) for _ in range(NBUF)],
        pltpu.VMEM_SHARED((ACC_ROWS, H), jnp.float32),
        [pltpu.SemaphoreType.DMA for _ in range(NBUF)],
        [pltpu.SemaphoreType.DMA for _ in range(NBUF)],
    ]
    if want_deg:
        out_type.append(jax.ShapeDtypeStruct((ACC_ROWS,), jnp.float32))
        out_type.append(jax.ShapeDtypeStruct((ACC_ROWS,), jnp.float32))
        scratch += [
            pltpu.VMEM((CK,), jnp.float32),
            pltpu.VMEM_SHARED((ACC_ROWS,), jnp.float32),
        ]

    def body(feat, srcm, dstm, zrows, zdeg, *rest):
        if want_deg:
            (agg_out, deg0_out, deg1_out, src_v, dsts, rows, acc_sh, sems,
             dsems, ones_v, deg_sh) = rest
        else:
            agg_out, src_v, dsts, rows, acc_sh, sems, dsems = rest
        c = lax.axis_index("c")
        s = lax.axis_index("s")
        z0 = s * ZROWS_W
        big = (c == 0) if BIG_ON_C0 else (c == 1)
        ch = jnp.where(big, CH_BIG, CH_SMALL)
        slab = jnp.where(big, s * CH_BIG, NS * CH_BIG + s * CH_SMALL)
        pltpu.sync_copy(zrows.at[pl.ds(z0, ZROWS_W)], acc_sh.at[pl.ds(z0, ZROWS_W)])
        if want_deg:
            pltpu.sync_copy(zdeg.at[pl.ds(z0, ZROWS_W)], deg_sh.at[pl.ds(z0, ZROWS_W)])
            for j in range(CK // 16):
                ones_v[pl.ds(j * 16, 16)] = jnp.ones((16,), jnp.float32)
        plsc.subcore_barrier()

        bufs = tuple(zip(rows, sems, dsts, dsems))

        def _consume(buf, dbuf):
            pltpu.sync_copy(buf, acc_sh.at[dbuf.at[0]], add=True)
            if want_deg:
                pltpu.sync_copy(ones_v, deg_sh.at[dbuf.at[0]], add=True)

        def run_segment(first, nch):
            pltpu.sync_copy(
                srcm.at[pl.ds(pl.multiple_of(first * CK, 128), SEG * CK)],
                src_v)

            def _start(j, buf, sem, dbuf, dsem):
                pltpu.async_copy(dstm.at[first + j], dbuf, dsem)
                pltpu.async_copy(feat.at[src_v.at[pl.ds(j * CK, CK)]], buf, sem)

            def _drain(buf, sem, dbuf, dsem):
                pltpu.make_async_copy(dstm.at[0], dbuf, dsem).wait()
                pltpu.make_async_copy(
                    feat.at[src_v.at[pl.ds(0, CK)]], buf, sem).wait()

            for b, (buf, sem, dbuf, dsem) in enumerate(bufs):
                _start(b, buf, sem, dbuf, dsem)

            def step(g, carry):
                for b, (buf, sem, dbuf, dsem) in enumerate(bufs):
                    j = g * NBUF + b
                    _drain(buf, sem, dbuf, dsem)
                    _consume(buf, dbuf)
                    _start(j + NBUF, buf, sem, dbuf, dsem)
                return carry

            lax.fori_loop(0, nch // NBUF - 1, step, 0)
            for b, (buf, sem, dbuf, dsem) in enumerate(bufs):
                _drain(buf, sem, dbuf, dsem)
                _consume(buf, dbuf)

        run_segment(slab, jnp.minimum(ch, SEG))

        @pl.when(ch > SEG)
        def _():
            run_segment(slab + SEG, ch - SEG)

        plsc.subcore_barrier()
        pltpu.sync_copy(acc_sh.at[pl.ds(z0, ZROWS_W)], agg_out.at[c, pl.ds(z0, ZROWS_W)])
        if want_deg:
            @pl.when(c == 0)
            def _():
                pltpu.sync_copy(deg_sh.at[pl.ds(z0, ZROWS_W)],
                                deg0_out.at[pl.ds(z0, ZROWS_W)])

            @pl.when(c == 1)
            def _():
                pltpu.sync_copy(deg_sh.at[pl.ds(z0, ZROWS_W)],
                                deg1_out.at[pl.ds(z0, ZROWS_W)])

    return pl.kernel(body, out_type=tuple(out_type), mesh=mesh,
                     scratch_types=tuple(scratch))


_segsum_deg = _make_segsum(True)
_segsum = _make_segsum(False)


def _tc_root_body(h, Wr, bl, r_ref):
    r_ref[...] = jnp.dot(h[...], Wr[...],
                         preferred_element_type=jnp.float32) + bl[...]


def _tc_root(h, Wr, bl):
    grid = (N // BROWS,)
    bs_rows = pl.BlockSpec((BROWS, H), lambda i: (i, 0))
    return pl.pallas_call(
        _tc_root_body,
        grid=grid,
        in_specs=[bs_rows, pl.BlockSpec((H, H), lambda i: (0, 0)),
                  pl.BlockSpec((1, H), lambda i: (0, 0))],
        out_specs=bs_rows,
        out_shape=jax.ShapeDtypeStruct((N, H), jnp.float32),
    )(h, Wr, bl)


def _tc_layer_body(r, a0, a1, d0, d1, Wl, g, beta, o_ref):
    deg = jnp.maximum(d0[...] + d1[...], 1.0)
    mean = (a0[0] + a1[0]) / deg
    o = jnp.dot(mean, Wl[...], preferred_element_type=jnp.float32) + r[...]
    o = jnp.maximum(o, 0.0)
    mu = jnp.mean(o, axis=1, keepdims=True)
    var = jnp.mean((o - mu) ** 2, axis=1, keepdims=True)
    o_ref[...] = (o - mu) * lax.rsqrt(var + 1e-5) * g[...] + beta[...]


def _tc_layer(r, agg, d0, d1, Wl, g, beta):
    grid = (N // BROWS,)
    bs_rows = pl.BlockSpec((BROWS, H), lambda i: (i, 0))
    bs_a0 = pl.BlockSpec((1, BROWS, H), lambda i: (0, i, 0))
    bs_a1 = pl.BlockSpec((1, BROWS, H), lambda i: (1, i, 0))
    bs_col = pl.BlockSpec((BROWS, 1), lambda i: (i, 0))
    bs_w = pl.BlockSpec((H, H), lambda i: (0, 0))
    bs_v = pl.BlockSpec((1, H), lambda i: (0, 0))
    return pl.pallas_call(
        _tc_layer_body,
        grid=grid,
        in_specs=[bs_rows, bs_a0, bs_a1, bs_col, bs_col, bs_w, bs_v, bs_v],
        out_specs=bs_rows,
        out_shape=jax.ShapeDtypeStruct((N, H), jnp.float32),
    )(r, agg, agg, d0, d1, Wl, g, beta)


def _tc_final_body(r, a0, a1, d0, d1, Wl, W1, b1, W2, b2,
                   emb_ref, out_ref):
    deg = jnp.maximum(d0[...] + d1[...], 1.0)
    mean = (a0[0] + a1[0]) / deg
    o = jnp.dot(mean, Wl[...], preferred_element_type=jnp.float32) + r[...]
    o = jnp.maximum(o, 0.0)
    emb_ref[...] = o
    t = jnp.maximum(jnp.dot(o, W1[...], preferred_element_type=jnp.float32)
                    + b1[...], 0.0)
    logits = jnp.dot(t, W2[...], preferred_element_type=jnp.float32) + b2[...]
    m = jnp.max(logits, axis=1, keepdims=True)
    ex = jnp.exp(logits - m)
    lse = jnp.log(jnp.sum(ex, axis=1, keepdims=True)) + m
    out_ref[...] = logits - lse


def _tc_final(r, agg, d0, d1, Wl, W1p, b1p, W2p, b2):
    P1 = W1p.shape[1]
    grid = (N // BROWS,)
    bs_rows = pl.BlockSpec((BROWS, H), lambda i: (i, 0))
    bs_a0 = pl.BlockSpec((1, BROWS, H), lambda i: (0, i, 0))
    bs_a1 = pl.BlockSpec((1, BROWS, H), lambda i: (1, i, 0))
    bs_col = pl.BlockSpec((BROWS, 1), lambda i: (i, 0))
    bs_w = pl.BlockSpec((H, H), lambda i: (0, 0))
    return pl.pallas_call(
        _tc_final_body,
        grid=grid,
        in_specs=[bs_rows, bs_a0, bs_a1, bs_col, bs_col, bs_w,
                  pl.BlockSpec((H, P1), lambda i: (0, 0)),
                  pl.BlockSpec((1, P1), lambda i: (0, 0)),
                  pl.BlockSpec((P1, OUT), lambda i: (0, 0)),
                  pl.BlockSpec((1, OUT), lambda i: (0, 0))],
        out_specs=[bs_rows, pl.BlockSpec((BROWS, OUT), lambda i: (i, 0))],
        out_shape=[jax.ShapeDtypeStruct((N, H), jnp.float32),
                   jax.ShapeDtypeStruct((N, OUT), jnp.float32)],
    )(r, agg, agg, d0, d1, Wl, W1p, b1p, W2p, b2)


def kernel(x, edge_index, batch, Wl0, bl0, Wr0, Wl1, bl1, Wr1, Wl2, bl2, Wr2,
           g0, beta0, g1, beta1, W1, b1, W2, b2):
    src = edge_index[0]
    dst = edge_index[1]
    npad = E_PAD - E
    pad_src = jnp.arange(npad + SEG * CK, dtype=jnp.int32) % N
    srcm = jnp.concatenate([src, pad_src])
    pad_dst = N + (jnp.arange(npad, dtype=jnp.int32) % (ACC_ROWS - N))
    dstm = jnp.concatenate([dst, pad_dst]).reshape(TOT_CH, 1, CK)
    zrows = jnp.zeros((ACC_ROWS, H), jnp.float32)
    zdeg = jnp.zeros((ACC_ROWS,), jnp.float32)

    bl0_ = bl0.reshape(1, H)
    bl1_ = bl1.reshape(1, H)
    bl2_ = bl2.reshape(1, H)
    g0_ = g0.reshape(1, H)
    beta0_ = beta0.reshape(1, H)
    g1_ = g1.reshape(1, H)
    beta1_ = beta1.reshape(1, H)
    P1 = 64
    W1p = jnp.pad(W1, ((0, 0), (0, P1 - W1.shape[1])))
    b1p = jnp.pad(b1, (0, P1 - b1.shape[0])).reshape(1, P1)
    W2p = jnp.pad(W2, ((0, P1 - W2.shape[0]), (0, 0)))
    b2_ = b2.reshape(1, OUT)

    agg, deg0, deg1 = _segsum_deg(x, srcm, dstm, zrows, zdeg)
    r = _tc_root(x, Wr0, bl0_)
    d0 = deg0.reshape(ACC_ROWS, 1)
    d1 = deg1.reshape(ACC_ROWS, 1)
    h = _tc_layer(r, agg, d0, d1, Wl0, g0_, beta0_)
    (agg,) = _segsum(h, srcm, dstm, zrows, zdeg)
    r = _tc_root(h, Wr1, bl1_)
    h = _tc_layer(r, agg, d0, d1, Wl1, g1_, beta1_)
    (agg,) = _segsum(h, srcm, dstm, zrows, zdeg)
    r = _tc_root(h, Wr2, bl2_)
    emb, logp = _tc_final(r, agg, d0, d1, Wl2, W1p, b1p, W2p, b2_)
    return (emb, logp)

# --- scband reference (transcript-rebuilt; emitter-appended) ---
"""Pipeline reference for scband-gnnstack-42013370089829 (READ-ONLY COPY).

The authoritative reference and input builder live on the scoring server;
editing this copy changes nothing except your own understanding.
"""

import jax, jax.numpy as jnp
import numpy as np

N = 10000
E = 320000
D = 128
H = 128
OUT = 40


def setup_inputs(seed: int = 0) -> dict:
    key = jax.random.key(seed)
    ks = jax.random.split(key, 24)

    def nrm(k, shape, fan_in):
        return jax.random.normal(k, shape, dtype=jnp.float32) / np.sqrt(fan_in)

    inp = {}
    inp["x"] = jax.random.normal(ks[0], (N, D), dtype=jnp.float32)
    inp["edge_index"] = jax.random.randint(ks[1], (2, E), 0, N, dtype=jnp.int32)
    inp["batch"] = jnp.zeros((N,), dtype=jnp.int32)
    # SAGEConv layer 0 (in=D, out=H): lin_l (neighbor agg, with bias), lin_r (root, no bias)
    inp["Wl0"] = nrm(ks[2], (D, H), D)
    inp["bl0"] = jnp.zeros((H,), jnp.float32)
    inp["Wr0"] = nrm(ks[3], (D, H), D)
    # SAGEConv layer 1
    inp["Wl1"] = nrm(ks[4], (H, H), H)
    inp["bl1"] = jnp.zeros((H,), jnp.float32)
    inp["Wr1"] = nrm(ks[5], (H, H), H)
    # SAGEConv layer 2
    inp["Wl2"] = nrm(ks[6], (H, H), H)
    inp["bl2"] = jnp.zeros((H,), jnp.float32)
    inp["Wr2"] = nrm(ks[7], (H, H), H)
    # LayerNorms (applied after layers 0 and 1 only)
    inp["g0"] = jnp.ones((H,), jnp.float32)
    inp["beta0"] = jnp.zeros((H,), jnp.float32)
    inp["g1"] = jnp.ones((H,), jnp.float32)
    inp["beta1"] = jnp.zeros((H,), jnp.float32)
    # post_mp1: Linear(H, 50); post_mp2: Linear(50, OUT)
    inp["W1"] = nrm(ks[8], (H, 50), H)
    inp["b1"] = jnp.zeros((50,), jnp.float32)
    inp["W2"] = nrm(ks[9], (50, OUT), 50)
    inp["b2"] = jnp.zeros((OUT,), jnp.float32)
    return inp


def _sage(x, src, dst, Wl, bl, Wr):
    # PyG SAGEConv (aggr='mean'): out = lin_l(mean_{j in N(i)} x_j) + lin_r(x_i)
    msg = jnp.take(x, src, axis=0)
    agg = jax.ops.segment_sum(msg, dst, num_segments=N)
    deg = jax.ops.segment_sum(jnp.ones((src.shape[0],), x.dtype), dst, num_segments=N)
    mean = agg / jnp.clip(deg, 1.0)[:, None]
    return mean @ Wl + bl + x @ Wr


def _ln(x, g, b):
    mu = jnp.mean(x, axis=-1, keepdims=True)
    var = jnp.mean((x - mu) ** 2, axis=-1, keepdims=True)
    return (x - mu) / jnp.sqrt(var + 1e-5) * g + b


def reference(x, edge_index, batch, Wl0, bl0, Wr0, Wl1, bl1, Wr1, Wl2, bl2, Wr2, g0, beta0, g1, beta1, W1, b1, W2, b2):
    src = edge_index[0]
    dst = edge_index[1]
    # layer 0
    h = _sage(x, src, dst, Wl0, bl0, Wr0)
    h = jax.nn.relu(h)
    h = _ln(h, g0, beta0)
    # dropout p=0.25 is identity in eval mode
    # layer 1
    h = _sage(h, src, dst, Wl1, bl1, Wr1)
    h = jax.nn.relu(h)
    h = _ln(h, g1, beta1)
    # layer 2 (no layernorm after last conv)
    h = _sage(h, src, dst, Wl2, bl2, Wr2)
    h = jax.nn.relu(h)
    emb = h
    # task == 'node' -> no global_mean_pool
    o = jax.nn.relu(h @ W1 + b1)
    # dropout p=0.5 identity in eval
    o = o @ W2 + b2
    return (emb, jax.nn.log_softmax(o, axis=1))

if __name__ == "__main__":
    import jax
    _d = setup_inputs()
    print(jax.jit(kernel)(*tuple(_d.values())))

</pallas_src>

<mosaic_0001>
#map = affine_map<(d0, d1) -> (0, 0)>
#map1 = affine_map<(d0, d1) -> (0)>
#map2 = affine_map<(d0, d1) -> (0, 0, 0)>
module attributes {stable_mosaic.version = 14 : i64} {
  func.func @body(%arg0: i32, %arg1: i32, %arg2: memref<10000x128xf32, #tpu.memory_space<hbm>>, %arg3: memref<337920xi32, #tpu.memory_space<hbm>>, %arg4: memref<2560x1x128xi32, #tpu.memory_space<hbm>>, %arg5: memref<10240x128xf32, #tpu.memory_space<hbm>>, %arg6: memref<10240xf32, #tpu.memory_space<hbm>>, %arg7: memref<2x10240x128xf32, #tpu.memory_space<hbm>>, %arg8: memref<10240xf32, #tpu.memory_space<hbm>>, %arg9: memref<10240xf32, #tpu.memory_space<hbm>>, %arg10: memref<10240xi32, #tpu.memory_space<vmem>>, %arg11: memref<1x128xi32, #tpu.memory_space<vmem>>, %arg12: memref<1x128xi32, #tpu.memory_space<vmem>>, %arg13: memref<128x128xf32, #tpu.memory_space<vmem>>, %arg14: memref<128x128xf32, #tpu.memory_space<vmem>>, %arg15: memref<10240x128xf32, #tpu.memory_space<vmem_shared>>, %arg16: memref<!tpu.dma_semaphore, #tpu.memory_space<semaphore_mem>>, %arg17: memref<!tpu.dma_semaphore, #tpu.memory_space<semaphore_mem>>, %arg18: memref<!tpu.dma_semaphore, #tpu.memory_space<semaphore_mem>>, %arg19: memref<!tpu.dma_semaphore, #tpu.memory_space<semaphore_mem>>, %arg20: memref<128xf32, #tpu.memory_space<vmem>>, %arg21: memref<10240xf32, #tpu.memory_space<vmem_shared>>) attributes {dimension_semantics = [#tpu.dimension_semantics<core_parallel>, #tpu.dimension_semantics<subcore_parallel>], iteration_bounds = array<i64: 2, 16>, scalar_prefetch = 0 : i64, scratch_operands = 12 : i64, tpu.core_type = #tpu.core_type<sc_vector_subcore>, window_params = [{transform_indices = #map}, {transform_indices = #map1}, {transform_indices = #map2}, {transform_indices = #map}, {transform_indices = #map1}, {transform_indices = #map2}, {transform_indices = #map1}, {transform_indices = #map1}]} {
    %mul3A = arith.constant 640 : i32
    %mul3A_0 = arith.muli %arg1, %mul3A : i32
    %eq3A = arith.constant 0 : i32
    %eq3A_1 = arith.cmpi eq, %arg0, %eq3A : i32
    %jit3A = arith.constant 80 : i32
    %jit3A_2 = arith.constant 80 : i32
    %select_n3A = arith.select %eq3A_1, %jit3A, %jit3A_2 : i32
    %mul3A_3 = arith.constant 80 : i32
    %mul3A_4 = arith.muli %arg1, %mul3A_3 : i32
    %mul3A_5 = arith.constant 80 : i32
    %mul3A_6 = arith.muli %arg1, %mul3A_5 : i32
    %add3A = arith.constant 1280 : i32
    %add3A_7 = arith.addi %add3A, %mul3A_6 : i32
    %select_n3A_8 = arith.select %eq3A_1, %mul3A_4, %add3A_7 : i32
    "tpu.region"() ({
      %run_scoped3A_159 = tpu.sem_alloc : memref<!tpu.dma_semaphore, #tpu.memory_space<semaphore_mem>>
      %dma_start3A_160 = arith.constant 0 : i32
      %dma_start3A_161 = tpu.memref_slice %arg15[%mul3A_0, %dma_start3A_160] : memref<10240x128xf32, #tpu.memory_space<vmem_shared>> -> memref<640x128xf32, #tpu.memory_space<vmem_shared>>
      %dma_start3A_162 = arith.constant 0 : i32
      %dma_start3A_163 = tpu.memref_slice %arg5[%mul3A_0, %dma_start3A_162] : memref<10240x128xf32, #tpu.memory_space<hbm>> -> memref<640x128xf32, #tpu.memory_space<hbm>>
      tpu.enqueue_dma source(%dma_start3A_163 : memref<640x128xf32, #tpu.memory_space<hbm>>) target(%dma_start3A_161 : memref<640x128xf32, #tpu.memory_space<vmem_shared>>) target_semaphore(%run_scoped3A_159 : memref<!tpu.dma_semaphore, #tpu.memory_space<semaphore_mem>>)
      %dma_wait3A_164 = arith.constant 0 : i32
      %dma_wait3A_165 = tpu.memref_slice %arg15[%mul3A_0, %dma_wait3A_164] : memref<10240x128xf32, #tpu.memory_space<vmem_shared>> -> memref<640x128xf32, #tpu.memory_space<vmem_shared>>
      %dma_wait3A_166 = arith.constant 0 : i32
      %dma_wait3A_167 = tpu.memref_slice %arg5[%mul3A_0, %dma_wait3A_166] : memref<10240x128xf32, #tpu.memory_space<hbm>> -> memref<640x128xf32, #tpu.memory_space<hbm>>
      tpu.wait_dma2 semaphore(%run_scoped3A_159 : memref<!tpu.dma_semaphore, #tpu.memory_space<semaphore_mem>>) src(%dma_wait3A_167 : memref<640x128xf32, #tpu.memory_space<hbm>>) dst(%dma_wait3A_165 : memref<640x128xf32, #tpu.memory_space<vmem_shared>>)
      tpu.yield
    }) : () -> ()
    "tpu.region"() ({
      %run_scoped3A_159 = tpu.sem_alloc : memref<!tpu.dma_semaphore, #tpu.memory_space<semaphore_mem>>
      %dma_start3A_160 = tpu.memref_slice %arg21[%mul3A_0] : memref<10240xf32, #tpu.memory_space<vmem_shared>> -> memref<640xf32, #tpu.memory_space<vmem_shared>>
      %dma_start3A_161 = tpu.memref_slice %arg6[%mul3A_0] : memref<10240xf32, #tpu.memory_space<hbm>> -> memref<640xf32, #tpu.memory_space<hbm>>
      tpu.enqueue_dma source(%dma_start3A_161 : memref<640xf32, #tpu.memory_space<hbm>>) target(%dma_start3A_160 : memref<640xf32, #tpu.memory_space<vmem_shared>>) target_semaphore(%run_scoped3A_159 : memref<!tpu.dma_semaphore, #tpu.memory_space<semaphore_mem>>)
      %dma_wait3A_162 = tpu.memref_slice %arg21[%mul3A_0] : memref<10240xf32, #tpu.memory_space<vmem_shared>> -> memref<640xf32, #tpu.memory_space<vmem_shared>>
      %dma_wait3A_163 = tpu.memref_slice %arg6[%mul3A_0] : memref<10240xf32, #tpu.memory_space<hbm>> -> memref<640xf32, #tpu.memory_space<hbm>>
      tpu.wait_dma2 semaphore(%run_scoped3A_159 : memref<!tpu.dma_semaphore, #tpu.memory_space<semaphore_mem>>) src(%dma_wait3A_163 : memref<640xf32, #tpu.memory_space<hbm>>) dst(%dma_wait3A_162 : memref<640xf32, #tpu.memory_space<vmem_shared>>)
      tpu.yield
    }) : () -> ()
    %broadcast_in_dim3A = arith.constant 1.000000e+00 : f32
    %broadcast_in_dim3A_9 = vector.broadcast %broadcast_in_dim3A : f32 to vector<16xf32>
    %swap3A = arith.constant 0 : index
    %swap3A_10 = tpu.vector_load %arg20[%swap3A] {strides = array<i32>} : memref<128xf32, #tpu.memory_space<vmem>>, vector<16xf32>,
    %swap3A_11 = vector.shape_cast %swap3A_10 : vector<16xf32> to vector<16xf32>
    %swap3A_12 = vector.shape_cast %broadcast_in_dim3A_9 : vector<16xf32> to vector<16xf32>
    tpu.vector_store %arg20[%swap3A], %swap3A_12 {strides = array<i32>} : memref<128xf32, #tpu.memory_space<vmem>>, vector<16xf32>,
    %broadcast_in_dim3A_13 = arith.constant 1.000000e+00 : f32
    %broadcast_in_dim3A_14 = vector.broadcast %broadcast_in_dim3A_13 : f32 to vector<16xf32>
    %swap3A_15 = arith.constant 16 : index
    %swap3A_16 = tpu.vector_load %arg20[%swap3A_15] {strides = array<i32>} : memref<128xf32, #tpu.memory_space<vmem>>, vector<16xf32>,
    %swap3A_17 = vector.shape_cast %swap3A_16 : vector<16xf32> to vector<16xf32>
    %swap3A_18 = vector.shape_cast %broadcast_in_dim3A_14 : vector<16xf32> to vector<16xf32>
    tpu.vector_store %arg20[%swap3A_15], %swap3A_18 {strides = array<i32>} : memref<128xf32, #tpu.memory_space<vmem>>, vector<16xf32>,
    %broadcast_in_dim3A_19 = arith.constant 1.000000e+00 : f32
    %broadcast_in_dim3A_20 = vector.broadcast %broadcast_in_dim3A_19 : f32 to vector<16xf32>
    %swap3A_21 = arith.constant 32 : index
    %swap3A_22 = tpu.vector_load %arg20[%swap3A_21] {strides = array<i32>} : memref<128xf32, #tpu.memory_space<vmem>>, vector<16xf32>,
    %swap3A_23 = vector.shape_cast %swap3A_22 : vector<16xf32> to vector<16xf32>
    %swap3A_24 = vector.shape_cast %broadcast_in_dim3A_20 : vector<16xf32> to vector<16xf32>
    tpu.vector_store %arg20[%swap3A_21], %swap3A_24 {strides = array<i32>} : memref<128xf32, #tpu.memory_space<vmem>>, vector<16xf32>,
    %broadcast_in_dim3A_25 = arith.constant 1.000000e+00 : f32
    %broadcast_in_dim3A_26 = vector.broadcast %broadcast_in_dim3A_25 : f32 to vector<16xf32>
    %swap3A_27 = arith.constant 48 : index
    %swap3A_28 = tpu.vector_load %arg20[%swap3A_27] {strides = array<i32>} : memref<128xf32, #tpu.memory_space<vmem>>, vector<16xf32>,
    %swap3A_29 = vector.shape_cast %swap3A_28 : vector<16xf32> to vector<16xf32>
    %swap3A_30 = vector.shape_cast %broadcast_in_dim3A_26 : vector<16xf32> to vector<16xf32>
    tpu.vector_store %arg20[%swap3A_27], %swap3A_30 {strides = array<i32>} : memref<128xf32, #tpu.memory_space<vmem>>, vector<16xf32>,
    %broadcast_in_dim3A_31 = arith.constant 1.000000e+00 : f32
    %broadcast_in_dim3A_32 = vector.broadcast %broadcast_in_dim3A_31 : f32 to vector<16xf32>
    %swap3A_33 = arith.constant 64 : index
    %swap3A_34 = tpu.vector_load %arg20[%swap3A_33] {strides = array<i32>} : memref<128xf32, #tpu.memory_space<vmem>>, vector<16xf32>,
    %swap3A_35 = vector.shape_cast %swap3A_34 : vector<16xf32> to vector<16xf32>
    %swap3A_36 = vector.shape_cast %broadcast_in_dim3A_32 : vector<16xf32> to vector<16xf32>
    tpu.vector_store %arg20[%swap3A_33], %swap3A_36 {strides = array<i32>} : memref<128xf32, #tpu.memory_space<vmem>>, vector<16xf32>,
    %broadcast_in_dim3A_37 = arith.constant 1.000000e+00 : f32
    %broadcast_in_dim3A_38 = vector.broadcast %broadcast_in_dim3A_37 : f32 to vector<16xf32>
    %swap3A_39 = arith.constant 80 : index
    %swap3A_40 = tpu.vector_load %arg20[%swap3A_39] {strides = array<i32>} : memref<128xf32, #tpu.memory_space<vmem>>, vector<16xf32>,
    %swap3A_41 = vector.shape_cast %swap3A_40 : vector<16xf32> to vector<16xf32>
    %swap3A_42 = vector.shape_cast %broadcast_in_dim3A_38 : vector<16xf32> to vector<16xf32>
    tpu.vector_store %arg20[%swap3A_39], %swap3A_42 {strides = array<i32>} : memref<128xf32, #tpu.memory_space<vmem>>, vector<16xf32>,
    %broadcast_in_dim3A_43 = arith.constant 1.000000e+00 : f32
    %broadcast_in_dim3A_44 = vector.broadcast %broadcast_in_dim3A_43 : f32 to vector<16xf32>
    %swap3A_45 = arith.constant 96 : index
    %swap3A_46 = tpu.vector_load %arg20[%swap3A_45] {strides = array<i32>} : memref<128xf32, #tpu.memory_space<vmem>>, vector<16xf32>,
    %swap3A_47 = vector.shape_cast %swap3A_46 : vector<16xf32> to vector<16xf32>
    %swap3A_48 = vector.shape_cast %broadcast_in_dim3A_44 : vector<16xf32> to vector<16xf32>
    tpu.vector_store %arg20[%swap3A_45], %swap3A_48 {strides = array<i32>} : memref<128xf32, #tpu.memory_space<vmem>>, vector<16xf32>,
    %broadcast_in_dim3A_49 = arith.constant 1.000000e+00 : f32
    %broadcast_in_dim3A_50 = vector.broadcast %broadcast_in_dim3A_49 : f32 to vector<16xf32>
    %swap3A_51 = arith.constant 112 : index
    %swap3A_52 = tpu.vector_load %arg20[%swap3A_51] {strides = array<i32>} : memref<128xf32, #tpu.memory_space<vmem>>, vector<16xf32>,
    %swap3A_53 = vector.shape_cast %swap3A_52 : vector<16xf32> to vector<16xf32>
    %swap3A_54 = vector.shape_cast %broadcast_in_dim3A_50 : vector<16xf32> to vector<16xf32>
    tpu.vector_store %arg20[%swap3A_51], %swap3A_54 {strides = array<i32>} : memref<128xf32, #tpu.memory_space<vmem>>, vector<16xf32>,
    %barrier3A = arith.constant 0 : index
    tpu.barrier barrier_id(%barrier3A)
    %min3A = arith.constant 80 : i32
    %min3A_55 = arith.minsi %select_n3A, %min3A : i32
    %mul3A_56 = arith.constant 128 : i32
    %mul3A_57 = arith.muli %select_n3A_8, %mul3A_56 : i32
    %multiple_of3A = tpu.assume_multiple %mul3A_57, 128 : i32
    "tpu.region"() ({
      %run_scoped3A_159 = tpu.sem_alloc : memref<!tpu.dma_semaphore, #tpu.memory_space<semaphore_mem>>
      %dma_start3A_160 = tpu.memref_slice %arg3[%multiple_of3A] : memref<337920xi32, #tpu.memory_space<hbm>> -> memref<10240xi32, #tpu.memory_space<hbm>>
      %dma_start3A_161 = tpu.memref_slice %arg3[%multiple_of3A] : memref<337920xi32, #tpu.memory_space<hbm>> -> memref<10240xi32, #tpu.memory_space<hbm>>
      tpu.enqueue_dma source(%dma_start3A_161 : memref<10240xi32, #tpu.memory_space<hbm>>) target(%arg10 : memref<10240xi32, #tpu.memory_space<vmem>>) target_semaphore(%run_scoped3A_159 : memref<!tpu.dma_semaphore, #tpu.memory_space<semaphore_mem>>)
      %dma_wait3A_162 = tpu.memref_slice %arg3[%multiple_of3A] : memref<337920xi32, #tpu.memory_space<hbm>> -> memref<10240xi32, #tpu.memory_space<hbm>>
      %dma_wait3A_163 = tpu.memref_slice %arg3[%multiple_of3A] : memref<337920xi32, #tpu.memory_space<hbm>> -> memref<10240xi32, #tpu.memory_space<hbm>>
      tpu.wait_dma2 semaphore(%run_scoped3A_159 : memref<!tpu.dma_semaphore, #tpu.memory_space<semaphore_mem>>) src(%dma_wait3A_163 : memref<10240xi32, #tpu.memory_space<hbm>>) dst(%arg10 : memref<10240xi32, #tpu.memory_space<vmem>>)
      tpu.yield
    }) : () -> ()
    %add3A_58 = arith.constant 0 : i32
    %add3A_59 = arith.addi %select_n3A_8, %add3A_58 : i32
    %dma_start3A = arith.constant 0 : i32
    %dma_start3A_60 = arith.constant 0 : i32
    %dma_start3A_61 = tpu.memref_slice %arg4[%add3A_59, %dma_start3A, %dma_start3A_60] : memref<2560x1x128xi32, #tpu.memory_space<hbm>> -> memref<1x1x128xi32, #tpu.memory_space<hbm>>
    %dma_start3A_62 = tpu.memref_squeeze %dma_start3A_61 : memref<1x1x128xi32, #tpu.memory_space<hbm>> -> memref<1x128xi32, #tpu.memory_space<hbm>>
    %dma_start3A_63 = arith.constant 0 : i32
    %dma_start3A_64 = arith.constant 0 : i32
    %dma_start3A_65 = tpu.memref_slice %arg4[%add3A_59, %dma_start3A_63, %dma_start3A_64] : memref<2560x1x128xi32, #tpu.memory_space<hbm>> -> memref<1x1x128xi32, #tpu.memory_space<hbm>>
    %dma_start3A_66 = tpu.memref_squeeze %dma_start3A_65 : memref<1x1x128xi32, #tpu.memory_space<hbm>> -> memref<1x128xi32, #tpu.memory_space<hbm>>
    tpu.enqueue_dma source(%dma_start3A_66 : memref<1x128xi32, #tpu.memory_space<hbm>>) target(%arg11 : memref<1x128xi32, #tpu.memory_space<vmem>>) target_semaphore(%arg18 : memref<!tpu.dma_semaphore, #tpu.memory_space<semaphore_mem>>)
    %dma_start3A_67 = arith.constant 0 : i32
    %dma_start3A_68 = tpu.memref_slice %arg10[%dma_start3A_67] : memref<10240xi32, #tpu.memory_space<vmem>> -> memref<128xi32, #tpu.memory_space<vmem>>
    %dma_start3A_69 = arith.constant 0 : i32
    %dma_start3A_70 = arith.constant 0 : i32
    %dma_start3A_71 = tpu.memref_slice %arg2[%dma_start3A_69, %dma_start3A_70] : memref<10000x128xf32, #tpu.memory_space<hbm>> -> memref<10000x128xf32, #tpu.memory_space<hbm>>
    tpu.enqueue_indirect_dma source(%dma_start3A_71 : memref<10000x128xf32, #tpu.memory_space<hbm>>) target(%arg13 : memref<128x128xf32, #tpu.memory_space<vmem>>) offsets(%dma_start3A_68 : memref<128xi32, #tpu.memory_space<vmem>>) semaphore(%arg16 : memref<!tpu.dma_semaphore, #tpu.memory_space<semaphore_mem>>)
    %add3A_72 = arith.constant 1 : i32
    %add3A_73 = arith.addi %select_n3A_8, %add3A_72 : i32
    %dma_start3A_74 = arith.constant 0 : i32
    %dma_start3A_75 = arith.constant 0 : i32
    %dma_start3A_76 = tpu.memref_slice %arg4[%add3A_73, %dma_start3A_74, %dma_start3A_75] : memref<2560x1x128xi32, #tpu.memory_space<hbm>> -> memref<1x1x128xi32, #tpu.memory_space<hbm>>
    %dma_start3A_77 = tpu.memref_squeeze %dma_start3A_76 : memref<1x1x128xi32, #tpu.memory_space<hbm>> -> memref<1x128xi32, #tpu.memory_space<hbm>>
    %dma_start3A_78 = arith.constant 0 : i32
    %dma_start3A_79 = arith.constant 0 : i32
    %dma_start3A_80 = tpu.memref_slice %arg4[%add3A_73, %dma_start3A_78, %dma_start3A_79] : memref<2560x1x128xi32, #tpu.memory_space<hbm>> -> memref<1x1x128xi32, #tpu.memory_space<hbm>>
    %dma_start3A_81 = tpu.memref_squeeze %dma_start3A_80 : memref<1x1x128xi32, #tpu.memory_space<hbm>> -> memref<1x128xi32, #tpu.memory_space<hbm>>
    tpu.enqueue_dma source(%dma_start3A_81 : memref<1x128xi32, #tpu.memory_space<hbm>>) target(%arg12 : memref<1x128xi32, #tpu.memory_space<vmem>>) target_semaphore(%arg19 : memref<!tpu.dma_semaphore, #tpu.memory_space<semaphore_mem>>)
    %dma_start3A_82 = arith.constant 128 : i32
    %dma_start3A_83 = tpu.memref_slice %arg10[%dma_start3A_82] : memref<10240xi32, #tpu.memory_space<vmem>> -> memref<128xi32, #tpu.memory_space<vmem>>
    %dma_start3A_84 = arith.constant 0 : i32
    %dma_start3A_85 = arith.constant 0 : i32
    %dma_start3A_86 = tpu.memref_slice %arg2[%dma_start3A_84, %dma_start3A_85] : memref<10000x128xf32, #tpu.memory_space<hbm>> -> memref<10000x128xf32, #tpu.memory_space<hbm>>
    tpu.enqueue_indirect_dma source(%dma_start3A_86 : memref<10000x128xf32, #tpu.memory_space<hbm>>) target(%arg14 : memref<128x128xf32, #tpu.memory_space<vmem>>) offsets(%dma_start3A_83 : memref<128xi32, #tpu.memory_space<vmem>>) semaphore(%arg17 : memref<!tpu.dma_semaphore, #tpu.memory_space<semaphore_mem>>)
    %jit3A_87 = arith.constant 2 : i32
    %div3A = arith.divsi %min3A_55, %jit3A_87 : i32
    %sign3A = arith.constant 0 : i32
    %sign3A_88 = arith.cmpi sgt, %min3A_55, %sign3A : i32
    %sign3A_89 = arith.extui %sign3A_88 : i1 to i32
    %sign3A_90 = arith.constant 0 : i32
    %sign3A_91 = arith.cmpi slt, %min3A_55, %sign3A_90 : i32
    %sign3A_92 = arith.extui %sign3A_91 : i1 to i32
    %sign3A_93 = arith.subi %sign3A_89, %sign3A_92 : i32
    %sign3A_94 = arith.constant 0 : i32
    %sign3A_95 = arith.cmpi sgt, %jit3A_87, %sign3A_94 : i32
    %sign3A_96 = arith.extui %sign3A_95 : i1 to i32
    %sign3A_97 = arith.constant 0 : i32
    %sign3A_98 = arith.cmpi slt, %jit3A_87, %sign3A_97 : i32
    %sign3A_99 = arith.extui %sign3A_98 : i1 to i32
    %sign3A_100 = arith.subi %sign3A_96, %sign3A_99 : i32
    %ne3A = arith.cmpi ne, %sign3A_93, %sign3A_100 : i32
    %rem3A = arith.remsi %min3A_55, %jit3A_87 : i32
    %ne3A_101 = arith.constant 0 : i32
    %ne3A_102 = arith.cmpi ne, %rem3A, %ne3A_101 : i32
    %and3A = arith.andi %ne3A, %ne3A_102 : i1
    %sub3A = arith.constant 1 : i32
    %sub3A_103 = arith.subi %div3A, %sub3A : i32
    %select_n3A_104 = arith.select %and3A, %sub3A_103, %div3A : i32
    %sub3A_105 = arith.constant 1 : i32
    %sub3A_106 = arith.subi %select_n3A_104, %sub3A_105 : i32
    %while3A = arith.constant 0 : i32
    %while3A_107 = arith.constant 0 : i32
    %while3A_108 = arith.subi %sub3A_106, %while3A_107 : i32
    %while3A_109 = arith.addi %while3A_107, %while3A_108 : i32
    %while3A_110 = arith.constant 1 : i32
    %while3A_111 = arith.divsi %while3A_108, %while3A_110 : i32
    %while3A_112 = arith.muli %while3A_111, %while3A_110 : i32
    %while3A_113 = arith.addi %while3A_107, %while3A_112 : i32
    %while3A_114 = arith.constant 1 : i32
    scf.for %while3A_159 = %while3A_107 to %while3A_113 step %while3A_114  : i32 {
      %mul3A_160 = arith.constant 2 : i32
      %mul3A_161 = arith.muli %while3A_159, %mul3A_160 : i32
      %add3A_162 = arith.constant 0 : i32
      %add3A_163 = arith.addi %mul3A_161, %add3A_162 : i32
      %dma_wait3A_164 = arith.constant 0 : i32
      %dma_wait3A_165 = arith.constant 0 : i32
      %dma_wait3A_166 = arith.constant 0 : i32
      %dma_wait3A_167 = tpu.memref_slice %arg4[%dma_wait3A_164, %dma_wait3A_165, %dma_wait3A_166] : memref<2560x1x128xi32, #tpu.memory_space<hbm>> -> memref<1x1x128xi32, #tpu.memory_space<hbm>>
      %dma_wait3A_168 = tpu.memref_squeeze %dma_wait3A_167 : memref<1x1x128xi32, #tpu.memory_space<hbm>> -> memref<1x128xi32, #tpu.memory_space<hbm>>
      %dma_wait3A_169 = arith.constant 0 : i32
      %dma_wait3A_170 = arith.constant 0 : i32
      %dma_wait3A_171 = tpu.memref_slice %arg4[%dma_wait3A_164, %dma_wait3A_169, %dma_wait3A_170] : memref<2560x1x128xi32, #tpu.memory_space<hbm>> -> memref<1x1x128xi32, #tpu.memory_space<hbm>>
      %dma_wait3A_172 = tpu.memref_squeeze %dma_wait3A_171 : memref<1x1x128xi32, #tpu.memory_space<hbm>> -> memref<1x128xi32, #tpu.memory_space<hbm>>
      tpu.wait_dma2 semaphore(%arg18 : memref<!tpu.dma_semaphore, #tpu.memory_space<semaphore_mem>>) src(%dma_wait3A_172 : memref<1x128xi32, #tpu.memory_space<hbm>>) dst(%arg11 : memref<1x128xi32, #tpu.memory_space<vmem>>)
      %dma_wait3A_173 = arith.constant 0 : i32
      %dma_wait3A_174 = tpu.memref_slice %arg10[%dma_wait3A_173] : memref<10240xi32, #tpu.memory_space<vmem>> -> memref<128xi32, #tpu.memory_space<vmem>>
      %dma_wait3A_175 = arith.constant 0 : i32
      %dma_wait3A_176 = arith.constant 0 : i32
      %dma_wait3A_177 = tpu.memref_slice %arg2[%dma_wait3A_175, %dma_wait3A_176] : memref<10000x128xf32, #tpu.memory_space<hbm>> -> memref<10000x128xf32, #tpu.memory_space<hbm>>
      tpu.wait_indirect_dma semaphore(%arg16 : memref<!tpu.dma_semaphore, #tpu.memory_space<semaphore_mem>>) src(%dma_wait3A_177 : memref<10000x128xf32, #tpu.memory_space<hbm>>) dst(%arg13 : memref<128x128xf32, #tpu.memory_space<vmem>>)
      %run_scoped3A_178 = arith.constant 0 : i32
      "tpu.region"() ({
        %run_scoped3A_234 = tpu.sem_alloc : memref<!tpu.dma_semaphore, #tpu.memory_space<semaphore_mem>>
        %dma_start3A_235 = arith.constant 0 : i32
        %dma_start3A_236 = tpu.memref_slice %arg11[%run_scoped3A_178, %dma_start3A_235] : memref<1x128xi32, #tpu.memory_space<vmem>> -> memref<1x128xi32, #tpu.memory_space<vmem>>
        %dma_start3A_237 = tpu.memref_squeeze %dma_start3A_236 : memref<1x128xi32, #tpu.memory_space<vmem>> -> memref<128xi32, #tpu.memory_space<vmem>>
        %dma_start3A_238 = arith.constant 0 : i32
        %dma_start3A_239 = arith.constant 0 : i32
        %dma_start3A_240 = tpu.memref_slice %arg15[%dma_start3A_238, %dma_start3A_239] : memref<10240x128xf32, #tpu.memory_space<vmem_shared>> -> memref<10240x128xf32, #tpu.memory_space<vmem_shared>>
        tpu.enqueue_indirect_dma source(%arg13 : memref<128x128xf32, #tpu.memory_space<vmem>>) target(%dma_start3A_240 : memref<10240x128xf32, #tpu.memory_space<vmem_shared>>) offsets(%dma_start3A_237 : memref<128xi32, #tpu.memory_space<vmem>>) semaphore(%run_scoped3A_234 : memref<!tpu.dma_semaphore, #tpu.memory_space<semaphore_mem>>) {add = true}
        %dma_wait3A_241 = arith.constant 0 : i32
        %dma_wait3A_242 = tpu.memref_slice %arg11[%run_scoped3A_178, %dma_wait3A_241] : memref<1x128xi32, #tpu.memory_space<vmem>> -> memref<1x128xi32, #tpu.memory_space<vmem>>
        %dma_wait3A_243 = tpu.memref_squeeze %dma_wait3A_242 : memref<1x128xi32, #tpu.memory_space<vmem>> -> memref<128xi32, #tpu.memory_space<vmem>>
        %dma_wait3A_244 = arith.constant 0 : i32
        %dma_wait3A_245 = arith.constant 0 : i32
        %dma_wait3A_246 = tpu.memref_slice %arg15[%dma_wait3A_244, %dma_wait3A_245] : memref<10240x128xf32, #tpu.memory_space<vmem_shared>> -> memref<10240x128xf32, #tpu.memory_space<vmem_shared>>
        tpu.wait_indirect_dma semaphore(%run_scoped3A_234 : memref<!tpu.dma_semaphore, #tpu.memory_space<semaphore_mem>>) src(%arg13 : memref<128x128xf32, #tpu.memory_space<vmem>>) dst(%dma_wait3A_246 : memref<10240x128xf32, #tpu.memory_space<vmem_shared>>)
        tpu.yield
      }) : () -> ()
      %run_scoped3A_179 = arith.constant 0 : i32
      "tpu.region"() ({
        %run_scoped3A_234 = tpu.sem_alloc : memref<!tpu.dma_semaphore, #tpu.memory_space<semaphore_mem>>
        %dma_start3A_235 = arith.constant 0 : i32
        %dma_start3A_236 = tpu.memref_slice %arg11[%run_scoped3A_179, %dma_start3A_235] : memref<1x128xi32, #tpu.memory_space<vmem>> -> memref<1x128xi32, #tpu.memory_space<vmem>>
        %dma_start3A_237 = tpu.memref_squeeze %dma_start3A_236 : memref<1x128xi32, #tpu.memory_space<vmem>> -> memref<128xi32, #tpu.memory_space<vmem>>
        %dma_start3A_238 = arith.constant 0 : i32
        %dma_start3A_239 = tpu.memref_slice %arg21[%dma_start3A_238] : memref<10240xf32, #tpu.memory_space<vmem_shared>> -> memref<10240xf32, #tpu.memory_space<vmem_shared>>
        tpu.enqueue_indirect_dma source(%arg20 : memref<128xf32, #tpu.memory_space<vmem>>) target(%dma_start3A_239 : memref<10240xf32, #tpu.memory_space<vmem_shared>>) offsets(%dma_start3A_237 : memref<128xi32, #tpu.memory_space<vmem>>) semaphore(%run_scoped3A_234 : memref<!tpu.dma_semaphore, #tpu.memory_space<semaphore_mem>>) {add = true}
        %dma_wait3A_240 = arith.constant 0 : i32
        %dma_wait3A_241 = tpu.memref_slice %arg11[%run_scoped3A_179, %dma_wait3A_240] : memref<1x128xi32, #tpu.memory_space<vmem>> -> memref<1x128xi32, #tpu.memory_space<vmem>>
        %dma_wait3A_242 = tpu.memref_squeeze %dma_wait3A_241 : memref<1x128xi32, #tpu.memory_space<vmem>> -> memref<128xi32, #tpu.memory_space<vmem>>
        %dma_wait3A_243 = arith.constant 0 : i32
        %dma_wait3A_244 = tpu.memref_slice %arg21[%dma_wait3A_243] : memref<10240xf32, #tpu.memory_space<vmem_shared>> -> memref<10240xf32, #tpu.memory_space<vmem_shared>>
        tpu.wait_indirect_dma semaphore(%run_scoped3A_234 : memref<!tpu.dma_semaphore, #tpu.memory_space<semaphore_mem>>) src(%arg20 : memref<128xf32, #tpu.memory_space<vmem>>) dst(%dma_wait3A_244 : memref<10240xf32, #tpu.memory_space<vmem_shared>>)
        tpu.yield
      }) : () -> ()
      %add3A_180 = arith.constant 2 : i32
      %add3A_181 = arith.addi %add3A_163, %add3A_180 : i32
      %add3A_182 = arith.addi %select_n3A_8, %add3A_181 : i32
      %dma_start3A_183 = arith.constant 0 : i32
      %dma_start3A_184 = arith.constant 0 : i32
      %dma_start3A_185 = tpu.memref_slice %arg4[%add3A_182, %dma_start3A_183, %dma_start3A_184] : memref<2560x1x128xi32, #tpu.memory_space<hbm>> -> memref<1x1x128xi32, #tpu.memory_space<hbm>>
      %dma_start3A_186 = tpu.memref_squeeze %dma_start3A_185 : memref<1x1x128xi32, #tpu.memory_space<hbm>> -> memref<1x128xi32, #tpu.memory_space<hbm>>
      %dma_start3A_187 = arith.constant 0 : i32
      %dma_start3A_188 = arith.constant 0 : i32
      %dma_start3A_189 = tpu.memref_slice %arg4[%add3A_182, %dma_start3A_187, %dma_start3A_188] : memref<2560x1x128xi32, #tpu.memory_space<hbm>> -> memref<1x1x128xi32, #tpu.memory_space<hbm>>
      %dma_start3A_190 = tpu.memref_squeeze %dma_start3A_189 : memref<1x1x128xi32, #tpu.memory_space<hbm>> -> memref<1x128xi32, #tpu.memory_space<hbm>>
      tpu.enqueue_dma source(%dma_start3A_190 : memref<1x128xi32, #tpu.memory_space<hbm>>) target(%arg11 : memref<1x128xi32, #tpu.memory_space<vmem>>) target_semaphore(%arg18 : memref<!tpu.dma_semaphore, #tpu.memory_space<semaphore_mem>>)
      %mul3A_191 = arith.constant 128 : i32
      %mul3A_192 = arith.muli %add3A_181, %mul3A_191 : i32
      %dma_start3A_193 = tpu.memref_slice %arg10[%mul3A_192] : memref<10240xi32, #tpu.memory_space<vmem>> -> memref<128xi32, #tpu.memory_space<vmem>>
      %dma_start3A_194 = arith.constant 0 : i32
      %dma_start3A_195 = arith.constant 0 : i32
      %dma_start3A_196 = tpu.memref_slice %arg2[%dma_start3A_194, %dma_start3A_195] : memref<10000x128xf32, #tpu.memory_space<hbm>> -> memref<10000x128xf32, #tpu.memory_space<hbm>>
      tpu.enqueue_indirect_dma source(%dma_start3A_196 : memref<10000x128xf32, #tpu.memory_space<hbm>>) target(%arg13 : memref<128x128xf32, #tpu.memory_space<vmem>>) offsets(%dma_start3A_193 : memref<128xi32, #tpu.memory_space<vmem>>) semaphore(%arg16 : memref<!tpu.dma_semaphore, #tpu.memory_space<semaphore_mem>>)
      %mul3A_197 = arith.constant 2 : i32
      %mul3A_198 = arith.muli %while3A_159, %mul3A_197 : i32
      %add3A_199 = arith.constant 1 : i32
      %add3A_200 = arith.addi %mul3A_198, %add3A_199 : i32
      %dma_wait3A_201 = arith.constant 0 : i32
      %dma_wait3A_202 = arith.constant 0 : i32
      %dma_wait3A_203 = arith.constant 0 : i32
      %dma_wait3A_204 = tpu.memref_slice %arg4[%dma_wait3A_201, %dma_wait3A_202, %dma_wait3A_203] : memref<2560x1x128xi32, #tpu.memory_space<hbm>> -> memref<1x1x128xi32, #tpu.memory_space<hbm>>
      %dma_wait3A_205 = tpu.memref_squeeze %dma_wait3A_204 : memref<1x1x128xi32, #tpu.memory_space<hbm>> -> memref<1x128xi32, #tpu.memory_space<hbm>>
      %dma_wait3A_206 = arith.constant 0 : i32
      %dma_wait3A_207 = arith.constant 0 : i32
      %dma_wait3A_208 = tpu.memref_slice %arg4[%dma_wait3A_201, %dma_wait3A_206, %dma_wait3A_207] : memref<2560x1x128xi32, #tpu.memory_space<hbm>> -> memref<1x1x128xi32, #tpu.memory_space<hbm>>
      %dma_wait3A_209 = tpu.memref_squeeze %dma_wait3A_208 : memref<1x1x128xi32, #tpu.memory_space<hbm>> -> memref<1x128xi32, #tpu.memory_space<hbm>>
      tpu.wait_dma2 semaphore(%arg19 : memref<!tpu.dma_semaphore, #tpu.memory_space<semaphore_mem>>) src(%dma_wait3A_209 : memref<1x128xi32, #tpu.memory_space<hbm>>) dst(%arg12 : memref<1x128xi32, #tpu.memory_space<vmem>>)
      %dma_wait3A_210 = arith.constant 0 : i32
      %dma_wait3A_211 = tpu.memref_slice %arg10[%dma_wait3A_210] : memref<10240xi32, #tpu.memory_space<vmem>> -> memref<128xi32, #tpu.memory_space<vmem>>
      %dma_wait3A_212 = arith.constant 0 : i32
      %dma_wait3A_213 = arith.constant 0 : i32
      %dma_wait3A_214 = tpu.memref_slice %arg2[%dma_wait3A_212, %dma_wait3A_213] : memref<10000x128xf32, #tpu.memory_space<hbm>> -> memref<10000x128xf32, #tpu.memory_space<hbm>>
      tpu.wait_indirect_dma semaphore(%arg17 : memref<!tpu.dma_semaphore, #tpu.memory_space<semaphore_mem>>) src(%dma_wait3A_214 : memref<10000x128xf32, #tpu.memory_space<hbm>>) dst(%arg14 : memref<128x128xf32, #tpu.memory_space<vmem>>)
      %run_scoped3A_215 = arith.constant 0 : i32
      "tpu.region"() ({
        %run_scoped3A_234 = tpu.sem_alloc : memref<!tpu.dma_semaphore, #tpu.memory_space<semaphore_mem>>
        %dma_start3A_235 = arith.constant 0 : i32
        %dma_start3A_236 = tpu.memref_slice %arg12[%run_scoped3A_215, %dma_start3A_235] : memref<1x128xi32, #tpu.memory_space<vmem>> -> memref<1x128xi32, #tpu.memory_space<vmem>>
        %dma_start3A_237 = tpu.memref_squeeze %dma_start3A_236 : memref<1x128xi32, #tpu.memory_space<vmem>> -> memref<128xi32, #tpu.memory_space<vmem>>
        %dma_start3A_238 = arith.constant 0 : i32
        %dma_start3A_239 = arith.constant 0 : i32
        %dma_start3A_240 = tpu.memref_slice %arg15[%dma_start3A_238, %dma_start3A_239] : memref<10240x128xf32, #tpu.memory_space<vmem_shared>> -> memref<10240x128xf32, #tpu.memory_space<vmem_shared>>
        tpu.enqueue_indirect_dma source(%arg14 : memref<128x128xf32, #tpu.memory_space<vmem>>) target(%dma_start3A_240 : memref<10240x128xf32, #tpu.memory_space<vmem_shared>>) offsets(%dma_start3A_237 : memref<128xi32, #tpu.memory_space<vmem>>) semaphore(%run_scoped3A_234 : memref<!tpu.dma_semaphore, #tpu.memory_space<semaphore_mem>>) {add = true}
        %dma_wait3A_241 = arith.constant 0 : i32
        %dma_wait3A_242 = tpu.memref_slice %arg12[%run_scoped3A_215, %dma_wait3A_241] : memref<1x128xi32, #tpu.memory_space<vmem>> -> memref<1x128xi32, #tpu.memory_space<vmem>>
        %dma_wait3A_243 = tpu.memref_squeeze %dma_wait3A_242 : memref<1x128xi32, #tpu.memory_space<vmem>> -> memref<128xi32, #tpu.memory_space<vmem>>
        %dma_wait3A_244 = arith.constant 0 : i32
        %dma_wait3A_245 = arith.constant 0 : i32
        %dma_wait3A_246 = tpu.memref_slice %arg15[%dma_wait3A_244, %dma_wait3A_245] : memref<10240x128xf32, #tpu.memory_space<vmem_shared>> -> memref<10240x128xf32, #tpu.memory_space<vmem_shared>>
        tpu.wait_indirect_dma semaphore(%run_scoped3A_234 : memref<!tpu.dma_semaphore, #tpu.memory_space<semaphore_mem>>) src(%arg14 : memref<128x128xf32, #tpu.memory_space<vmem>>) dst(%dma_wait3A_246 : memref<10240x128xf32, #tpu.memory_space<vmem_shared>>)
        tpu.yield
      }) : () -> ()
      %run_scoped3A_216 = arith.constant 0 : i32
      "tpu.region"() ({
        %run_scoped3A_234 = tpu.sem_alloc : memref<!tpu.dma_semaphore, #tpu.memory_space<semaphore_mem>>
        %dma_start3A_235 = arith.constant 0 : i32
        %dma_start3A_236 = tpu.memref_slice %arg12[%run_scoped3A_216, %dma_start3A_235] : memref<1x128xi32, #tpu.memory_space<vmem>> -> memref<1x128xi32, #tpu.memory_space<vmem>>
        %dma_start3A_237 = tpu.memref_squeeze %dma_start3A_236 : memref<1x128xi32, #tpu.memory_space<vmem>> -> memref<128xi32, #tpu.memory_space<vmem>>
        %dma_start3A_238 = arith.constant 0 : i32
        %dma_start3A_239 = tpu.memref_slice %arg21[%dma_start3A_238] : memref<10240xf32, #tpu.memory_space<vmem_shared>> -> memref<10240xf32, #tpu.memory_space<vmem_shared>>
        tpu.enqueue_indirect_dma source(%arg20 : memref<128xf32, #tpu.memory_space<vmem>>) target(%dma_start3A_239 : memref<10240xf32, #tpu.memory_space<vmem_shared>>) offsets(%dma_start3A_237 : memref<128xi32, #tpu.memory_space<vmem>>) semaphore(%run_scoped3A_234 : memref<!tpu.dma_semaphore, #tpu.memory_space<semaphore_mem>>) {add = true}
        %dma_wait3A_240 = arith.constant 0 : i32
        %dma_wait3A_241 = tpu.memref_slice %arg12[%run_scoped3A_216, %dma_wait3A_240] : memref<1x128xi32, #tpu.memory_space<vmem>> -> memref<1x128xi32, #tpu.memory_space<vmem>>
        %dma_wait3A_242 = tpu.memref_squeeze %dma_wait3A_241 : memref<1x128xi32, #tpu.memory_space<vmem>> -> memref<128xi32, #tpu.memory_space<vmem>>
        %dma_wait3A_243 = arith.constant 0 : i32
        %dma_wait3A_244 = tpu.memref_slice %arg21[%dma_wait3A_243] : memref<10240xf32, #tpu.memory_space<vmem_shared>> -> memref<10240xf32, #tpu.memory_space<vmem_shared>>
        tpu.wait_indirect_dma semaphore(%run_scoped3A_234 : memref<!tpu.dma_semaphore, #tpu.memory_space<semaphore_mem>>) src(%arg20 : memref<128xf32, #tpu.memory_space<vmem>>) dst(%dma_wait3A_244 : memref<10240xf32, #tpu.memory_space<vmem_shared>>)
        tpu.yield
      }) : () -> ()
      %add3A_217 = arith.constant 2 : i32
      %add3A_218 = arith.addi %add3A_200, %add3A_217 : i32
      %add3A_219 = arith.addi %select_n3A_8, %add3A_218 : i32
      %dma_start3A_220 = arith.constant 0 : i32
      %dma_start3A_221 = arith.constant 0 : i32
      %dma_start3A_222 = tpu.memref_slice %arg4[%add3A_219, %dma_start3A_220, %dma_start3A_221] : memref<2560x1x128xi32, #tpu.memory_space<hbm>> -> memref<1x1x128xi32, #tpu.memory_space<hbm>>
      %dma_start3A_223 = tpu.memref_squeeze %dma_start3A_222 : memref<1x1x128xi32, #tpu.memory_space<hbm>> -> memref<1x128xi32, #tpu.memory_space<hbm>>
      %dma_start3A_224 = arith.constant 0 : i32
      %dma_start3A_225 = arith.constant 0 : i32
      %dma_start3A_226 = tpu.memref_slice %arg4[%add3A_219, %dma_start3A_224, %dma_start3A_225] : memref<2560x1x128xi32, #tpu.memory_space<hbm>> -> memref<1x1x128xi32, #tpu.memory_space<hbm>>
      %dma_start3A_227 = tpu.memref_squeeze %dma_start3A_226 : memref<1x1x128xi32, #tpu.memory_space<hbm>> -> memref<1x128xi32, #tpu.memory_space<hbm>>
      tpu.enqueue_dma source(%dma_start3A_227 : memref<1x128xi32, #tpu.memory_space<hbm>>) target(%arg12 : memref<1x128xi32, #tpu.memory_space<vmem>>) target_semaphore(%arg19 : memref<!tpu.dma_semaphore, #tpu.memory_space<semaphore_mem>>)
      %mul3A_228 = arith.constant 128 : i32
      %mul3A_229 = arith.muli %add3A_218, %mul3A_228 : i32
      %dma_start3A_230 = tpu.memref_slice %arg10[%mul3A_229] : memref<10240xi32, #tpu.memory_space<vmem>> -> memref<128xi32, #tpu.memory_space<vmem>>
      %dma_start3A_231 = arith.constant 0 : i32
      %dma_start3A_232 = arith.constant 0 : i32
      %dma_start3A_233 = tpu.memref_slice %arg2[%dma_start3A_231, %dma_start3A_232] : memref<10000x128xf32, #tpu.memory_space<hbm>> -> memref<10000x128xf32, #tpu.memory_space<hbm>>
      tpu.enqueue_indirect_dma source(%dma_start3A_233 : memref<10000x128xf32, #tpu.memory_space<hbm>>) target(%arg14 : memref<128x128xf32, #tpu.memory_space<vmem>>) offsets(%dma_start3A_230 : memref<128xi32, #tpu.memory_space<vmem>>) semaphore(%arg17 : memref<!tpu.dma_semaphore, #tpu.memory_space<semaphore_mem>>)
    }
    %while3A_115 = arith.constant 1 : i32
    scf.for %while3A_159 = %while3A_113 to %while3A_109 step %while3A_115  : i32 {
      %mul3A_160 = arith.constant 2 : i32
      %mul3A_161 = arith.muli %while3A_159, %mul3A_160 : i32
      %add3A_162 = arith.constant 0 : i32
      %add3A_163 = arith.addi %mul3A_161, %add3A_162 : i32
      %dma_wait3A_164 = arith.constant 0 : i32
      %dma_wait3A_165 = arith.constant 0 : i32
      %dma_wait3A_166 = arith.constant 0 : i32
      %dma_wait3A_167 = tpu.memref_slice %arg4[%dma_wait3A_164, %dma_wait3A_165, %dma_wait3A_166] : memref<2560x1x128xi32, #tpu.memory_space<hbm>> -> memref<1x1x128xi32, #tpu.memory_space<hbm>>
      %dma_wait3A_168 = tpu.memref_squeeze %dma_wait3A_167 : memref<1x1x128xi32, #tpu.memory_space<hbm>> -> memref<1x128xi32, #tpu.memory_space<hbm>>
      %dma_wait3A_169 = arith.constant 0 : i32
      %dma_wait3A_170 = arith.constant 0 : i32
      %dma_wait3A_171 = tpu.memref_slice %arg4[%dma_wait3A_164, %dma_wait3A_169, %dma_wait3A_170] : memref<2560x1x128xi32, #tpu.memory_space<hbm>> -> memref<1x1x128xi32, #tpu.memory_space<hbm>>
      %dma_wait3A_172 = tpu.memref_squeeze %dma_wait3A_171 : memref<1x1x128xi32, #tpu.memory_space<hbm>> -> memref<1x128xi32, #tpu.memory_space<hbm>>
      tpu.wait_dma2 semaphore(%arg18 : memref<!tpu.dma_semaphore, #tpu.memory_space<semaphore_mem>>) src(%dma_wait3A_172 : memref<1x128xi32, #tpu.memory_space<hbm>>) dst(%arg11 : memref<1x128xi32, #tpu.memory_space<vmem>>)
      %dma_wait3A_173 = arith.constant 0 : i32
      %dma_wait3A_174 = tpu.memref_slice %arg10[%dma_wait3A_173] : memref<10240xi32, #tpu.memory_space<vmem>> -> memref<128xi32, #tpu.memory_space<vmem>>
      %dma_wait3A_175 = arith.constant 0 : i32
      %dma_wait3A_176 = arith.constant 0 : i32
      %dma_wait3A_177 = tpu.memref_slice %arg2[%dma_wait3A_175, %dma_wait3A_176] : memref<10000x128xf32, #tpu.memory_space<hbm>> -> memref<10000x128xf32, #tpu.memory_space<hbm>>
      tpu.wait_indirect_dma semaphore(%arg16 : memref<!tpu.dma_semaphore, #tpu.memory_space<semaphore_mem>>) src(%dma_wait3A_177 : memref<10000x128xf32, #tpu.memory_space<hbm>>) dst(%arg13 : memref<128x128xf32, #tpu.memory_space<vmem>>)
      %run_scoped3A_178 = arith.constant 0 : i32
      "tpu.region"() ({
        %run_scoped3A_234 = tpu.sem_alloc : memref<!tpu.dma_semaphore, #tpu.memory_space<semaphore_mem>>
        %dma_start3A_235 = arith.constant 0 : i32
        %dma_start3A_236 = tpu.memref_slice %arg11[%run_scoped3A_178, %dma_start3A_235] : memref<1x128xi32, #tpu.memory_space<vmem>> -> memref<1x128xi32, #tpu.memory_space<vmem>>
        %dma_start3A_237 = tpu.memref_squeeze %dma_start3A_236 : memref<1x128xi32, #tpu.memory_space<vmem>> -> memref<128xi32, #tpu.memory_space<vmem>>
        %dma_start3A_238 = arith.constant 0 : i32
        %dma_start3A_239 = arith.constant 0 : i32
        %dma_start3A_240 = tpu.memref_slice %arg15[%dma_start3A_238, %dma_start3A_239] : memref<10240x128xf32, #tpu.memory_space<vmem_shared>> -> memref<10240x128xf32, #tpu.memory_space<vmem_shared>>
        tpu.enqueue_indirect_dma source(%arg13 : memref<128x128xf32, #tpu.memory_space<vmem>>) target(%dma_start3A_240 : memref<10240x128xf32, #tpu.memory_space<vmem_shared>>) offsets(%dma_start3A_237 : memref<128xi32, #tpu.memory_space<vmem>>) semaphore(%run_scoped3A_234 : memref<!tpu.dma_semaphore, #tpu.memory_space<semaphore_mem>>) {add = true}
        %dma_wait3A_241 = arith.constant 0 : i32
        %dma_wait3A_242 = tpu.memref_slice %arg11[%run_scoped3A_178, %dma_wait3A_241] : memref<1x128xi32, #tpu.memory_space<vmem>> -> memref<1x128xi32, #tpu.memory_space<vmem>>
        %dma_wait3A_243 = tpu.memref_squeeze %dma_wait3A_242 : memref<1x128xi32, #tpu.memory_space<vmem>> -> memref<128xi32, #tpu.memory_space<vmem>>
        %dma_wait3A_244 = arith.constant 0 : i32
        %dma_wait3A_245 = arith.constant 0 : i32
        %dma_wait3A_246 = tpu.memref_slice %arg15[%dma_wait3A_244, %dma_wait3A_245] : memref<10240x128xf32, #tpu.memory_space<vmem_shared>> -> memref<10240x128xf32, #tpu.memory_space<vmem_shared>>
        tpu.wait_indirect_dma semaphore(%run_scoped3A_234 : memref<!tpu.dma_semaphore, #tpu.memory_space<semaphore_mem>>) src(%arg13 : memref<128x128xf32, #tpu.memory_space<vmem>>) dst(%dma_wait3A_246 : memref<10240x128xf32, #tpu.memory_space<vmem_shared>>)
        tpu.yield
      }) : () -> ()
      %run_scoped3A_179 = arith.constant 0 : i32
      "tpu.region"() ({
        %run_scoped3A_234 = tpu.sem_alloc : memref<!tpu.dma_semaphore, #tpu.memory_space<semaphore_mem>>
        %dma_start3A_235 = arith.constant 0 : i32
        %dma_start3A_236 = tpu.memref_slice %arg11[%run_scoped3A_179, %dma_start3A_235] : memref<1x128xi32, #tpu.memory_space<vmem>> -> memref<1x128xi32, #tpu.memory_space<vmem>>
        %dma_start3A_237 = tpu.memref_squeeze %dma_start3A_236 : memref<1x128xi32, #tpu.memory_space<vmem>> -> memref<128xi32, #tpu.memory_space<vmem>>
        %dma_start3A_238 = arith.constant 0 : i32
        %dma_start3A_239 = tpu.memref_slice %arg21[%dma_start3A_238] : memref<10240xf32, #tpu.memory_space<vmem_shared>> -> memref<10240xf32, #tpu.memory_space<vmem_shared>>
        tpu.enqueue_indirect_dma source(%arg20 : memref<128xf32, #tpu.memory_space<vmem>>) target(%dma_start3A_239 : memref<10240xf32, #tpu.memory_space<vmem_shared>>) offsets(%dma_start3A_237 : memref<128xi32, #tpu.memory_space<vmem>>) semaphore(%run_scoped3A_234 : memref<!tpu.dma_semaphore, #tpu.memory_space<semaphore_mem>>) {add = true}
        %dma_wait3A_240 = arith.constant 0 : i32
        %dma_wait3A_241 = tpu.memref_slice %arg11[%run_scoped3A_179, %dma_wait3A_240] : memref<1x128xi32, #tpu.memory_space<vmem>> -> memref<1x128xi32, #tpu.memory_space<vmem>>
        %dma_wait3A_242 = tpu.memref_squeeze %dma_wait3A_241 : memref<1x128xi32, #tpu.memory_space<vmem>> -> memref<128xi32, #tpu.memory_space<vmem>>
        %dma_wait3A_243 = arith.constant 0 : i32
        %dma_wait3A_244 = tpu.memref_slice %arg21[%dma_wait3A_243] : memref<10240xf32, #tpu.memory_space<vmem_shared>> -> memref<10240xf32, #tpu.memory_space<vmem_shared>>
        tpu.wait_indirect_dma semaphore(%run_scoped3A_234 : memref<!tpu.dma_semaphore, #tpu.memory_space<semaphore_mem>>) src(%arg20 : memref<128xf32, #tpu.memory_space<vmem>>) dst(%dma_wait3A_244 : memref<10240xf32, #tpu.memory_space<vmem_shared>>)
        tpu.yield
      }) : () -> ()
      %add3A_180 = arith.constant 2 : i32
      %add3A_181 = arith.addi %add3A_163, %add3A_180 : i32
      %add3A_182 = arith.addi %select_n3A_8, %add3A_181 : i32
      %dma_start3A_183 = arith.constant 0 : i32
      %dma_start3A_184 = arith.constant 0 : i32
      %dma_start3A_185 = tpu.memref_slice %arg4[%add3A_182, %dma_start3A_183, %dma_start3A_184] : memref<2560x1x128xi32, #tpu.memory_space<hbm>> -> memref<1x1x128xi32, #tpu.memory_space<hbm>>
      %dma_start3A_186 = tpu.memref_squeeze %dma_start3A_185 : memref<1x1x128xi32, #tpu.memory_space<hbm>> -> memref<1x128xi32, #tpu.memory_space<hbm>>
      %dma_start3A_187 = arith.constant 0 : i32
      %dma_start3A_188 = arith.constant 0 : i32
      %dma_start3A_189 = tpu.memref_slice %arg4[%add3A_182, %dma_start3A_187, %dma_start3A_188] : memref<2560x1x128xi32, #tpu.memory_space<hbm>> -> memref<1x1x128xi32, #tpu.memory_space<hbm>>
      %dma_start3A_190 = tpu.memref_squeeze %dma_start3A_189 : memref<1x1x128xi32, #tpu.memory_space<hbm>> -> memref<1x128xi32, #tpu.memory_space<hbm>>
      tpu.enqueue_dma source(%dma_start3A_190 : memref<1x128xi32, #tpu.memory_space<hbm>>) target(%arg11 : memref<1x128xi32, #tpu.memory_space<vmem>>) target_semaphore(%arg18 : memref<!tpu.dma_semaphore, #tpu.memory_space<semaphore_mem>>)
      %mul3A_191 = arith.constant 128 : i32
      %mul3A_192 = arith.muli %add3A_181, %mul3A_191 : i32
      %dma_start3A_193 = tpu.memref_slice %arg10[%mul3A_192] : memref<10240xi32, #tpu.memory_space<vmem>> -> memref<128xi32, #tpu.memory_space<vmem>>
      %dma_start3A_194 = arith.constant 0 : i32
      %dma_start3A_195 = arith.constant 0 : i32
      %dma_start3A_196 = tpu.memref_slice %arg2[%dma_start3A_194, %dma_start3A_195] : memref<10000x128xf32, #tpu.memory_space<hbm>> -> memref<10000x128xf32, #tpu.memory_space<hbm>>
      tpu.enqueue_indirect_dma source(%dma_start3A_196 : memref<10000x128xf32, #tpu.memory_space<hbm>>) target(%arg13 : memref<128x128xf32, #tpu.memory_space<vmem>>) offsets(%dma_start3A_193 : memref<128xi32, #tpu.memory_space<vmem>>) semaphore(%arg16 : memref<!tpu.dma_semaphore, #tpu.memory_space<semaphore_mem>>)
      %mul3A_197 = arith.constant 2 : i32
      %mul3A_198 = arith.muli %while3A_159, %mul3A_197 : i32
      %add3A_199 = arith.constant 1 : i32
      %add3A_200 = arith.addi %mul3A_198, %add3A_199 : i32
      %dma_wait3A_201 = arith.constant 0 : i32
      %dma_wait3A_202 = arith.constant 0 : i32
      %dma_wait3A_203 = arith.constant 0 : i32
      %dma_wait3A_204 = tpu.memref_slice %arg4[%dma_wait3A_201, %dma_wait3A_202, %dma_wait3A_203] : memref<2560x1x128xi32, #tpu.memory_space<hbm>> -> memref<1x1x128xi32, #tpu.memory_space<hbm>>
      %dma_wait3A_205 = tpu.memref_squeeze %dma_wait3A_204 : memref<1x1x128xi32, #tpu.memory_space<hbm>> -> memref<1x128xi32, #tpu.memory_space<hbm>>
      %dma_wait3A_206 = arith.constant 0 : i32
      %dma_wait3A_207 = arith.constant 0 : i32
      %dma_wait3A_208 = tpu.memref_slice %arg4[%dma_wait3A_201, %dma_wait3A_206, %dma_wait3A_207] : memref<2560x1x128xi32, #tpu.memory_space<hbm>> -> memref<1x1x128xi32, #tpu.memory_space<hbm>>
      %dma_wait3A_209 = tpu.memref_squeeze %dma_wait3A_208 : memref<1x1x128xi32, #tpu.memory_space<hbm>> -> memref<1x128xi32, #tpu.memory_space<hbm>>
      tpu.wait_dma2 semaphore(%arg19 : memref<!tpu.dma_semaphore, #tpu.memory_space<semaphore_mem>>) src(%dma_wait3A_209 : memref<1x128xi32, #tpu.memory_space<hbm>>) dst(%arg12 : memref<1x128xi32, #tpu.memory_space<vmem>>)
      %dma_wait3A_210 = arith.constant 0 : i32
      %dma_wait3A_211 = tpu.memref_slice %arg10[%dma_wait3A_210] : memref<10240xi32, #tpu.memory_space<vmem>> -> memref<128xi32, #tpu.memory_space<vmem>>
      %dma_wait3A_212 = arith.constant 0 : i32
      %dma_wait3A_213 = arith.constant 0 : i32
      %dma_wait3A_214 = tpu.memref_slice %arg2[%dma_wait3A_212, %dma_wait3A_213] : memref<10000x128xf32, #tpu.memory_space<hbm>> -> memref<10000x128xf32, #tpu.memory_space<hbm>>
      tpu.wait_indirect_dma semaphore(%arg17 : memref<!tpu.dma_semaphore, #tpu.memory_space<semaphore_mem>>) src(%dma_wait3A_214 : memref<10000x128xf32, #tpu.memory_space<hbm>>) dst(%arg14 : memref<128x128xf32, #tpu.memory_space<vmem>>)
      %run_scoped3A_215 = arith.constant 0 : i32
      "tpu.region"() ({
        %run_scoped3A_234 = tpu.sem_alloc : memref<!tpu.dma_semaphore, #tpu.memory_space<semaphore_mem>>
        %dma_start3A_235 = arith.constant 0 : i32
        %dma_start3A_236 = tpu.memref_slice %arg12[%run_scoped3A_215, %dma_start3A_235] : memref<1x128xi32, #tpu.memory_space<vmem>> -> memref<1x128xi32, #tpu.memory_space<vmem>>
        %dma_start3A_237 = tpu.memref_squeeze %dma_start3A_236 : memref<1x128xi32, #tpu.memory_space<vmem>> -> memref<128xi32, #tpu.memory_space<vmem>>
        %dma_start3A_238 = arith.constant 0 : i32
        %dma_start3A_239 = arith.constant 0 : i32
        %dma_start3A_240 = tpu.memref_slice %arg15[%dma_start3A_238, %dma_start3A_239] : memref<10240x128xf32, #tpu.memory_space<vmem_shared>> -> memref<10240x128xf32, #tpu.memory_space<vmem_shared>>
        tpu.enqueue_indirect_dma source(%arg14 : memref<128x128xf32, #tpu.memory_space<vmem>>) target(%dma_start3A_240 : memref<10240x128xf32, #tpu.memory_space<vmem_shared>>) offsets(%dma_start3A_237 : memref<128xi32, #tpu.memory_space<vmem>>) semaphore(%run_scoped3A_234 : memref<!tpu.dma_semaphore, #tpu.memory_space<semaphore_mem>>) {add = true}
        %dma_wait3A_241 = arith.constant 0 : i32
        %dma_wait3A_242 = tpu.memref_slice %arg12[%run_scoped3A_215, %dma_wait3A_241] : memref<1x128xi32, #tpu.memory_space<vmem>> -> memref<1x128xi32, #tpu.memory_space<vmem>>
        %dma_wait3A_243 = tpu.memref_squeeze %dma_wait3A_242 : memref<1x128xi32, #tpu.memory_space<vmem>> -> memref<128xi32, #tpu.memory_space<vmem>>
        %dma_wait3A_244 = arith.constant 0 : i32
        %dma_wait3A_245 = arith.constant 0 : i32
        %dma_wait3A_246 = tpu.memref_slice %arg15[%dma_wait3A_244, %dma_wait3A_245] : memref<10240x128xf32, #tpu.memory_space<vmem_shared>> -> memref<10240x128xf32, #tpu.memory_space<vmem_shared>>
        tpu.wait_indirect_dma semaphore(%run_scoped3A_234 : memref<!tpu.dma_semaphore, #tpu.memory_space<semaphore_mem>>) src(%arg14 : memref<128x128xf32, #tpu.memory_space<vmem>>) dst(%dma_wait3A_246 : memref<10240x128xf32, #tpu.memory_space<vmem_shared>>)
        tpu.yield
      }) : () -> ()
      %run_scoped3A_216 = arith.constant 0 : i32
      "tpu.region"() ({
        %run_scoped3A_234 = tpu.sem_alloc : memref<!tpu.dma_semaphore, #tpu.memory_space<semaphore_mem>>
        %dma_start3A_235 = arith.constant 0 : i32
        %dma_start3A_236 = tpu.memref_slice %arg12[%run_scoped3A_216, %dma_start3A_235] : memref<1x128xi32, #tpu.memory_space<vmem>> -> memref<1x128xi32, #tpu.memory_space<vmem>>
        %dma_start3A_237 = tpu.memref_squeeze %dma_start3A_236 : memref<1x128xi32, #tpu.memory_space<vmem>> -> memref<128xi32, #tpu.memory_space<vmem>>
        %dma_start3A_238 = arith.constant 0 : i32
        %dma_start3A_239 = tpu.memref_slice %arg21[%dma_start3A_238] : memref<10240xf32, #tpu.memory_space<vmem_shared>> -> memref<10240xf32, #tpu.memory_space<vmem_shared>>
        tpu.enqueue_indirect_dma source(%arg20 : memref<128xf32, #tpu.memory_space<vmem>>) target(%dma_start3A_239 : memref<10240xf32, #tpu.memory_space<vmem_shared>>) offsets(%dma_start3A_237 : memref<128xi32, #tpu.memory_space<vmem>>) semaphore(%run_scoped3A_234 : memref<!tpu.dma_semaphore, #tpu.memory_space<semaphore_mem>>) {add = true}
        %dma_wait3A_240 = arith.constant 0 : i32
        %dma_wait3A_241 = tpu.memref_slice %arg12[%run_scoped3A_216, %dma_wait3A_240] : memref<1x128xi32, #tpu.memory_space<vmem>> -> memref<1x128xi32, #tpu.memory_space<vmem>>
        %dma_wait3A_242 = tpu.memref_squeeze %dma_wait3A_241 : memref<1x128xi32, #tpu.memory_space<vmem>> -> memref<128xi32, #tpu.memory_space<vmem>>
        %dma_wait3A_243 = arith.constant 0 : i32
        %dma_wait3A_244 = tpu.memref_slice %arg21[%dma_wait3A_243] : memref<10240xf32, #tpu.memory_space<vmem_shared>> -> memref<10240xf32, #tpu.memory_space<vmem_shared>>
        tpu.wait_indirect_dma semaphore(%run_scoped3A_234 : memref<!tpu.dma_semaphore, #tpu.memory_space<semaphore_mem>>) src(%arg20 : memref<128xf32, #tpu.memory_space<vmem>>) dst(%dma_wait3A_244 : memref<10240xf32, #tpu.memory_space<vmem_shared>>)
        tpu.yield
      }) : () -> ()
      %add3A_217 = arith.constant 2 : i32
      %add3A_218 = arith.addi %add3A_200, %add3A_217 : i32
      %add3A_219 = arith.addi %select_n3A_8, %add3A_218 : i32
      %dma_start3A_220 = arith.constant 0 : i32
      %dma_start3A_221 = arith.constant 0 : i32
      %dma_start3A_222 = tpu.memref_slice %arg4[%add3A_219, %dma_start3A_220, %dma_start3A_221] : memref<2560x1x128xi32, #tpu.memory_space<hbm>> -> memref<1x1x128xi32, #tpu.memory_space<hbm>>
      %dma_start3A_223 = tpu.memref_squeeze %dma_start3A_222 : memref<1x1x128xi32, #tpu.memory_space<hbm>> -> memref<1x128xi32, #tpu.memory_space<hbm>>
      %dma_start3A_224 = arith.constant 0 : i32
      %dma_start3A_225 = arith.constant 0 : i32
      %dma_start3A_226 = tpu.memref_slice %arg4[%add3A_219, %dma_start3A_224, %dma_start3A_225] : memref<2560x1x128xi32, #tpu.memory_space<hbm>> -> memref<1x1x128xi32, #tpu.memory_space<hbm>>
      %dma_start3A_227 = tpu.memref_squeeze %dma_start3A_226 : memref<1x1x128xi32, #tpu.memory_space<hbm>> -> memref<1x128xi32, #tpu.memory_space<hbm>>
      tpu.enqueue_dma source(%dma_start3A_227 : memref<1x128xi32, #tpu.memory_space<hbm>>) target(%arg12 : memref<1x128xi32, #tpu.memory_space<vmem>>) target_semaphore(%arg19 : memref<!tpu.dma_semaphore, #tpu.memory_space<semaphore_mem>>)
      %mul3A_228 = arith.constant 128 : i32
      %mul3A_229 = arith.muli %add3A_218, %mul3A_228 : i32
      %dma_start3A_230 = tpu.memref_slice %arg10[%mul3A_229] : memref<10240xi32, #tpu.memory_space<vmem>> -> memref<128xi32, #tpu.memory_space<vmem>>
      %dma_start3A_231 = arith.constant 0 : i32
      %dma_start3A_232 = arith.constant 0 : i32
      %dma_start3A_233 = tpu.memref_slice %arg2[%dma_start3A_231, %dma_start3A_232] : memref<10000x128xf32, #tpu.memory_space<hbm>> -> memref<10000x128xf32, #tpu.memory_space<hbm>>
      tpu.enqueue_indirect_dma source(%dma_start3A_233 : memref<10000x128xf32, #tpu.memory_space<hbm>>) target(%arg14 : memref<128x128xf32, #tpu.memory_space<vmem>>) offsets(%dma_start3A_230 : memref<128xi32, #tpu.memory_space<vmem>>) semaphore(%arg17 : memref<!tpu.dma_semaphore, #tpu.memory_space<semaphore_mem>>)
    }
    %dma_wait3A = arith.constant 0 : i32
    %dma_wait3A_116 = arith.constant 0 : i32
    %dma_wait3A_117 = arith.constant 0 : i32
    %dma_wait3A_118 = tpu.memref_slice %arg4[%dma_wait3A, %dma_wait3A_116, %dma_wait3A_117] : memref<2560x1x128xi32, #tpu.memory_space<hbm>> -> memref<1x1x128xi32, #tpu.memory_space<hbm>>
    %dma_wait3A_119 = tpu.memref_squeeze %dma_wait3A_118 : memref<1x1x128xi32, #tpu.memory_space<hbm>> -> memref<1x128xi32, #tpu.memory_space<hbm>>
    %dma_wait3A_120 = arith.constant 0 : i32
    %dma_wait3A_121 = arith.constant 0 : i32
    %dma_wait3A_122 = tpu.memref_slice %arg4[%dma_wait3A, %dma_wait3A_120, %dma_wait3A_121] : memref<2560x1x128xi32, #tpu.memory_space<hbm>> -> memref<1x1x128xi32, #tpu.memory_space<hbm>>
    %dma_wait3A_123 = tpu.memref_squeeze %dma_wait3A_122 : memref<1x1x128xi32, #tpu.memory_space<hbm>> -> memref<1x128xi32, #tpu.memory_space<hbm>>
    tpu.wait_dma2 semaphore(%arg18 : memref<!tpu.dma_semaphore, #tpu.memory_space<semaphore_mem>>) src(%dma_wait3A_123 : memref<1x128xi32, #tpu.memory_space<hbm>>) dst(%arg11 : memref<1x128xi32, #tpu.memory_space<vmem>>)
    %dma_wait3A_124 = arith.constant 0 : i32
    %dma_wait3A_125 = tpu.memref_slice %arg10[%dma_wait3A_124] : memref<10240xi32, #tpu.memory_space<vmem>> -> memref<128xi32, #tpu.memory_space<vmem>>
    %dma_wait3A_126 = arith.constant 0 : i32
    %dma_wait3A_127 = arith.constant 0 : i32
    %dma_wait3A_128 = tpu.memref_slice %arg2[%dma_wait3A_126, %dma_wait3A_127] : memref<10000x128xf32, #tpu.memory_space<hbm>> -> memref<10000x128xf32, #tpu.memory_space<hbm>>
    tpu.wait_indirect_dma semaphore(%arg16 : memref<!tpu.dma_semaphore, #tpu.memory_space<semaphore_mem>>) src(%dma_wait3A_128 : memref<10000x128xf32, #tpu.memory_space<hbm>>) dst(%arg13 : memref<128x128xf32, #tpu.memory_space<vmem>>)
    %run_scoped3A = arith.constant 0 : i32
    "tpu.region"() ({
      %run_scoped3A_159 = tpu.sem_alloc : memref<!tpu.dma_semaphore, #tpu.memory_space<semaphore_mem>>
      %dma_start3A_160 = arith.constant 0 : i32
      %dma_start3A_161 = tpu.memref_slice %arg11[%run_scoped3A, %dma_start3A_160] : memref<1x128xi32, #tpu.memory_space<vmem>> -> memref<1x128xi32, #tpu.memory_space<vmem>>
      %dma_start3A_162 = tpu.memref_squeeze %dma_start3A_161 : memref<1x128xi32, #tpu.memory_space<vmem>> -> memref<128xi32, #tpu.memory_space<vmem>>
      %dma_start3A_163 = arith.constant 0 : i32
      %dma_start3A_164 = arith.constant 0 : i32
      %dma_start3A_165 = tpu.memref_slice %arg15[%dma_start3A_163, %dma_start3A_164] : memref<10240x128xf32, #tpu.memory_space<vmem_shared>> -> memref<10240x128xf32, #tpu.memory_space<vmem_shared>>
      tpu.enqueue_indirect_dma source(%arg13 : memref<128x128xf32, #tpu.memory_space<vmem>>) target(%dma_start3A_165 : memref<10240x128xf32, #tpu.memory_space<vmem_shared>>) offsets(%dma_start3A_162 : memref<128xi32, #tpu.memory_space<vmem>>) semaphore(%run_scoped3A_159 : memref<!tpu.dma_semaphore, #tpu.memory_space<semaphore_mem>>) {add = true}
      %dma_wait3A_166 = arith.constant 0 : i32
      %dma_wait3A_167 = tpu.memref_slice %arg11[%run_scoped3A, %dma_wait3A_166] : memref<1x128xi32, #tpu.memory_space<vmem>> -> memref<1x128xi32, #tpu.memory_space<vmem>>
      %dma_wait3A_168 = tpu.memref_squeeze %dma_wait3A_167 : memref<1x128xi32, #tpu.memory_space<vmem>> -> memref<128xi32, #tpu.memory_space<vmem>>
      %dma_wait3A_169 = arith.constant 0 : i32
      %dma_wait3A_170 = arith.constant 0 : i32
      %dma_wait3A_171 = tpu.memref_slice %arg15[%dma_wait3A_169, %dma_wait3A_170] : memref<10240x128xf32, #tpu.memory_space<vmem_shared>> -> memref<10240x128xf32, #tpu.memory_space<vmem_shared>>
      tpu.wait_indirect_dma semaphore(%run_scoped3A_159 : memref<!tpu.dma_semaphore, #tpu.memory_space<semaphore_mem>>) src(%arg13 : memref<128x128xf32, #tpu.memory_space<vmem>>) dst(%dma_wait3A_171 : memref<10240x128xf32, #tpu.memory_space<vmem_shared>>)
      tpu.yield
    }) : () -> ()
    %run_scoped3A_129 = arith.constant 0 : i32
    "tpu.region"() ({
      %run_scoped3A_159 = tpu.sem_alloc : memref<!tpu.dma_semaphore, #tpu.memory_space<semaphore_mem>>
      %dma_start3A_160 = arith.constant 0 : i32
      %dma_start3A_161 = tpu.memref_slice %arg11[%run_scoped3A_129, %dma_start3A_160] : memref<1x128xi32, #tpu.memory_space<vmem>> -> memref<1x128xi32, #tpu.memory_space<vmem>>
      %dma_start3A_162 = tpu.memref_squeeze %dma_start3A_161 : memref<1x128xi32, #tpu.memory_space<vmem>> -> memref<128xi32, #tpu.memory_space<vmem>>
      %dma_start3A_163 = arith.constant 0 : i32
      %dma_start3A_164 = tpu.memref_slice %arg21[%dma_start3A_163] : memref<10240xf32, #tpu.memory_space<vmem_shared>> -> memref<10240xf32, #tpu.memory_space<vmem_shared>>
      tpu.enqueue_indirect_dma source(%arg20 : memref<128xf32, #tpu.memory_space<vmem>>) target(%dma_start3A_164 : memref<10240xf32, #tpu.memory_space<vmem_shared>>) offsets(%dma_start3A_162 : memref<128xi32, #tpu.memory_space<vmem>>) semaphore(%run_scoped3A_159 : memref<!tpu.dma_semaphore, #tpu.memory_space<semaphore_mem>>) {add = true}
      %dma_wait3A_165 = arith.constant 0 : i32
      %dma_wait3A_166 = tpu.memref_slice %arg11[%run_scoped3A_129, %dma_wait3A_165] : memref<1x128xi32, #tpu.memory_space<vmem>> -> memref<1x128xi32, #tpu.memory_space<vmem>>
      %dma_wait3A_167 = tpu.memref_squeeze %dma_wait3A_166 : memref<1x128xi32, #tpu.memory_space<vmem>> -> memref<128xi32, #tpu.memory_space<vmem>>
      %dma_wait3A_168 = arith.constant 0 : i32
      %dma_wait3A_169 = tpu.memref_slice %arg21[%dma_wait3A_168] : memref<10240xf32, #tpu.memory_space<vmem_shared>> -> memref<10240xf32, #tpu.memory_space<vmem_shared>>
      tpu.wait_indirect_dma semaphore(%run_scoped3A_159 : memref<!tpu.dma_semaphore, #tpu.memory_space<semaphore_mem>>) src(%arg20 : memref<128xf32, #tpu.memory_space<vmem>>) dst(%dma_wait3A_169 : memref<10240xf32, #tpu.memory_space<vmem_shared>>)
      tpu.yield
    }) : () -> ()
    %dma_wait3A_130 = arith.constant 0 : i32
    %dma_wait3A_131 = arith.constant 0 : i32
    %dma_wait3A_132 = arith.constant 0 : i32
    %dma_wait3A_133 = tpu.memref_slice %arg4[%dma_wait3A_130, %dma_wait3A_131, %dma_wait3A_132] : memref<2560x1x128xi32, #tpu.memory_space<hbm>> -> memref<1x1x128xi32, #tpu.memory_space<hbm>>
    %dma_wait3A_134 = tpu.memref_squeeze %dma_wait3A_133 : memref<1x1x128xi32, #tpu.memory_space<hbm>> -> memref<1x128xi32, #tpu.memory_space<hbm>>
    %dma_wait3A_135 = arith.constant 0 : i32
    %dma_wait3A_136 = arith.constant 0 : i32
    %dma_wait3A_137 = tpu.memref_slice %arg4[%dma_wait3A_130, %dma_wait3A_135, %dma_wait3A_136] : memref<2560x1x128xi32, #tpu.memory_space<hbm>> -> memref<1x1x128xi32, #tpu.memory_space<hbm>>
    %dma_wait3A_138 = tpu.memref_squeeze %dma_wait3A_137 : memref<1x1x128xi32, #tpu.memory_space<hbm>> -> memref<1x128xi32, #tpu.memory_space<hbm>>
    tpu.wait_dma2 semaphore(%arg19 : memref<!tpu.dma_semaphore, #tpu.memory_space<semaphore_mem>>) src(%dma_wait3A_138 : memref<1x128xi32, #tpu.memory_space<hbm>>) dst(%arg12 : memref<1x128xi32, #tpu.memory_space<vmem>>)
    %dma_wait3A_139 = arith.constant 0 : i32
    %dma_wait3A_140 = tpu.memref_slice %arg10[%dma_wait3A_139] : memref<10240xi32, #tpu.memory_space<vmem>> -> memref<128xi32, #tpu.memory_space<vmem>>
    %dma_wait3A_141 = arith.constant 0 : i32
    %dma_wait3A_142 = arith.constant 0 : i32
    %dma_wait3A_143 = tpu.memref_slice %arg2[%dma_wait3A_141, %dma_wait3A_142] : memref<10000x128xf32, #tpu.memory_space<hbm>> -> memref<10000x128xf32, #tpu.memory_space<hbm>>
    tpu.wait_indirect_dma semaphore(%arg17 : memref<!tpu.dma_semaphore, #tpu.memory_space<semaphore_mem>>) src(%dma_wait3A_143 : memref<10000x128xf32, #tpu.memory_space<hbm>>) dst(%arg14 : memref<128x128xf32, #tpu.memory_space<vmem>>)
    %run_scoped3A_144 = arith.constant 0 : i32
    "tpu.region"() ({
      %run_scoped3A_159 = tpu.sem_alloc : memref<!tpu.dma_semaphore, #tpu.memory_space<semaphore_mem>>
      %dma_start3A_160 = arith.constant 0 : i32
      %dma_start3A_161 = tpu.memref_slice %arg12[%run_scoped3A_144, %dma_start3A_160] : memref<1x128xi32, #tpu.memory_space<vmem>> -> memref<1x128xi32, #tpu.memory_space<vmem>>
      %dma_start3A_162 = tpu.memref_squeeze %dma_start3A_161 : memref<1x128xi32, #tpu.memory_space<vmem>> -> memref<128xi32, #tpu.memory_space<vmem>>
      %dma_start3A_163 = arith.constant 0 : i32
      %dma_start3A_164 = arith.constant 0 : i32
      %dma_start3A_165 = tpu.memref_slice %arg15[%dma_start3A_163, %dma_start3A_164] : memref<10240x128xf32, #tpu.memory_space<vmem_shared>> -> memref<10240x128xf32, #tpu.memory_space<vmem_shared>>
      tpu.enqueue_indirect_dma source(%arg14 : memref<128x128xf32, #tpu.memory_space<vmem>>) target(%dma_start3A_165 : memref<10240x128xf32, #tpu.memory_space<vmem_shared>>) offsets(%dma_start3A_162 : memref<128xi32, #tpu.memory_space<vmem>>) semaphore(%run_scoped3A_159 : memref<!tpu.dma_semaphore, #tpu.memory_space<semaphore_mem>>) {add = true}
      %dma_wait3A_166 = arith.constant 0 : i32
      %dma_wait3A_167 = tpu.memref_slice %arg12[%run_scoped3A_144, %dma_wait3A_166] : memref<1x128xi32, #tpu.memory_space<vmem>> -> memref<1x128xi32, #tpu.memory_space<vmem>>
      %dma_wait3A_168 = tpu.memref_squeeze %dma_wait3A_167 : memref<1x128xi32, #tpu.memory_space<vmem>> -> memref<128xi32, #tpu.memory_space<vmem>>
      %dma_wait3A_169 = arith.constant 0 : i32
      %dma_wait3A_170 = arith.constant 0 : i32
      %dma_wait3A_171 = tpu.memref_slice %arg15[%dma_wait3A_169, %dma_wait3A_170] : memref<10240x128xf32, #tpu.memory_space<vmem_shared>> -> memref<10240x128xf32, #tpu.memory_space<vmem_shared>>
      tpu.wait_indirect_dma semaphore(%run_scoped3A_159 : memref<!tpu.dma_semaphore, #tpu.memory_space<semaphore_mem>>) src(%arg14 : memref<128x128xf32, #tpu.memory_space<vmem>>) dst(%dma_wait3A_171 : memref<10240x128xf32, #tpu.memory_space<vmem_shared>>)
      tpu.yield
    }) : () -> ()
    %run_scoped3A_145 = arith.constant 0 : i32
    "tpu.region"() ({
      %run_scoped3A_159 = tpu.sem_alloc : memref<!tpu.dma_semaphore, #tpu.memory_space<semaphore_mem>>
      %dma_start3A_160 = arith.constant 0 : i32
      %dma_start3A_161 = tpu.memref_slice %arg12[%run_scoped3A_145, %dma_start3A_160] : memref<1x128xi32, #tpu.memory_space<vmem>> -> memref<1x128xi32, #tpu.memory_space<vmem>>
      %dma_start3A_162 = tpu.memref_squeeze %dma_start3A_161 : memref<1x128xi32, #tpu.memory_space<vmem>> -> memref<128xi32, #tpu.memory_space<vmem>>
      %dma_start3A_163 = arith.constant 0 : i32
      %dma_start3A_164 = tpu.memref_slice %arg21[%dma_start3A_163] : memref<10240xf32, #tpu.memory_space<vmem_shared>> -> memref<10240xf32, #tpu.memory_space<vmem_shared>>
      tpu.enqueue_indirect_dma source(%arg20 : memref<128xf32, #tpu.memory_space<vmem>>) target(%dma_start3A_164 : memref<10240xf32, #tpu.memory_space<vmem_shared>>) offsets(%dma_start3A_162 : memref<128xi32, #tpu.memory_space<vmem>>) semaphore(%run_scoped3A_159 : memref<!tpu.dma_semaphore, #tpu.memory_space<semaphore_mem>>) {add = true}
      %dma_wait3A_165 = arith.constant 0 : i32
      %dma_wait3A_166 = tpu.memref_slice %arg12[%run_scoped3A_145, %dma_wait3A_165] : memref<1x128xi32, #tpu.memory_space<vmem>> -> memref<1x128xi32, #tpu.memory_space<vmem>>
      %dma_wait3A_167 = tpu.memref_squeeze %dma_wait3A_166 : memref<1x128xi32, #tpu.memory_space<vmem>> -> memref<128xi32, #tpu.memory_space<vmem>>
      %dma_wait3A_168 = arith.constant 0 : i32
      %dma_wait3A_169 = tpu.memref_slice %arg21[%dma_wait3A_168] : memref<10240xf32, #tpu.memory_space<vmem_shared>> -> memref<10240xf32, #tpu.memory_space<vmem_shared>>
      tpu.wait_indirect_dma semaphore(%run_scoped3A_159 : memref<!tpu.dma_semaphore, #tpu.memory_space<semaphore_mem>>) src(%arg20 : memref<128xf32, #tpu.memory_space<vmem>>) dst(%dma_wait3A_169 : memref<10240xf32, #tpu.memory_space<vmem_shared>>)
      tpu.yield
    }) : () -> ()
    %gt3A = arith.constant 80 : i32
    %gt3A_146 = arith.cmpi sgt, %select_n3A, %gt3A : i32
    %convert_element_type3A = arith.extui %gt3A_146 : i1 to i32
    %cond3A = arith.constant 0 : i32
    %cond3A_147 = arith.cmpi ne, %convert_element_type3A, %cond3A : i32
    scf.if %cond3A_147 {
      %add3A_159 = arith.constant 80 : i32
      %add3A_160 = arith.addi %select_n3A_8, %add3A_159 : i32
      %sub3A_161 = arith.constant 80 : i32
      %sub3A_162 = arith.subi %select_n3A, %sub3A_161 : i32
      %mul3A_163 = arith.constant 128 : i32
      %mul3A_164 = arith.muli %add3A_160, %mul3A_163 : i32
      %multiple_of3A_165 = tpu.assume_multiple %mul3A_164, 128 : i32
      "tpu.region"() ({
        %run_scoped3A_264 = tpu.sem_alloc : memref<!tpu.dma_semaphore, #tpu.memory_space<semaphore_mem>>
        %dma_start3A_265 = tpu.memref_slice %arg3[%multiple_of3A_165] : memref<337920xi32, #tpu.memory_space<hbm>> -> memref<10240xi32, #tpu.memory_space<hbm>>
        %dma_start3A_266 = tpu.memref_slice %arg3[%multiple_of3A_165] : memref<337920xi32, #tpu.memory_space<hbm>> -> memref<10240xi32, #tpu.memory_space<hbm>>
        tpu.enqueue_dma source(%dma_start3A_266 : memref<10240xi32, #tpu.memory_space<hbm>>) target(%arg10 : memref<10240xi32, #tpu.memory_space<vmem>>) target_semaphore(%run_scoped3A_264 : memref<!tpu.dma_semaphore, #tpu.memory_space<semaphore_mem>>)
        %dma_wait3A_267 = tpu.memref_slice %arg3[%multiple_of3A_165] : memref<337920xi32, #tpu.memory_space<hbm>> -> memref<10240xi32, #tpu.memory_space<hbm>>
        %dma_wait3A_268 = tpu.memref_slice %arg3[%multiple_of3A_165] : memref<337920xi32, #tpu.memory_space<hbm>> -> memref<10240xi32, #tpu.memory_space<hbm>>
        tpu.wait_dma2 semaphore(%run_scoped3A_264 : memref<!tpu.dma_semaphore, #tpu.memory_space<semaphore_mem>>) src(%dma_wait3A_268 : memref<10240xi32, #tpu.memory_space<hbm>>) dst(%arg10 : memref<10240xi32, #tpu.memory_space<vmem>>)
        tpu.yield
      }) : () -> ()
      %add3A_166 = arith.constant 0 : i32
      %add3A_167 = arith.addi %add3A_160, %add3A_166 : i32
      %dma_start3A_168 = arith.constant 0 : i32
      %dma_start3A_169 = arith.constant 0 : i32
      %dma_start3A_170 = tpu.memref_slice %arg4[%add3A_167, %dma_start3A_168, %dma_start3A_169] : memref<2560x1x128xi32, #tpu.memory_space<hbm>> -> memref<1x1x128xi32, #tpu.memory_space<hbm>>
      %dma_start3A_171 = tpu.memref_squeeze %dma_start3A_170 : memref<1x1x128xi32, #tpu.memory_space<hbm>> -> memref<1x128xi32, #tpu.memory_space<hbm>>
      %dma_start3A_172 = arith.constant 0 : i32
      %dma_start3A_173 = arith.constant 0 : i32
      %dma_start3A_174 = tpu.memref_slice %arg4[%add3A_167, %dma_start3A_172, %dma_start3A_173] : memref<2560x1x128xi32, #tpu.memory_space<hbm>> -> memref<1x1x128xi32, #tpu.memory_space<hbm>>
      %dma_start3A_175 = tpu.memref_squeeze %dma_start3A_174 : memref<1x1x128xi32, #tpu.memory_space<hbm>> -> memref<1x128xi32, #tpu.memory_space<hbm>>
      tpu.enqueue_dma source(%dma_start3A_175 : memref<1x128xi32, #tpu.memory_space<hbm>>) target(%arg11 : memref<1x128xi32, #tpu.memory_space<vmem>>) target_semaphore(%arg18 : memref<!tpu.dma_semaphore, #tpu.memory_space<semaphore_mem>>)
      %dma_start3A_176 = arith.constant 0 : i32
      %dma_start3A_177 = tpu.memref_slice %arg10[%dma_start3A_176] : memref<10240xi32, #tpu.memory_space<vmem>> -> memref<128xi32, #tpu.memory_space<vmem>>
      %dma_start3A_178 = arith.constant 0 : i32
      %dma_start3A_179 = arith.constant 0 : i32
      %dma_start3A_180 = tpu.memref_slice %arg2[%dma_start3A_178, %dma_start3A_179] : memref<10000x128xf32, #tpu.memory_space<hbm>> -> memref<10000x128xf32, #tpu.memory_space<hbm>>
      tpu.enqueue_indirect_dma source(%dma_start3A_180 : memref<10000x128xf32, #tpu.memory_space<hbm>>) target(%arg13 : memref<128x128xf32, #tpu.memory_space<vmem>>) offsets(%dma_start3A_177 : memref<128xi32, #tpu.memory_space<vmem>>) semaphore(%arg16 : memref<!tpu.dma_semaphore, #tpu.memory_space<semaphore_mem>>)
      %add3A_181 = arith.constant 1 : i32
      %add3A_182 = arith.addi %add3A_160, %add3A_181 : i32
      %dma_start3A_183 = arith.constant 0 : i32
      %dma_start3A_184 = arith.constant 0 : i32
      %dma_start3A_185 = tpu.memref_slice %arg4[%add3A_182, %dma_start3A_183, %dma_start3A_184] : memref<2560x1x128xi32, #tpu.memory_space<hbm>> -> memref<1x1x128xi32, #tpu.memory_space<hbm>>
      %dma_start3A_186 = tpu.memref_squeeze %dma_start3A_185 : memref<1x1x128xi32, #tpu.memory_space<hbm>> -> memref<1x128xi32, #tpu.memory_space<hbm>>
      %dma_start3A_187 = arith.constant 0 : i32
      %dma_start3A_188 = arith.constant 0 : i32
      %dma_start3A_189 = tpu.memref_slice %arg4[%add3A_182, %dma_start3A_187, %dma_start3A_188] : memref<2560x1x128xi32, #tpu.memory_space<hbm>> -> memref<1x1x128xi32, #tpu.memory_space<hbm>>
      %dma_start3A_190 = tpu.memref_squeeze %dma_start3A_189 : memref<1x1x128xi32, #tpu.memory_space<hbm>> -> memref<1x128xi32, #tpu.memory_space<hbm>>
      tpu.enqueue_dma source(%dma_start3A_190 : memref<1x128xi32, #tpu.memory_space<hbm>>) target(%arg12 : memref<1x128xi32, #tpu.memory_space<vmem>>) target_semaphore(%arg19 : memref<!tpu.dma_semaphore, #tpu.memory_space<semaphore_mem>>)
      %dma_start3A_191 = arith.constant 128 : i32
      %dma_start3A_192 = tpu.memref_slice %arg10[%dma_start3A_191] : memref<10240xi32, #tpu.memory_space<vmem>> -> memref<128xi32, #tpu.memory_space<vmem>>
      %dma_start3A_193 = arith.constant 0 : i32
      %dma_start3A_194 = arith.constant 0 : i32
      %dma_start3A_195 = tpu.memref_slice %arg2[%dma_start3A_193, %dma_start3A_194] : memref<10000x128xf32, #tpu.memory_space<hbm>> -> memref<10000x128xf32, #tpu.memory_space<hbm>>
      tpu.enqueue_indirect_dma source(%dma_start3A_195 : memref<10000x128xf32, #tpu.memory_space<hbm>>) target(%arg14 : memref<128x128xf32, #tpu.memory_space<vmem>>) offsets(%dma_start3A_192 : memref<128xi32, #tpu.memory_space<vmem>>) semaphore(%arg17 : memref<!tpu.dma_semaphore, #tpu.memory_space<semaphore_mem>>)
      %jit3A_196 = arith.constant 2 : i32
      %div3A_197 = arith.divsi %sub3A_162, %jit3A_196 : i32
      %sign3A_198 = arith.constant 0 : i32
      %sign3A_199 = arith.cmpi sgt, %sub3A_162, %sign3A_198 : i32
      %sign3A_200 = arith.extui %sign3A_199 : i1 to i32
      %sign3A_201 = arith.constant 0 : i32
      %sign3A_202 = arith.cmpi slt, %sub3A_162, %sign3A_201 : i32
      %sign3A_203 = arith.extui %sign3A_202 : i1 to i32
      %sign3A_204 = arith.subi %sign3A_200, %sign3A_203 : i32
      %sign3A_205 = arith.constant 0 : i32
      %sign3A_206 = arith.cmpi sgt, %jit3A_196, %sign3A_205 : i32
      %sign3A_207 = arith.extui %sign3A_206 : i1 to i32
      %sign3A_208 = arith.constant 0 : i32
      %sign3A_209 = arith.cmpi slt, %jit3A_196, %sign3A_208 : i32
      %sign3A_210 = arith.extui %sign3A_209 : i1 to i32
      %sign3A_211 = arith.subi %sign3A_207, %sign3A_210 : i32
      %ne3A_212 = arith.cmpi ne, %sign3A_204, %sign3A_211 : i32
      %rem3A_213 = arith.remsi %sub3A_162, %jit3A_196 : i32
      %ne3A_214 = arith.constant 0 : i32
      %ne3A_215 = arith.cmpi ne, %rem3A_213, %ne3A_214 : i32
      %and3A_216 = arith.andi %ne3A_212, %ne3A_215 : i1
      %sub3A_217 = arith.constant 1 : i32
      %sub3A_218 = arith.subi %div3A_197, %sub3A_217 : i32
      %select_n3A_219 = arith.select %and3A_216, %sub3A_218, %div3A_197 : i32
      %sub3A_220 = arith.constant 1 : i32
      %sub3A_221 = arith.subi %select_n3A_219, %sub3A_220 : i32
      %while3A_222 = arith.constant 0 : i32
      %while3A_223 = arith.constant 0 : i32
      %while3A_224 = arith.subi %sub3A_221, %while3A_223 : i32
      %while3A_225 = arith.addi %while3A_223, %while3A_224 : i32
      %while3A_226 = arith.constant 1 : i32
      %while3A_227 = arith.divsi %while3A_224, %while3A_226 : i32
      %while3A_228 = arith.muli %while3A_227, %while3A_226 : i32
      %while3A_229 = arith.addi %while3A_223, %while3A_228 : i32
      %while3A_230 = arith.constant 1 : i32
      scf.for %while3A_264 = %while3A_223 to %while3A_229 step %while3A_230  : i32 {
        %mul3A_265 = arith.constant 2 : i32
        %mul3A_266 = arith.muli %while3A_264, %mul3A_265 : i32
        %add3A_267 = arith.constant 0 : i32
        %add3A_268 = arith.addi %mul3A_266, %add3A_267 : i32
        %dma_wait3A_269 = arith.constant 0 : i32
        %dma_wait3A_270 = arith.constant 0 : i32
        %dma_wait3A_271 = arith.constant 0 : i32
        %dma_wait3A_272 = tpu.memref_slice %arg4[%dma_wait3A_269, %dma_wait3A_270, %dma_wait3A_271] : memref<2560x1x128xi32, #tpu.memory_space<hbm>> -> memref<1x1x128xi32, #tpu.memory_space<hbm>>
        %dma_wait3A_273 = tpu.memref_squeeze %dma_wait3A_272 : memref<1x1x128xi32, #tpu.memory_space<hbm>> -> memref<1x128xi32, #tpu.memory_space<hbm>>
        %dma_wait3A_274 = arith.constant 0 : i32
        %dma_wait3A_275 = arith.constant 0 : i32
        %dma_wait3A_276 = tpu.memref_slice %arg4[%dma_wait3A_269, %dma_wait3A_274, %dma_wait3A_275] : memref<2560x1x128xi32, #tpu.memory_space<hbm>> -> memref<1x1x128xi32, #tpu.memory_space<hbm>>
        %dma_wait3A_277 = tpu.memref_squeeze %dma_wait3A_276 : memref<1x1x128xi32, #tpu.memory_space<hbm>> -> memref<1x128xi32, #tpu.memory_space<hbm>>
        tpu.wait_dma2 semaphore(%arg18 : memref<!tpu.dma_semaphore, #tpu.memory_space<semaphore_mem>>) src(%dma_wait3A_277 : memref<1x128xi32, #tpu.memory_space<hbm>>) dst(%arg11 : memref<1x128xi32, #tpu.memory_space<vmem>>)
        %dma_wait3A_278 = arith.constant 0 : i32
        %dma_wait3A_279 = tpu.memref_slice %arg10[%dma_wait3A_278] : memref<10240xi32, #tpu.memory_space<vmem>> -> memref<128xi32, #tpu.memory_space<vmem>>
        %dma_wait3A_280 = arith.constant 0 : i32
        %dma_wait3A_281 = arith.constant 0 : i32
        %dma_wait3A_282 = tpu.memref_slice %arg2[%dma_wait3A_280, %dma_wait3A_281] : memref<10000x128xf32, #tpu.memory_space<hbm>> -> memref<10000x128xf32, #tpu.memory_space<hbm>>
        tpu.wait_indirect_dma semaphore(%arg16 : memref<!tpu.dma_semaphore, #tpu.memory_space<semaphore_mem>>) src(%dma_wait3A_282 : memref<10000x128xf32, #tpu.memory_space<hbm>>) dst(%arg13 : memref<128x128xf32, #tpu.memory_space<vmem>>)
        %run_scoped3A_283 = arith.constant 0 : i32
        "tpu.region"() ({
          %run_scoped3A_339 = tpu.sem_alloc : memref<!tpu.dma_semaphore, #tpu.memory_space<semaphore_mem>>
          %dma_start3A_340 = arith.constant 0 : i32
          %dma_start3A_341 = tpu.memref_slice %arg11[%run_scoped3A_283, %dma_start3A_340] : memref<1x128xi32, #tpu.memory_space<vmem>> -> memref<1x128xi32, #tpu.memory_space<vmem>>
          %dma_start3A_342 = tpu.memref_squeeze %dma_start3A_341 : memref<1x128xi32, #tpu.memory_space<vmem>> -> memref<128xi32, #tpu.memory_space<vmem>>
          %dma_start3A_343 = arith.constant 0 : i32
          %dma_start3A_344 = arith.constant 0 : i32
          %dma_start3A_345 = tpu.memref_slice %arg15[%dma_start3A_343, %dma_start3A_344] : memref<10240x128xf32, #tpu.memory_space<vmem_shared>> -> memref<10240x128xf32, #tpu.memory_space<vmem_shared>>
          tpu.enqueue_indirect_dma source(%arg13 : memref<128x128xf32, #tpu.memory_space<vmem>>) target(%dma_start3A_345 : memref<10240x128xf32, #tpu.memory_space<vmem_shared>>) offsets(%dma_start3A_342 : memref<128xi32, #tpu.memory_space<vmem>>) semaphore(%run_scoped3A_339 : memref<!tpu.dma_semaphore, #tpu.memory_space<semaphore_mem>>) {add = true}
          %dma_wait3A_346 = arith.constant 0 : i32
          %dma_wait3A_347 = tpu.memref_slice %arg11[%run_scoped3A_283, %dma_wait3A_346] : memref<1x128xi32, #tpu.memory_space<vmem>> -> memref<1x128xi32, #tpu.memory_space<vmem>>
          %dma_wait3A_348 = tpu.memref_squeeze %dma_wait3A_347 : memref<1x128xi32, #tpu.memory_space<vmem>> -> memref<128xi32, #tpu.memory_space<vmem>>
          %dma_wait3A_349 = arith.constant 0 : i32
          %dma_wait3A_350 = arith.constant 0 : i32
          %dma_wait3A_351 = tpu.memref_slice %arg15[%dma_wait3A_349, %dma_wait3A_350] : memref<10240x128xf32, #tpu.memory_space<vmem_shared>> -> memref<10240x128xf32, #tpu.memory_space<vmem_shared>>
          tpu.wait_indirect_dma semaphore(%run_scoped3A_339 : memref<!tpu.dma_semaphore, #tpu.memory_space<semaphore_mem>>) src(%arg13 : memref<128x128xf32, #tpu.memory_space<vmem>>) dst(%dma_wait3A_351 : memref<10240x128xf32, #tpu.memory_space<vmem_shared>>)
          tpu.yield
        }) : () -> ()
        %run_scoped3A_284 = arith.constant 0 : i32
        "tpu.region"() ({
          %run_scoped3A_339 = tpu.sem_alloc : memref<!tpu.dma_semaphore, #tpu.memory_space<semaphore_mem>>
          %dma_start3A_340 = arith.constant 0 : i32
          %dma_start3A_341 = tpu.memref_slice %arg11[%run_scoped3A_284, %dma_start3A_340] : memref<1x128xi32, #tpu.memory_space<vmem>> -> memref<1x128xi32, #tpu.memory_space<vmem>>
          %dma_start3A_342 = tpu.memref_squeeze %dma_start3A_341 : memref<1x128xi32, #tpu.memory_space<vmem>> -> memref<128xi32, #tpu.memory_space<vmem>>
          %dma_start3A_343 = arith.constant 0 : i32
          %dma_start3A_344 = tpu.memref_slice %arg21[%dma_start3A_343] : memref<10240xf32, #tpu.memory_space<vmem_shared>> -> memref<10240xf32, #tpu.memory_space<vmem_shared>>
          tpu.enqueue_indirect_dma source(%arg20 : memref<128xf32, #tpu.memory_space<vmem>>) target(%dma_start3A_344 : memref<10240xf32, #tpu.memory_space<vmem_shared>>) offsets(%dma_start3A_342 : memref<128xi32, #tpu.memory_space<vmem>>) semaphore(%run_scoped3A_339 : memref<!tpu.dma_semaphore, #tpu.memory_space<semaphore_mem>>) {add = true}
          %dma_wait3A_345 = arith.constant 0 : i32
          %dma_wait3A_346 = tpu.memref_slice %arg11[%run_scoped3A_284, %dma_wait3A_345] : memref<1x128xi32, #tpu.memory_space<vmem>> -> memref<1x128xi32, #tpu.memory_space<vmem>>
          %dma_wait3A_347 = tpu.memref_squeeze %dma_wait3A_346 : memref<1x128xi32, #tpu.memory_space<vmem>> -> memref<128xi32, #tpu.memory_space<vmem>>
          %dma_wait3A_348 = arith.constant 0 : i32
          %dma_wait3A_349 = tpu.memref_slice %arg21[%dma_wait3A_348] : memref<10240xf32, #tpu.memory_space<vmem_shared>> -> memref<10240xf32, #tpu.memory_space<vmem_shared>>
          tpu.wait_indirect_dma semaphore(%run_scoped3A_339 : memref<!tpu.dma_semaphore, #tpu.memory_space<semaphore_mem>>) src(%arg20 : memref<128xf32, #tpu.memory_space<vmem>>) dst(%dma_wait3A_349 : memref<10240xf32, #tpu.memory_space<vmem_shared>>)
          tpu.yield
        }) : () -> ()
        %add3A_285 = arith.constant 2 : i32
        %add3A_286 = arith.addi %add3A_268, %add3A_285 : i32
        %add3A_287 = arith.addi %add3A_160, %add3A_286 : i32
        %dma_start3A_288 = arith.constant 0 : i32
        %dma_start3A_289 = arith.constant 0 : i32
        %dma_start3A_290 = tpu.memref_slice %arg4[%add3A_287, %dma_start3A_288, %dma_start3A_289] : memref<2560x1x128xi32, #tpu.memory_space<hbm>> -> memref<1x1x128xi32, #tpu.memory_space<hbm>>
        %dma_start3A_291 = tpu.memref_squeeze %dma_start3A_290 : memref<1x1x128xi32, #tpu.memory_space<hbm>> -> memref<1x128xi32, #tpu.memory_space<hbm>>
        %dma_start3A_292 = arith.constant 0 : i32
        %dma_start3A_293 = arith.constant 0 : i32
        %dma_start3A_294 = tpu.memref_slice %arg4[%add3A_287, %dma_start3A_292, %dma_start3A_293] : memref<2560x1x128xi32, #tpu.memory_space<hbm>> -> memref<1x1x128xi32, #tpu.memory_space<hbm>>
        %dma_start3A_295 = tpu.memref_squeeze %dma_start3A_294 : memref<1x1x128xi32, #tpu.memory_space<hbm>> -> memref<1x128xi32, #tpu.memory_space<hbm>>
        tpu.enqueue_dma source(%dma_start3A_295 : memref<1x128xi32, #tpu.memory_space<hbm>>) target(%arg11 : memref<1x128xi32, #tpu.memory_space<vmem>>) target_semaphore(%arg18 : memref<!tpu.dma_semaphore, #tpu.memory_space<semaphore_mem>>)
        %mul3A_296 = arith.constant 128 : i32
        %mul3A_297 = arith.muli %add3A_286, %mul3A_296 : i32
        %dma_start3A_298 = tpu.memref_slice %arg10[%mul3A_297] : memref<10240xi32, #tpu.memory_space<vmem>> -> memref<128xi32, #tpu.memory_space<vmem>>
        %dma_start3A_299 = arith.constant 0 : i32
        %dma_start3A_300 = arith.constant 0 : i32
        %dma_start3A_301 = tpu.memref_slice %arg2[%dma_start3A_299, %dma_start3A_300] : memref<10000x128xf32, #tpu.memory_space<hbm>> -> memref<10000x128xf32, #tpu.memory_space<hbm>>
        tpu.enqueue_indirect_dma source(%dma_start3A_301 : memref<10000x128xf32, #tpu.memory_space<hbm>>) target(%arg13 : memref<128x128xf32, #tpu.memory_space<vmem>>) offsets(%dma_start3A_298 : memref<128xi32, #tpu.memory_space<vmem>>) semaphore(%arg16 : memref<!tpu.dma_semaphore, #tpu.memory_space<semaphore_mem>>)
        %mul3A_302 = arith.constant 2 : i32
        %mul3A_303 = arith.muli %while3A_264, %mul3A_302 : i32
        %add3A_304 = arith.constant 1 : i32
        %add3A_305 = arith.addi %mul3A_303, %add3A_304 : i32
        %dma_wait3A_306 = arith.constant 0 : i32
        %dma_wait3A_307 = arith.constant 0 : i32
        %dma_wait3A_308 = arith.constant 0 : i32
        %dma_wait3A_309 = tpu.memref_slice %arg4[%dma_wait3A_306, %dma_wait3A_307, %dma_wait3A_308] : memref<2560x1x128xi32, #tpu.memory_space<hbm>> -> memref<1x1x128xi32, #tpu.memory_space<hbm>>
        %dma_wait3A_310 = tpu.memref_squeeze %dma_wait3A_309 : memref<1x1x128xi32, #tpu.memory_space<hbm>> -> memref<1x128xi32, #tpu.memory_space<hbm>>
        %dma_wait3A_311 = arith.constant 0 : i32
        %dma_wait3A_312 = arith.constant 0 : i32
        %dma_wait3A_313 = tpu.memref_slice %arg4[%dma_wait3A_306, %dma_wait3A_311, %dma_wait3A_312] : memref<2560x1x128xi32, #tpu.memory_space<hbm>> -> memref<1x1x128xi32, #tpu.memory_space<hbm>>
        %dma_wait3A_314 = tpu.memref_squeeze %dma_wait3A_313 : memref<1x1x128xi32, #tpu.memory_space<hbm>> -> memref<1x128xi32, #tpu.memory_space<hbm>>
        tpu.wait_dma2 semaphore(%arg19 : memref<!tpu.dma_semaphore, #tpu.memory_space<semaphore_mem>>) src(%dma_wait3A_314 : memref<1x128xi32, #tpu.memory_space<hbm>>) dst(%arg12 : memref<1x128xi32, #tpu.memory_space<vmem>>)
        %dma_wait3A_315 = arith.constant 0 : i32
        %dma_wait3A_316 = tpu.memref_slice %arg10[%dma_wait3A_315] : memref<10240xi32, #tpu.memory_space<vmem>> -> memref<128xi32, #tpu.memory_space<vmem>>
        %dma_wait3A_317 = arith.constant 0 : i32
        %dma_wait3A_318 = arith.constant 0 : i32
        %dma_wait3A_319 = tpu.memref_slice %arg2[%dma_wait3A_317, %dma_wait3A_318] : memref<10000x128xf32, #tpu.memory_space<hbm>> -> memref<10000x128xf32, #tpu.memory_space<hbm>>
        tpu.wait_indirect_dma semaphore(%arg17 : memref<!tpu.dma_semaphore, #tpu.memory_space<semaphore_mem>>) src(%dma_wait3A_319 : memref<10000x128xf32, #tpu.memory_space<hbm>>) dst(%arg14 : memref<128x128xf32, #tpu.memory_space<vmem>>)
        %run_scoped3A_320 = arith.constant 0 : i32
        "tpu.region"() ({
          %run_scoped3A_339 = tpu.sem_alloc : memref<!tpu.dma_semaphore, #tpu.memory_space<semaphore_mem>>
          %dma_start3A_340 = arith.constant 0 : i32
          %dma_start3A_341 = tpu.memref_slice %arg12[%run_scoped3A_320, %dma_start3A_340] : memref<1x128xi32, #tpu.memory_space<vmem>> -> memref<1x128xi32, #tpu.memory_space<vmem>>
          %dma_start3A_342 = tpu.memref_squeeze %dma_start3A_341 : memref<1x128xi32, #tpu.memory_space<vmem>> -> memref<128xi32, #tpu.memory_space<vmem>>
          %dma_start3A_343 = arith.constant 0 : i32
          %dma_start3A_344 = arith.constant 0 : i32
          %dma_start3A_345 = tpu.memref_slice %arg15[%dma_start3A_343, %dma_start3A_344] : memref<10240x128xf32, #tpu.memory_space<vmem_shared>> -> memref<10240x128xf32, #tpu.memory_space<vmem_shared>>
          tpu.enqueue_indirect_dma source(%arg14 : memref<128x128xf32, #tpu.memory_space<vmem>>) target(%dma_start3A_345 : memref<10240x128xf32, #tpu.memory_space<vmem_shared>>) offsets(%dma_start3A_342 : memref<128xi32, #tpu.memory_space<vmem>>) semaphore(%run_scoped3A_339 : memref<!tpu.dma_semaphore, #tpu.memory_space<semaphore_mem>>) {add = true}
          %dma_wait3A_346 = arith.constant 0 : i32
          %dma_wait3A_347 = tpu.memref_slice %arg12[%run_scoped3A_320, %dma_wait3A_346] : memref<1x128xi32, #tpu.memory_space<vmem>> -> memref<1x128xi32, #tpu.memory_space<vmem>>
          %dma_wait3A_348 = tpu.memref_squeeze %dma_wait3A_347 : memref<1x128xi32, #tpu.memory_space<vmem>> -> memref<128xi32, #tpu.memory_space<vmem>>
          %dma_wait3A_349 = arith.constant 0 : i32
          %dma_wait3A_350 = arith.constant 0 : i32
          %dma_wait3A_351 = tpu.memref_slice %arg15[%dma_wait3A_349, %dma_wait3A_350] : memref<10240x128xf32, #tpu.memory_space<vmem_shared>> -> memref<10240x128xf32, #tpu.memory_space<vmem_shared>>
          tpu.wait_indirect_dma semaphore(%run_scoped3A_339 : memref<!tpu.dma_semaphore, #tpu.memory_space<semaphore_mem>>) src(%arg14 : memref<128x128xf32, #tpu.memory_space<vmem>>) dst(%dma_wait3A_351 : memref<10240x128xf32, #tpu.memory_space<vmem_shared>>)
          tpu.yield
        }) : () -> ()
        %run_scoped3A_321 = arith.constant 0 : i32
        "tpu.region"() ({
          %run_scoped3A_339 = tpu.sem_alloc : memref<!tpu.dma_semaphore, #tpu.memory_space<semaphore_mem>>
          %dma_start3A_340 = arith.constant 0 : i32
          %dma_start3A_341 = tpu.memref_slice %arg12[%run_scoped3A_321, %dma_start3A_340] : memref<1x128xi32, #tpu.memory_space<vmem>> -> memref<1x128xi32, #tpu.memory_space<vmem>>
          %dma_start3A_342 = tpu.memref_squeeze %dma_start3A_341 : memref<1x128xi32, #tpu.memory_space<vmem>> -> memref<128xi32, #tpu.memory_space<vmem>>
          %dma_start3A_343 = arith.constant 0 : i32
          %dma_start3A_344 = tpu.memref_slice %arg21[%dma_start3A_343] : memref<10240xf32, #tpu.memory_space<vmem_shared>> -> memref<10240xf32, #tpu.memory_space<vmem_shared>>
          tpu.enqueue_indirect_dma source(%arg20 : memref<128xf32, #tpu.memory_space<vmem>>) target(%dma_start3A_344 : memref<10240xf32, #tpu.memory_space<vmem_shared>>) offsets(%dma_start3A_342 : memref<128xi32, #tpu.memory_space<vmem>>) semaphore(%run_scoped3A_339 : memref<!tpu.dma_semaphore, #tpu.memory_space<semaphore_mem>>) {add = true}
          %dma_wait3A_345 = arith.constant 0 : i32
          %dma_wait3A_346 = tpu.memref_slice %arg12[%run_scoped3A_321, %dma_wait3A_345] : memref<1x128xi32, #tpu.memory_space<vmem>> -> memref<1x128xi32, #tpu.memory_space<vmem>>
          %dma_wait3A_347 = tpu.memref_squeeze %dma_wait3A_346 : memref<1x128xi32, #tpu.memory_space<vmem>> -> memref<128xi32, #tpu.memory_space<vmem>>
          %dma_wait3A_348 = arith.constant 0 : i32
          %dma_wait3A_349 = tpu.memref_slice %arg21[%dma_wait3A_348] : memref<10240xf32, #tpu.memory_space<vmem_shared>> -> memref<10240xf32, #tpu.memory_space<vmem_shared>>
          tpu.wait_indirect_dma semaphore(%run_scoped3A_339 : memref<!tpu.dma_semaphore, #tpu.memory_space<semaphore_mem>>) src(%arg20 : memref<128xf32, #tpu.memory_space<vmem>>) dst(%dma_wait3A_349 : memref<10240xf32, #tpu.memory_space<vmem_shared>>)
          tpu.yield
        }) : () -> ()
        %add3A_322 = arith.constant 2 : i32
        %add3A_323 = arith.addi %add3A_305, %add3A_322 : i32
        %add3A_324 = arith.addi %add3A_160, %add3A_323 : i32
        %dma_start3A_325 = arith.constant 0 : i32
        %dma_start3A_326 = arith.constant 0 : i32
        %dma_start3A_327 = tpu.memref_slice %arg4[%add3A_324, %dma_start3A_325, %dma_start3A_326] : memref<2560x1x128xi32, #tpu.memory_space<hbm>> -> memref<1x1x128xi32, #tpu.memory_space<hbm>>
        %dma_start3A_328 = tpu.memref_squeeze %dma_start3A_327 : memref<1x1x128xi32, #tpu.memory_space<hbm>> -> memref<1x128xi32, #tpu.memory_space<hbm>>
        %dma_start3A_329 = arith.constant 0 : i32
        %dma_start3A_330 = arith.constant 0 : i32
        %dma_start3A_331 = tpu.memref_slice %arg4[%add3A_324, %dma_start3A_329, %dma_start3A_330] : memref<2560x1x128xi32, #tpu.memory_space<hbm>> -> memref<1x1x128xi32, #tpu.memory_space<hbm>>
        %dma_start3A_332 = tpu.memref_squeeze %dma_start3A_331 : memref<1x1x128xi32, #tpu.memory_space<hbm>> -> memref<1x128xi32, #tpu.memory_space<hbm>>
        tpu.enqueue_dma source(%dma_start3A_332 : memref<1x128xi32, #tpu.memory_space<hbm>>) target(%arg12 : memref<1x128xi32, #tpu.memory_space<vmem>>) target_semaphore(%arg19 : memref<!tpu.dma_semaphore, #tpu.memory_space<semaphore_mem>>)
        %mul3A_333 = arith.constant 128 : i32
        %mul3A_334 = arith.muli %add3A_323, %mul3A_333 : i32
        %dma_start3A_335 = tpu.memref_slice %arg10[%mul3A_334] : memref<10240xi32, #tpu.memory_space<vmem>> -> memref<128xi32, #tpu.memory_space<vmem>>
        %dma_start3A_336 = arith.constant 0 : i32
        %dma_start3A_337 = arith.constant 0 : i32
        %dma_start3A_338 = tpu.memref_slice %arg2[%dma_start3A_336, %dma_start3A_337] : memref<10000x128xf32, #tpu.memory_space<hbm>> -> memref<10000x128xf32, #tpu.memory_space<hbm>>
        tpu.enqueue_indirect_dma source(%dma_start3A_338 : memref<10000x128xf32, #tpu.memory_space<hbm>>) target(%arg14 : memref<128x128xf32, #tpu.memory_space<vmem>>) offsets(%dma_start3A_335 : memref<128xi32, #tpu.memory_space<vmem>>) semaphore(%arg17 : memref<!tpu.dma_semaphore, #tpu.memory_space<semaphore_mem>>)
      }
      %while3A_231 = arith.constant 1 : i32
      scf.for %while3A_264 = %while3A_229 to %while3A_225 step %while3A_231  : i32 {
        %mul3A_265 = arith.constant 2 : i32
        %mul3A_266 = arith.muli %while3A_264, %mul3A_265 : i32
        %add3A_267 = arith.constant 0 : i32
        %add3A_268 = arith.addi %mul3A_266, %add3A_267 : i32
        %dma_wait3A_269 = arith.constant 0 : i32
        %dma_wait3A_270 = arith.constant 0 : i32
        %dma_wait3A_271 = arith.constant 0 : i32
        %dma_wait3A_272 = tpu.memref_slice %arg4[%dma_wait3A_269, %dma_wait3A_270, %dma_wait3A_271] : memref<2560x1x128xi32, #tpu.memory_space<hbm>> -> memref<1x1x128xi32, #tpu.memory_space<hbm>>
        %dma_wait3A_273 = tpu.memref_squeeze %dma_wait3A_272 : memref<1x1x128xi32, #tpu.memory_space<hbm>> -> memref<1x128xi32, #tpu.memory_space<hbm>>
        %dma_wait3A_274 = arith.constant 0 : i32
        %dma_wait3A_275 = arith.constant 0 : i32
        %dma_wait3A_276 = tpu.memref_slice %arg4[%dma_wait3A_269, %dma_wait3A_274, %dma_wait3A_275] : memref<2560x1x128xi32, #tpu.memory_space<hbm>> -> memref<1x1x128xi32, #tpu.memory_space<hbm>>
        %dma_wait3A_277 = tpu.memref_squeeze %dma_wait3A_276 : memref<1x1x128xi32, #tpu.memory_space<hbm>> -> memref<1x128xi32, #tpu.memory_space<hbm>>
        tpu.wait_dma2 semaphore(%arg18 : memref<!tpu.dma_semaphore, #tpu.memory_space<semaphore_mem>>) src(%dma_wait3A_277 : memref<1x128xi32, #tpu.memory_space<hbm>>) dst(%arg11 : memref<1x128xi32, #tpu.memory_space<vmem>>)
        %dma_wait3A_278 = arith.constant 0 : i32
        %dma_wait3A_279 = tpu.memref_slice %arg10[%dma_wait3A_278] : memref<10240xi32, #tpu.memory_space<vmem>> -> memref<128xi32, #tpu.memory_space<vmem>>
        %dma_wait3A_280 = arith.constant 0 : i32
        %dma_wait3A_281 = arith.constant 0 : i32
        %dma_wait3A_282 = tpu.memref_slice %arg2[%dma_wait3A_280, %dma_wait3A_281] : memref<10000x128xf32, #tpu.memory_space<hbm>> -> memref<10000x128xf32, #tpu.memory_space<hbm>>
        tpu.wait_indirect_dma semaphore(%arg16 : memref<!tpu.dma_semaphore, #tpu.memory_space<semaphore_mem>>) src(%dma_wait3A_282 : memref<10000x128xf32, #tpu.memory_space<hbm>>) dst(%arg13 : memref<128x128xf32, #tpu.memory_space<vmem>>)
        %run_scoped3A_283 = arith.constant 0 : i32
        "tpu.region"() ({
          %run_scoped3A_339 = tpu.sem_alloc : memref<!tpu.dma_semaphore, #tpu.memory_space<semaphore_mem>>
          %dma_start3A_340 = arith.constant 0 : i32
          %dma_start3A_341 = tpu.memref_slice %arg11[%run_scoped3A_283, %dma_start3A_340] : memref<1x128xi32, #tpu.memory_space<vmem>> -> memref<1x128xi32, #tpu.memory_space<vmem>>
          %dma_start3A_342 = tpu.memref_squeeze %dma_start3A_341 : memref<1x128xi32, #tpu.memory_space<vmem>> -> memref<128xi32, #tpu.memory_space<vmem>>
          %dma_start3A_343 = arith.constant 0 : i32
          %dma_start3A_344 = arith.constant 0 : i32
          %dma_start3A_345 = tpu.memref_slice %arg15[%dma_start3A_343, %dma_start3A_344] : memref<10240x128xf32, #tpu.memory_space<vmem_shared>> -> memref<10240x128xf32, #tpu.memory_space<vmem_shared>>
          tpu.enqueue_indirect_dma source(%arg13 : memref<128x128xf32, #tpu.memory_space<vmem>>) target(%dma_start3A_345 : memref<10240x128xf32, #tpu.memory_space<vmem_shared>>) offsets(%dma_start3A_342 : memref<128xi32, #tpu.memory_space<vmem>>) semaphore(%run_scoped3A_339 : memref<!tpu.dma_semaphore, #tpu.memory_space<semaphore_mem>>) {add = true}
          %dma_wait3A_346 = arith.constant 0 : i32
          %dma_wait3A_347 = tpu.memref_slice %arg11[%run_scoped3A_283, %dma_wait3A_346] : memref<1x128xi32, #tpu.memory_space<vmem>> -> memref<1x128xi32, #tpu.memory_space<vmem>>
          %dma_wait3A_348 = tpu.memref_squeeze %dma_wait3A_347 : memref<1x128xi32, #tpu.memory_space<vmem>> -> memref<128xi32, #tpu.memory_space<vmem>>
          %dma_wait3A_349 = arith.constant 0 : i32
          %dma_wait3A_350 = arith.constant 0 : i32
          %dma_wait3A_351 = tpu.memref_slice %arg15[%dma_wait3A_349, %dma_wait3A_350] : memref<10240x128xf32, #tpu.memory_space<vmem_shared>> -> memref<10240x128xf32, #tpu.memory_space<vmem_shared>>
          tpu.wait_indirect_dma semaphore(%run_scoped3A_339 : memref<!tpu.dma_semaphore, #tpu.memory_space<semaphore_mem>>) src(%arg13 : memref<128x128xf32, #tpu.memory_space<vmem>>) dst(%dma_wait3A_351 : memref<10240x128xf32, #tpu.memory_space<vmem_shared>>)
          tpu.yield
        }) : () -> ()
        %run_scoped3A_284 = arith.constant 0 : i32
        "tpu.region"() ({
          %run_scoped3A_339 = tpu.sem_alloc : memref<!tpu.dma_semaphore, #tpu.memory_space<semaphore_mem>>
          %dma_start3A_340 = arith.constant 0 : i32
          %dma_start3A_341 = tpu.memref_slice %arg11[%run_scoped3A_284, %dma_start3A_340] : memref<1x128xi32, #tpu.memory_space<vmem>> -> memref<1x128xi32, #tpu.memory_space<vmem>>
          %dma_start3A_342 = tpu.memref_squeeze %dma_start3A_341 : memref<1x128xi32, #tpu.memory_space<vmem>> -> memref<128xi32, #tpu.memory_space<vmem>>
          %dma_start3A_343 = arith.constant 0 : i32
          %dma_start3A_344 = tpu.memref_slice %arg21[%dma_start3A_343] : memref<10240xf32, #tpu.memory_space<vmem_shared>> -> memref<10240xf32, #tpu.memory_space<vmem_shared>>
          tpu.enqueue_indirect_dma source(%arg20 : memref<128xf32, #tpu.memory_space<vmem>>) target(%dma_start3A_344 : memref<10240xf32, #tpu.memory_space<vmem_shared>>) offsets(%dma_start3A_342 : memref<128xi32, #tpu.memory_space<vmem>>) semaphore(%run_scoped3A_339 : memref<!tpu.dma_semaphore, #tpu.memory_space<semaphore_mem>>) {add = true}
          %dma_wait3A_345 = arith.constant 0 : i32
          %dma_wait3A_346 = tpu.memref_slice %arg11[%run_scoped3A_284, %dma_wait3A_345] : memref<1x128xi32, #tpu.memory_space<vmem>> -> memref<1x128xi32, #tpu.memory_space<vmem>>
          %dma_wait3A_347 = tpu.memref_squeeze %dma_wait3A_346 : memref<1x128xi32, #tpu.memory_space<vmem>> -> memref<128xi32, #tpu.memory_space<vmem>>
          %dma_wait3A_348 = arith.constant 0 : i32
          %dma_wait3A_349 = tpu.memref_slice %arg21[%dma_wait3A_348] : memref<10240xf32, #tpu.memory_space<vmem_shared>> -> memref<10240xf32, #tpu.memory_space<vmem_shared>>
          tpu.wait_indirect_dma semaphore(%run_scoped3A_339 : memref<!tpu.dma_semaphore, #tpu.memory_space<semaphore_mem>>) src(%arg20 : memref<128xf32, #tpu.memory_space<vmem>>) dst(%dma_wait3A_349 : memref<10240xf32, #tpu.memory_space<vmem_shared>>)
          tpu.yield
        }) : () -> ()
        %add3A_285 = arith.constant 2 : i32
        %add3A_286 = arith.addi %add3A_268, %add3A_285 : i32
        %add3A_287 = arith.addi %add3A_160, %add3A_286 : i32
        %dma_start3A_288 = arith.constant 0 : i32
        %dma_start3A_289 = arith.constant 0 : i32
        %dma_start3A_290 = tpu.memref_slice %arg4[%add3A_287, %dma_start3A_288, %dma_start3A_289] : memref<2560x1x128xi32, #tpu.memory_space<hbm>> -> memref<1x1x128xi32, #tpu.memory_space<hbm>>
        %dma_start3A_291 = tpu.memref_squeeze %dma_start3A_290 : memref<1x1x128xi32, #tpu.memory_space<hbm>> -> memref<1x128xi32, #tpu.memory_space<hbm>>
        %dma_start3A_292 = arith.constant 0 : i32
        %dma_start3A_293 = arith.constant 0 : i32
        %dma_start3A_294 = tpu.memref_slice %arg4[%add3A_287, %dma_start3A_292, %dma_start3A_293] : memref<2560x1x128xi32, #tpu.memory_space<hbm>> -> memref<1x1x128xi32, #tpu.memory_space<hbm>>
        %dma_start3A_295 = tpu.memref_squeeze %dma_start3A_294 : memref<1x1x128xi32, #tpu.memory_space<hbm>> -> memref<1x128xi32, #tpu.memory_space<hbm>>
        tpu.enqueue_dma source(%dma_start3A_295 : memref<1x128xi32, #tpu.memory_space<hbm>>) target(%arg11 : memref<1x128xi32, #tpu.memory_space<vmem>>) target_semaphore(%arg18 : memref<!tpu.dma_semaphore, #tpu.memory_space<semaphore_mem>>)
        %mul3A_296 = arith.constant 128 : i32
        %mul3A_297 = arith.muli %add3A_286, %mul3A_296 : i32
        %dma_start3A_298 = tpu.memref_slice %arg10[%mul3A_297] : memref<10240xi32, #tpu.memory_space<vmem>> -> memref<128xi32, #tpu.memory_space<vmem>>
        %dma_start3A_299 = arith.constant 0 : i32
        %dma_start3A_300 = arith.constant 0 : i32
        %dma_start3A_301 = tpu.memref_slice %arg2[%dma_start3A_299, %dma_start3A_300] : memref<10000x128xf32, #tpu.memory_space<hbm>> -> memref<10000x128xf32, #tpu.memory_space<hbm>>
        tpu.enqueue_indirect_dma source(%dma_start3A_301 : memref<10000x128xf32, #tpu.memory_space<hbm>>) target(%arg13 : memref<128x128xf32, #tpu.memory_space<vmem>>) offsets(%dma_start3A_298 : memref<128xi32, #tpu.memory_space<vmem>>) semaphore(%arg16 : memref<!tpu.dma_semaphore, #tpu.memory_space<semaphore_mem>>)
        %mul3A_302 = arith.constant 2 : i32
        %mul3A_303 = arith.muli %while3A_264, %mul3A_302 : i32
        %add3A_304 = arith.constant 1 : i32
        %add3A_305 = arith.addi %mul3A_303, %add3A_304 : i32
        %dma_wait3A_306 = arith.constant 0 : i32
        %dma_wait3A_307 = arith.constant 0 : i32
        %dma_wait3A_308 = arith.constant 0 : i32
        %dma_wait3A_309 = tpu.memref_slice %arg4[%dma_wait3A_306, %dma_wait3A_307, %dma_wait3A_308] : memref<2560x1x128xi32, #tpu.memory_space<hbm>> -> memref<1x1x128xi32, #tpu.memory_space<hbm>>
        %dma_wait3A_310 = tpu.memref_squeeze %dma_wait3A_309 : memref<1x1x128xi32, #tpu.memory_space<hbm>> -> memref<1x128xi32, #tpu.memory_space<hbm>>
        %dma_wait3A_311 = arith.constant 0 : i32
        %dma_wait3A_312 = arith.constant 0 : i32
        %dma_wait3A_313 = tpu.memref_slice %arg4[%dma_wait3A_306, %dma_wait3A_311, %dma_wait3A_312] : memref<2560x1x128xi32, #tpu.memory_space<hbm>> -> memref<1x1x128xi32, #tpu.memory_space<hbm>>
        %dma_wait3A_314 = tpu.memref_squeeze %dma_wait3A_313 : memref<1x1x128xi32, #tpu.memory_space<hbm>> -> memref<1x128xi32, #tpu.memory_space<hbm>>
        tpu.wait_dma2 semaphore(%arg19 : memref<!tpu.dma_semaphore, #tpu.memory_space<semaphore_mem>>) src(%dma_wait3A_314 : memref<1x128xi32, #tpu.memory_space<hbm>>) dst(%arg12 : memref<1x128xi32, #tpu.memory_space<vmem>>)
        %dma_wait3A_315 = arith.constant 0 : i32
        %dma_wait3A_316 = tpu.memref_slice %arg10[%dma_wait3A_315] : memref<10240xi32, #tpu.memory_space<vmem>> -> memref<128xi32, #tpu.memory_space<vmem>>
        %dma_wait3A_317 = arith.constant 0 : i32
        %dma_wait3A_318 = arith.constant 0 : i32
        %dma_wait3A_319 = tpu.memref_slice %arg2[%dma_wait3A_317, %dma_wait3A_318] : memref<10000x128xf32, #tpu.memory_space<hbm>> -> memref<10000x128xf32, #tpu.memory_space<hbm>>
        tpu.wait_indirect_dma semaphore(%arg17 : memref<!tpu.dma_semaphore, #tpu.memory_space<semaphore_mem>>) src(%dma_wait3A_319 : memref<10000x128xf32, #tpu.memory_space<hbm>>) dst(%arg14 : memref<128x128xf32, #tpu.memory_space<vmem>>)
        %run_scoped3A_320 = arith.constant 0 : i32
        "tpu.region"() ({
          %run_scoped3A_339 = tpu.sem_alloc : memref<!tpu.dma_semaphore, #tpu.memory_space<semaphore_mem>>
          %dma_start3A_340 = arith.constant 0 : i32
          %dma_start3A_341 = tpu.memref_slice %arg12[%run_scoped3A_320, %dma_start3A_340] : memref<1x128xi32, #tpu.memory_space<vmem>> -> memref<1x128xi32, #tpu.memory_space<vmem>>
          %dma_start3A_342 = tpu.memref_squeeze %dma_start3A_341 : memref<1x128xi32, #tpu.memory_space<vmem>> -> memref<128xi32, #tpu.memory_space<vmem>>
          %dma_start3A_343 = arith.constant 0 : i32
          %dma_start3A_344 = arith.constant 0 : i32
          %dma_start3A_345 = tpu.memref_slice %arg15[%dma_start3A_343, %dma_start3A_344] : memref<10240x128xf32, #tpu.memory_space<vmem_shared>> -> memref<10240x128xf32, #tpu.memory_space<vmem_shared>>
          tpu.enqueue_indirect_dma source(%arg14 : memref<128x128xf32, #tpu.memory_space<vmem>>) target(%dma_start3A_345 : memref<10240x128xf32, #tpu.memory_space<vmem_shared>>) offsets(%dma_start3A_342 : memref<128xi32, #tpu.memory_space<vmem>>) semaphore(%run_scoped3A_339 : memref<!tpu.dma_semaphore, #tpu.memory_space<semaphore_mem>>) {add = true}
          %dma_wait3A_346 = arith.constant 0 : i32
          %dma_wait3A_347 = tpu.memref_slice %arg12[%run_scoped3A_320, %dma_wait3A_346] : memref<1x128xi32, #tpu.memory_space<vmem>> -> memref<1x128xi32, #tpu.memory_space<vmem>>
          %dma_wait3A_348 = tpu.memref_squeeze %dma_wait3A_347 : memref<1x128xi32, #tpu.memory_space<vmem>> -> memref<128xi32, #tpu.memory_space<vmem>>
          %dma_wait3A_349 = arith.constant 0 : i32
          %dma_wait3A_350 = arith.constant 0 : i32
          %dma_wait3A_351 = tpu.memref_slice %arg15[%dma_wait3A_349, %dma_wait3A_350] : memref<10240x128xf32, #tpu.memory_space<vmem_shared>> -> memref<10240x128xf32, #tpu.memory_space<vmem_shared>>
          tpu.wait_indirect_dma semaphore(%run_scoped3A_339 : memref<!tpu.dma_semaphore, #tpu.memory_space<semaphore_mem>>) src(%arg14 : memref<128x128xf32, #tpu.memory_space<vmem>>) dst(%dma_wait3A_351 : memref<10240x128xf32, #tpu.memory_space<vmem_shared>>)
          tpu.yield
        }) : () -> ()
        %run_scoped3A_321 = arith.constant 0 : i32
        "tpu.region"() ({
          %run_scoped3A_339 = tpu.sem_alloc : memref<!tpu.dma_semaphore, #tpu.memory_space<semaphore_mem>>
          %dma_start3A_340 = arith.constant 0 : i32
          %dma_start3A_341 = tpu.memref_slice %arg12[%run_scoped3A_321, %dma_start3A_340] : memref<1x128xi32, #tpu.memory_space<vmem>> -> memref<1x128xi32, #tpu.memory_space<vmem>>
          %dma_start3A_342 = tpu.memref_squeeze %dma_start3A_341 : memref<1x128xi32, #tpu.memory_space<vmem>> -> memref<128xi32, #tpu.memory_space<vmem>>
          %dma_start3A_343 = arith.constant 0 : i32
          %dma_start3A_344 = tpu.memref_slice %arg21[%dma_start3A_343] : memref<10240xf32, #tpu.memory_space<vmem_shared>> -> memref<10240xf32, #tpu.memory_space<vmem_shared>>
          tpu.enqueue_indirect_dma source(%arg20 : memref<128xf32, #tpu.memory_space<vmem>>) target(%dma_start3A_344 : memref<10240xf32, #tpu.memory_space<vmem_shared>>) offsets(%dma_start3A_342 : memref<128xi32, #tpu.memory_space<vmem>>) semaphore(%run_scoped3A_339 : memref<!tpu.dma_semaphore, #tpu.memory_space<semaphore_mem>>) {add = true}
          %dma_wait3A_345 = arith.constant 0 : i32
          %dma_wait3A_346 = tpu.memref_slice %arg12[%run_scoped3A_321, %dma_wait3A_345] : memref<1x128xi32, #tpu.memory_space<vmem>> -> memref<1x128xi32, #tpu.memory_space<vmem>>
          %dma_wait3A_347 = tpu.memref_squeeze %dma_wait3A_346 : memref<1x128xi32, #tpu.memory_space<vmem>> -> memref<128xi32, #tpu.memory_space<vmem>>
          %dma_wait3A_348 = arith.constant 0 : i32
          %dma_wait3A_349 = tpu.memref_slice %arg21[%dma_wait3A_348] : memref<10240xf32, #tpu.memory_space<vmem_shared>> -> memref<10240xf32, #tpu.memory_space<vmem_shared>>
          tpu.wait_indirect_dma semaphore(%run_scoped3A_339 : memref<!tpu.dma_semaphore, #tpu.memory_space<semaphore_mem>>) src(%arg20 : memref<128xf32, #tpu.memory_space<vmem>>) dst(%dma_wait3A_349 : memref<10240xf32, #tpu.memory_space<vmem_shared>>)
          tpu.yield
        }) : () -> ()
        %add3A_322 = arith.constant 2 : i32
        %add3A_323 = arith.addi %add3A_305, %add3A_322 : i32
        %add3A_324 = arith.addi %add3A_160, %add3A_323 : i32
        %dma_start3A_325 = arith.constant 0 : i32
        %dma_start3A_326 = arith.constant 0 : i32
        %dma_start3A_327 = tpu.memref_slice %arg4[%add3A_324, %dma_start3A_325, %dma_start3A_326] : memref<2560x1x128xi32, #tpu.memory_space<hbm>> -> memref<1x1x128xi32, #tpu.memory_space<hbm>>
        %dma_start3A_328 = tpu.memref_squeeze %dma_start3A_327 : memref<1x1x128xi32, #tpu.memory_space<hbm>> -> memref<1x128xi32, #tpu.memory_space<hbm>>
        %dma_start3A_329 = arith.constant 0 : i32
        %dma_start3A_330 = arith.constant 0 : i32
        %dma_start3A_331 = tpu.memref_slice %arg4[%add3A_324, %dma_start3A_329, %dma_start3A_330] : memref<2560x1x128xi32, #tpu.memory_space<hbm>> -> memref<1x1x128xi32, #tpu.memory_space<hbm>>
        %dma_start3A_332 = tpu.memref_squeeze %dma_start3A_331 : memref<1x1x128xi32, #tpu.memory_space<hbm>> -> memref<1x128xi32, #tpu.memory_space<hbm>>
        tpu.enqueue_dma source(%dma_start3A_332 : memref<1x128xi32, #tpu.memory_space<hbm>>) target(%arg12 : memref<1x128xi32, #tpu.memory_space<vmem>>) target_semaphore(%arg19 : memref<!tpu.dma_semaphore, #tpu.memory_space<semaphore_mem>>)
        %mul3A_333 = arith.constant 128 : i32
        %mul3A_334 = arith.muli %add3A_323, %mul3A_333 : i32
        %dma_start3A_335 = tpu.memref_slice %arg10[%mul3A_334] : memref<10240xi32, #tpu.memory_space<vmem>> -> memref<128xi32, #tpu.memory_space<vmem>>
        %dma_start3A_336 = arith.constant 0 : i32
        %dma_start3A_337 = arith.constant 0 : i32
        %dma_start3A_338 = tpu.memref_slice %arg2[%dma_start3A_336, %dma_start3A_337] : memref<10000x128xf32, #tpu.memory_space<hbm>> -> memref<10000x128xf32, #tpu.memory_space<hbm>>
        tpu.enqueue_indirect_dma source(%dma_start3A_338 : memref<10000x128xf32, #tpu.memory_space<hbm>>) target(%arg14 : memref<128x128xf32, #tpu.memory_space<vmem>>) offsets(%dma_start3A_335 : memref<128xi32, #tpu.memory_space<vmem>>) semaphore(%arg17 : memref<!tpu.dma_semaphore, #tpu.memory_space<semaphore_mem>>)
      }
      %dma_wait3A_232 = arith.constant 0 : i32
      %dma_wait3A_233 = arith.constant 0 : i32
      %dma_wait3A_234 = arith.constant 0 : i32
      %dma_wait3A_235 = tpu.memref_slice %arg4[%dma_wait3A_232, %dma_wait3A_233, %dma_wait3A_234] : memref<2560x1x128xi32, #tpu.memory_space<hbm>> -> memref<1x1x128xi32, #tpu.memory_space<hbm>>
      %dma_wait3A_236 = tpu.memref_squeeze %dma_wait3A_235 : memref<1x1x128xi32, #tpu.memory_space<hbm>> -> memref<1x128xi32, #tpu.memory_space<hbm>>
      %dma_wait3A_237 = arith.constant 0 : i32
      %dma_wait3A_238 = arith.constant 0 : i32
      %dma_wait3A_239 = tpu.memref_slice %arg4[%dma_wait3A_232, %dma_wait3A_237, %dma_wait3A_238] : memref<2560x1x128xi32, #tpu.memory_space<hbm>> -> memref<1x1x128xi32, #tpu.memory_space<hbm>>
      %dma_wait3A_240 = tpu.memref_squeeze %dma_wait3A_239 : memref<1x1x128xi32, #tpu.memory_space<hbm>> -> memref<1x128xi32, #tpu.memory_space<hbm>>
      tpu.wait_dma2 semaphore(%arg18 : memref<!tpu.dma_semaphore, #tpu.memory_space<semaphore_mem>>) src(%dma_wait3A_240 : memref<1x128xi32, #tpu.memory_space<hbm>>) dst(%arg11 : memref<1x128xi32, #tpu.memory_space<vmem>>)
      %dma_wait3A_241 = arith.constant 0 : i32
      %dma_wait3A_242 = tpu.memref_slice %arg10[%dma_wait3A_241] : memref<10240xi32, #tpu.memory_space<vmem>> -> memref<128xi32, #tpu.memory_space<vmem>>
      %dma_wait3A_243 = arith.constant 0 : i32
      %dma_wait3A_244 = arith.constant 0 : i32
      %dma_wait3A_245 = tpu.memref_slice %arg2[%dma_wait3A_243, %dma_wait3A_244] : memref<10000x128xf32, #tpu.memory_space<hbm>> -> memref<10000x128xf32, #tpu.memory_space<hbm>>
      tpu.wait_indirect_dma semaphore(%arg16 : memref<!tpu.dma_semaphore, #tpu.memory_space<semaphore_mem>>) src(%dma_wait3A_245 : memref<10000x128xf32, #tpu.memory_space<hbm>>) dst(%arg13 : memref<128x128xf32, #tpu.memory_space<vmem>>)
      %run_scoped3A_246 = arith.constant 0 : i32
      "tpu.region"() ({
        %run_scoped3A_264 = tpu.sem_alloc : memref<!tpu.dma_semaphore, #tpu.memory_space<semaphore_mem>>
        %dma_start3A_265 = arith.constant 0 : i32
        %dma_start3A_266 = tpu.memref_slice %arg11[%run_scoped3A_246, %dma_start3A_265] : memref<1x128xi32, #tpu.memory_space<vmem>> -> memref<1x128xi32, #tpu.memory_space<vmem>>
        %dma_start3A_267 = tpu.memref_squeeze %dma_start3A_266 : memref<1x128xi32, #tpu.memory_space<vmem>> -> memref<128xi32, #tpu.memory_space<vmem>>
        %dma_start3A_268 = arith.constant 0 : i32
        %dma_start3A_269 = arith.constant 0 : i32
        %dma_start3A_270 = tpu.memref_slice %arg15[%dma_start3A_268, %dma_start3A_269] : memref<10240x128xf32, #tpu.memory_space<vmem_shared>> -> memref<10240x128xf32, #tpu.memory_space<vmem_shared>>
        tpu.enqueue_indirect_dma source(%arg13 : memref<128x128xf32, #tpu.memory_space<vmem>>) target(%dma_start3A_270 : memref<10240x128xf32, #tpu.memory_space<vmem_shared>>) offsets(%dma_start3A_267 : memref<128xi32, #tpu.memory_space<vmem>>) semaphore(%run_scoped3A_264 : memref<!tpu.dma_semaphore, #tpu.memory_space<semaphore_mem>>) {add = true}
        %dma_wait3A_271 = arith.constant 0 : i32
        %dma_wait3A_272 = tpu.memref_slice %arg11[%run_scoped3A_246, %dma_wait3A_271] : memref<1x128xi32, #tpu.memory_space<vmem>> -> memref<1x128xi32, #tpu.memory_space<vmem>>
        %dma_wait3A_273 = tpu.memref_squeeze %dma_wait3A_272 : memref<1x128xi32, #tpu.memory_space<vmem>> -> memref<128xi32, #tpu.memory_space<vmem>>
        %dma_wait3A_274 = arith.constant 0 : i32
        %dma_wait3A_275 = arith.constant 0 : i32
        %dma_wait3A_276 = tpu.memref_slice %arg15[%dma_wait3A_274, %dma_wait3A_275] : memref<10240x128xf32, #tpu.memory_space<vmem_shared>> -> memref<10240x128xf32, #tpu.memory_space<vmem_shared>>
        tpu.wait_indirect_dma semaphore(%run_scoped3A_264 : memref<!tpu.dma_semaphore, #tpu.memory_space<semaphore_mem>>) src(%arg13 : memref<128x128xf32, #tpu.memory_space<vmem>>) dst(%dma_wait3A_276 : memref<10240x128xf32, #tpu.memory_space<vmem_shared>>)
        tpu.yield
      }) : () -> ()
      %run_scoped3A_247 = arith.constant 0 : i32
      "tpu.region"() ({
        %run_scoped3A_264 = tpu.sem_alloc : memref<!tpu.dma_semaphore, #tpu.memory_space<semaphore_mem>>
        %dma_start3A_265 = arith.constant 0 : i32
        %dma_start3A_266 = tpu.memref_slice %arg11[%run_scoped3A_247, %dma_start3A_265] : memref<1x128xi32, #tpu.memory_space<vmem>> -> memref<1x128xi32, #tpu.memory_space<vmem>>
        %dma_start3A_267 = tpu.memref_squeeze %dma_start3A_266 : memref<1x128xi32, #tpu.memory_space<vmem>> -> memref<128xi32, #tpu.memory_space<vmem>>
        %dma_start3A_268 = arith.constant 0 : i32
        %dma_start3A_269 = tpu.memref_slice %arg21[%dma_start3A_268] : memref<10240xf32, #tpu.memory_space<vmem_shared>> -> memref<10240xf32, #tpu.memory_space<vmem_shared>>
        tpu.enqueue_indirect_dma source(%arg20 : memref<128xf32, #tpu.memory_space<vmem>>) target(%dma_start3A_269 : memref<10240xf32, #tpu.memory_space<vmem_shared>>) offsets(%dma_start3A_267 : memref<128xi32, #tpu.memory_space<vmem>>) semaphore(%run_scoped3A_264 : memref<!tpu.dma_semaphore, #tpu.memory_space<semaphore_mem>>) {add = true}
        %dma_wait3A_270 = arith.constant 0 : i32
        %dma_wait3A_271 = tpu.memref_slice %arg11[%run_scoped3A_247, %dma_wait3A_270] : memref<1x128xi32, #tpu.memory_space<vmem>> -> memref<1x128xi32, #tpu.memory_space<vmem>>
        %dma_wait3A_272 = tpu.memref_squeeze %dma_wait3A_271 : memref<1x128xi32, #tpu.memory_space<vmem>> -> memref<128xi32, #tpu.memory_space<vmem>>
        %dma_wait3A_273 = arith.constant 0 : i32
        %dma_wait3A_274 = tpu.memref_slice %arg21[%dma_wait3A_273] : memref<10240xf32, #tpu.memory_space<vmem_shared>> -> memref<10240xf32, #tpu.memory_space<vmem_shared>>
        tpu.wait_indirect_dma semaphore(%run_scoped3A_264 : memref<!tpu.dma_semaphore, #tpu.memory_space<semaphore_mem>>) src(%arg20 : memref<128xf32, #tpu.memory_space<vmem>>) dst(%dma_wait3A_274 : memref<10240xf32, #tpu.memory_space<vmem_shared>>)
        tpu.yield
      }) : () -> ()
      %dma_wait3A_248 = arith.constant 0 : i32
      %dma_wait3A_249 = arith.constant 0 : i32
      %dma_wait3A_250 = arith.constant 0 : i32
      %dma_wait3A_251 = tpu.memref_slice %arg4[%dma_wait3A_248, %dma_wait3A_249, %dma_wait3A_250] : memref<2560x1x128xi32, #tpu.memory_space<hbm>> -> memref<1x1x128xi32, #tpu.memory_space<hbm>>
      %dma_wait3A_252 = tpu.memref_squeeze %dma_wait3A_251 : memref<1x1x128xi32, #tpu.memory_space<hbm>> -> memref<1x128xi32, #tpu.memory_space<hbm>>
      %dma_wait3A_253 = arith.constant 0 : i32
      %dma_wait3A_254 = arith.constant 0 : i32
      %dma_wait3A_255 = tpu.memref_slice %arg4[%dma_wait3A_248, %dma_wait3A_253, %dma_wait3A_254] : memref<2560x1x128xi32, #tpu.memory_space<hbm>> -> memref<1x1x128xi32, #tpu.memory_space<hbm>>
      %dma_wait3A_256 = tpu.memref_squeeze %dma_wait3A_255 : memref<1x1x128xi32, #tpu.memory_space<hbm>> -> memref<1x128xi32, #tpu.memory_space<hbm>>
      tpu.wait_dma2 semaphore(%arg19 : memref<!tpu.dma_semaphore, #tpu.memory_space<semaphore_mem>>) src(%dma_wait3A_256 : memref<1x128xi32, #tpu.memory_space<hbm>>) dst(%arg12 : memref<1x128xi32, #tpu.memory_space<vmem>>)
      %dma_wait3A_257 = arith.constant 0 : i32
      %dma_wait3A_258 = tpu.memref_slice %arg10[%dma_wait3A_257] : memref<10240xi32, #tpu.memory_space<vmem>> -> memref<128xi32, #tpu.memory_space<vmem>>
      %dma_wait3A_259 = arith.constant 0 : i32
      %dma_wait3A_260 = arith.constant 0 : i32
      %dma_wait3A_261 = tpu.memref_slice %arg2[%dma_wait3A_259, %dma_wait3A_260] : memref<10000x128xf32, #tpu.memory_space<hbm>> -> memref<10000x128xf32, #tpu.memory_space<hbm>>
      tpu.wait_indirect_dma semaphore(%arg17 : memref<!tpu.dma_semaphore, #tpu.memory_space<semaphore_mem>>) src(%dma_wait3A_261 : memref<10000x128xf32, #tpu.memory_space<hbm>>) dst(%arg14 : memref<128x128xf32, #tpu.memory_space<vmem>>)
      %run_scoped3A_262 = arith.constant 0 : i32
      "tpu.region"() ({
        %run_scoped3A_264 = tpu.sem_alloc : memref<!tpu.dma_semaphore, #tpu.memory_space<semaphore_mem>>
        %dma_start3A_265 = arith.constant 0 : i32
        %dma_start3A_266 = tpu.memref_slice %arg12[%run_scoped3A_262, %dma_start3A_265] : memref<1x128xi32, #tpu.memory_space<vmem>> -> memref<1x128xi32, #tpu.memory_space<vmem>>
        %dma_start3A_267 = tpu.memref_squeeze %dma_start3A_266 : memref<1x128xi32, #tpu.memory_space<vmem>> -> memref<128xi32, #tpu.memory_space<vmem>>
        %dma_start3A_268 = arith.constant 0 : i32
        %dma_start3A_269 = arith.constant 0 : i32
        %dma_start3A_270 = tpu.memref_slice %arg15[%dma_start3A_268, %dma_start3A_269] : memref<10240x128xf32, #tpu.memory_space<vmem_shared>> -> memref<10240x128xf32, #tpu.memory_space<vmem_shared>>
        tpu.enqueue_indirect_dma source(%arg14 : memref<128x128xf32, #tpu.memory_space<vmem>>) target(%dma_start3A_270 : memref<10240x128xf32, #tpu.memory_space<vmem_shared>>) offsets(%dma_start3A_267 : memref<128xi32, #tpu.memory_space<vmem>>) semaphore(%run_scoped3A_264 : memref<!tpu.dma_semaphore, #tpu.memory_space<semaphore_mem>>) {add = true}
        %dma_wait3A_271 = arith.constant 0 : i32
        %dma_wait3A_272 = tpu.memref_slice %arg12[%run_scoped3A_262, %dma_wait3A_271] : memref<1x128xi32, #tpu.memory_space<vmem>> -> memref<1x128xi32, #tpu.memory_space<vmem>>
        %dma_wait3A_273 = tpu.memref_squeeze %dma_wait3A_272 : memref<1x128xi32, #tpu.memory_space<vmem>> -> memref<128xi32, #tpu.memory_space<vmem>>
        %dma_wait3A_274 = arith.constant 0 : i32
        %dma_wait3A_275 = arith.constant 0 : i32
        %dma_wait3A_276 = tpu.memref_slice %arg15[%dma_wait3A_274, %dma_wait3A_275] : memref<10240x128xf32, #tpu.memory_space<vmem_shared>> -> memref<10240x128xf32, #tpu.memory_space<vmem_shared>>
        tpu.wait_indirect_dma semaphore(%run_scoped3A_264 : memref<!tpu.dma_semaphore, #tpu.memory_space<semaphore_mem>>) src(%arg14 : memref<128x128xf32, #tpu.memory_space<vmem>>) dst(%dma_wait3A_276 : memref<10240x128xf32, #tpu.memory_space<vmem_shared>>)
        tpu.yield
      }) : () -> ()
      %run_scoped3A_263 = arith.constant 0 : i32
      "tpu.region"() ({
        %run_scoped3A_264 = tpu.sem_alloc : memref<!tpu.dma_semaphore, #tpu.memory_space<semaphore_mem>>
        %dma_start3A_265 = arith.constant 0 : i32
        %dma_start3A_266 = tpu.memref_slice %arg12[%run_scoped3A_263, %dma_start3A_265] : memref<1x128xi32, #tpu.memory_space<vmem>> -> memref<1x128xi32, #tpu.memory_space<vmem>>
        %dma_start3A_267 = tpu.memref_squeeze %dma_start3A_266 : memref<1x128xi32, #tpu.memory_space<vmem>> -> memref<128xi32, #tpu.memory_space<vmem>>
        %dma_start3A_268 = arith.constant 0 : i32
        %dma_start3A_269 = tpu.memref_slice %arg21[%dma_start3A_268] : memref<10240xf32, #tpu.memory_space<vmem_shared>> -> memref<10240xf32, #tpu.memory_space<vmem_shared>>
        tpu.enqueue_indirect_dma source(%arg20 : memref<128xf32, #tpu.memory_space<vmem>>) target(%dma_start3A_269 : memref<10240xf32, #tpu.memory_space<vmem_shared>>) offsets(%dma_start3A_267 : memref<128xi32, #tpu.memory_space<vmem>>) semaphore(%run_scoped3A_264 : memref<!tpu.dma_semaphore, #tpu.memory_space<semaphore_mem>>) {add = true}
        %dma_wait3A_270 = arith.constant 0 : i32
        %dma_wait3A_271 = tpu.memref_slice %arg12[%run_scoped3A_263, %dma_wait3A_270] : memref<1x128xi32, #tpu.memory_space<vmem>> -> memref<1x128xi32, #tpu.memory_space<vmem>>
        %dma_wait3A_272 = tpu.memref_squeeze %dma_wait3A_271 : memref<1x128xi32, #tpu.memory_space<vmem>> -> memref<128xi32, #tpu.memory_space<vmem>>
        %dma_wait3A_273 = arith.constant 0 : i32
        %dma_wait3A_274 = tpu.memref_slice %arg21[%dma_wait3A_273] : memref<10240xf32, #tpu.memory_space<vmem_shared>> -> memref<10240xf32, #tpu.memory_space<vmem_shared>>
        tpu.wait_indirect_dma semaphore(%run_scoped3A_264 : memref<!tpu.dma_semaphore, #tpu.memory_space<semaphore_mem>>) src(%arg20 : memref<128xf32, #tpu.memory_space<vmem>>) dst(%dma_wait3A_274 : memref<10240xf32, #tpu.memory_space<vmem_shared>>)
        tpu.yield
      }) : () -> ()
    } else {
    }
    %barrier3A_148 = arith.constant 0 : index
    tpu.barrier barrier_id(%barrier3A_148)
    "tpu.region"() ({
      %run_scoped3A_159 = tpu.sem_alloc : memref<!tpu.dma_semaphore, #tpu.memory_space<semaphore_mem>>
      %dma_start3A_160 = arith.constant 0 : i32
      %dma_start3A_161 = tpu.memref_slice %arg7[%arg0, %mul3A_0, %dma_start3A_160] : memref<2x10240x128xf32, #tpu.memory_space<hbm>> -> memref<1x640x128xf32, #tpu.memory_space<hbm>>
      %dma_start3A_162 = tpu.memref_squeeze %dma_start3A_161 : memref<1x640x128xf32, #tpu.memory_space<hbm>> -> memref<640x128xf32, #tpu.memory_space<hbm>>
      %dma_start3A_163 = arith.constant 0 : i32
      %dma_start3A_164 = tpu.memref_slice %arg15[%mul3A_0, %dma_start3A_163] : memref<10240x128xf32, #tpu.memory_space<vmem_shared>> -> memref<640x128xf32, #tpu.memory_space<vmem_shared>>
      tpu.enqueue_dma source(%dma_start3A_164 : memref<640x128xf32, #tpu.memory_space<vmem_shared>>) target(%dma_start3A_162 : memref<640x128xf32, #tpu.memory_space<hbm>>) target_semaphore(%run_scoped3A_159 : memref<!tpu.dma_semaphore, #tpu.memory_space<semaphore_mem>>)
      %dma_wait3A_165 = arith.constant 0 : i32
      %dma_wait3A_166 = tpu.memref_slice %arg7[%arg0, %mul3A_0, %dma_wait3A_165] : memref<2x10240x128xf32, #tpu.memory_space<hbm>> -> memref<1x640x128xf32, #tpu.memory_space<hbm>>
      %dma_wait3A_167 = tpu.memref_squeeze %dma_wait3A_166 : memref<1x640x128xf32, #tpu.memory_space<hbm>> -> memref<640x128xf32, #tpu.memory_space<hbm>>
      %dma_wait3A_168 = arith.constant 0 : i32
      %dma_wait3A_169 = tpu.memref_slice %arg15[%mul3A_0, %dma_wait3A_168] : memref<10240x128xf32, #tpu.memory_space<vmem_shared>> -> memref<640x128xf32, #tpu.memory_space<vmem_shared>>
      tpu.wait_dma2 semaphore(%run_scoped3A_159 : memref<!tpu.dma_semaphore, #tpu.memory_space<semaphore_mem>>) src(%dma_wait3A_169 : memref<640x128xf32, #tpu.memory_space<vmem_shared>>) dst(%dma_wait3A_167 : memref<640x128xf32, #tpu.memory_space<hbm>>)
      tpu.yield
    }) : () -> ()
    %eq3A_149 = arith.constant 0 : i32
    %eq3A_150 = arith.cmpi eq, %arg0, %eq3A_149 : i32
    %convert_element_type3A_151 = arith.extui %eq3A_150 : i1 to i32
    %cond3A_152 = arith.constant 0 : i32
    %cond3A_153 = arith.cmpi ne, %convert_element_type3A_151, %cond3A_152 : i32
    scf.if %cond3A_153 {
      "tpu.region"() ({
        %run_scoped3A_159 = tpu.sem_alloc : memref<!tpu.dma_semaphore, #tpu.memory_space<semaphore_mem>>
        %dma_start3A_160 = tpu.memref_slice %arg8[%mul3A_0] : memref<10240xf32, #tpu.memory_space<hbm>> -> memref<640xf32, #tpu.memory_space<hbm>>
        %dma_start3A_161 = tpu.memref_slice %arg21[%mul3A_0] : memref<10240xf32, #tpu.memory_space<vmem_shared>> -> memref<640xf32, #tpu.memory_space<vmem_shared>>
        tpu.enqueue_dma source(%dma_start3A_161 : memref<640xf32, #tpu.memory_space<vmem_shared>>) target(%dma_start3A_160 : memref<640xf32, #tpu.memory_space<hbm>>) target_semaphore(%run_scoped3A_159 : memref<!tpu.dma_semaphore, #tpu.memory_space<semaphore_mem>>)
        %dma_wait3A_162 = tpu.memref_slice %arg8[%mul3A_0] : memref<10240xf32, #tpu.memory_space<hbm>> -> memref<640xf32, #tpu.memory_space<hbm>>
        %dma_wait3A_163 = tpu.memref_slice %arg21[%mul3A_0] : memref<10240xf32, #tpu.memory_space<vmem_shared>> -> memref<640xf32, #tpu.memory_space<vmem_shared>>
        tpu.wait_dma2 semaphore(%run_scoped3A_159 : memref<!tpu.dma_semaphore, #tpu.memory_space<semaphore_mem>>) src(%dma_wait3A_163 : memref<640xf32, #tpu.memory_space<vmem_shared>>) dst(%dma_wait3A_162 : memref<640xf32, #tpu.memory_space<hbm>>)
        tpu.yield
      }) : () -> ()
    } else {
    }
    %eq3A_154 = arith.constant 1 : i32
    %eq3A_155 = arith.cmpi eq, %arg0, %eq3A_154 : i32
    %convert_element_type3A_156 = arith.extui %eq3A_155 : i1 to i32
    %cond3A_157 = arith.constant 0 : i32
    %cond3A_158 = arith.cmpi ne, %convert_element_type3A_156, %cond3A_157 : i32
    scf.if %cond3A_158 {
      "tpu.region"() ({
        %run_scoped3A_159 = tpu.sem_alloc : memref<!tpu.dma_semaphore, #tpu.memory_space<semaphore_mem>>
        %dma_start3A_160 = tpu.memref_slice %arg9[%mul3A_0] : memref<10240xf32, #tpu.memory_space<hbm>> -> memref<640xf32, #tpu.memory_space<hbm>>
        %dma_start3A_161 = tpu.memref_slice %arg21[%mul3A_0] : memref<10240xf32, #tpu.memory_space<vmem_shared>> -> memref<640xf32, #tpu.memory_space<vmem_shared>>
        tpu.enqueue_dma source(%dma_start3A_161 : memref<640xf32, #tpu.memory_space<vmem_shared>>) target(%dma_start3A_160 : memref<640xf32, #tpu.memory_space<hbm>>) target_semaphore(%run_scoped3A_159 : memref<!tpu.dma_semaphore, #tpu.memory_space<semaphore_mem>>)
        %dma_wait3A_162 = tpu.memref_slice %arg9[%mul3A_0] : memref<10240xf32, #tpu.memory_space<hbm>> -> memref<640xf32, #tpu.memory_space<hbm>>
        %dma_wait3A_163 = tpu.memref_slice %arg21[%mul3A_0] : memref<10240xf32, #tpu.memory_space<vmem_shared>> -> memref<640xf32, #tpu.memory_space<vmem_shared>>
        tpu.wait_dma2 semaphore(%run_scoped3A_159 : memref<!tpu.dma_semaphore, #tpu.memory_space<semaphore_mem>>) src(%dma_wait3A_163 : memref<640xf32, #tpu.memory_space<vmem_shared>>) dst(%dma_wait3A_162 : memref<640xf32, #tpu.memory_space<hbm>>)
        tpu.yield
      }) : () -> ()
    } else {
    }
    return
  }
}

#map = affine_map<(d0, d1) -> (0, 0)>
#map1 = affine_map<(d0, d1) -> (0)>
#map2 = affine_map<(d0, d1) -> (0, 0, 0)>
module attributes {stable_mosaic.version = 14 : i64} {
  func.func @body(%arg0: i32, %arg1: i32, %arg2: memref<10000x128xf32, #tpu.memory_space<hbm>>, %arg3: memref<337920xi32, #tpu.memory_space<hbm>>, %arg4: memref<2560x1x128xi32, #tpu.memory_space<hbm>>, %arg5: memref<10240x128xf32, #tpu.memory_space<hbm>>, %arg6: memref<10240xf32, #tpu.memory_space<hbm>>, %arg7: memref<2x10240x128xf32, #tpu.memory_space<hbm>>, %arg8: memref<10240xi32, #tpu.memory_space<vmem>>, %arg9: memref<1x128xi32, #tpu.memory_space<vmem>>, %arg10: memref<1x128xi32, #tpu.memory_space<vmem>>, %arg11: memref<128x128xf32, #tpu.memory_space<vmem>>, %arg12: memref<128x128xf32, #tpu.memory_space<vmem>>, %arg13: memref<10240x128xf32, #tpu.memory_space<vmem_shared>>, %arg14: memref<!tpu.dma_semaphore, #tpu.memory_space<semaphore_mem>>, %arg15: memref<!tpu.dma_semaphore, #tpu.memory_space<semaphore_mem>>, %arg16: memref<!tpu.dma_semaphore, #tpu.memory_space<semaphore_mem>>, %arg17: memref<!tpu.dma_semaphore, #tpu.memory_space<semaphore_mem>>) attributes {dimension_semantics = [#tpu.dimension_semantics<core_parallel>, #tpu.dimension_semantics<subcore_parallel>], iteration_bounds = array<i64: 2, 16>, scalar_prefetch = 0 : i64, scratch_operands = 10 : i64, tpu.core_type = #tpu.core_type<sc_vector_subcore>, window_params = [{transform_indices = #map}, {transform_indices = #map1}, {transform_indices = #map2}, {transform_indices = #map}, {transform_indices = #map1}, {transform_indices = #map2}]} {
    %mul3A = arith.constant 640 : i32
    %mul3A_0 = arith.muli %arg1, %mul3A : i32
    %eq3A = arith.constant 0 : i32
    %eq3A_1 = arith.cmpi eq, %arg0, %eq3A : i32
    %jit3A = arith.constant 80 : i32
    %jit3A_2 = arith.constant 80 : i32
    %select_n3A = arith.select %eq3A_1, %jit3A, %jit3A_2 : i32
    %mul3A_3 = arith.constant 80 : i32
    %mul3A_4 = arith.muli %arg1, %mul3A_3 : i32
    %mul3A_5 = arith.constant 80 : i32
    %mul3A_6 = arith.muli %arg1, %mul3A_5 : i32
    %add3A = arith.constant 1280 : i32
    %add3A_7 = arith.addi %add3A, %mul3A_6 : i32
    %select_n3A_8 = arith.select %eq3A_1, %mul3A_4, %add3A_7 : i32
    "tpu.region"() ({
      %run_scoped3A_101 = tpu.sem_alloc : memref<!tpu.dma_semaphore, #tpu.memory_space<semaphore_mem>>
      %dma_start3A_102 = arith.constant 0 : i32
      %dma_start3A_103 = tpu.memref_slice %arg13[%mul3A_0, %dma_start3A_102] : memref<10240x128xf32, #tpu.memory_space<vmem_shared>> -> memref<640x128xf32, #tpu.memory_space<vmem_shared>>
      %dma_start3A_104 = arith.constant 0 : i32
      %dma_start3A_105 = tpu.memref_slice %arg5[%mul3A_0, %dma_start3A_104] : memref<10240x128xf32, #tpu.memory_space<hbm>> -> memref<640x128xf32, #tpu.memory_space<hbm>>
      tpu.enqueue_dma source(%dma_start3A_105 : memref<640x128xf32, #tpu.memory_space<hbm>>) target(%dma_start3A_103 : memref<640x128xf32, #tpu.memory_space<vmem_shared>>) target_semaphore(%run_scoped3A_101 : memref<!tpu.dma_semaphore, #tpu.memory_space<semaphore_mem>>)
      %dma_wait3A_106 = arith.constant 0 : i32
      %dma_wait3A_107 = tpu.memref_slice %arg13[%mul3A_0, %dma_wait3A_106] : memref<10240x128xf32, #tpu.memory_space<vmem_shared>> -> memref<640x128xf32, #tpu.memory_space<vmem_shared>>
      %dma_wait3A_108 = arith.constant 0 : i32
      %dma_wait3A_109 = tpu.memref_slice %arg5[%mul3A_0, %dma_wait3A_108] : memref<10240x128xf32, #tpu.memory_space<hbm>> -> memref<640x128xf32, #tpu.memory_space<hbm>>
      tpu.wait_dma2 semaphore(%run_scoped3A_101 : memref<!tpu.dma_semaphore, #tpu.memory_space<semaphore_mem>>) src(%dma_wait3A_109 : memref<640x128xf32, #tpu.memory_space<hbm>>) dst(%dma_wait3A_107 : memref<640x128xf32, #tpu.memory_space<vmem_shared>>)
      tpu.yield
    }) : () -> ()
    %barrier3A = arith.constant 0 : index
    tpu.barrier barrier_id(%barrier3A)
    %min3A = arith.constant 80 : i32
    %min3A_9 = arith.minsi %select_n3A, %min3A : i32
    %mul3A_10 = arith.constant 128 : i32
    %mul3A_11 = arith.muli %select_n3A_8, %mul3A_10 : i32
    %multiple_of3A = tpu.assume_multiple %mul3A_11, 128 : i32
    "tpu.region"() ({
      %run_scoped3A_101 = tpu.sem_alloc : memref<!tpu.dma_semaphore, #tpu.memory_space<semaphore_mem>>
      %dma_start3A_102 = tpu.memref_slice %arg3[%multiple_of3A] : memref<337920xi32, #tpu.memory_space<hbm>> -> memref<10240xi32, #tpu.memory_space<hbm>>
      %dma_start3A_103 = tpu.memref_slice %arg3[%multiple_of3A] : memref<337920xi32, #tpu.memory_space<hbm>> -> memref<10240xi32, #tpu.memory_space<hbm>>
      tpu.enqueue_dma source(%dma_start3A_103 : memref<10240xi32, #tpu.memory_space<hbm>>) target(%arg8 : memref<10240xi32, #tpu.memory_space<vmem>>) target_semaphore(%run_scoped3A_101 : memref<!tpu.dma_semaphore, #tpu.memory_space<semaphore_mem>>)
      %dma_wait3A_104 = tpu.memref_slice %arg3[%multiple_of3A] : memref<337920xi32, #tpu.memory_space<hbm>> -> memref<10240xi32, #tpu.memory_space<hbm>>
      %dma_wait3A_105 = tpu.memref_slice %arg3[%multiple_of3A] : memref<337920xi32, #tpu.memory_space<hbm>> -> memref<10240xi32, #tpu.memory_space<hbm>>
      tpu.wait_dma2 semaphore(%run_scoped3A_101 : memref<!tpu.dma_semaphore, #tpu.memory_space<semaphore_mem>>) src(%dma_wait3A_105 : memref<10240xi32, #tpu.memory_space<hbm>>) dst(%arg8 : memref<10240xi32, #tpu.memory_space<vmem>>)
      tpu.yield
    }) : () -> ()
    %add3A_12 = arith.constant 0 : i32
    %add3A_13 = arith.addi %select_n3A_8, %add3A_12 : i32
    %dma_start3A = arith.constant 0 : i32
    %dma_start3A_14 = arith.constant 0 : i32
    %dma_start3A_15 = tpu.memref_slice %arg4[%add3A_13, %dma_start3A, %dma_start3A_14] : memref<2560x1x128xi32, #tpu.memory_space<hbm>> -> memref<1x1x128xi32, #tpu.memory_space<hbm>>
    %dma_start3A_16 = tpu.memref_squeeze %dma_start3A_15 : memref<1x1x128xi32, #tpu.memory_space<hbm>> -> memref<1x128xi32, #tpu.memory_space<hbm>>
    %dma_start3A_17 = arith.constant 0 : i32
    %dma_start3A_18 = arith.constant 0 : i32
    %dma_start3A_19 = tpu.memref_slice %arg4[%add3A_13, %dma_start3A_17, %dma_start3A_18] : memref<2560x1x128xi32, #tpu.memory_space<hbm>> -> memref<1x1x128xi32, #tpu.memory_space<hbm>>
    %dma_start3A_20 = tpu.memref_squeeze %dma_start3A_19 : memref<1x1x128xi32, #tpu.memory_space<hbm>> -> memref<1x128xi32, #tpu.memory_space<hbm>>
    tpu.enqueue_dma source(%dma_start3A_20 : memref<1x128xi32, #tpu.memory_space<hbm>>) target(%arg9 : memref<1x128xi32, #tpu.memory_space<vmem>>) target_semaphore(%arg16 : memref<!tpu.dma_semaphore, #tpu.memory_space<semaphore_mem>>)
    %dma_start3A_21 = arith.constant 0 : i32
    %dma_start3A_22 = tpu.memref_slice %arg8[%dma_start3A_21] : memref<10240xi32, #tpu.memory_space<vmem>> -> memref<128xi32, #tpu.memory_space<vmem>>
    %dma_start3A_23 = arith.constant 0 : i32
    %dma_start3A_24 = arith.constant 0 : i32
    %dma_start3A_25 = tpu.memref_slice %arg2[%dma_start3A_23, %dma_start3A_24] : memref<10000x128xf32, #tpu.memory_space<hbm>> -> memref<10000x128xf32, #tpu.memory_space<hbm>>
    tpu.enqueue_indirect_dma source(%dma_start3A_25 : memref<10000x128xf32, #tpu.memory_space<hbm>>) target(%arg11 : memref<128x128xf32, #tpu.memory_space<vmem>>) offsets(%dma_start3A_22 : memref<128xi32, #tpu.memory_space<vmem>>) semaphore(%arg14 : memref<!tpu.dma_semaphore, #tpu.memory_space<semaphore_mem>>)
    %add3A_26 = arith.constant 1 : i32
    %add3A_27 = arith.addi %select_n3A_8, %add3A_26 : i32
    %dma_start3A_28 = arith.constant 0 : i32
    %dma_start3A_29 = arith.constant 0 : i32
    %dma_start3A_30 = tpu.memref_slice %arg4[%add3A_27, %dma_start3A_28, %dma_start3A_29] : memref<2560x1x128xi32, #tpu.memory_space<hbm>> -> memref<1x1x128xi32, #tpu.memory_space<hbm>>
    %dma_start3A_31 = tpu.memref_squeeze %dma_start3A_30 : memref<1x1x128xi32, #tpu.memory_space<hbm>> -> memref<1x128xi32, #tpu.memory_space<hbm>>
    %dma_start3A_32 = arith.constant 0 : i32
    %dma_start3A_33 = arith.constant 0 : i32
    %dma_start3A_34 = tpu.memref_slice %arg4[%add3A_27, %dma_start3A_32, %dma_start3A_33] : memref<2560x1x128xi32, #tpu.memory_space<hbm>> -> memref<1x1x128xi32, #tpu.memory_space<hbm>>
    %dma_start3A_35 = tpu.memref_squeeze %dma_start3A_34 : memref<1x1x128xi32, #tpu.memory_space<hbm>> -> memref<1x128xi32, #tpu.memory_space<hbm>>
    tpu.enqueue_dma source(%dma_start3A_35 : memref<1x128xi32, #tpu.memory_space<hbm>>) target(%arg10 : memref<1x128xi32, #tpu.memory_space<vmem>>) target_semaphore(%arg17 : memref<!tpu.dma_semaphore, #tpu.memory_space<semaphore_mem>>)
    %dma_start3A_36 = arith.constant 128 : i32
    %dma_start3A_37 = tpu.memref_slice %arg8[%dma_start3A_36] : memref<10240xi32, #tpu.memory_space<vmem>> -> memref<128xi32, #tpu.memory_space<vmem>>
    %dma_start3A_38 = arith.constant 0 : i32
    %dma_start3A_39 = arith.constant 0 : i32
    %dma_start3A_40 = tpu.memref_slice %arg2[%dma_start3A_38, %dma_start3A_39] : memref<10000x128xf32, #tpu.memory_space<hbm>> -> memref<10000x128xf32, #tpu.memory_space<hbm>>
    tpu.enqueue_indirect_dma source(%dma_start3A_40 : memref<10000x128xf32, #tpu.memory_space<hbm>>) target(%arg12 : memref<128x128xf32, #tpu.memory_space<vmem>>) offsets(%dma_start3A_37 : memref<128xi32, #tpu.memory_space<vmem>>) semaphore(%arg15 : memref<!tpu.dma_semaphore, #tpu.memory_space<semaphore_mem>>)
    %jit3A_41 = arith.constant 2 : i32
    %div3A = arith.divsi %min3A_9, %jit3A_41 : i32
    %sign3A = arith.constant 0 : i32
    %sign3A_42 = arith.cmpi sgt, %min3A_9, %sign3A : i32
    %sign3A_43 = arith.extui %sign3A_42 : i1 to i32
    %sign3A_44 = arith.constant 0 : i32
    %sign3A_45 = arith.cmpi slt, %min3A_9, %sign3A_44 : i32
    %sign3A_46 = arith.extui %sign3A_45 : i1 to i32
    %sign3A_47 = arith.subi %sign3A_43, %sign3A_46 : i32
    %sign3A_48 = arith.constant 0 : i32
    %sign3A_49 = arith.cmpi sgt, %jit3A_41, %sign3A_48 : i32
    %sign3A_50 = arith.extui %sign3A_49 : i1 to i32
    %sign3A_51 = arith.constant 0 : i32
    %sign3A_52 = arith.cmpi slt, %jit3A_41, %sign3A_51 : i32
    %sign3A_53 = arith.extui %sign3A_52 : i1 to i32
    %sign3A_54 = arith.subi %sign3A_50, %sign3A_53 : i32
    %ne3A = arith.cmpi ne, %sign3A_47, %sign3A_54 : i32
    %rem3A = arith.remsi %min3A_9, %jit3A_41 : i32
    %ne3A_55 = arith.constant 0 : i32
    %ne3A_56 = arith.cmpi ne, %rem3A, %ne3A_55 : i32
    %and3A = arith.andi %ne3A, %ne3A_56 : i1
    %sub3A = arith.constant 1 : i32
    %sub3A_57 = arith.subi %div3A, %sub3A : i32
    %select_n3A_58 = arith.select %and3A, %sub3A_57, %div3A : i32
    %sub3A_59 = arith.constant 1 : i32
    %sub3A_60 = arith.subi %select_n3A_58, %sub3A_59 : i32
    %while3A = arith.constant 0 : i32
    %while3A_61 = arith.constant 0 : i32
    %while3A_62 = arith.subi %sub3A_60, %while3A_61 : i32
    %while3A_63 = arith.addi %while3A_61, %while3A_62 : i32
    %while3A_64 = arith.constant 1 : i32
    %while3A_65 = arith.divsi %while3A_62, %while3A_64 : i32
    %while3A_66 = arith.muli %while3A_65, %while3A_64 : i32
    %while3A_67 = arith.addi %while3A_61, %while3A_66 : i32
    %while3A_68 = arith.constant 1 : i32
    scf.for %while3A_101 = %while3A_61 to %while3A_67 step %while3A_68  : i32 {
      %mul3A_102 = arith.constant 2 : i32
      %mul3A_103 = arith.muli %while3A_101, %mul3A_102 : i32
      %add3A_104 = arith.constant 0 : i32
      %add3A_105 = arith.addi %mul3A_103, %add3A_104 : i32
      %dma_wait3A_106 = arith.constant 0 : i32
      %dma_wait3A_107 = arith.constant 0 : i32
      %dma_wait3A_108 = arith.constant 0 : i32
      %dma_wait3A_109 = tpu.memref_slice %arg4[%dma_wait3A_106, %dma_wait3A_107, %dma_wait3A_108] : memref<2560x1x128xi32, #tpu.memory_space<hbm>> -> memref<1x1x128xi32, #tpu.memory_space<hbm>>
      %dma_wait3A_110 = tpu.memref_squeeze %dma_wait3A_109 : memref<1x1x128xi32, #tpu.memory_space<hbm>> -> memref<1x128xi32, #tpu.memory_space<hbm>>
      %dma_wait3A_111 = arith.constant 0 : i32
      %dma_wait3A_112 = arith.constant 0 : i32
      %dma_wait3A_113 = tpu.memref_slice %arg4[%dma_wait3A_106, %dma_wait3A_111, %dma_wait3A_112] : memref<2560x1x128xi32, #tpu.memory_space<hbm>> -> memref<1x1x128xi32, #tpu.memory_space<hbm>>
      %dma_wait3A_114 = tpu.memref_squeeze %dma_wait3A_113 : memref<1x1x128xi32, #tpu.memory_space<hbm>> -> memref<1x128xi32, #tpu.memory_space<hbm>>
      tpu.wait_dma2 semaphore(%arg16 : memref<!tpu.dma_semaphore, #tpu.memory_space<semaphore_mem>>) src(%dma_wait3A_114 : memref<1x128xi32, #tpu.memory_space<hbm>>) dst(%arg9 : memref<1x128xi32, #tpu.memory_space<vmem>>)
      %dma_wait3A_115 = arith.constant 0 : i32
      %dma_wait3A_116 = tpu.memref_slice %arg8[%dma_wait3A_115] : memref<10240xi32, #tpu.memory_space<vmem>> -> memref<128xi32, #tpu.memory_space<vmem>>
      %dma_wait3A_117 = arith.constant 0 : i32
      %dma_wait3A_118 = arith.constant 0 : i32
      %dma_wait3A_119 = tpu.memref_slice %arg2[%dma_wait3A_117, %dma_wait3A_118] : memref<10000x128xf32, #tpu.memory_space<hbm>> -> memref<10000x128xf32, #tpu.memory_space<hbm>>
      tpu.wait_indirect_dma semaphore(%arg14 : memref<!tpu.dma_semaphore, #tpu.memory_space<semaphore_mem>>) src(%dma_wait3A_119 : memref<10000x128xf32, #tpu.memory_space<hbm>>) dst(%arg11 : memref<128x128xf32, #tpu.memory_space<vmem>>)
      %run_scoped3A_120 = arith.constant 0 : i32
      "tpu.region"() ({
        %run_scoped3A_174 = tpu.sem_alloc : memref<!tpu.dma_semaphore, #tpu.memory_space<semaphore_mem>>
        %dma_start3A_175 = arith.constant 0 : i32
        %dma_start3A_176 = tpu.memref_slice %arg9[%run_scoped3A_120, %dma_start3A_175] : memref<1x128xi32, #tpu.memory_space<vmem>> -> memref<1x128xi32, #tpu.memory_space<vmem>>
        %dma_start3A_177 = tpu.memref_squeeze %dma_start3A_176 : memref<1x128xi32, #tpu.memory_space<vmem>> -> memref<128xi32, #tpu.memory_space<vmem>>
        %dma_start3A_178 = arith.constant 0 : i32
        %dma_start3A_179 = arith.constant 0 : i32
        %dma_start3A_180 = tpu.memref_slice %arg13[%dma_start3A_178, %dma_start3A_179] : memref<10240x128xf32, #tpu.memory_space<vmem_shared>> -> memref<10240x128xf32, #tpu.memory_space<vmem_shared>>
        tpu.enqueue_indirect_dma source(%arg11 : memref<128x128xf32, #tpu.memory_space<vmem>>) target(%dma_start3A_180 : memref<10240x128xf32, #tpu.memory_space<vmem_shared>>) offsets(%dma_start3A_177 : memref<128xi32, #tpu.memory_space<vmem>>) semaphore(%run_scoped3A_174 : memref<!tpu.dma_semaphore, #tpu.memory_space<semaphore_mem>>) {add = true}
        %dma_wait3A_181 = arith.constant 0 : i32
        %dma_wait3A_182 = tpu.memref_slice %arg9[%run_scoped3A_120, %dma_wait3A_181] : memref<1x128xi32, #tpu.memory_space<vmem>> -> memref<1x128xi32, #tpu.memory_space<vmem>>
        %dma_wait3A_183 = tpu.memref_squeeze %dma_wait3A_182 : memref<1x128xi32, #tpu.memory_space<vmem>> -> memref<128xi32, #tpu.memory_space<vmem>>
        %dma_wait3A_184 = arith.constant 0 : i32
        %dma_wait3A_185 = arith.constant 0 : i32
        %dma_wait3A_186 = tpu.memref_slice %arg13[%dma_wait3A_184, %dma_wait3A_185] : memref<10240x128xf32, #tpu.memory_space<vmem_shared>> -> memref<10240x128xf32, #tpu.memory_space<vmem_shared>>
        tpu.wait_indirect_dma semaphore(%run_scoped3A_174 : memref<!tpu.dma_semaphore, #tpu.memory_space<semaphore_mem>>) src(%arg11 : memref<128x128xf32, #tpu.memory_space<vmem>>) dst(%dma_wait3A_186 : memref<10240x128xf32, #tpu.memory_space<vmem_shared>>)
        tpu.yield
      }) : () -> ()
      %add3A_121 = arith.constant 2 : i32
      %add3A_122 = arith.addi %add3A_105, %add3A_121 : i32
      %add3A_123 = arith.addi %select_n3A_8, %add3A_122 : i32
      %dma_start3A_124 = arith.constant 0 : i32
      %dma_start3A_125 = arith.constant 0 : i32
      %dma_start3A_126 = tpu.memref_slice %arg4[%add3A_123, %dma_start3A_124, %dma_start3A_125] : memref<2560x1x128xi32, #tpu.memory_space<hbm>> -> memref<1x1x128xi32, #tpu.memory_space<hbm>>
      %dma_start3A_127 = tpu.memref_squeeze %dma_start3A_126 : memref<1x1x128xi32, #tpu.memory_space<hbm>> -> memref<1x128xi32, #tpu.memory_space<hbm>>
      %dma_start3A_128 = arith.constant 0 : i32
      %dma_start3A_129 = arith.constant 0 : i32
      %dma_start3A_130 = tpu.memref_slice %arg4[%add3A_123, %dma_start3A_128, %dma_start3A_129] : memref<2560x1x128xi32, #tpu.memory_space<hbm>> -> memref<1x1x128xi32, #tpu.memory_space<hbm>>
      %dma_start3A_131 = tpu.memref_squeeze %dma_start3A_130 : memref<1x1x128xi32, #tpu.memory_space<hbm>> -> memref<1x128xi32, #tpu.memory_space<hbm>>
      tpu.enqueue_dma source(%dma_start3A_131 : memref<1x128xi32, #tpu.memory_space<hbm>>) target(%arg9 : memref<1x128xi32, #tpu.memory_space<vmem>>) target_semaphore(%arg16 : memref<!tpu.dma_semaphore, #tpu.memory_space<semaphore_mem>>)
      %mul3A_132 = arith.constant 128 : i32
      %mul3A_133 = arith.muli %add3A_122, %mul3A_132 : i32
      %dma_start3A_134 = tpu.memref_slice %arg8[%mul3A_133] : memref<10240xi32, #tpu.memory_space<vmem>> -> memref<128xi32, #tpu.memory_space<vmem>>
      %dma_start3A_135 = arith.constant 0 : i32
      %dma_start3A_136 = arith.constant 0 : i32
      %dma_start3A_137 = tpu.memref_slice %arg2[%dma_start3A_135, %dma_start3A_136] : memref<10000x128xf32, #tpu.memory_space<hbm>> -> memref<10000x128xf32, #tpu.memory_space<hbm>>
      tpu.enqueue_indirect_dma source(%dma_start3A_137 : memref<10000x128xf32, #tpu.memory_space<hbm>>) target(%arg11 : memref<128x128xf32, #tpu.memory_space<vmem>>) offsets(%dma_start3A_134 : memref<128xi32, #tpu.memory_space<vmem>>) semaphore(%arg14 : memref<!tpu.dma_semaphore, #tpu.memory_space<semaphore_mem>>)
      %mul3A_138 = arith.constant 2 : i32
      %mul3A_139 = arith.muli %while3A_101, %mul3A_138 : i32
      %add3A_140 = arith.constant 1 : i32
      %add3A_141 = arith.addi %mul3A_139, %add3A_140 : i32
      %dma_wait3A_142 = arith.constant 0 : i32
      %dma_wait3A_143 = arith.constant 0 : i32
      %dma_wait3A_144 = arith.constant 0 : i32
      %dma_wait3A_145 = tpu.memref_slice %arg4[%dma_wait3A_142, %dma_wait3A_143, %dma_wait3A_144] : memref<2560x1x128xi32, #tpu.memory_space<hbm>> -> memref<1x1x128xi32, #tpu.memory_space<hbm>>
      %dma_wait3A_146 = tpu.memref_squeeze %dma_wait3A_145 : memref<1x1x128xi32, #tpu.memory_space<hbm>> -> memref<1x128xi32, #tpu.memory_space<hbm>>
      %dma_wait3A_147 = arith.constant 0 : i32
      %dma_wait3A_148 = arith.constant 0 : i32
      %dma_wait3A_149 = tpu.memref_slice %arg4[%dma_wait3A_142, %dma_wait3A_147, %dma_wait3A_148] : memref<2560x1x128xi32, #tpu.memory_space<hbm>> -> memref<1x1x128xi32, #tpu.memory_space<hbm>>
      %dma_wait3A_150 = tpu.memref_squeeze %dma_wait3A_149 : memref<1x1x128xi32, #tpu.memory_space<hbm>> -> memref<1x128xi32, #tpu.memory_space<hbm>>
      tpu.wait_dma2 semaphore(%arg17 : memref<!tpu.dma_semaphore, #tpu.memory_space<semaphore_mem>>) src(%dma_wait3A_150 : memref<1x128xi32, #tpu.memory_space<hbm>>) dst(%arg10 : memref<1x128xi32, #tpu.memory_space<vmem>>)
      %dma_wait3A_151 = arith.constant 0 : i32
      %dma_wait3A_152 = tpu.memref_slice %arg8[%dma_wait3A_151] : memref<10240xi32, #tpu.memory_space<vmem>> -> memref<128xi32, #tpu.memory_space<vmem>>
      %dma_wait3A_153 = arith.constant 0 : i32
      %dma_wait3A_154 = arith.constant 0 : i32
      %dma_wait3A_155 = tpu.memref_slice %arg2[%dma_wait3A_153, %dma_wait3A_154] : memref<10000x128xf32, #tpu.memory_space<hbm>> -> memref<10000x128xf32, #tpu.memory_space<hbm>>
      tpu.wait_indirect_dma semaphore(%arg15 : memref<!tpu.dma_semaphore, #tpu.memory_space<semaphore_mem>>) src(%dma_wait3A_155 : memref<10000x128xf32, #tpu.memory_space<hbm>>) dst(%arg12 : memref<128x128xf32, #tpu.memory_space<vmem>>)
      %run_scoped3A_156 = arith.constant 0 : i32
      "tpu.region"() ({
        %run_scoped3A_174 = tpu.sem_alloc : memref<!tpu.dma_semaphore, #tpu.memory_space<semaphore_mem>>
        %dma_start3A_175 = arith.constant 0 : i32
        %dma_start3A_176 = tpu.memref_slice %arg10[%run_scoped3A_156, %dma_start3A_175] : memref<1x128xi32, #tpu.memory_space<vmem>> -> memref<1x128xi32, #tpu.memory_space<vmem>>
        %dma_start3A_177 = tpu.memref_squeeze %dma_start3A_176 : memref<1x128xi32, #tpu.memory_space<vmem>> -> memref<128xi32, #tpu.memory_space<vmem>>
        %dma_start3A_178 = arith.constant 0 : i32
        %dma_start3A_179 = arith.constant 0 : i32
        %dma_start3A_180 = tpu.memref_slice %arg13[%dma_start3A_178, %dma_start3A_179] : memref<10240x128xf32, #tpu.memory_space<vmem_shared>> -> memref<10240x128xf32, #tpu.memory_space<vmem_shared>>
        tpu.enqueue_indirect_dma source(%arg12 : memref<128x128xf32, #tpu.memory_space<vmem>>) target(%dma_start3A_180 : memref<10240x128xf32, #tpu.memory_space<vmem_shared>>) offsets(%dma_start3A_177 : memref<128xi32, #tpu.memory_space<vmem>>) semaphore(%run_scoped3A_174 : memref<!tpu.dma_semaphore, #tpu.memory_space<semaphore_mem>>) {add = true}
        %dma_wait3A_181 = arith.constant 0 : i32
        %dma_wait3A_182 = tpu.memref_slice %arg10[%run_scoped3A_156, %dma_wait3A_181] : memref<1x128xi32, #tpu.memory_space<vmem>> -> memref<1x128xi32, #tpu.memory_space<vmem>>
        %dma_wait3A_183 = tpu.memref_squeeze %dma_wait3A_182 : memref<1x128xi32, #tpu.memory_space<vmem>> -> memref<128xi32, #tpu.memory_space<vmem>>
        %dma_wait3A_184 = arith.constant 0 : i32
        %dma_wait3A_185 = arith.constant 0 : i32
        %dma_wait3A_186 = tpu.memref_slice %arg13[%dma_wait3A_184, %dma_wait3A_185] : memref<10240x128xf32, #tpu.memory_space<vmem_shared>> -> memref<10240x128xf32, #tpu.memory_space<vmem_shared>>
        tpu.wait_indirect_dma semaphore(%run_scoped3A_174 : memref<!tpu.dma_semaphore, #tpu.memory_space<semaphore_mem>>) src(%arg12 : memref<128x128xf32, #tpu.memory_space<vmem>>) dst(%dma_wait3A_186 : memref<10240x128xf32, #tpu.memory_space<vmem_shared>>)
        tpu.yield
      }) : () -> ()
      %add3A_157 = arith.constant 2 : i32
      %add3A_158 = arith.addi %add3A_141, %add3A_157 : i32
      %add3A_159 = arith.addi %select_n3A_8, %add3A_158 : i32
      %dma_start3A_160 = arith.constant 0 : i32
      %dma_start3A_161 = arith.constant 0 : i32
      %dma_start3A_162 = tpu.memref_slice %arg4[%add3A_159, %dma_start3A_160, %dma_start3A_161] : memref<2560x1x128xi32, #tpu.memory_space<hbm>> -> memref<1x1x128xi32, #tpu.memory_space<hbm>>
      %dma_start3A_163 = tpu.memref_squeeze %dma_start3A_162 : memref<1x1x128xi32, #tpu.memory_space<hbm>> -> memref<1x128xi32, #tpu.memory_space<hbm>>
      %dma_start3A_164 = arith.constant 0 : i32
      %dma_start3A_165 = arith.constant 0 : i32
      %dma_start3A_166 = tpu.memref_slice %arg4[%add3A_159, %dma_start3A_164, %dma_start3A_165] : memref<2560x1x128xi32, #tpu.memory_space<hbm>> -> memref<1x1x128xi32, #tpu.memory_space<hbm>>
      %dma_start3A_167 = tpu.memref_squeeze %dma_start3A_166 : memref<1x1x128xi32, #tpu.memory_space<hbm>> -> memref<1x128xi32, #tpu.memory_space<hbm>>
      tpu.enqueue_dma source(%dma_start3A_167 : memref<1x128xi32, #tpu.memory_space<hbm>>) target(%arg10 : memref<1x128xi32, #tpu.memory_space<vmem>>) target_semaphore(%arg17 : memref<!tpu.dma_semaphore, #tpu.memory_space<semaphore_mem>>)
      %mul3A_168 = arith.constant 128 : i32
      %mul3A_169 = arith.muli %add3A_158, %mul3A_168 : i32
      %dma_start3A_170 = tpu.memref_slice %arg8[%mul3A_169] : memref<10240xi32, #tpu.memory_space<vmem>> -> memref<128xi32, #tpu.memory_space<vmem>>
      %dma_start3A_171 = arith.constant 0 : i32
      %dma_start3A_172 = arith.constant 0 : i32
      %dma_start3A_173 = tpu.memref_slice %arg2[%dma_start3A_171, %dma_start3A_172] : memref<10000x128xf32, #tpu.memory_space<hbm>> -> memref<10000x128xf32, #tpu.memory_space<hbm>>
      tpu.enqueue_indirect_dma source(%dma_start3A_173 : memref<10000x128xf32, #tpu.memory_space<hbm>>) target(%arg12 : memref<128x128xf32, #tpu.memory_space<vmem>>) offsets(%dma_start3A_170 : memref<128xi32, #tpu.memory_space<vmem>>) semaphore(%arg15 : memref<!tpu.dma_semaphore, #tpu.memory_space<semaphore_mem>>)
    }
    %while3A_69 = arith.constant 1 : i32
    scf.for %while3A_101 = %while3A_67 to %while3A_63 step %while3A_69  : i32 {
      %mul3A_102 = arith.constant 2 : i32
      %mul3A_103 = arith.muli %while3A_101, %mul3A_102 : i32
      %add3A_104 = arith.constant 0 : i32
      %add3A_105 = arith.addi %mul3A_103, %add3A_104 : i32
      %dma_wait3A_106 = arith.constant 0 : i32
      %dma_wait3A_107 = arith.constant 0 : i32
      %dma_wait3A_108 = arith.constant 0 : i32
      %dma_wait3A_109 = tpu.memref_slice %arg4[%dma_wait3A_106, %dma_wait3A_107, %dma_wait3A_108] : memref<2560x1x128xi32, #tpu.memory_space<hbm>> -> memref<1x1x128xi32, #tpu.memory_space<hbm>>
      %dma_wait3A_110 = tpu.memref_squeeze %dma_wait3A_109 : memref<1x1x128xi32, #tpu.memory_space<hbm>> -> memref<1x128xi32, #tpu.memory_space<hbm>>
      %dma_wait3A_111 = arith.constant 0 : i32
      %dma_wait3A_112 = arith.constant 0 : i32
      %dma_wait3A_113 = tpu.memref_slice %arg4[%dma_wait3A_106, %dma_wait3A_111, %dma_wait3A_112] : memref<2560x1x128xi32, #tpu.memory_space<hbm>> -> memref<1x1x128xi32, #tpu.memory_space<hbm>>
      %dma_wait3A_114 = tpu.memref_squeeze %dma_wait3A_113 : memref<1x1x128xi32, #tpu.memory_space<hbm>> -> memref<1x128xi32, #tpu.memory_space<hbm>>
      tpu.wait_dma2 semaphore(%arg16 : memref<!tpu.dma_semaphore, #tpu.memory_space<semaphore_mem>>) src(%dma_wait3A_114 : memref<1x128xi32, #tpu.memory_space<hbm>>) dst(%arg9 : memref<1x128xi32, #tpu.memory_space<vmem>>)
      %dma_wait3A_115 = arith.constant 0 : i32
      %dma_wait3A_116 = tpu.memref_slice %arg8[%dma_wait3A_115] : memref<10240xi32, #tpu.memory_space<vmem>> -> memref<128xi32, #tpu.memory_space<vmem>>
      %dma_wait3A_117 = arith.constant 0 : i32
      %dma_wait3A_118 = arith.constant 0 : i32
      %dma_wait3A_119 = tpu.memref_slice %arg2[%dma_wait3A_117, %dma_wait3A_118] : memref<10000x128xf32, #tpu.memory_space<hbm>> -> memref<10000x128xf32, #tpu.memory_space<hbm>>
      tpu.wait_indirect_dma semaphore(%arg14 : memref<!tpu.dma_semaphore, #tpu.memory_space<semaphore_mem>>) src(%dma_wait3A_119 : memref<10000x128xf32, #tpu.memory_space<hbm>>) dst(%arg11 : memref<128x128xf32, #tpu.memory_space<vmem>>)
      %run_scoped3A_120 = arith.constant 0 : i32
      "tpu.region"() ({
        %run_scoped3A_174 = tpu.sem_alloc : memref<!tpu.dma_semaphore, #tpu.memory_space<semaphore_mem>>
        %dma_start3A_175 = arith.constant 0 : i32
        %dma_start3A_176 = tpu.memref_slice %arg9[%run_scoped3A_120, %dma_start3A_175] : memref<1x128xi32, #tpu.memory_space<vmem>> -> memref<1x128xi32, #tpu.memory_space<vmem>>
        %dma_start3A_177 = tpu.memref_squeeze %dma_start3A_176 : memref<1x128xi32, #tpu.memory_space<vmem>> -> memref<128xi32, #tpu.memory_space<vmem>>
        %dma_start3A_178 = arith.constant 0 : i32
        %dma_start3A_179 = arith.constant 0 : i32
        %dma_start3A_180 = tpu.memref_slice %arg13[%dma_start3A_178, %dma_start3A_179] : memref<10240x128xf32, #tpu.memory_space<vmem_shared>> -> memref<10240x128xf32, #tpu.memory_space<vmem_shared>>
        tpu.enqueue_indirect_dma source(%arg11 : memref<128x128xf32, #tpu.memory_space<vmem>>) target(%dma_start3A_180 : memref<10240x128xf32, #tpu.memory_space<vmem_shared>>) offsets(%dma_start3A_177 : memref<128xi32, #tpu.memory_space<vmem>>) semaphore(%run_scoped3A_174 : memref<!tpu.dma_semaphore, #tpu.memory_space<semaphore_mem>>) {add = true}
        %dma_wait3A_181 = arith.constant 0 : i32
        %dma_wait3A_182 = tpu.memref_slice %arg9[%run_scoped3A_120, %dma_wait3A_181] : memref<1x128xi32, #tpu.memory_space<vmem>> -> memref<1x128xi32, #tpu.memory_space<vmem>>
        %dma_wait3A_183 = tpu.memref_squeeze %dma_wait3A_182 : memref<1x128xi32, #tpu.memory_space<vmem>> -> memref<128xi32, #tpu.memory_space<vmem>>
        %dma_wait3A_184 = arith.constant 0 : i32
        %dma_wait3A_185 = arith.constant 0 : i32
        %dma_wait3A_186 = tpu.memref_slice %arg13[%dma_wait3A_184, %dma_wait3A_185] : memref<10240x128xf32, #tpu.memory_space<vmem_shared>> -> memref<10240x128xf32, #tpu.memory_space<vmem_shared>>
        tpu.wait_indirect_dma semaphore(%run_scoped3A_174 : memref<!tpu.dma_semaphore, #tpu.memory_space<semaphore_mem>>) src(%arg11 : memref<128x128xf32, #tpu.memory_space<vmem>>) dst(%dma_wait3A_186 : memref<10240x128xf32, #tpu.memory_space<vmem_shared>>)
        tpu.yield
      }) : () -> ()
      %add3A_121 = arith.constant 2 : i32
      %add3A_122 = arith.addi %add3A_105, %add3A_121 : i32
      %add3A_123 = arith.addi %select_n3A_8, %add3A_122 : i32
      %dma_start3A_124 = arith.constant 0 : i32
      %dma_start3A_125 = arith.constant 0 : i32
      %dma_start3A_126 = tpu.memref_slice %arg4[%add3A_123, %dma_start3A_124, %dma_start3A_125] : memref<2560x1x128xi32, #tpu.memory_space<hbm>> -> memref<1x1x128xi32, #tpu.memory_space<hbm>>
      %dma_start3A_127 = tpu.memref_squeeze %dma_start3A_126 : memref<1x1x128xi32, #tpu.memory_space<hbm>> -> memref<1x128xi32, #tpu.memory_space<hbm>>
      %dma_start3A_128 = arith.constant 0 : i32
      %dma_start3A_129 = arith.constant 0 : i32
      %dma_start3A_130 = tpu.memref_slice %arg4[%add3A_123, %dma_start3A_128, %dma_start3A_129] : memref<2560x1x128xi32, #tpu.memory_space<hbm>> -> memref<1x1x128xi32, #tpu.memory_space<hbm>>
      %dma_start3A_131 = tpu.memref_squeeze %dma_start3A_130 : memref<1x1x128xi32, #tpu.memory_space<hbm>> -> memref<1x128xi32, #tpu.memory_space<hbm>>
      tpu.enqueue_dma source(%dma_start3A_131 : memref<1x128xi32, #tpu.memory_space<hbm>>) target(%arg9 : memref<1x128xi32, #tpu.memory_space<vmem>>) target_semaphore(%arg16 : memref<!tpu.dma_semaphore, #tpu.memory_space<semaphore_mem>>)
      %mul3A_132 = arith.constant 128 : i32
      %mul3A_133 = arith.muli %add3A_122, %mul3A_132 : i32
      %dma_start3A_134 = tpu.memref_slice %arg8[%mul3A_133] : memref<10240xi32, #tpu.memory_space<vmem>> -> memref<128xi32, #tpu.memory_space<vmem>>
      %dma_start3A_135 = arith.constant 0 : i32
      %dma_start3A_136 = arith.constant 0 : i32
      %dma_start3A_137 = tpu.memref_slice %arg2[%dma_start3A_135, %dma_start3A_136] : memref<10000x128xf32, #tpu.memory_space<hbm>> -> memref<10000x128xf32, #tpu.memory_space<hbm>>
      tpu.enqueue_indirect_dma source(%dma_start3A_137 : memref<10000x128xf32, #tpu.memory_space<hbm>>) target(%arg11 : memref<128x128xf32, #tpu.memory_space<vmem>>) offsets(%dma_start3A_134 : memref<128xi32, #tpu.memory_space<vmem>>) semaphore(%arg14 : memref<!tpu.dma_semaphore, #tpu.memory_space<semaphore_mem>>)
      %mul3A_138 = arith.constant 2 : i32
      %mul3A_139 = arith.muli %while3A_101, %mul3A_138 : i32
      %add3A_140 = arith.constant 1 : i32
      %add3A_141 = arith.addi %mul3A_139, %add3A_140 : i32
      %dma_wait3A_142 = arith.constant 0 : i32
      %dma_wait3A_143 = arith.constant 0 : i32
      %dma_wait3A_144 = arith.constant 0 : i32
      %dma_wait3A_145 = tpu.memref_slice %arg4[%dma_wait3A_142, %dma_wait3A_143, %dma_wait3A_144] : memref<2560x1x128xi32, #tpu.memory_space<hbm>> -> memref<1x1x128xi32, #tpu.memory_space<hbm>>
      %dma_wait3A_146 = tpu.memref_squeeze %dma_wait3A_145 : memref<1x1x128xi32, #tpu.memory_space<hbm>> -> memref<1x128xi32, #tpu.memory_space<hbm>>
      %dma_wait3A_147 = arith.constant 0 : i32
      %dma_wait3A_148 = arith.constant 0 : i32
      %dma_wait3A_149 = tpu.memref_slice %arg4[%dma_wait3A_142, %dma_wait3A_147, %dma_wait3A_148] : memref<2560x1x128xi32, #tpu.memory_space<hbm>> -> memref<1x1x128xi32, #tpu.memory_space<hbm>>
      %dma_wait3A_150 = tpu.memref_squeeze %dma_wait3A_149 : memref<1x1x128xi32, #tpu.memory_space<hbm>> -> memref<1x128xi32, #tpu.memory_space<hbm>>
      tpu.wait_dma2 semaphore(%arg17 : memref<!tpu.dma_semaphore, #tpu.memory_space<semaphore_mem>>) src(%dma_wait3A_150 : memref<1x128xi32, #tpu.memory_space<hbm>>) dst(%arg10 : memref<1x128xi32, #tpu.memory_space<vmem>>)
      %dma_wait3A_151 = arith.constant 0 : i32
      %dma_wait3A_152 = tpu.memref_slice %arg8[%dma_wait3A_151] : memref<10240xi32, #tpu.memory_space<vmem>> -> memref<128xi32, #tpu.memory_space<vmem>>
      %dma_wait3A_153 = arith.constant 0 : i32
      %dma_wait3A_154 = arith.constant 0 : i32
      %dma_wait3A_155 = tpu.memref_slice %arg2[%dma_wait3A_153, %dma_wait3A_154] : memref<10000x128xf32, #tpu.memory_space<hbm>> -> memref<10000x128xf32, #tpu.memory_space<hbm>>
      tpu.wait_indirect_dma semaphore(%arg15 : memref<!tpu.dma_semaphore, #tpu.memory_space<semaphore_mem>>) src(%dma_wait3A_155 : memref<10000x128xf32, #tpu.memory_space<hbm>>) dst(%arg12 : memref<128x128xf32, #tpu.memory_space<vmem>>)
      %run_scoped3A_156 = arith.constant 0 : i32
      "tpu.region"() ({
        %run_scoped3A_174 = tpu.sem_alloc : memref<!tpu.dma_semaphore, #tpu.memory_space<semaphore_mem>>
        %dma_start3A_175 = arith.constant 0 : i32
        %dma_start3A_176 = tpu.memref_slice %arg10[%run_scoped3A_156, %dma_start3A_175] : memref<1x128xi32, #tpu.memory_space<vmem>> -> memref<1x128xi32, #tpu.memory_space<vmem>>
        %dma_start3A_177 = tpu.memref_squeeze %dma_start3A_176 : memref<1x128xi32, #tpu.memory_space<vmem>> -> memref<128xi32, #tpu.memory_space<vmem>>
        %dma_start3A_178 = arith.constant 0 : i32
        %dma_start3A_179 = arith.constant 0 : i32
        %dma_start3A_180 = tpu.memref_slice %arg13[%dma_start3A_178, %dma_start3A_179] : memref<10240x128xf32, #tpu.memory_space<vmem_shared>> -> memref<10240x128xf32, #tpu.memory_space<vmem_shared>>
        tpu.enqueue_indirect_dma source(%arg12 : memref<128x128xf32, #tpu.memory_space<vmem>>) target(%dma_start3A_180 : memref<10240x128xf32, #tpu.memory_space<vmem_shared>>) offsets(%dma_start3A_177 : memref<128xi32, #tpu.memory_space<vmem>>) semaphore(%run_scoped3A_174 : memref<!tpu.dma_semaphore, #tpu.memory_space<semaphore_mem>>) {add = true}
        %dma_wait3A_181 = arith.constant 0 : i32
        %dma_wait3A_182 = tpu.memref_slice %arg10[%run_scoped3A_156, %dma_wait3A_181] : memref<1x128xi32, #tpu.memory_space<vmem>> -> memref<1x128xi32, #tpu.memory_space<vmem>>
        %dma_wait3A_183 = tpu.memref_squeeze %dma_wait3A_182 : memref<1x128xi32, #tpu.memory_space<vmem>> -> memref<128xi32, #tpu.memory_space<vmem>>
        %dma_wait3A_184 = arith.constant 0 : i32
        %dma_wait3A_185 = arith.constant 0 : i32
        %dma_wait3A_186 = tpu.memref_slice %arg13[%dma_wait3A_184, %dma_wait3A_185] : memref<10240x128xf32, #tpu.memory_space<vmem_shared>> -> memref<10240x128xf32, #tpu.memory_space<vmem_shared>>
        tpu.wait_indirect_dma semaphore(%run_scoped3A_174 : memref<!tpu.dma_semaphore, #tpu.memory_space<semaphore_mem>>) src(%arg12 : memref<128x128xf32, #tpu.memory_space<vmem>>) dst(%dma_wait3A_186 : memref<10240x128xf32, #tpu.memory_space<vmem_shared>>)
        tpu.yield
      }) : () -> ()
      %add3A_157 = arith.constant 2 : i32
      %add3A_158 = arith.addi %add3A_141, %add3A_157 : i32
      %add3A_159 = arith.addi %select_n3A_8, %add3A_158 : i32
      %dma_start3A_160 = arith.constant 0 : i32
      %dma_start3A_161 = arith.constant 0 : i32
      %dma_start3A_162 = tpu.memref_slice %arg4[%add3A_159, %dma_start3A_160, %dma_start3A_161] : memref<2560x1x128xi32, #tpu.memory_space<hbm>> -> memref<1x1x128xi32, #tpu.memory_space<hbm>>
      %dma_start3A_163 = tpu.memref_squeeze %dma_start3A_162 : memref<1x1x128xi32, #tpu.memory_space<hbm>> -> memref<1x128xi32, #tpu.memory_space<hbm>>
      %dma_start3A_164 = arith.constant 0 : i32
      %dma_start3A_165 = arith.constant 0 : i32
      %dma_start3A_166 = tpu.memref_slice %arg4[%add3A_159, %dma_start3A_164, %dma_start3A_165] : memref<2560x1x128xi32, #tpu.memory_space<hbm>> -> memref<1x1x128xi32, #tpu.memory_space<hbm>>
      %dma_start3A_167 = tpu.memref_squeeze %dma_start3A_166 : memref<1x1x128xi32, #tpu.memory_space<hbm>> -> memref<1x128xi32, #tpu.memory_space<hbm>>
      tpu.enqueue_dma source(%dma_start3A_167 : memref<1x128xi32, #tpu.memory_space<hbm>>) target(%arg10 : memref<1x128xi32, #tpu.memory_space<vmem>>) target_semaphore(%arg17 : memref<!tpu.dma_semaphore, #tpu.memory_space<semaphore_mem>>)
      %mul3A_168 = arith.constant 128 : i32
      %mul3A_169 = arith.muli %add3A_158, %mul3A_168 : i32
      %dma_start3A_170 = tpu.memref_slice %arg8[%mul3A_169] : memref<10240xi32, #tpu.memory_space<vmem>> -> memref<128xi32, #tpu.memory_space<vmem>>
      %dma_start3A_171 = arith.constant 0 : i32
      %dma_start3A_172 = arith.constant 0 : i32
      %dma_start3A_173 = tpu.memref_slice %arg2[%dma_start3A_171, %dma_start3A_172] : memref<10000x128xf32, #tpu.memory_space<hbm>> -> memref<10000x128xf32, #tpu.memory_space<hbm>>
      tpu.enqueue_indirect_dma source(%dma_start3A_173 : memref<10000x128xf32, #tpu.memory_space<hbm>>) target(%arg12 : memref<128x128xf32, #tpu.memory_space<vmem>>) offsets(%dma_start3A_170 : memref<128xi32, #tpu.memory_space<vmem>>) semaphore(%arg15 : memref<!tpu.dma_semaphore, #tpu.memory_space<semaphore_mem>>)
    }
    %dma_wait3A = arith.constant 0 : i32
    %dma_wait3A_70 = arith.constant 0 : i32
    %dma_wait3A_71 = arith.constant 0 : i32
    %dma_wait3A_72 = tpu.memref_slice %arg4[%dma_wait3A, %dma_wait3A_70, %dma_wait3A_71] : memref<2560x1x128xi32, #tpu.memory_space<hbm>> -> memref<1x1x128xi32, #tpu.memory_space<hbm>>
    %dma_wait3A_73 = tpu.memref_squeeze %dma_wait3A_72 : memref<1x1x128xi32, #tpu.memory_space<hbm>> -> memref<1x128xi32, #tpu.memory_space<hbm>>
    %dma_wait3A_74 = arith.constant 0 : i32
    %dma_wait3A_75 = arith.constant 0 : i32
    %dma_wait3A_76 = tpu.memref_slice %arg4[%dma_wait3A, %dma_wait3A_74, %dma_wait3A_75] : memref<2560x1x128xi32, #tpu.memory_space<hbm>> -> memref<1x1x128xi32, #tpu.memory_space<hbm>>
    %dma_wait3A_77 = tpu.memref_squeeze %dma_wait3A_76 : memref<1x1x128xi32, #tpu.memory_space<hbm>> -> memref<1x128xi32, #tpu.memory_space<hbm>>
    tpu.wait_dma2 semaphore(%arg16 : memref<!tpu.dma_semaphore, #tpu.memory_space<semaphore_mem>>) src(%dma_wait3A_77 : memref<1x128xi32, #tpu.memory_space<hbm>>) dst(%arg9 : memref<1x128xi32, #tpu.memory_space<vmem>>)
    %dma_wait3A_78 = arith.constant 0 : i32
    %dma_wait3A_79 = tpu.memref_slice %arg8[%dma_wait3A_78] : memref<10240xi32, #tpu.memory_space<vmem>> -> memref<128xi32, #tpu.memory_space<vmem>>
    %dma_wait3A_80 = arith.constant 0 : i32
    %dma_wait3A_81 = arith.constant 0 : i32
    %dma_wait3A_82 = tpu.memref_slice %arg2[%dma_wait3A_80, %dma_wait3A_81] : memref<10000x128xf32, #tpu.memory_space<hbm>> -> memref<10000x128xf32, #tpu.memory_space<hbm>>
    tpu.wait_indirect_dma semaphore(%arg14 : memref<!tpu.dma_semaphore, #tpu.memory_space<semaphore_mem>>) src(%dma_wait3A_82 : memref<10000x128xf32, #tpu.memory_space<hbm>>) dst(%arg11 : memref<128x128xf32, #tpu.memory_space<vmem>>)
    %run_scoped3A = arith.constant 0 : i32
    "tpu.region"() ({
      %run_scoped3A_101 = tpu.sem_alloc : memref<!tpu.dma_semaphore, #tpu.memory_space<semaphore_mem>>
      %dma_start3A_102 = arith.constant 0 : i32
      %dma_start3A_103 = tpu.memref_slice %arg9[%run_scoped3A, %dma_start3A_102] : memref<1x128xi32, #tpu.memory_space<vmem>> -> memref<1x128xi32, #tpu.memory_space<vmem>>
      %dma_start3A_104 = tpu.memref_squeeze %dma_start3A_103 : memref<1x128xi32, #tpu.memory_space<vmem>> -> memref<128xi32, #tpu.memory_space<vmem>>
      %dma_start3A_105 = arith.constant 0 : i32
      %dma_start3A_106 = arith.constant 0 : i32
      %dma_start3A_107 = tpu.memref_slice %arg13[%dma_start3A_105, %dma_start3A_106] : memref<10240x128xf32, #tpu.memory_space<vmem_shared>> -> memref<10240x128xf32, #tpu.memory_space<vmem_shared>>
      tpu.enqueue_indirect_dma source(%arg11 : memref<128x128xf32, #tpu.memory_space<vmem>>) target(%dma_start3A_107 : memref<10240x128xf32, #tpu.memory_space<vmem_shared>>) offsets(%dma_start3A_104 : memref<128xi32, #tpu.memory_space<vmem>>) semaphore(%run_scoped3A_101 : memref<!tpu.dma_semaphore, #tpu.memory_space<semaphore_mem>>) {add = true}
      %dma_wait3A_108 = arith.constant 0 : i32
      %dma_wait3A_109 = tpu.memref_slice %arg9[%run_scoped3A, %dma_wait3A_108] : memref<1x128xi32, #tpu.memory_space<vmem>> -> memref<1x128xi32, #tpu.memory_space<vmem>>
      %dma_wait3A_110 = tpu.memref_squeeze %dma_wait3A_109 : memref<1x128xi32, #tpu.memory_space<vmem>> -> memref<128xi32, #tpu.memory_space<vmem>>
      %dma_wait3A_111 = arith.constant 0 : i32
      %dma_wait3A_112 = arith.constant 0 : i32
      %dma_wait3A_113 = tpu.memref_slice %arg13[%dma_wait3A_111, %dma_wait3A_112] : memref<10240x128xf32, #tpu.memory_space<vmem_shared>> -> memref<10240x128xf32, #tpu.memory_space<vmem_shared>>
      tpu.wait_indirect_dma semaphore(%run_scoped3A_101 : memref<!tpu.dma_semaphore, #tpu.memory_space<semaphore_mem>>) src(%arg11 : memref<128x128xf32, #tpu.memory_space<vmem>>) dst(%dma_wait3A_113 : memref<10240x128xf32, #tpu.memory_space<vmem_shared>>)
      tpu.yield
    }) : () -> ()
    %dma_wait3A_83 = arith.constant 0 : i32
    %dma_wait3A_84 = arith.constant 0 : i32
    %dma_wait3A_85 = arith.constant 0 : i32
    %dma_wait3A_86 = tpu.memref_slice %arg4[%dma_wait3A_83, %dma_wait3A_84, %dma_wait3A_85] : memref<2560x1x128xi32, #tpu.memory_space<hbm>> -> memref<1x1x128xi32, #tpu.memory_space<hbm>>
    %dma_wait3A_87 = tpu.memref_squeeze %dma_wait3A_86 : memref<1x1x128xi32, #tpu.memory_space<hbm>> -> memref<1x128xi32, #tpu.memory_space<hbm>>
    %dma_wait3A_88 = arith.constant 0 : i32
    %dma_wait3A_89 = arith.constant 0 : i32
    %dma_wait3A_90 = tpu.memref_slice %arg4[%dma_wait3A_83, %dma_wait3A_88, %dma_wait3A_89] : memref<2560x1x128xi32, #tpu.memory_space<hbm>> -> memref<1x1x128xi32, #tpu.memory_space<hbm>>
    %dma_wait3A_91 = tpu.memref_squeeze %dma_wait3A_90 : memref<1x1x128xi32, #tpu.memory_space<hbm>> -> memref<1x128xi32, #tpu.memory_space<hbm>>
    tpu.wait_dma2 semaphore(%arg17 : memref<!tpu.dma_semaphore, #tpu.memory_space<semaphore_mem>>) src(%dma_wait3A_91 : memref<1x128xi32, #tpu.memory_space<hbm>>) dst(%arg10 : memref<1x128xi32, #tpu.memory_space<vmem>>)
    %dma_wait3A_92 = arith.constant 0 : i32
    %dma_wait3A_93 = tpu.memref_slice %arg8[%dma_wait3A_92] : memref<10240xi32, #tpu.memory_space<vmem>> -> memref<128xi32, #tpu.memory_space<vmem>>
    %dma_wait3A_94 = arith.constant 0 : i32
    %dma_wait3A_95 = arith.constant 0 : i32
    %dma_wait3A_96 = tpu.memref_slice %arg2[%dma_wait3A_94, %dma_wait3A_95] : memref<10000x128xf32, #tpu.memory_space<hbm>> -> memref<10000x128xf32, #tpu.memory_space<hbm>>
    tpu.wait_indirect_dma semaphore(%arg15 : memref<!tpu.dma_semaphore, #tpu.memory_space<semaphore_mem>>) src(%dma_wait3A_96 : memref<10000x128xf32, #tpu.memory_space<hbm>>) dst(%arg12 : memref<128x128xf32, #tpu.memory_space<vmem>>)
    %run_scoped3A_97 = arith.constant 0 : i32
    "tpu.region"() ({
      %run_scoped3A_101 = tpu.sem_alloc : memref<!tpu.dma_semaphore, #tpu.memory_space<semaphore_mem>>
      %dma_start3A_102 = arith.constant 0 : i32
      %dma_start3A_103 = tpu.memref_slice %arg10[%run_scoped3A_97, %dma_start3A_102] : memref<1x128xi32, #tpu.memory_space<vmem>> -> memref<1x128xi32, #tpu.memory_space<vmem>>
      %dma_start3A_104 = tpu.memref_squeeze %dma_start3A_103 : memref<1x128xi32, #tpu.memory_space<vmem>> -> memref<128xi32, #tpu.memory_space<vmem>>
      %dma_start3A_105 = arith.constant 0 : i32
      %dma_start3A_106 = arith.constant 0 : i32
      %dma_start3A_107 = tpu.memref_slice %arg13[%dma_start3A_105, %dma_start3A_106] : memref<10240x128xf32, #tpu.memory_space<vmem_shared>> -> memref<10240x128xf32, #tpu.memory_space<vmem_shared>>
      tpu.enqueue_indirect_dma source(%arg12 : memref<128x128xf32, #tpu.memory_space<vmem>>) target(%dma_start3A_107 : memref<10240x128xf32, #tpu.memory_space<vmem_shared>>) offsets(%dma_start3A_104 : memref<128xi32, #tpu.memory_space<vmem>>) semaphore(%run_scoped3A_101 : memref<!tpu.dma_semaphore, #tpu.memory_space<semaphore_mem>>) {add = true}
      %dma_wait3A_108 = arith.constant 0 : i32
      %dma_wait3A_109 = tpu.memref_slice %arg10[%run_scoped3A_97, %dma_wait3A_108] : memref<1x128xi32, #tpu.memory_space<vmem>> -> memref<1x128xi32, #tpu.memory_space<vmem>>
      %dma_wait3A_110 = tpu.memref_squeeze %dma_wait3A_109 : memref<1x128xi32, #tpu.memory_space<vmem>> -> memref<128xi32, #tpu.memory_space<vmem>>
      %dma_wait3A_111 = arith.constant 0 : i32
      %dma_wait3A_112 = arith.constant 0 : i32
      %dma_wait3A_113 = tpu.memref_slice %arg13[%dma_wait3A_111, %dma_wait3A_112] : memref<10240x128xf32, #tpu.memory_space<vmem_shared>> -> memref<10240x128xf32, #tpu.memory_space<vmem_shared>>
      tpu.wait_indirect_dma semaphore(%run_scoped3A_101 : memref<!tpu.dma_semaphore, #tpu.memory_space<semaphore_mem>>) src(%arg12 : memref<128x128xf32, #tpu.memory_space<vmem>>) dst(%dma_wait3A_113 : memref<10240x128xf32, #tpu.memory_space<vmem_shared>>)
      tpu.yield
    }) : () -> ()
    %gt3A = arith.constant 80 : i32
    %gt3A_98 = arith.cmpi sgt, %select_n3A, %gt3A : i32
    %convert_element_type3A = arith.extui %gt3A_98 : i1 to i32
    %cond3A = arith.constant 0 : i32
    %cond3A_99 = arith.cmpi ne, %convert_element_type3A, %cond3A : i32
    scf.if %cond3A_99 {
      %add3A_101 = arith.constant 80 : i32
      %add3A_102 = arith.addi %select_n3A_8, %add3A_101 : i32
      %sub3A_103 = arith.constant 80 : i32
      %sub3A_104 = arith.subi %select_n3A, %sub3A_103 : i32
      %mul3A_105 = arith.constant 128 : i32
      %mul3A_106 = arith.muli %add3A_102, %mul3A_105 : i32
      %multiple_of3A_107 = tpu.assume_multiple %mul3A_106, 128 : i32
      "tpu.region"() ({
        %run_scoped3A_204 = tpu.sem_alloc : memref<!tpu.dma_semaphore, #tpu.memory_space<semaphore_mem>>
        %dma_start3A_205 = tpu.memref_slice %arg3[%multiple_of3A_107] : memref<337920xi32, #tpu.memory_space<hbm>> -> memref<10240xi32, #tpu.memory_space<hbm>>
        %dma_start3A_206 = tpu.memref_slice %arg3[%multiple_of3A_107] : memref<337920xi32, #tpu.memory_space<hbm>> -> memref<10240xi32, #tpu.memory_space<hbm>>
        tpu.enqueue_dma source(%dma_start3A_206 : memref<10240xi32, #tpu.memory_space<hbm>>) target(%arg8 : memref<10240xi32, #tpu.memory_space<vmem>>) target_semaphore(%run_scoped3A_204 : memref<!tpu.dma_semaphore, #tpu.memory_space<semaphore_mem>>)
        %dma_wait3A_207 = tpu.memref_slice %arg3[%multiple_of3A_107] : memref<337920xi32, #tpu.memory_space<hbm>> -> memref<10240xi32, #tpu.memory_space<hbm>>
        %dma_wait3A_208 = tpu.memref_slice %arg3[%multiple_of3A_107] : memref<337920xi32, #tpu.memory_space<hbm>> -> memref<10240xi32, #tpu.memory_space<hbm>>
        tpu.wait_dma2 semaphore(%run_scoped3A_204 : memref<!tpu.dma_semaphore, #tpu.memory_space<semaphore_mem>>) src(%dma_wait3A_208 : memref<10240xi32, #tpu.memory_space<hbm>>) dst(%arg8 : memref<10240xi32, #tpu.memory_space<vmem>>)
        tpu.yield
      }) : () -> ()
      %add3A_108 = arith.constant 0 : i32
      %add3A_109 = arith.addi %add3A_102, %add3A_108 : i32
      %dma_start3A_110 = arith.constant 0 : i32
      %dma_start3A_111 = arith.constant 0 : i32
      %dma_start3A_112 = tpu.memref_slice %arg4[%add3A_109, %dma_start3A_110, %dma_start3A_111] : memref<2560x1x128xi32, #tpu.memory_space<hbm>> -> memref<1x1x128xi32, #tpu.memory_space<hbm>>
      %dma_start3A_113 = tpu.memref_squeeze %dma_start3A_112 : memref<1x1x128xi32, #tpu.memory_space<hbm>> -> memref<1x128xi32, #tpu.memory_space<hbm>>
      %dma_start3A_114 = arith.constant 0 : i32
      %dma_start3A_115 = arith.constant 0 : i32
      %dma_start3A_116 = tpu.memref_slice %arg4[%add3A_109, %dma_start3A_114, %dma_start3A_115] : memref<2560x1x128xi32, #tpu.memory_space<hbm>> -> memref<1x1x128xi32, #tpu.memory_space<hbm>>
      %dma_start3A_117 = tpu.memref_squeeze %dma_start3A_116 : memref<1x1x128xi32, #tpu.memory_space<hbm>> -> memref<1x128xi32, #tpu.memory_space<hbm>>
      tpu.enqueue_dma source(%dma_start3A_117 : memref<1x128xi32, #tpu.memory_space<hbm>>) target(%arg9 : memref<1x128xi32, #tpu.memory_space<vmem>>) target_semaphore(%arg16 : memref<!tpu.dma_semaphore, #tpu.memory_space<semaphore_mem>>)
      %dma_start3A_118 = arith.constant 0 : i32
      %dma_start3A_119 = tpu.memref_slice %arg8[%dma_start3A_118] : memref<10240xi32, #tpu.memory_space<vmem>> -> memref<128xi32, #tpu.memory_space<vmem>>
      %dma_start3A_120 = arith.constant 0 : i32
      %dma_start3A_121 = arith.constant 0 : i32
      %dma_start3A_122 = tpu.memref_slice %arg2[%dma_start3A_120, %dma_start3A_121] : memref<10000x128xf32, #tpu.memory_space<hbm>> -> memref<10000x128xf32, #tpu.memory_space<hbm>>
      tpu.enqueue_indirect_dma source(%dma_start3A_122 : memref<10000x128xf32, #tpu.memory_space<hbm>>) target(%arg11 : memref<128x128xf32, #tpu.memory_space<vmem>>) offsets(%dma_start3A_119 : memref<128xi32, #tpu.memory_space<vmem>>) semaphore(%arg14 : memref<!tpu.dma_semaphore, #tpu.memory_space<semaphore_mem>>)
      %add3A_123 = arith.constant 1 : i32
      %add3A_124 = arith.addi %add3A_102, %add3A_123 : i32
      %dma_start3A_125 = arith.constant 0 : i32
      %dma_start3A_126 = arith.constant 0 : i32
      %dma_start3A_127 = tpu.memref_slice %arg4[%add3A_124, %dma_start3A_125, %dma_start3A_126] : memref<2560x1x128xi32, #tpu.memory_space<hbm>> -> memref<1x1x128xi32, #tpu.memory_space<hbm>>
      %dma_start3A_128 = tpu.memref_squeeze %dma_start3A_127 : memref<1x1x128xi32, #tpu.memory_space<hbm>> -> memref<1x128xi32, #tpu.memory_space<hbm>>
      %dma_start3A_129 = arith.constant 0 : i32
      %dma_start3A_130 = arith.constant 0 : i32
      %dma_start3A_131 = tpu.memref_slice %arg4[%add3A_124, %dma_start3A_129, %dma_start3A_130] : memref<2560x1x128xi32, #tpu.memory_space<hbm>> -> memref<1x1x128xi32, #tpu.memory_space<hbm>>
      %dma_start3A_132 = tpu.memref_squeeze %dma_start3A_131 : memref<1x1x128xi32, #tpu.memory_space<hbm>> -> memref<1x128xi32, #tpu.memory_space<hbm>>
      tpu.enqueue_dma source(%dma_start3A_132 : memref<1x128xi32, #tpu.memory_space<hbm>>) target(%arg10 : memref<1x128xi32, #tpu.memory_space<vmem>>) target_semaphore(%arg17 : memref<!tpu.dma_semaphore, #tpu.memory_space<semaphore_mem>>)
      %dma_start3A_133 = arith.constant 128 : i32
      %dma_start3A_134 = tpu.memref_slice %arg8[%dma_start3A_133] : memref<10240xi32, #tpu.memory_space<vmem>> -> memref<128xi32, #tpu.memory_space<vmem>>
      %dma_start3A_135 = arith.constant 0 : i32
      %dma_start3A_136 = arith.constant 0 : i32
      %dma_start3A_137 = tpu.memref_slice %arg2[%dma_start3A_135, %dma_start3A_136] : memref<10000x128xf32, #tpu.memory_space<hbm>> -> memref<10000x128xf32, #tpu.memory_space<hbm>>
      tpu.enqueue_indirect_dma source(%dma_start3A_137 : memref<10000x128xf32, #tpu.memory_space<hbm>>) target(%arg12 : memref<128x128xf32, #tpu.memory_space<vmem>>) offsets(%dma_start3A_134 : memref<128xi32, #tpu.memory_space<vmem>>) semaphore(%arg15 : memref<!tpu.dma_semaphore, #tpu.memory_space<semaphore_mem>>)
      %jit3A_138 = arith.constant 2 : i32
      %div3A_139 = arith.divsi %sub3A_104, %jit3A_138 : i32
      %sign3A_140 = arith.constant 0 : i32
      %sign3A_141 = arith.cmpi sgt, %sub3A_104, %sign3A_140 : i32
      %sign3A_142 = arith.extui %sign3A_141 : i1 to i32
      %sign3A_143 = arith.constant 0 : i32
      %sign3A_144 = arith.cmpi slt, %sub3A_104, %sign3A_143 : i32
      %sign3A_145 = arith.extui %sign3A_144 : i1 to i32
      %sign3A_146 = arith.subi %sign3A_142, %sign3A_145 : i32
      %sign3A_147 = arith.constant 0 : i32
      %sign3A_148 = arith.cmpi sgt, %jit3A_138, %sign3A_147 : i32
      %sign3A_149 = arith.extui %sign3A_148 : i1 to i32
      %sign3A_150 = arith.constant 0 : i32
      %sign3A_151 = arith.cmpi slt, %jit3A_138, %sign3A_150 : i32
      %sign3A_152 = arith.extui %sign3A_151 : i1 to i32
      %sign3A_153 = arith.subi %sign3A_149, %sign3A_152 : i32
      %ne3A_154 = arith.cmpi ne, %sign3A_146, %sign3A_153 : i32
      %rem3A_155 = arith.remsi %sub3A_104, %jit3A_138 : i32
      %ne3A_156 = arith.constant 0 : i32
      %ne3A_157 = arith.cmpi ne, %rem3A_155, %ne3A_156 : i32
      %and3A_158 = arith.andi %ne3A_154, %ne3A_157 : i1
      %sub3A_159 = arith.constant 1 : i32
      %sub3A_160 = arith.subi %div3A_139, %sub3A_159 : i32
      %select_n3A_161 = arith.select %and3A_158, %sub3A_160, %div3A_139 : i32
      %sub3A_162 = arith.constant 1 : i32
      %sub3A_163 = arith.subi %select_n3A_161, %sub3A_162 : i32
      %while3A_164 = arith.constant 0 : i32
      %while3A_165 = arith.constant 0 : i32
      %while3A_166 = arith.subi %sub3A_163, %while3A_165 : i32
      %while3A_167 = arith.addi %while3A_165, %while3A_166 : i32
      %while3A_168 = arith.constant 1 : i32
      %while3A_169 = arith.divsi %while3A_166, %while3A_168 : i32
      %while3A_170 = arith.muli %while3A_169, %while3A_168 : i32
      %while3A_171 = arith.addi %while3A_165, %while3A_170 : i32
      %while3A_172 = arith.constant 1 : i32
      scf.for %while3A_204 = %while3A_165 to %while3A_171 step %while3A_172  : i32 {
        %mul3A_205 = arith.constant 2 : i32
        %mul3A_206 = arith.muli %while3A_204, %mul3A_205 : i32
        %add3A_207 = arith.constant 0 : i32
        %add3A_208 = arith.addi %mul3A_206, %add3A_207 : i32
        %dma_wait3A_209 = arith.constant 0 : i32
        %dma_wait3A_210 = arith.constant 0 : i32
        %dma_wait3A_211 = arith.constant 0 : i32
        %dma_wait3A_212 = tpu.memref_slice %arg4[%dma_wait3A_209, %dma_wait3A_210, %dma_wait3A_211] : memref<2560x1x128xi32, #tpu.memory_space<hbm>> -> memref<1x1x128xi32, #tpu.memory_space<hbm>>
        %dma_wait3A_213 = tpu.memref_squeeze %dma_wait3A_212 : memref<1x1x128xi32, #tpu.memory_space<hbm>> -> memref<1x128xi32, #tpu.memory_space<hbm>>
        %dma_wait3A_214 = arith.constant 0 : i32
        %dma_wait3A_215 = arith.constant 0 : i32
        %dma_wait3A_216 = tpu.memref_slice %arg4[%dma_wait3A_209, %dma_wait3A_214, %dma_wait3A_215] : memref<2560x1x128xi32, #tpu.memory_space<hbm>> -> memref<1x1x128xi32, #tpu.memory_space<hbm>>
        %dma_wait3A_217 = tpu.memref_squeeze %dma_wait3A_216 : memref<1x1x128xi32, #tpu.memory_space<hbm>> -> memref<1x128xi32, #tpu.memory_space<hbm>>
        tpu.wait_dma2 semaphore(%arg16 : memref<!tpu.dma_semaphore, #tpu.memory_space<semaphore_mem>>) src(%dma_wait3A_217 : memref<1x128xi32, #tpu.memory_space<hbm>>) dst(%arg9 : memref<1x128xi32, #tpu.memory_space<vmem>>)
        %dma_wait3A_218 = arith.constant 0 : i32
        %dma_wait3A_219 = tpu.memref_slice %arg8[%dma_wait3A_218] : memref<10240xi32, #tpu.memory_space<vmem>> -> memref<128xi32, #tpu.memory_space<vmem>>
        %dma_wait3A_220 = arith.constant 0 : i32
        %dma_wait3A_221 = arith.constant 0 : i32
        %dma_wait3A_222 = tpu.memref_slice %arg2[%dma_wait3A_220, %dma_wait3A_221] : memref<10000x128xf32, #tpu.memory_space<hbm>> -> memref<10000x128xf32, #tpu.memory_space<hbm>>
        tpu.wait_indirect_dma semaphore(%arg14 : memref<!tpu.dma_semaphore, #tpu.memory_space<semaphore_mem>>) src(%dma_wait3A_222 : memref<10000x128xf32, #tpu.memory_space<hbm>>) dst(%arg11 : memref<128x128xf32, #tpu.memory_space<vmem>>)
        %run_scoped3A_223 = arith.constant 0 : i32
        "tpu.region"() ({
          %run_scoped3A_277 = tpu.sem_alloc : memref<!tpu.dma_semaphore, #tpu.memory_space<semaphore_mem>>
          %dma_start3A_278 = arith.constant 0 : i32
          %dma_start3A_279 = tpu.memref_slice %arg9[%run_scoped3A_223, %dma_start3A_278] : memref<1x128xi32, #tpu.memory_space<vmem>> -> memref<1x128xi32, #tpu.memory_space<vmem>>
          %dma_start3A_280 = tpu.memref_squeeze %dma_start3A_279 : memref<1x128xi32, #tpu.memory_space<vmem>> -> memref<128xi32, #tpu.memory_space<vmem>>
          %dma_start3A_281 = arith.constant 0 : i32
          %dma_start3A_282 = arith.constant 0 : i32
          %dma_start3A_283 = tpu.memref_slice %arg13[%dma_start3A_281, %dma_start3A_282] : memref<10240x128xf32, #tpu.memory_space<vmem_shared>> -> memref<10240x128xf32, #tpu.memory_space<vmem_shared>>
          tpu.enqueue_indirect_dma source(%arg11 : memref<128x128xf32, #tpu.memory_space<vmem>>) target(%dma_start3A_283 : memref<10240x128xf32, #tpu.memory_space<vmem_shared>>) offsets(%dma_start3A_280 : memref<128xi32, #tpu.memory_space<vmem>>) semaphore(%run_scoped3A_277 : memref<!tpu.dma_semaphore, #tpu.memory_space<semaphore_mem>>) {add = true}
          %dma_wait3A_284 = arith.constant 0 : i32
          %dma_wait3A_285 = tpu.memref_slice %arg9[%run_scoped3A_223, %dma_wait3A_284] : memref<1x128xi32, #tpu.memory_space<vmem>> -> memref<1x128xi32, #tpu.memory_space<vmem>>
          %dma_wait3A_286 = tpu.memref_squeeze %dma_wait3A_285 : memref<1x128xi32, #tpu.memory_space<vmem>> -> memref<128xi32, #tpu.memory_space<vmem>>
          %dma_wait3A_287 = arith.constant 0 : i32
          %dma_wait3A_288 = arith.constant 0 : i32
          %dma_wait3A_289 = tpu.memref_slice %arg13[%dma_wait3A_287, %dma_wait3A_288] : memref<10240x128xf32, #tpu.memory_space<vmem_shared>> -> memref<10240x128xf32, #tpu.memory_space<vmem_shared>>
          tpu.wait_indirect_dma semaphore(%run_scoped3A_277 : memref<!tpu.dma_semaphore, #tpu.memory_space<semaphore_mem>>) src(%arg11 : memref<128x128xf32, #tpu.memory_space<vmem>>) dst(%dma_wait3A_289 : memref<10240x128xf32, #tpu.memory_space<vmem_shared>>)
          tpu.yield
        }) : () -> ()
        %add3A_224 = arith.constant 2 : i32
        %add3A_225 = arith.addi %add3A_208, %add3A_224 : i32
        %add3A_226 = arith.addi %add3A_102, %add3A_225 : i32
        %dma_start3A_227 = arith.constant 0 : i32
        %dma_start3A_228 = arith.constant 0 : i32
        %dma_start3A_229 = tpu.memref_slice %arg4[%add3A_226, %dma_start3A_227, %dma_start3A_228] : memref<2560x1x128xi32, #tpu.memory_space<hbm>> -> memref<1x1x128xi32, #tpu.memory_space<hbm>>
        %dma_start3A_230 = tpu.memref_squeeze %dma_start3A_229 : memref<1x1x128xi32, #tpu.memory_space<hbm>> -> memref<1x128xi32, #tpu.memory_space<hbm>>
        %dma_start3A_231 = arith.constant 0 : i32
        %dma_start3A_232 = arith.constant 0 : i32
        %dma_start3A_233 = tpu.memref_slice %arg4[%add3A_226, %dma_start3A_231, %dma_start3A_232] : memref<2560x1x128xi32, #tpu.memory_space<hbm>> -> memref<1x1x128xi32, #tpu.memory_space<hbm>>
        %dma_start3A_234 = tpu.memref_squeeze %dma_start3A_233 : memref<1x1x128xi32, #tpu.memory_space<hbm>> -> memref<1x128xi32, #tpu.memory_space<hbm>>
        tpu.enqueue_dma source(%dma_start3A_234 : memref<1x128xi32, #tpu.memory_space<hbm>>) target(%arg9 : memref<1x128xi32, #tpu.memory_space<vmem>>) target_semaphore(%arg16 : memref<!tpu.dma_semaphore, #tpu.memory_space<semaphore_mem>>)
        %mul3A_235 = arith.constant 128 : i32
        %mul3A_236 = arith.muli %add3A_225, %mul3A_235 : i32
        %dma_start3A_237 = tpu.memref_slice %arg8[%mul3A_236] : memref<10240xi32, #tpu.memory_space<vmem>> -> memref<128xi32, #tpu.memory_space<vmem>>
        %dma_start3A_238 = arith.constant 0 : i32
        %dma_start3A_239 = arith.constant 0 : i32
        %dma_start3A_240 = tpu.memref_slice %arg2[%dma_start3A_238, %dma_start3A_239] : memref<10000x128xf32, #tpu.memory_space<hbm>> -> memref<10000x128xf32, #tpu.memory_space<hbm>>
        tpu.enqueue_indirect_dma source(%dma_start3A_240 : memref<10000x128xf32, #tpu.memory_space<hbm>>) target(%arg11 : memref<128x128xf32, #tpu.memory_space<vmem>>) offsets(%dma_start3A_237 : memref<128xi32, #tpu.memory_space<vmem>>) semaphore(%arg14 : memref<!tpu.dma_semaphore, #tpu.memory_space<semaphore_mem>>)
        %mul3A_241 = arith.constant 2 : i32
        %mul3A_242 = arith.muli %while3A_204, %mul3A_241 : i32
        %add3A_243 = arith.constant 1 : i32
        %add3A_244 = arith.addi %mul3A_242, %add3A_243 : i32
        %dma_wait3A_245 = arith.constant 0 : i32
        %dma_wait3A_246 = arith.constant 0 : i32
        %dma_wait3A_247 = arith.constant 0 : i32
        %dma_wait3A_248 = tpu.memref_slice %arg4[%dma_wait3A_245, %dma_wait3A_246, %dma_wait3A_247] : memref<2560x1x128xi32, #tpu.memory_space<hbm>> -> memref<1x1x128xi32, #tpu.memory_space<hbm>>
        %dma_wait3A_249 = tpu.memref_squeeze %dma_wait3A_248 : memref<1x1x128xi32, #tpu.memory_space<hbm>> -> memref<1x128xi32, #tpu.memory_space<hbm>>
        %dma_wait3A_250 = arith.constant 0 : i32
        %dma_wait3A_251 = arith.constant 0 : i32
        %dma_wait3A_252 = tpu.memref_slice %arg4[%dma_wait3A_245, %dma_wait3A_250, %dma_wait3A_251] : memref<2560x1x128xi32, #tpu.memory_space<hbm>> -> memref<1x1x128xi32, #tpu.memory_space<hbm>>
        %dma_wait3A_253 = tpu.memref_squeeze %dma_wait3A_252 : memref<1x1x128xi32, #tpu.memory_space<hbm>> -> memref<1x128xi32, #tpu.memory_space<hbm>>
        tpu.wait_dma2 semaphore(%arg17 : memref<!tpu.dma_semaphore, #tpu.memory_space<semaphore_mem>>) src(%dma_wait3A_253 : memref<1x128xi32, #tpu.memory_space<hbm>>) dst(%arg10 : memref<1x128xi32, #tpu.memory_space<vmem>>)
        %dma_wait3A_254 = arith.constant 0 : i32
        %dma_wait3A_255 = tpu.memref_slice %arg8[%dma_wait3A_254] : memref<10240xi32, #tpu.memory_space<vmem>> -> memref<128xi32, #tpu.memory_space<vmem>>
        %dma_wait3A_256 = arith.constant 0 : i32
        %dma_wait3A_257 = arith.constant 0 : i32
        %dma_wait3A_258 = tpu.memref_slice %arg2[%dma_wait3A_256, %dma_wait3A_257] : memref<10000x128xf32, #tpu.memory_space<hbm>> -> memref<10000x128xf32, #tpu.memory_space<hbm>>
        tpu.wait_indirect_dma semaphore(%arg15 : memref<!tpu.dma_semaphore, #tpu.memory_space<semaphore_mem>>) src(%dma_wait3A_258 : memref<10000x128xf32, #tpu.memory_space<hbm>>) dst(%arg12 : memref<128x128xf32, #tpu.memory_space<vmem>>)
        %run_scoped3A_259 = arith.constant 0 : i32
        "tpu.region"() ({
          %run_scoped3A_277 = tpu.sem_alloc : memref<!tpu.dma_semaphore, #tpu.memory_space<semaphore_mem>>
          %dma_start3A_278 = arith.constant 0 : i32
          %dma_start3A_279 = tpu.memref_slice %arg10[%run_scoped3A_259, %dma_start3A_278] : memref<1x128xi32, #tpu.memory_space<vmem>> -> memref<1x128xi32, #tpu.memory_space<vmem>>
          %dma_start3A_280 = tpu.memref_squeeze %dma_start3A_279 : memref<1x128xi32, #tpu.memory_space<vmem>> -> memref<128xi32, #tpu.memory_space<vmem>>
          %dma_start3A_281 = arith.constant 0 : i32
          %dma_start3A_282 = arith.constant 0 : i32
          %dma_start3A_283 = tpu.memref_slice %arg13[%dma_start3A_281, %dma_start3A_282] : memref<10240x128xf32, #tpu.memory_space<vmem_shared>> -> memref<10240x128xf32, #tpu.memory_space<vmem_shared>>
          tpu.enqueue_indirect_dma source(%arg12 : memref<128x128xf32, #tpu.memory_space<vmem>>) target(%dma_start3A_283 : memref<10240x128xf32, #tpu.memory_space<vmem_shared>>) offsets(%dma_start3A_280 : memref<128xi32, #tpu.memory_space<vmem>>) semaphore(%run_scoped3A_277 : memref<!tpu.dma_semaphore, #tpu.memory_space<semaphore_mem>>) {add = true}
          %dma_wait3A_284 = arith.constant 0 : i32
          %dma_wait3A_285 = tpu.memref_slice %arg10[%run_scoped3A_259, %dma_wait3A_284] : memref<1x128xi32, #tpu.memory_space<vmem>> -> memref<1x128xi32, #tpu.memory_space<vmem>>
          %dma_wait3A_286 = tpu.memref_squeeze %dma_wait3A_285 : memref<1x128xi32, #tpu.memory_space<vmem>> -> memref<128xi32, #tpu.memory_space<vmem>>
          %dma_wait3A_287 = arith.constant 0 : i32
          %dma_wait3A_288 = arith.constant 0 : i32
          %dma_wait3A_289 = tpu.memref_slice %arg13[%dma_wait3A_287, %dma_wait3A_288] : memref<10240x128xf32, #tpu.memory_space<vmem_shared>> -> memref<10240x128xf32, #tpu.memory_space<vmem_shared>>
          tpu.wait_indirect_dma semaphore(%run_scoped3A_277 : memref<!tpu.dma_semaphore, #tpu.memory_space<semaphore_mem>>) src(%arg12 : memref<128x128xf32, #tpu.memory_space<vmem>>) dst(%dma_wait3A_289 : memref<10240x128xf32, #tpu.memory_space<vmem_shared>>)
          tpu.yield
        }) : () -> ()
        %add3A_260 = arith.constant 2 : i32
        %add3A_261 = arith.addi %add3A_244, %add3A_260 : i32
        %add3A_262 = arith.addi %add3A_102, %add3A_261 : i32
        %dma_start3A_263 = arith.constant 0 : i32
        %dma_start3A_264 = arith.constant 0 : i32
        %dma_start3A_265 = tpu.memref_slice %arg4[%add3A_262, %dma_start3A_263, %dma_start3A_264] : memref<2560x1x128xi32, #tpu.memory_space<hbm>> -> memref<1x1x128xi32, #tpu.memory_space<hbm>>
        %dma_start3A_266 = tpu.memref_squeeze %dma_start3A_265 : memref<1x1x128xi32, #tpu.memory_space<hbm>> -> memref<1x128xi32, #tpu.memory_space<hbm>>
        %dma_start3A_267 = arith.constant 0 : i32
        %dma_start3A_268 = arith.constant 0 : i32
        %dma_start3A_269 = tpu.memref_slice %arg4[%add3A_262, %dma_start3A_267, %dma_start3A_268] : memref<2560x1x128xi32, #tpu.memory_space<hbm>> -> memref<1x1x128xi32, #tpu.memory_space<hbm>>
        %dma_start3A_270 = tpu.memref_squeeze %dma_start3A_269 : memref<1x1x128xi32, #tpu.memory_space<hbm>> -> memref<1x128xi32, #tpu.memory_space<hbm>>
        tpu.enqueue_dma source(%dma_start3A_270 : memref<1x128xi32, #tpu.memory_space<hbm>>) target(%arg10 : memref<1x128xi32, #tpu.memory_space<vmem>>) target_semaphore(%arg17 : memref<!tpu.dma_semaphore, #tpu.memory_space<semaphore_mem>>)
        %mul3A_271 = arith.constant 128 : i32
        %mul3A_272 = arith.muli %add3A_261, %mul3A_271 : i32
        %dma_start3A_273 = tpu.memref_slice %arg8[%mul3A_272] : memref<10240xi32, #tpu.memory_space<vmem>> -> memref<128xi32, #tpu.memory_space<vmem>>
        %dma_start3A_274 = arith.constant 0 : i32
        %dma_start3A_275 = arith.constant 0 : i32
        %dma_start3A_276 = tpu.memref_slice %arg2[%dma_start3A_274, %dma_start3A_275] : memref<10000x128xf32, #tpu.memory_space<hbm>> -> memref<10000x128xf32, #tpu.memory_space<hbm>>
        tpu.enqueue_indirect_dma source(%dma_start3A_276 : memref<10000x128xf32, #tpu.memory_space<hbm>>) target(%arg12 : memref<128x128xf32, #tpu.memory_space<vmem>>) offsets(%dma_start3A_273 : memref<128xi32, #tpu.memory_space<vmem>>) semaphore(%arg15 : memref<!tpu.dma_semaphore, #tpu.memory_space<semaphore_mem>>)
      }
      %while3A_173 = arith.constant 1 : i32
      scf.for %while3A_204 = %while3A_171 to %while3A_167 step %while3A_173  : i32 {
        %mul3A_205 = arith.constant 2 : i32
        %mul3A_206 = arith.muli %while3A_204, %mul3A_205 : i32
        %add3A_207 = arith.constant 0 : i32
        %add3A_208 = arith.addi %mul3A_206, %add3A_207 : i32
        %dma_wait3A_209 = arith.constant 0 : i32
        %dma_wait3A_210 = arith.constant 0 : i32
        %dma_wait3A_211 = arith.constant 0 : i32
        %dma_wait3A_212 = tpu.memref_slice %arg4[%dma_wait3A_209, %dma_wait3A_210, %dma_wait3A_211] : memref<2560x1x128xi32, #tpu.memory_space<hbm>> -> memref<1x1x128xi32, #tpu.memory_space<hbm>>
        %dma_wait3A_213 = tpu.memref_squeeze %dma_wait3A_212 : memref<1x1x128xi32, #tpu.memory_space<hbm>> -> memref<1x128xi32, #tpu.memory_space<hbm>>
        %dma_wait3A_214 = arith.constant 0 : i32
        %dma_wait3A_215 = arith.constant 0 : i32
        %dma_wait3A_216 = tpu.memref_slice %arg4[%dma_wait3A_209, %dma_wait3A_214, %dma_wait3A_215] : memref<2560x1x128xi32, #tpu.memory_space<hbm>> -> memref<1x1x128xi32, #tpu.memory_space<hbm>>
        %dma_wait3A_217 = tpu.memref_squeeze %dma_wait3A_216 : memref<1x1x128xi32, #tpu.memory_space<hbm>> -> memref<1x128xi32, #tpu.memory_space<hbm>>
        tpu.wait_dma2 semaphore(%arg16 : memref<!tpu.dma_semaphore, #tpu.memory_space<semaphore_mem>>) src(%dma_wait3A_217 : memref<1x128xi32, #tpu.memory_space<hbm>>) dst(%arg9 : memref<1x128xi32, #tpu.memory_space<vmem>>)
        %dma_wait3A_218 = arith.constant 0 : i32
        %dma_wait3A_219 = tpu.memref_slice %arg8[%dma_wait3A_218] : memref<10240xi32, #tpu.memory_space<vmem>> -> memref<128xi32, #tpu.memory_space<vmem>>
        %dma_wait3A_220 = arith.constant 0 : i32
        %dma_wait3A_221 = arith.constant 0 : i32
        %dma_wait3A_222 = tpu.memref_slice %arg2[%dma_wait3A_220, %dma_wait3A_221] : memref<10000x128xf32, #tpu.memory_space<hbm>> -> memref<10000x128xf32, #tpu.memory_space<hbm>>
        tpu.wait_indirect_dma semaphore(%arg14 : memref<!tpu.dma_semaphore, #tpu.memory_space<semaphore_mem>>) src(%dma_wait3A_222 : memref<10000x128xf32, #tpu.memory_space<hbm>>) dst(%arg11 : memref<128x128xf32, #tpu.memory_space<vmem>>)
        %run_scoped3A_223 = arith.constant 0 : i32
        "tpu.region"() ({
          %run_scoped3A_277 = tpu.sem_alloc : memref<!tpu.dma_semaphore, #tpu.memory_space<semaphore_mem>>
          %dma_start3A_278 = arith.constant 0 : i32
          %dma_start3A_279 = tpu.memref_slice %arg9[%run_scoped3A_223, %dma_start3A_278] : memref<1x128xi32, #tpu.memory_space<vmem>> -> memref<1x128xi32, #tpu.memory_space<vmem>>
          %dma_start3A_280 = tpu.memref_squeeze %dma_start3A_279 : memref<1x128xi32, #tpu.memory_space<vmem>> -> memref<128xi32, #tpu.memory_space<vmem>>
          %dma_start3A_281 = arith.constant 0 : i32
          %dma_start3A_282 = arith.constant 0 : i32
          %dma_start3A_283 = tpu.memref_slice %arg13[%dma_start3A_281, %dma_start3A_282] : memref<10240x128xf32, #tpu.memory_space<vmem_shared>> -> memref<10240x128xf32, #tpu.memory_space<vmem_shared>>
          tpu.enqueue_indirect_dma source(%arg11 : memref<128x128xf32, #tpu.memory_space<vmem>>) target(%dma_start3A_283 : memref<10240x128xf32, #tpu.memory_space<vmem_shared>>) offsets(%dma_start3A_280 : memref<128xi32, #tpu.memory_space<vmem>>) semaphore(%run_scoped3A_277 : memref<!tpu.dma_semaphore, #tpu.memory_space<semaphore_mem>>) {add = true}
          %dma_wait3A_284 = arith.constant 0 : i32
          %dma_wait3A_285 = tpu.memref_slice %arg9[%run_scoped3A_223, %dma_wait3A_284] : memref<1x128xi32, #tpu.memory_space<vmem>> -> memref<1x128xi32, #tpu.memory_space<vmem>>
          %dma_wait3A_286 = tpu.memref_squeeze %dma_wait3A_285 : memref<1x128xi32, #tpu.memory_space<vmem>> -> memref<128xi32, #tpu.memory_space<vmem>>
          %dma_wait3A_287 = arith.constant 0 : i32
          %dma_wait3A_288 = arith.constant 0 : i32
          %dma_wait3A_289 = tpu.memref_slice %arg13[%dma_wait3A_287, %dma_wait3A_288] : memref<10240x128xf32, #tpu.memory_space<vmem_shared>> -> memref<10240x128xf32, #tpu.memory_space<vmem_shared>>
          tpu.wait_indirect_dma semaphore(%run_scoped3A_277 : memref<!tpu.dma_semaphore, #tpu.memory_space<semaphore_mem>>) src(%arg11 : memref<128x128xf32, #tpu.memory_space<vmem>>) dst(%dma_wait3A_289 : memref<10240x128xf32, #tpu.memory_space<vmem_shared>>)
          tpu.yield
        }) : () -> ()
        %add3A_224 = arith.constant 2 : i32
        %add3A_225 = arith.addi %add3A_208, %add3A_224 : i32
        %add3A_226 = arith.addi %add3A_102, %add3A_225 : i32
        %dma_start3A_227 = arith.constant 0 : i32
        %dma_start3A_228 = arith.constant 0 : i32
        %dma_start3A_229 = tpu.memref_slice %arg4[%add3A_226, %dma_start3A_227, %dma_start3A_228] : memref<2560x1x128xi32, #tpu.memory_space<hbm>> -> memref<1x1x128xi32, #tpu.memory_space<hbm>>
        %dma_start3A_230 = tpu.memref_squeeze %dma_start3A_229 : memref<1x1x128xi32, #tpu.memory_space<hbm>> -> memref<1x128xi32, #tpu.memory_space<hbm>>
        %dma_start3A_231 = arith.constant 0 : i32
        %dma_start3A_232 = arith.constant 0 : i32
        %dma_start3A_233 = tpu.memref_slice %arg4[%add3A_226, %dma_start3A_231, %dma_start3A_232] : memref<2560x1x128xi32, #tpu.memory_space<hbm>> -> memref<1x1x128xi32, #tpu.memory_space<hbm>>
        %dma_start3A_234 = tpu.memref_squeeze %dma_start3A_233 : memref<1x1x128xi32, #tpu.memory_space<hbm>> -> memref<1x128xi32, #tpu.memory_space<hbm>>
        tpu.enqueue_dma source(%dma_start3A_234 : memref<1x128xi32, #tpu.memory_space<hbm>>) target(%arg9 : memref<1x128xi32, #tpu.memory_space<vmem>>) target_semaphore(%arg16 : memref<!tpu.dma_semaphore, #tpu.memory_space<semaphore_mem>>)
        %mul3A_235 = arith.constant 128 : i32
        %mul3A_236 = arith.muli %add3A_225, %mul3A_235 : i32
        %dma_start3A_237 = tpu.memref_slice %arg8[%mul3A_236] : memref<10240xi32, #tpu.memory_space<vmem>> -> memref<128xi32, #tpu.memory_space<vmem>>
        %dma_start3A_238 = arith.constant 0 : i32
        %dma_start3A_239 = arith.constant 0 : i32
        %dma_start3A_240 = tpu.memref_slice %arg2[%dma_start3A_238, %dma_start3A_239] : memref<10000x128xf32, #tpu.memory_space<hbm>> -> memref<10000x128xf32, #tpu.memory_space<hbm>>
        tpu.enqueue_indirect_dma source(%dma_start3A_240 : memref<10000x128xf32, #tpu.memory_space<hbm>>) target(%arg11 : memref<128x128xf32, #tpu.memory_space<vmem>>) offsets(%dma_start3A_237 : memref<128xi32, #tpu.memory_space<vmem>>) semaphore(%arg14 : memref<!tpu.dma_semaphore, #tpu.memory_space<semaphore_mem>>)
        %mul3A_241 = arith.constant 2 : i32
        %mul3A_242 = arith.muli %while3A_204, %mul3A_241 : i32
        %add3A_243 = arith.constant 1 : i32
        %add3A_244 = arith.addi %mul3A_242, %add3A_243 : i32
        %dma_wait3A_245 = arith.constant 0 : i32
        %dma_wait3A_246 = arith.constant 0 : i32
        %dma_wait3A_247 = arith.constant 0 : i32
        %dma_wait3A_248 = tpu.memref_slice %arg4[%dma_wait3A_245, %dma_wait3A_246, %dma_wait3A_247] : memref<2560x1x128xi32, #tpu.memory_space<hbm>> -> memref<1x1x128xi32, #tpu.memory_space<hbm>>
        %dma_wait3A_249 = tpu.memref_squeeze %dma_wait3A_248 : memref<1x1x128xi32, #tpu.memory_space<hbm>> -> memref<1x128xi32, #tpu.memory_space<hbm>>
        %dma_wait3A_250 = arith.constant 0 : i32
        %dma_wait3A_251 = arith.constant 0 : i32
        %dma_wait3A_252 = tpu.memref_slice %arg4[%dma_wait3A_245, %dma_wait3A_250, %dma_wait3A_251] : memref<2560x1x128xi32, #tpu.memory_space<hbm>> -> memref<1x1x128xi32, #tpu.memory_space<hbm>>
        %dma_wait3A_253 = tpu.memref_squeeze %dma_wait3A_252 : memref<1x1x128xi32, #tpu.memory_space<hbm>> -> memref<1x128xi32, #tpu.memory_space<hbm>>
        tpu.wait_dma2 semaphore(%arg17 : memref<!tpu.dma_semaphore, #tpu.memory_space<semaphore_mem>>) src(%dma_wait3A_253 : memref<1x128xi32, #tpu.memory_space<hbm>>) dst(%arg10 : memref<1x128xi32, #tpu.memory_space<vmem>>)
        %dma_wait3A_254 = arith.constant 0 : i32
        %dma_wait3A_255 = tpu.memref_slice %arg8[%dma_wait3A_254] : memref<10240xi32, #tpu.memory_space<vmem>> -> memref<128xi32, #tpu.memory_space<vmem>>
        %dma_wait3A_256 = arith.constant 0 : i32
        %dma_wait3A_257 = arith.constant 0 : i32
        %dma_wait3A_258 = tpu.memref_slice %arg2[%dma_wait3A_256, %dma_wait3A_257] : memref<10000x128xf32, #tpu.memory_space<hbm>> -> memref<10000x128xf32, #tpu.memory_space<hbm>>
        tpu.wait_indirect_dma semaphore(%arg15 : memref<!tpu.dma_semaphore, #tpu.memory_space<semaphore_mem>>) src(%dma_wait3A_258 : memref<10000x128xf32, #tpu.memory_space<hbm>>) dst(%arg12 : memref<128x128xf32, #tpu.memory_space<vmem>>)
        %run_scoped3A_259 = arith.constant 0 : i32
        "tpu.region"() ({
          %run_scoped3A_277 = tpu.sem_alloc : memref<!tpu.dma_semaphore, #tpu.memory_space<semaphore_mem>>
          %dma_start3A_278 = arith.constant 0 : i32
          %dma_start3A_279 = tpu.memref_slice %arg10[%run_scoped3A_259, %dma_start3A_278] : memref<1x128xi32, #tpu.memory_space<vmem>> -> memref<1x128xi32, #tpu.memory_space<vmem>>
          %dma_start3A_280 = tpu.memref_squeeze %dma_start3A_279 : memref<1x128xi32, #tpu.memory_space<vmem>> -> memref<128xi32, #tpu.memory_space<vmem>>
          %dma_start3A_281 = arith.constant 0 : i32
          %dma_start3A_282 = arith.constant 0 : i32
          %dma_start3A_283 = tpu.memref_slice %arg13[%dma_start3A_281, %dma_start3A_282] : memref<10240x128xf32, #tpu.memory_space<vmem_shared>> -> memref<10240x128xf32, #tpu.memory_space<vmem_shared>>
          tpu.enqueue_indirect_dma source(%arg12 : memref<128x128xf32, #tpu.memory_space<vmem>>) target(%dma_start3A_283 : memref<10240x128xf32, #tpu.memory_space<vmem_shared>>) offsets(%dma_start3A_280 : memref<128xi32, #tpu.memory_space<vmem>>) semaphore(%run_scoped3A_277 : memref<!tpu.dma_semaphore, #tpu.memory_space<semaphore_mem>>) {add = true}
          %dma_wait3A_284 = arith.constant 0 : i32
          %dma_wait3A_285 = tpu.memref_slice %arg10[%run_scoped3A_259, %dma_wait3A_284] : memref<1x128xi32, #tpu.memory_space<vmem>> -> memref<1x128xi32, #tpu.memory_space<vmem>>
          %dma_wait3A_286 = tpu.memref_squeeze %dma_wait3A_285 : memref<1x128xi32, #tpu.memory_space<vmem>> -> memref<128xi32, #tpu.memory_space<vmem>>
          %dma_wait3A_287 = arith.constant 0 : i32
          %dma_wait3A_288 = arith.constant 0 : i32
          %dma_wait3A_289 = tpu.memref_slice %arg13[%dma_wait3A_287, %dma_wait3A_288] : memref<10240x128xf32, #tpu.memory_space<vmem_shared>> -> memref<10240x128xf32, #tpu.memory_space<vmem_shared>>
          tpu.wait_indirect_dma semaphore(%run_scoped3A_277 : memref<!tpu.dma_semaphore, #tpu.memory_space<semaphore_mem>>) src(%arg12 : memref<128x128xf32, #tpu.memory_space<vmem>>) dst(%dma_wait3A_289 : memref<10240x128xf32, #tpu.memory_space<vmem_shared>>)
          tpu.yield
        }) : () -> ()
        %add3A_260 = arith.constant 2 : i32
        %add3A_261 = arith.addi %add3A_244, %add3A_260 : i32
        %add3A_262 = arith.addi %add3A_102, %add3A_261 : i32
        %dma_start3A_263 = arith.constant 0 : i32
        %dma_start3A_264 = arith.constant 0 : i32
        %dma_start3A_265 = tpu.memref_slice %arg4[%add3A_262, %dma_start3A_263, %dma_start3A_264] : memref<2560x1x128xi32, #tpu.memory_space<hbm>> -> memref<1x1x128xi32, #tpu.memory_space<hbm>>
        %dma_start3A_266 = tpu.memref_squeeze %dma_start3A_265 : memref<1x1x128xi32, #tpu.memory_space<hbm>> -> memref<1x128xi32, #tpu.memory_space<hbm>>
        %dma_start3A_267 = arith.constant 0 : i32
        %dma_start3A_268 = arith.constant 0 : i32
        %dma_start3A_269 = tpu.memref_slice %arg4[%add3A_262, %dma_start3A_267, %dma_start3A_268] : memref<2560x1x128xi32, #tpu.memory_space<hbm>> -> memref<1x1x128xi32, #tpu.memory_space<hbm>>
        %dma_start3A_270 = tpu.memref_squeeze %dma_start3A_269 : memref<1x1x128xi32, #tpu.memory_space<hbm>> -> memref<1x128xi32, #tpu.memory_space<hbm>>
        tpu.enqueue_dma source(%dma_start3A_270 : memref<1x128xi32, #tpu.memory_space<hbm>>) target(%arg10 : memref<1x128xi32, #tpu.memory_space<vmem>>) target_semaphore(%arg17 : memref<!tpu.dma_semaphore, #tpu.memory_space<semaphore_mem>>)
        %mul3A_271 = arith.constant 128 : i32
        %mul3A_272 = arith.muli %add3A_261, %mul3A_271 : i32
        %dma_start3A_273 = tpu.memref_slice %arg8[%mul3A_272] : memref<10240xi32, #tpu.memory_space<vmem>> -> memref<128xi32, #tpu.memory_space<vmem>>
        %dma_start3A_274 = arith.constant 0 : i32
        %dma_start3A_275 = arith.constant 0 : i32
        %dma_start3A_276 = tpu.memref_slice %arg2[%dma_start3A_274, %dma_start3A_275] : memref<10000x128xf32, #tpu.memory_space<hbm>> -> memref<10000x128xf32, #tpu.memory_space<hbm>>
        tpu.enqueue_indirect_dma source(%dma_start3A_276 : memref<10000x128xf32, #tpu.memory_space<hbm>>) target(%arg12 : memref<128x128xf32, #tpu.memory_space<vmem>>) offsets(%dma_start3A_273 : memref<128xi32, #tpu.memory_space<vmem>>) semaphore(%arg15 : memref<!tpu.dma_semaphore, #tpu.memory_space<semaphore_mem>>)
      }
      %dma_wait3A_174 = arith.constant 0 : i32
      %dma_wait3A_175 = arith.constant 0 : i32
      %dma_wait3A_176 = arith.constant 0 : i32
      %dma_wait3A_177 = tpu.memref_slice %arg4[%dma_wait3A_174, %dma_wait3A_175, %dma_wait3A_176] : memref<2560x1x128xi32, #tpu.memory_space<hbm>> -> memref<1x1x128xi32, #tpu.memory_space<hbm>>
      %dma_wait3A_178 = tpu.memref_squeeze %dma_wait3A_177 : memref<1x1x128xi32, #tpu.memory_space<hbm>> -> memref<1x128xi32, #tpu.memory_space<hbm>>
      %dma_wait3A_179 = arith.constant 0 : i32
      %dma_wait3A_180 = arith.constant 0 : i32
      %dma_wait3A_181 = tpu.memref_slice %arg4[%dma_wait3A_174, %dma_wait3A_179, %dma_wait3A_180] : memref<2560x1x128xi32, #tpu.memory_space<hbm>> -> memref<1x1x128xi32, #tpu.memory_space<hbm>>
      %dma_wait3A_182 = tpu.memref_squeeze %dma_wait3A_181 : memref<1x1x128xi32, #tpu.memory_space<hbm>> -> memref<1x128xi32, #tpu.memory_space<hbm>>
      tpu.wait_dma2 semaphore(%arg16 : memref<!tpu.dma_semaphore, #tpu.memory_space<semaphore_mem>>) src(%dma_wait3A_182 : memref<1x128xi32, #tpu.memory_space<hbm>>) dst(%arg9 : memref<1x128xi32, #tpu.memory_space<vmem>>)
      %dma_wait3A_183 = arith.constant 0 : i32
      %dma_wait3A_184 = tpu.memref_slice %arg8[%dma_wait3A_183] : memref<10240xi32, #tpu.memory_space<vmem>> -> memref<128xi32, #tpu.memory_space<vmem>>
      %dma_wait3A_185 = arith.constant 0 : i32
      %dma_wait3A_186 = arith.constant 0 : i32
      %dma_wait3A_187 = tpu.memref_slice %arg2[%dma_wait3A_185, %dma_wait3A_186] : memref<10000x128xf32, #tpu.memory_space<hbm>> -> memref<10000x128xf32, #tpu.memory_space<hbm>>
      tpu.wait_indirect_dma semaphore(%arg14 : memref<!tpu.dma_semaphore, #tpu.memory_space<semaphore_mem>>) src(%dma_wait3A_187 : memref<10000x128xf32, #tpu.memory_space<hbm>>) dst(%arg11 : memref<128x128xf32, #tpu.memory_space<vmem>>)
      %run_scoped3A_188 = arith.constant 0 : i32
      "tpu.region"() ({
        %run_scoped3A_204 = tpu.sem_alloc : memref<!tpu.dma_semaphore, #tpu.memory_space<semaphore_mem>>
        %dma_start3A_205 = arith.constant 0 : i32
        %dma_start3A_206 = tpu.memref_slice %arg9[%run_scoped3A_188, %dma_start3A_205] : memref<1x128xi32, #tpu.memory_space<vmem>> -> memref<1x128xi32, #tpu.memory_space<vmem>>
        %dma_start3A_207 = tpu.memref_squeeze %dma_start3A_206 : memref<1x128xi32, #tpu.memory_space<vmem>> -> memref<128xi32, #tpu.memory_space<vmem>>
        %dma_start3A_208 = arith.constant 0 : i32
        %dma_start3A_209 = arith.constant 0 : i32
        %dma_start3A_210 = tpu.memref_slice %arg13[%dma_start3A_208, %dma_start3A_209] : memref<10240x128xf32, #tpu.memory_space<vmem_shared>> -> memref<10240x128xf32, #tpu.memory_space<vmem_shared>>
        tpu.enqueue_indirect_dma source(%arg11 : memref<128x128xf32, #tpu.memory_space<vmem>>) target(%dma_start3A_210 : memref<10240x128xf32, #tpu.memory_space<vmem_shared>>) offsets(%dma_start3A_207 : memref<128xi32, #tpu.memory_space<vmem>>) semaphore(%run_scoped3A_204 : memref<!tpu.dma_semaphore, #tpu.memory_space<semaphore_mem>>) {add = true}
        %dma_wait3A_211 = arith.constant 0 : i32
        %dma_wait3A_212 = tpu.memref_slice %arg9[%run_scoped3A_188, %dma_wait3A_211] : memref<1x128xi32, #tpu.memory_space<vmem>> -> memref<1x128xi32, #tpu.memory_space<vmem>>
        %dma_wait3A_213 = tpu.memref_squeeze %dma_wait3A_212 : memref<1x128xi32, #tpu.memory_space<vmem>> -> memref<128xi32, #tpu.memory_space<vmem>>
        %dma_wait3A_214 = arith.constant 0 : i32
        %dma_wait3A_215 = arith.constant 0 : i32
        %dma_wait3A_216 = tpu.memref_slice %arg13[%dma_wait3A_214, %dma_wait3A_215] : memref<10240x128xf32, #tpu.memory_space<vmem_shared>> -> memref<10240x128xf32, #tpu.memory_space<vmem_shared>>
        tpu.wait_indirect_dma semaphore(%run_scoped3A_204 : memref<!tpu.dma_semaphore, #tpu.memory_space<semaphore_mem>>) src(%arg11 : memref<128x128xf32, #tpu.memory_space<vmem>>) dst(%dma_wait3A_216 : memref<10240x128xf32, #tpu.memory_space<vmem_shared>>)
        tpu.yield
      }) : () -> ()
      %dma_wait3A_189 = arith.constant 0 : i32
      %dma_wait3A_190 = arith.constant 0 : i32
      %dma_wait3A_191 = arith.constant 0 : i32
      %dma_wait3A_192 = tpu.memref_slice %arg4[%dma_wait3A_189, %dma_wait3A_190, %dma_wait3A_191] : memref<2560x1x128xi32, #tpu.memory_space<hbm>> -> memref<1x1x128xi32, #tpu.memory_space<hbm>>
      %dma_wait3A_193 = tpu.memref_squeeze %dma_wait3A_192 : memref<1x1x128xi32, #tpu.memory_space<hbm>> -> memref<1x128xi32, #tpu.memory_space<hbm>>
      %dma_wait3A_194 = arith.constant 0 : i32
      %dma_wait3A_195 = arith.constant 0 : i32
      %dma_wait3A_196 = tpu.memref_slice %arg4[%dma_wait3A_189, %dma_wait3A_194, %dma_wait3A_195] : memref<2560x1x128xi32, #tpu.memory_space<hbm>> -> memref<1x1x128xi32, #tpu.memory_space<hbm>>
      %dma_wait3A_197 = tpu.memref_squeeze %dma_wait3A_196 : memref<1x1x128xi32, #tpu.memory_space<hbm>> -> memref<1x128xi32, #tpu.memory_space<hbm>>
      tpu.wait_dma2 semaphore(%arg17 : memref<!tpu.dma_semaphore, #tpu.memory_space<semaphore_mem>>) src(%dma_wait3A_197 : memref<1x128xi32, #tpu.memory_space<hbm>>) dst(%arg10 : memref<1x128xi32, #tpu.memory_space<vmem>>)
      %dma_wait3A_198 = arith.constant 0 : i32
      %dma_wait3A_199 = tpu.memref_slice %arg8[%dma_wait3A_198] : memref<10240xi32, #tpu.memory_space<vmem>> -> memref<128xi32, #tpu.memory_space<vmem>>
      %dma_wait3A_200 = arith.constant 0 : i32
      %dma_wait3A_201 = arith.constant 0 : i32
      %dma_wait3A_202 = tpu.memref_slice %arg2[%dma_wait3A_200, %dma_wait3A_201] : memref<10000x128xf32, #tpu.memory_space<hbm>> -> memref<10000x128xf32, #tpu.memory_space<hbm>>
      tpu.wait_indirect_dma semaphore(%arg15 : memref<!tpu.dma_semaphore, #tpu.memory_space<semaphore_mem>>) src(%dma_wait3A_202 : memref<10000x128xf32, #tpu.memory_space<hbm>>) dst(%arg12 : memref<128x128xf32, #tpu.memory_space<vmem>>)
      %run_scoped3A_203 = arith.constant 0 : i32
      "tpu.region"() ({
        %run_scoped3A_204 = tpu.sem_alloc : memref<!tpu.dma_semaphore, #tpu.memory_space<semaphore_mem>>
        %dma_start3A_205 = arith.constant 0 : i32
        %dma_start3A_206 = tpu.memref_slice %arg10[%run_scoped3A_203, %dma_start3A_205] : memref<1x128xi32, #tpu.memory_space<vmem>> -> memref<1x128xi32, #tpu.memory_space<vmem>>
        %dma_start3A_207 = tpu.memref_squeeze %dma_start3A_206 : memref<1x128xi32, #tpu.memory_space<vmem>> -> memref<128xi32, #tpu.memory_space<vmem>>
        %dma_start3A_208 = arith.constant 0 : i32
        %dma_start3A_209 = arith.constant 0 : i32
        %dma_start3A_210 = tpu.memref_slice %arg13[%dma_start3A_208, %dma_start3A_209] : memref<10240x128xf32, #tpu.memory_space<vmem_shared>> -> memref<10240x128xf32, #tpu.memory_space<vmem_shared>>
        tpu.enqueue_indirect_dma source(%arg12 : memref<128x128xf32, #tpu.memory_space<vmem>>) target(%dma_start3A_210 : memref<10240x128xf32, #tpu.memory_space<vmem_shared>>) offsets(%dma_start3A_207 : memref<128xi32, #tpu.memory_space<vmem>>) semaphore(%run_scoped3A_204 : memref<!tpu.dma_semaphore, #tpu.memory_space<semaphore_mem>>) {add = true}
        %dma_wait3A_211 = arith.constant 0 : i32
        %dma_wait3A_212 = tpu.memref_slice %arg10[%run_scoped3A_203, %dma_wait3A_211] : memref<1x128xi32, #tpu.memory_space<vmem>> -> memref<1x128xi32, #tpu.memory_space<vmem>>
        %dma_wait3A_213 = tpu.memref_squeeze %dma_wait3A_212 : memref<1x128xi32, #tpu.memory_space<vmem>> -> memref<128xi32, #tpu.memory_space<vmem>>
        %dma_wait3A_214 = arith.constant 0 : i32
        %dma_wait3A_215 = arith.constant 0 : i32
        %dma_wait3A_216 = tpu.memref_slice %arg13[%dma_wait3A_214, %dma_wait3A_215] : memref<10240x128xf32, #tpu.memory_space<vmem_shared>> -> memref<10240x128xf32, #tpu.memory_space<vmem_shared>>
        tpu.wait_indirect_dma semaphore(%run_scoped3A_204 : memref<!tpu.dma_semaphore, #tpu.memory_space<semaphore_mem>>) src(%arg12 : memref<128x128xf32, #tpu.memory_space<vmem>>) dst(%dma_wait3A_216 : memref<10240x128xf32, #tpu.memory_space<vmem_shared>>)
        tpu.yield
      }) : () -> ()
    } else {
    }
    %barrier3A_100 = arith.constant 0 : index
    tpu.barrier barrier_id(%barrier3A_100)
    "tpu.region"() ({
      %run_scoped3A_101 = tpu.sem_alloc : memref<!tpu.dma_semaphore, #tpu.memory_space<semaphore_mem>>
      %dma_start3A_102 = arith.constant 0 : i32
      %dma_start3A_103 = tpu.memref_slice %arg7[%arg0, %mul3A_0, %dma_start3A_102] : memref<2x10240x128xf32, #tpu.memory_space<hbm>> -> memref<1x640x128xf32, #tpu.memory_space<hbm>>
      %dma_start3A_104 = tpu.memref_squeeze %dma_start3A_103 : memref<1x640x128xf32, #tpu.memory_space<hbm>> -> memref<640x128xf32, #tpu.memory_space<hbm>>
      %dma_start3A_105 = arith.constant 0 : i32
      %dma_start3A_106 = tpu.memref_slice %arg13[%mul3A_0, %dma_start3A_105] : memref<10240x128xf32, #tpu.memory_space<vmem_shared>> -> memref<640x128xf32, #tpu.memory_space<vmem_shared>>
      tpu.enqueue_dma source(%dma_start3A_106 : memref<640x128xf32, #tpu.memory_space<vmem_shared>>) target(%dma_start3A_104 : memref<640x128xf32, #tpu.memory_space<hbm>>) target_semaphore(%run_scoped3A_101 : memref<!tpu.dma_semaphore, #tpu.memory_space<semaphore_mem>>)
      %dma_wait3A_107 = arith.constant 0 : i32
      %dma_wait3A_108 = tpu.memref_slice %arg7[%arg0, %mul3A_0, %dma_wait3A_107] : memref<2x10240x128xf32, #tpu.memory_space<hbm>> -> memref<1x640x128xf32, #tpu.memory_space<hbm>>
      %dma_wait3A_109 = tpu.memref_squeeze %dma_wait3A_108 : memref<1x640x128xf32, #tpu.memory_space<hbm>> -> memref<640x128xf32, #tpu.memory_space<hbm>>
      %dma_wait3A_110 = arith.constant 0 : i32
      %dma_wait3A_111 = tpu.memref_slice %arg13[%mul3A_0, %dma_wait3A_110] : memref<10240x128xf32, #tpu.memory_space<vmem_shared>> -> memref<640x128xf32, #tpu.memory_space<vmem_shared>>
      tpu.wait_dma2 semaphore(%run_scoped3A_101 : memref<!tpu.dma_semaphore, #tpu.memory_space<semaphore_mem>>) src(%dma_wait3A_111 : memref<640x128xf32, #tpu.memory_space<vmem_shared>>) dst(%dma_wait3A_109 : memref<640x128xf32, #tpu.memory_space<hbm>>)
      tpu.yield
    }) : () -> ()
    return
  }
}

#map = affine_map<(d0, d1) -> (0, 0)>
#map1 = affine_map<(d0, d1) -> (0)>
#map2 = affine_map<(d0, d1) -> (0, 0, 0)>
module attributes {stable_mosaic.version = 14 : i64} {
  func.func @body(%arg0: i32, %arg1: i32, %arg2: memref<10000x128xf32, #tpu.memory_space<hbm>>, %arg3: memref<337920xi32, #tpu.memory_space<hbm>>, %arg4: memref<2560x1x128xi32, #tpu.memory_space<hbm>>, %arg5: memref<10240x128xf32, #tpu.memory_space<hbm>>, %arg6: memref<10240xf32, #tpu.memory_space<hbm>>, %arg7: memref<2x10240x128xf32, #tpu.memory_space<hbm>>, %arg8: memref<10240xi32, #tpu.memory_space<vmem>>, %arg9: memref<1x128xi32, #tpu.memory_space<vmem>>, %arg10: memref<1x128xi32, #tpu.memory_space<vmem>>, %arg11: memref<128x128xf32, #tpu.memory_space<vmem>>, %arg12: memref<128x128xf32, #tpu.memory_space<vmem>>, %arg13: memref<10240x128xf32, #tpu.memory_space<vmem_shared>>, %arg14: memref<!tpu.dma_semaphore, #tpu.memory_space<semaphore_mem>>, %arg15: memref<!tpu.dma_semaphore, #tpu.memory_space<semaphore_mem>>, %arg16: memref<!tpu.dma_semaphore, #tpu.memory_space<semaphore_mem>>, %arg17: memref<!tpu.dma_semaphore, #tpu.memory_space<semaphore_mem>>) attributes {dimension_semantics = [#tpu.dimension_semantics<core_parallel>, #tpu.dimension_semantics<subcore_parallel>], iteration_bounds = array<i64: 2, 16>, scalar_prefetch = 0 : i64, scratch_operands = 10 : i64, tpu.core_type = #tpu.core_type<sc_vector_subcore>, window_params = [{transform_indices = #map}, {transform_indices = #map1}, {transform_indices = #map2}, {transform_indices = #map}, {transform_indices = #map1}, {transform_indices = #map2}]} {
    %mul3A = arith.constant 640 : i32
    %mul3A_0 = arith.muli %arg1, %mul3A : i32
    %eq3A = arith.constant 0 : i32
    %eq3A_1 = arith.cmpi eq, %arg0, %eq3A : i32
    %jit3A = arith.constant 80 : i32
    %jit3A_2 = arith.constant 80 : i32
    %select_n3A = arith.select %eq3A_1, %jit3A, %jit3A_2 : i32
    %mul3A_3 = arith.constant 80 : i32
    %mul3A_4 = arith.muli %arg1, %mul3A_3 : i32
    %mul3A_5 = arith.constant 80 : i32
    %mul3A_6 = arith.muli %arg1, %mul3A_5 : i32
    %add3A = arith.constant 1280 : i32
    %add3A_7 = arith.addi %add3A, %mul3A_6 : i32
    %select_n3A_8 = arith.select %eq3A_1, %mul3A_4, %add3A_7 : i32
    "tpu.region"() ({
      %run_scoped3A_101 = tpu.sem_alloc : memref<!tpu.dma_semaphore, #tpu.memory_space<semaphore_mem>>
      %dma_start3A_102 = arith.constant 0 : i32
      %dma_start3A_103 = tpu.memref_slice %arg13[%mul3A_0, %dma_start3A_102] : memref<10240x128xf32, #tpu.memory_space<vmem_shared>> -> memref<640x128xf32, #tpu.memory_space<vmem_shared>>
      %dma_start3A_104 = arith.constant 0 : i32
      %dma_start3A_105 = tpu.memref_slice %arg5[%mul3A_0, %dma_start3A_104] : memref<10240x128xf32, #tpu.memory_space<hbm>> -> memref<640x128xf32, #tpu.memory_space<hbm>>
      tpu.enqueue_dma source(%dma_start3A_105 : memref<640x128xf32, #tpu.memory_space<hbm>>) target(%dma_start3A_103 : memref<640x128xf32, #tpu.memory_space<vmem_shared>>) target_semaphore(%run_scoped3A_101 : memref<!tpu.dma_semaphore, #tpu.memory_space<semaphore_mem>>)
      %dma_wait3A_106 = arith.constant 0 : i32
      %dma_wait3A_107 = tpu.memref_slice %arg13[%mul3A_0, %dma_wait3A_106] : memref<10240x128xf32, #tpu.memory_space<vmem_shared>> -> memref<640x128xf32, #tpu.memory_space<vmem_shared>>
      %dma_wait3A_108 = arith.constant 0 : i32
      %dma_wait3A_109 = tpu.memref_slice %arg5[%mul3A_0, %dma_wait3A_108] : memref<10240x128xf32, #tpu.memory_space<hbm>> -> memref<640x128xf32, #tpu.memory_space<hbm>>
      tpu.wait_dma2 semaphore(%run_scoped3A_101 : memref<!tpu.dma_semaphore, #tpu.memory_space<semaphore_mem>>) src(%dma_wait3A_109 : memref<640x128xf32, #tpu.memory_space<hbm>>) dst(%dma_wait3A_107 : memref<640x128xf32, #tpu.memory_space<vmem_shared>>)
      tpu.yield
    }) : () -> ()
    %barrier3A = arith.constant 0 : index
    tpu.barrier barrier_id(%barrier3A)
    %min3A = arith.constant 80 : i32
    %min3A_9 = arith.minsi %select_n3A, %min3A : i32
    %mul3A_10 = arith.constant 128 : i32
    %mul3A_11 = arith.muli %select_n3A_8, %mul3A_10 : i32
    %multiple_of3A = tpu.assume_multiple %mul3A_11, 128 : i32
    "tpu.region"() ({
      %run_scoped3A_101 = tpu.sem_alloc : memref<!tpu.dma_semaphore, #tpu.memory_space<semaphore_mem>>
      %dma_start3A_102 = tpu.memref_slice %arg3[%multiple_of3A] : memref<337920xi32, #tpu.memory_space<hbm>> -> memref<10240xi32, #tpu.memory_space<hbm>>
      %dma_start3A_103 = tpu.memref_slice %arg3[%multiple_of3A] : memref<337920xi32, #tpu.memory_space<hbm>> -> memref<10240xi32, #tpu.memory_space<hbm>>
      tpu.enqueue_dma source(%dma_start3A_103 : memref<10240xi32, #tpu.memory_space<hbm>>) target(%arg8 : memref<10240xi32, #tpu.memory_space<vmem>>) target_semaphore(%run_scoped3A_101 : memref<!tpu.dma_semaphore, #tpu.memory_space<semaphore_mem>>)
      %dma_wait3A_104 = tpu.memref_slice %arg3[%multiple_of3A] : memref<337920xi32, #tpu.memory_space<hbm>> -> memref<10240xi32, #tpu.memory_space<hbm>>
      %dma_wait3A_105 = tpu.memref_slice %arg3[%multiple_of3A] : memref<337920xi32, #tpu.memory_space<hbm>> -> memref<10240xi32, #tpu.memory_space<hbm>>
      tpu.wait_dma2 semaphore(%run_scoped3A_101 : memref<!tpu.dma_semaphore, #tpu.memory_space<semaphore_mem>>) src(%dma_wait3A_105 : memref<10240xi32, #tpu.memory_space<hbm>>) dst(%arg8 : memref<10240xi32, #tpu.memory_space<vmem>>)
      tpu.yield
    }) : () -> ()
    %add3A_12 = arith.constant 0 : i32
    %add3A_13 = arith.addi %select_n3A_8, %add3A_12 : i32
    %dma_start3A = arith.constant 0 : i32
    %dma_start3A_14 = arith.constant 0 : i32
    %dma_start3A_15 = tpu.memref_slice %arg4[%add3A_13, %dma_start3A, %dma_start3A_14] : memref<2560x1x128xi32, #tpu.memory_space<hbm>> -> memref<1x1x128xi32, #tpu.memory_space<hbm>>
    %dma_start3A_16 = tpu.memref_squeeze %dma_start3A_15 : memref<1x1x128xi32, #tpu.memory_space<hbm>> -> memref<1x128xi32, #tpu.memory_space<hbm>>
    %dma_start3A_17 = arith.constant 0 : i32
    %dma_start3A_18 = arith.constant 0 : i32
    %dma_start3A_19 = tpu.memref_slice %arg4[%add3A_13, %dma_start3A_17, %dma_start3A_18] : memref<2560x1x128xi32, #tpu.memory_space<hbm>> -> memref<1x1x128xi32, #tpu.memory_space<hbm>>
    %dma_start3A_20 = tpu.memref_squeeze %dma_start3A_19 : memref<1x1x128xi32, #tpu.memory_space<hbm>> -> memref<1x128xi32, #tpu.memory_space<hbm>>
    tpu.enqueue_dma source(%dma_start3A_20 : memref<1x128xi32, #tpu.memory_space<hbm>>) target(%arg9 : memref<1x128xi32, #tpu.memory_space<vmem>>) target_semaphore(%arg16 : memref<!tpu.dma_semaphore, #tpu.memory_space<semaphore_mem>>)
    %dma_start3A_21 = arith.constant 0 : i32
    %dma_start3A_22 = tpu.memref_slice %arg8[%dma_start3A_21] : memref<10240xi32, #tpu.memory_space<vmem>> -> memref<128xi32, #tpu.memory_space<vmem>>
    %dma_start3A_23 = arith.constant 0 : i32
    %dma_start3A_24 = arith.constant 0 : i32
    %dma_start3A_25 = tpu.memref_slice %arg2[%dma_start3A_23, %dma_start3A_24] : memref<10000x128xf32, #tpu.memory_space<hbm>> -> memref<10000x128xf32, #tpu.memory_space<hbm>>
    tpu.enqueue_indirect_dma source(%dma_start3A_25 : memref<10000x128xf32, #tpu.memory_space<hbm>>) target(%arg11 : memref<128x128xf32, #tpu.memory_space<vmem>>) offsets(%dma_start3A_22 : memref<128xi32, #tpu.memory_space<vmem>>) semaphore(%arg14 : memref<!tpu.dma_semaphore, #tpu.memory_space<semaphore_mem>>)
    %add3A_26 = arith.constant 1 : i32
    %add3A_27 = arith.addi %select_n3A_8, %add3A_26 : i32
    %dma_start3A_28 = arith.constant 0 : i32
    %dma_start3A_29 = arith.constant 0 : i32
    %dma_start3A_30 = tpu.memref_slice %arg4[%add3A_27, %dma_start3A_28, %dma_start3A_29] : memref<2560x1x128xi32, #tpu.memory_space<hbm>> -> memref<1x1x128xi32, #tpu.memory_space<hbm>>
    %dma_start3A_31 = tpu.memref_squeeze %dma_start3A_30 : memref<1x1x128xi32, #tpu.memory_space<hbm>> -> memref<1x128xi32, #tpu.memory_space<hbm>>
    %dma_start3A_32 = arith.constant 0 : i32
    %dma_start3A_33 = arith.constant 0 : i32
    %dma_start3A_34 = tpu.memref_slice %arg4[%add3A_27, %dma_start3A_32, %dma_start3A_33] : memref<2560x1x128xi32, #tpu.memory_space<hbm>> -> memref<1x1x128xi32, #tpu.memory_space<hbm>>
    %dma_start3A_35 = tpu.memref_squeeze %dma_start3A_34 : memref<1x1x128xi32, #tpu.memory_space<hbm>> -> memref<1x128xi32, #tpu.memory_space<hbm>>
    tpu.enqueue_dma source(%dma_start3A_35 : memref<1x128xi32, #tpu.memory_space<hbm>>) target(%arg10 : memref<1x128xi32, #tpu.memory_space<vmem>>) target_semaphore(%arg17 : memref<!tpu.dma_semaphore, #tpu.memory_space<semaphore_mem>>)
    %dma_start3A_36 = arith.constant 128 : i32
    %dma_start3A_37 = tpu.memref_slice %arg8[%dma_start3A_36] : memref<10240xi32, #tpu.memory_space<vmem>> -> memref<128xi32, #tpu.memory_space<vmem>>
    %dma_start3A_38 = arith.constant 0 : i32
    %dma_start3A_39 = arith.constant 0 : i32
    %dma_start3A_40 = tpu.memref_slice %arg2[%dma_start3A_38, %dma_start3A_39] : memref<10000x128xf32, #tpu.memory_space<hbm>> -> memref<10000x128xf32, #tpu.memory_space<hbm>>
    tpu.enqueue_indirect_dma source(%dma_start3A_40 : memref<10000x128xf32, #tpu.memory_space<hbm>>) target(%arg12 : memref<128x128xf32, #tpu.memory_space<vmem>>) offsets(%dma_start3A_37 : memref<128xi32, #tpu.memory_space<vmem>>) semaphore(%arg15 : memref<!tpu.dma_semaphore, #tpu.memory_space<semaphore_mem>>)
    %jit3A_41 = arith.constant 2 : i32
    %div3A = arith.divsi %min3A_9, %jit3A_41 : i32
    %sign3A = arith.constant 0 : i32
    %sign3A_42 = arith.cmpi sgt, %min3A_9, %sign3A : i32
    %sign3A_43 = arith.extui %sign3A_42 : i1 to i32
    %sign3A_44 = arith.constant 0 : i32
    %sign3A_45 = arith.cmpi slt, %min3A_9, %sign3A_44 : i32
    %sign3A_46 = arith.extui %sign3A_45 : i1 to i32
    %sign3A_47 = arith.subi %sign3A_43, %sign3A_46 : i32
    %sign3A_48 = arith.constant 0 : i32
    %sign3A_49 = arith.cmpi sgt, %jit3A_41, %sign3A_48 : i32
    %sign3A_50 = arith.extui %sign3A_49 : i1 to i32
    %sign3A_51 = arith.constant 0 : i32
    %sign3A_52 = arith.cmpi slt, %jit3A_41, %sign3A_51 : i32
    %sign3A_53 = arith.extui %sign3A_52 : i1 to i32
    %sign3A_54 = arith.subi %sign3A_50, %sign3A_53 : i32
    %ne3A = arith.cmpi ne, %sign3A_47, %sign3A_54 : i32
    %rem3A = arith.remsi %min3A_9, %jit3A_41 : i32
    %ne3A_55 = arith.constant 0 : i32
    %ne3A_56 = arith.cmpi ne, %rem3A, %ne3A_55 : i32
    %and3A = arith.andi %ne3A, %ne3A_56 : i1
    %sub3A = arith.constant 1 : i32
    %sub3A_57 = arith.subi %div3A, %sub3A : i32
    %select_n3A_58 = arith.select %and3A, %sub3A_57, %div3A : i32
    %sub3A_59 = arith.constant 1 : i32
    %sub3A_60 = arith.subi %select_n3A_58, %sub3A_59 : i32
    %while3A = arith.constant 0 : i32
    %while3A_61 = arith.constant 0 : i32
    %while3A_62 = arith.subi %sub3A_60, %while3A_61 : i32
    %while3A_63 = arith.addi %while3A_61, %while3A_62 : i32
    %while3A_64 = arith.constant 1 : i32
    %while3A_65 = arith.divsi %while3A_62, %while3A_64 : i32
    %while3A_66 = arith.muli %while3A_65, %while3A_64 : i32
    %while3A_67 = arith.addi %while3A_61, %while3A_66 : i32
    %while3A_68 = arith.constant 1 : i32
    scf.for %while3A_101 = %while3A_61 to %while3A_67 step %while3A_68  : i32 {
      %mul3A_102 = arith.constant 2 : i32
      %mul3A_103 = arith.muli %while3A_101, %mul3A_102 : i32
      %add3A_104 = arith.constant 0 : i32
      %add3A_105 = arith.addi %mul3A_103, %add3A_104 : i32
      %dma_wait3A_106 = arith.constant 0 : i32
      %dma_wait3A_107 = arith.constant 0 : i32
      %dma_wait3A_108 = arith.constant 0 : i32
      %dma_wait3A_109 = tpu.memref_slice %arg4[%dma_wait3A_106, %dma_wait3A_107, %dma_wait3A_108] : memref<2560x1x128xi32, #tpu.memory_space<hbm>> -> memref<1x1x128xi32, #tpu.memory_space<hbm>>
      %dma_wait3A_110 = tpu.memref_squeeze %dma_wait3A_109 : memref<1x1x128xi32, #tpu.memory_space<hbm>> -> memref<1x128xi32, #tpu.memory_space<hbm>>
      %dma_wait3A_111 = arith.constant 0 : i32
      %dma_wait3A_112 = arith.constant 0 : i32
      %dma_wait3A_113 = tpu.memref_slice %arg4[%dma_wait3A_106, %dma_wait3A_111, %dma_wait3A_112] : memref<2560x1x128xi32, #tpu.memory_space<hbm>> -> memref<1x1x128xi32, #tpu.memory_space<hbm>>
      %dma_wait3A_114 = tpu.memref_squeeze %dma_wait3A_113 : memref<1x1x128xi32, #tpu.memory_space<hbm>> -> memref<1x128xi32, #tpu.memory_space<hbm>>
      tpu.wait_dma2 semaphore(%arg16 : memref<!tpu.dma_semaphore, #tpu.memory_space<semaphore_mem>>) src(%dma_wait3A_114 : memref<1x128xi32, #tpu.memory_space<hbm>>) dst(%arg9 : memref<1x128xi32, #tpu.memory_space<vmem>>)
      %dma_wait3A_115 = arith.constant 0 : i32
      %dma_wait3A_116 = tpu.memref_slice %arg8[%dma_wait3A_115] : memref<10240xi32, #tpu.memory_space<vmem>> -> memref<128xi32, #tpu.memory_space<vmem>>
      %dma_wait3A_117 = arith.constant 0 : i32
      %dma_wait3A_118 = arith.constant 0 : i32
      %dma_wait3A_119 = tpu.memref_slice %arg2[%dma_wait3A_117, %dma_wait3A_118] : memref<10000x128xf32, #tpu.memory_space<hbm>> -> memref<10000x128xf32, #tpu.memory_space<hbm>>
      tpu.wait_indirect_dma semaphore(%arg14 : memref<!tpu.dma_semaphore, #tpu.memory_space<semaphore_mem>>) src(%dma_wait3A_119 : memref<10000x128xf32, #tpu.memory_space<hbm>>) dst(%arg11 : memref<128x128xf32, #tpu.memory_space<vmem>>)
      %run_scoped3A_120 = arith.constant 0 : i32
      "tpu.region"() ({
        %run_scoped3A_174 = tpu.sem_alloc : memref<!tpu.dma_semaphore, #tpu.memory_space<semaphore_mem>>
        %dma_start3A_175 = arith.constant 0 : i32
        %dma_start3A_176 = tpu.memref_slice %arg9[%run_scoped3A_120, %dma_start3A_175] : memref<1x128xi32, #tpu.memory_space<vmem>> -> memref<1x128xi32, #tpu.memory_space<vmem>>
        %dma_start3A_177 = tpu.memref_squeeze %dma_start3A_176 : memref<1x128xi32, #tpu.memory_space<vmem>> -> memref<128xi32, #tpu.memory_space<vmem>>
        %dma_start3A_178 = arith.constant 0 : i32
        %dma_start3A_179 = arith.constant 0 : i32
        %dma_start3A_180 = tpu.memref_slice %arg13[%dma_start3A_178, %dma_start3A_179] : memref<10240x128xf32, #tpu.memory_space<vmem_shared>> -> memref<10240x128xf32, #tpu.memory_space<vmem_shared>>
        tpu.enqueue_indirect_dma source(%arg11 : memref<128x128xf32, #tpu.memory_space<vmem>>) target(%dma_start3A_180 : memref<10240x128xf32, #tpu.memory_space<vmem_shared>>) offsets(%dma_start3A_177 : memref<128xi32, #tpu.memory_space<vmem>>) semaphore(%run_scoped3A_174 : memref<!tpu.dma_semaphore, #tpu.memory_space<semaphore_mem>>) {add = true}
        %dma_wait3A_181 = arith.constant 0 : i32
        %dma_wait3A_182 = tpu.memref_slice %arg9[%run_scoped3A_120, %dma_wait3A_181] : memref<1x128xi32, #tpu.memory_space<vmem>> -> memref<1x128xi32, #tpu.memory_space<vmem>>
        %dma_wait3A_183 = tpu.memref_squeeze %dma_wait3A_182 : memref<1x128xi32, #tpu.memory_space<vmem>> -> memref<128xi32, #tpu.memory_space<vmem>>
        %dma_wait3A_184 = arith.constant 0 : i32
        %dma_wait3A_185 = arith.constant 0 : i32
        %dma_wait3A_186 = tpu.memref_slice %arg13[%dma_wait3A_184, %dma_wait3A_185] : memref<10240x128xf32, #tpu.memory_space<vmem_shared>> -> memref<10240x128xf32, #tpu.memory_space<vmem_shared>>
        tpu.wait_indirect_dma semaphore(%run_scoped3A_174 : memref<!tpu.dma_semaphore, #tpu.memory_space<semaphore_mem>>) src(%arg11 : memref<128x128xf32, #tpu.memory_space<vmem>>) dst(%dma_wait3A_186 : memref<10240x128xf32, #tpu.memory_space<vmem_shared>>)
        tpu.yield
      }) : () -> ()
      %add3A_121 = arith.constant 2 : i32
      %add3A_122 = arith.addi %add3A_105, %add3A_121 : i32
      %add3A_123 = arith.addi %select_n3A_8, %add3A_122 : i32
      %dma_start3A_124 = arith.constant 0 : i32
      %dma_start3A_125 = arith.constant 0 : i32
      %dma_start3A_126 = tpu.memref_slice %arg4[%add3A_123, %dma_start3A_124, %dma_start3A_125] : memref<2560x1x128xi32, #tpu.memory_space<hbm>> -> memref<1x1x128xi32, #tpu.memory_space<hbm>>
      %dma_start3A_127 = tpu.memref_squeeze %dma_start3A_126 : memref<1x1x128xi32, #tpu.memory_space<hbm>> -> memref<1x128xi32, #tpu.memory_space<hbm>>
      %dma_start3A_128 = arith.constant 0 : i32
      %dma_start3A_129 = arith.constant 0 : i32
      %dma_start3A_130 = tpu.memref_slice %arg4[%add3A_123, %dma_start3A_128, %dma_start3A_129] : memref<2560x1x128xi32, #tpu.memory_space<hbm>> -> memref<1x1x128xi32, #tpu.memory_space<hbm>>
      %dma_start3A_131 = tpu.memref_squeeze %dma_start3A_130 : memref<1x1x128xi32, #tpu.memory_space<hbm>> -> memref<1x128xi32, #tpu.memory_space<hbm>>
      tpu.enqueue_dma source(%dma_start3A_131 : memref<1x128xi32, #tpu.memory_space<hbm>>) target(%arg9 : memref<1x128xi32, #tpu.memory_space<vmem>>) target_semaphore(%arg16 : memref<!tpu.dma_semaphore, #tpu.memory_space<semaphore_mem>>)
      %mul3A_132 = arith.constant 128 : i32
      %mul3A_133 = arith.muli %add3A_122, %mul3A_132 : i32
      %dma_start3A_134 = tpu.memref_slice %arg8[%mul3A_133] : memref<10240xi32, #tpu.memory_space<vmem>> -> memref<128xi32, #tpu.memory_space<vmem>>
      %dma_start3A_135 = arith.constant 0 : i32
      %dma_start3A_136 = arith.constant 0 : i32
      %dma_start3A_137 = tpu.memref_slice %arg2[%dma_start3A_135, %dma_start3A_136] : memref<10000x128xf32, #tpu.memory_space<hbm>> -> memref<10000x128xf32, #tpu.memory_space<hbm>>
      tpu.enqueue_indirect_dma source(%dma_start3A_137 : memref<10000x128xf32, #tpu.memory_space<hbm>>) target(%arg11 : memref<128x128xf32, #tpu.memory_space<vmem>>) offsets(%dma_start3A_134 : memref<128xi32, #tpu.memory_space<vmem>>) semaphore(%arg14 : memref<!tpu.dma_semaphore, #tpu.memory_space<semaphore_mem>>)
      %mul3A_138 = arith.constant 2 : i32
      %mul3A_139 = arith.muli %while3A_101, %mul3A_138 : i32
      %add3A_140 = arith.constant 1 : i32
      %add3A_141 = arith.addi %mul3A_139, %add3A_140 : i32
      %dma_wait3A_142 = arith.constant 0 : i32
      %dma_wait3A_143 = arith.constant 0 : i32
      %dma_wait3A_144 = arith.constant 0 : i32
      %dma_wait3A_145 = tpu.memref_slice %arg4[%dma_wait3A_142, %dma_wait3A_143, %dma_wait3A_144] : memref<2560x1x128xi32, #tpu.memory_space<hbm>> -> memref<1x1x128xi32, #tpu.memory_space<hbm>>
      %dma_wait3A_146 = tpu.memref_squeeze %dma_wait3A_145 : memref<1x1x128xi32, #tpu.memory_space<hbm>> -> memref<1x128xi32, #tpu.memory_space<hbm>>
      %dma_wait3A_147 = arith.constant 0 : i32
      %dma_wait3A_148 = arith.constant 0 : i32
      %dma_wait3A_149 = tpu.memref_slice %arg4[%dma_wait3A_142, %dma_wait3A_147, %dma_wait3A_148] : memref<2560x1x128xi32, #tpu.memory_space<hbm>> -> memref<1x1x128xi32, #tpu.memory_space<hbm>>
      %dma_wait3A_150 = tpu.memref_squeeze %dma_wait3A_149 : memref<1x1x128xi32, #tpu.memory_space<hbm>> -> memref<1x128xi32, #tpu.memory_space<hbm>>
      tpu.wait_dma2 semaphore(%arg17 : memref<!tpu.dma_semaphore, #tpu.memory_space<semaphore_mem>>) src(%dma_wait3A_150 : memref<1x128xi32, #tpu.memory_space<hbm>>) dst(%arg10 : memref<1x128xi32, #tpu.memory_space<vmem>>)
      %dma_wait3A_151 = arith.constant 0 : i32
      %dma_wait3A_152 = tpu.memref_slice %arg8[%dma_wait3A_151] : memref<10240xi32, #tpu.memory_space<vmem>> -> memref<128xi32, #tpu.memory_space<vmem>>
      %dma_wait3A_153 = arith.constant 0 : i32
      %dma_wait3A_154 = arith.constant 0 : i32
      %dma_wait3A_155 = tpu.memref_slice %arg2[%dma_wait3A_153, %dma_wait3A_154] : memref<10000x128xf32, #tpu.memory_space<hbm>> -> memref<10000x128xf32, #tpu.memory_space<hbm>>
      tpu.wait_indirect_dma semaphore(%arg15 : memref<!tpu.dma_semaphore, #tpu.memory_space<semaphore_mem>>) src(%dma_wait3A_155 : memref<10000x128xf32, #tpu.memory_space<hbm>>) dst(%arg12 : memref<128x128xf32, #tpu.memory_space<vmem>>)
      %run_scoped3A_156 = arith.constant 0 : i32
      "tpu.region"() ({
        %run_scoped3A_174 = tpu.sem_alloc : memref<!tpu.dma_semaphore, #tpu.memory_space<semaphore_mem>>
        %dma_start3A_175 = arith.constant 0 : i32
        %dma_start3A_176 = tpu.memref_slice %arg10[%run_scoped3A_156, %dma_start3A_175] : memref<1x128xi32, #tpu.memory_space<vmem>> -> memref<1x128xi32, #tpu.memory_space<vmem>>
        %dma_start3A_177 = tpu.memref_squeeze %dma_start3A_176 : memref<1x128xi32, #tpu.memory_space<vmem>> -> memref<128xi32, #tpu.memory_space<vmem>>
        %dma_start3A_178 = arith.constant 0 : i32
        %dma_start3A_179 = arith.constant 0 : i32
        %dma_start3A_180 = tpu.memref_slice %arg13[%dma_start3A_178, %dma_start3A_179] : memref<10240x128xf32, #tpu.memory_space<vmem_shared>> -> memref<10240x128xf32, #tpu.memory_space<vmem_shared>>
        tpu.enqueue_indirect_dma source(%arg12 : memref<128x128xf32, #tpu.memory_space<vmem>>) target(%dma_start3A_180 : memref<10240x128xf32, #tpu.memory_space<vmem_shared>>) offsets(%dma_start3A_177 : memref<128xi32, #tpu.memory_space<vmem>>) semaphore(%run_scoped3A_174 : memref<!tpu.dma_semaphore, #tpu.memory_space<semaphore_mem>>) {add = true}
        %dma_wait3A_181 = arith.constant 0 : i32
        %dma_wait3A_182 = tpu.memref_slice %arg10[%run_scoped3A_156, %dma_wait3A_181] : memref<1x128xi32, #tpu.memory_space<vmem>> -> memref<1x128xi32, #tpu.memory_space<vmem>>
        %dma_wait3A_183 = tpu.memref_squeeze %dma_wait3A_182 : memref<1x128xi32, #tpu.memory_space<vmem>> -> memref<128xi32, #tpu.memory_space<vmem>>
        %dma_wait3A_184 = arith.constant 0 : i32
        %dma_wait3A_185 = arith.constant 0 : i32
        %dma_wait3A_186 = tpu.memref_slice %arg13[%dma_wait3A_184, %dma_wait3A_185] : memref<10240x128xf32, #tpu.memory_space<vmem_shared>> -> memref<10240x128xf32, #tpu.memory_space<vmem_shared>>
        tpu.wait_indirect_dma semaphore(%run_scoped3A_174 : memref<!tpu.dma_semaphore, #tpu.memory_space<semaphore_mem>>) src(%arg12 : memref<128x128xf32, #tpu.memory_space<vmem>>) dst(%dma_wait3A_186 : memref<10240x128xf32, #tpu.memory_space<vmem_shared>>)
        tpu.yield
      }) : () -> ()
      %add3A_157 = arith.constant 2 : i32
      %add3A_158 = arith.addi %add3A_141, %add3A_157 : i32
      %add3A_159 = arith.addi %select_n3A_8, %add3A_158 : i32
      %dma_start3A_160 = arith.constant 0 : i32
      %dma_start3A_161 = arith.constant 0 : i32
      %dma_start3A_162 = tpu.memref_slice %arg4[%add3A_159, %dma_start3A_160, %dma_start3A_161] : memref<2560x1x128xi32, #tpu.memory_space<hbm>> -> memref<1x1x128xi32, #tpu.memory_space<hbm>>
      %dma_start3A_163 = tpu.memref_squeeze %dma_start3A_162 : memref<1x1x128xi32, #tpu.memory_space<hbm>> -> memref<1x128xi32, #tpu.memory_space<hbm>>
      %dma_start3A_164 = arith.constant 0 : i32
      %dma_start3A_165 = arith.constant 0 : i32
      %dma_start3A_166 = tpu.memref_slice %arg4[%add3A_159, %dma_start3A_164, %dma_start3A_165] : memref<2560x1x128xi32, #tpu.memory_space<hbm>> -> memref<1x1x128xi32, #tpu.memory_space<hbm>>
      %dma_start3A_167 = tpu.memref_squeeze %dma_start3A_166 : memref<1x1x128xi32, #tpu.memory_space<hbm>> -> memref<1x128xi32, #tpu.memory_space<hbm>>
      tpu.enqueue_dma source(%dma_start3A_167 : memref<1x128xi32, #tpu.memory_space<hbm>>) target(%arg10 : memref<1x128xi32, #tpu.memory_space<vmem>>) target_semaphore(%arg17 : memref<!tpu.dma_semaphore, #tpu.memory_space<semaphore_mem>>)
      %mul3A_168 = arith.constant 128 : i32
      %mul3A_169 = arith.muli %add3A_158, %mul3A_168 : i32
      %dma_start3A_170 = tpu.memref_slice %arg8[%mul3A_169] : memref<10240xi32, #tpu.memory_space<vmem>> -> memref<128xi32, #tpu.memory_space<vmem>>
      %dma_start3A_171 = arith.constant 0 : i32
      %dma_start3A_172 = arith.constant 0 : i32
      %dma_start3A_173 = tpu.memref_slice %arg2[%dma_start3A_171, %dma_start3A_172] : memref<10000x128xf32, #tpu.memory_space<hbm>> -> memref<10000x128xf32, #tpu.memory_space<hbm>>
      tpu.enqueue_indirect_dma source(%dma_start3A_173 : memref<10000x128xf32, #tpu.memory_space<hbm>>) target(%arg12 : memref<128x128xf32, #tpu.memory_space<vmem>>) offsets(%dma_start3A_170 : memref<128xi32, #tpu.memory_space<vmem>>) semaphore(%arg15 : memref<!tpu.dma_semaphore, #tpu.memory_space<semaphore_mem>>)
    }
    %while3A_69 = arith.constant 1 : i32
    scf.for %while3A_101 = %while3A_67 to %while3A_63 step %while3A_69  : i32 {
      %mul3A_102 = arith.constant 2 : i32
      %mul3A_103 = arith.muli %while3A_101, %mul3A_102 : i32
      %add3A_104 = arith.constant 0 : i32
      %add3A_105 = arith.addi %mul3A_103, %add3A_104 : i32
      %dma_wait3A_106 = arith.constant 0 : i32
      %dma_wait3A_107 = arith.constant 0 : i32
      %dma_wait3A_108 = arith.constant 0 : i32
      %dma_wait3A_109 = tpu.memref_slice %arg4[%dma_wait3A_106, %dma_wait3A_107, %dma_wait3A_108] : memref<2560x1x128xi32, #tpu.memory_space<hbm>> -> memref<1x1x128xi32, #tpu.memory_space<hbm>>
      %dma_wait3A_110 = tpu.memref_squeeze %dma_wait3A_109 : memref<1x1x128xi32, #tpu.memory_space<hbm>> -> memref<1x128xi32, #tpu.memory_space<hbm>>
      %dma_wait3A_111 = arith.constant 0 : i32
      %dma_wait3A_112 = arith.constant 0 : i32
      %dma_wait3A_113 = tpu.memref_slice %arg4[%dma_wait3A_106, %dma_wait3A_111, %dma_wait3A_112] : memref<2560x1x128xi32, #tpu.memory_space<hbm>> -> memref<1x1x128xi32, #tpu.memory_space<hbm>>
      %dma_wait3A_114 = tpu.memref_squeeze %dma_wait3A_113 : memref<1x1x128xi32, #tpu.memory_space<hbm>> -> memref<1x128xi32, #tpu.memory_space<hbm>>
      tpu.wait_dma2 semaphore(%arg16 : memref<!tpu.dma_semaphore, #tpu.memory_space<semaphore_mem>>) src(%dma_wait3A_114 : memref<1x128xi32, #tpu.memory_space<hbm>>) dst(%arg9 : memref<1x128xi32, #tpu.memory_space<vmem>>)
      %dma_wait3A_115 = arith.constant 0 : i32
      %dma_wait3A_116 = tpu.memref_slice %arg8[%dma_wait3A_115] : memref<10240xi32, #tpu.memory_space<vmem>> -> memref<128xi32, #tpu.memory_space<vmem>>
      %dma_wait3A_117 = arith.constant 0 : i32
      %dma_wait3A_118 = arith.constant 0 : i32
      %dma_wait3A_119 = tpu.memref_slice %arg2[%dma_wait3A_117, %dma_wait3A_118] : memref<10000x128xf32, #tpu.memory_space<hbm>> -> memref<10000x128xf32, #tpu.memory_space<hbm>>
      tpu.wait_indirect_dma semaphore(%arg14 : memref<!tpu.dma_semaphore, #tpu.memory_space<semaphore_mem>>) src(%dma_wait3A_119 : memref<10000x128xf32, #tpu.memory_space<hbm>>) dst(%arg11 : memref<128x128xf32, #tpu.memory_space<vmem>>)
      %run_scoped3A_120 = arith.constant 0 : i32
      "tpu.region"() ({
        %run_scoped3A_174 = tpu.sem_alloc : memref<!tpu.dma_semaphore, #tpu.memory_space<semaphore_mem>>
        %dma_start3A_175 = arith.constant 0 : i32
        %dma_start3A_176 = tpu.memref_slice %arg9[%run_scoped3A_120, %dma_start3A_175] : memref<1x128xi32, #tpu.memory_space<vmem>> -> memref<1x128xi32, #tpu.memory_space<vmem>>
        %dma_start3A_177 = tpu.memref_squeeze %dma_start3A_176 : memref<1x128xi32, #tpu.memory_space<vmem>> -> memref<128xi32, #tpu.memory_space<vmem>>
        %dma_start3A_178 = arith.constant 0 : i32
        %dma_start3A_179 = arith.constant 0 : i32
        %dma_start3A_180 = tpu.memref_slice %arg13[%dma_start3A_178, %dma_start3A_179] : memref<10240x128xf32, #tpu.memory_space<vmem_shared>> -> memref<10240x128xf32, #tpu.memory_space<vmem_shared>>
        tpu.enqueue_indirect_dma source(%arg11 : memref<128x128xf32, #tpu.memory_space<vmem>>) target(%dma_start3A_180 : memref<10240x128xf32, #tpu.memory_space<vmem_shared>>) offsets(%dma_start3A_177 : memref<128xi32, #tpu.memory_space<vmem>>) semaphore(%run_scoped3A_174 : memref<!tpu.dma_semaphore, #tpu.memory_space<semaphore_mem>>) {add = true}
        %dma_wait3A_181 = arith.constant 0 : i32
        %dma_wait3A_182 = tpu.memref_slice %arg9[%run_scoped3A_120, %dma_wait3A_181] : memref<1x128xi32, #tpu.memory_space<vmem>> -> memref<1x128xi32, #tpu.memory_space<vmem>>
        %dma_wait3A_183 = tpu.memref_squeeze %dma_wait3A_182 : memref<1x128xi32, #tpu.memory_space<vmem>> -> memref<128xi32, #tpu.memory_space<vmem>>
        %dma_wait3A_184 = arith.constant 0 : i32
        %dma_wait3A_185 = arith.constant 0 : i32
        %dma_wait3A_186 = tpu.memref_slice %arg13[%dma_wait3A_184, %dma_wait3A_185] : memref<10240x128xf32, #tpu.memory_space<vmem_shared>> -> memref<10240x128xf32, #tpu.memory_space<vmem_shared>>
        tpu.wait_indirect_dma semaphore(%run_scoped3A_174 : memref<!tpu.dma_semaphore, #tpu.memory_space<semaphore_mem>>) src(%arg11 : memref<128x128xf32, #tpu.memory_space<vmem>>) dst(%dma_wait3A_186 : memref<10240x128xf32, #tpu.memory_space<vmem_shared>>)
        tpu.yield
      }) : () -> ()
      %add3A_121 = arith.constant 2 : i32
      %add3A_122 = arith.addi %add3A_105, %add3A_121 : i32
      %add3A_123 = arith.addi %select_n3A_8, %add3A_122 : i32
      %dma_start3A_124 = arith.constant 0 : i32
      %dma_start3A_125 = arith.constant 0 : i32
      %dma_start3A_126 = tpu.memref_slice %arg4[%add3A_123, %dma_start3A_124, %dma_start3A_125] : memref<2560x1x128xi32, #tpu.memory_space<hbm>> -> memref<1x1x128xi32, #tpu.memory_space<hbm>>
      %dma_start3A_127 = tpu.memref_squeeze %dma_start3A_126 : memref<1x1x128xi32, #tpu.memory_space<hbm>> -> memref<1x128xi32, #tpu.memory_space<hbm>>
      %dma_start3A_128 = arith.constant 0 : i32
      %dma_start3A_129 = arith.constant 0 : i32
      %dma_start3A_130 = tpu.memref_slice %arg4[%add3A_123, %dma_start3A_128, %dma_start3A_129] : memref<2560x1x128xi32, #tpu.memory_space<hbm>> -> memref<1x1x128xi32, #tpu.memory_space<hbm>>
      %dma_start3A_131 = tpu.memref_squeeze %dma_start3A_130 : memref<1x1x128xi32, #tpu.memory_space<hbm>> -> memref<1x128xi32, #tpu.memory_space<hbm>>
      tpu.enqueue_dma source(%dma_start3A_131 : memref<1x128xi32, #tpu.memory_space<hbm>>) target(%arg9 : memref<1x128xi32, #tpu.memory_space<vmem>>) target_semaphore(%arg16 : memref<!tpu.dma_semaphore, #tpu.memory_space<semaphore_mem>>)
      %mul3A_132 = arith.constant 128 : i32
      %mul3A_133 = arith.muli %add3A_122, %mul3A_132 : i32
      %dma_start3A_134 = tpu.memref_slice %arg8[%mul3A_133] : memref<10240xi32, #tpu.memory_space<vmem>> -> memref<128xi32, #tpu.memory_space<vmem>>
      %dma_start3A_135 = arith.constant 0 : i32
      %dma_start3A_136 = arith.constant 0 : i32
      %dma_start3A_137 = tpu.memref_slice %arg2[%dma_start3A_135, %dma_start3A_136] : memref<10000x128xf32, #tpu.memory_space<hbm>> -> memref<10000x128xf32, #tpu.memory_space<hbm>>
      tpu.enqueue_indirect_dma source(%dma_start3A_137 : memref<10000x128xf32, #tpu.memory_space<hbm>>) target(%arg11 : memref<128x128xf32, #tpu.memory_space<vmem>>) offsets(%dma_start3A_134 : memref<128xi32, #tpu.memory_space<vmem>>) semaphore(%arg14 : memref<!tpu.dma_semaphore, #tpu.memory_space<semaphore_mem>>)
      %mul3A_138 = arith.constant 2 : i32
      %mul3A_139 = arith.muli %while3A_101, %mul3A_138 : i32
      %add3A_140 = arith.constant 1 : i32
      %add3A_141 = arith.addi %mul3A_139, %add3A_140 : i32
      %dma_wait3A_142 = arith.constant 0 : i32
      %dma_wait3A_143 = arith.constant 0 : i32
      %dma_wait3A_144 = arith.constant 0 : i32
      %dma_wait3A_145 = tpu.memref_slice %arg4[%dma_wait3A_142, %dma_wait3A_143, %dma_wait3A_144] : memref<2560x1x128xi32, #tpu.memory_space<hbm>> -> memref<1x1x128xi32, #tpu.memory_space<hbm>>
      %dma_wait3A_146 = tpu.memref_squeeze %dma_wait3A_145 : memref<1x1x128xi32, #tpu.memory_space<hbm>> -> memref<1x128xi32, #tpu.memory_space<hbm>>
      %dma_wait3A_147 = arith.constant 0 : i32
      %dma_wait3A_148 = arith.constant 0 : i32
      %dma_wait3A_149 = tpu.memref_slice %arg4[%dma_wait3A_142, %dma_wait3A_147, %dma_wait3A_148] : memref<2560x1x128xi32, #tpu.memory_space<hbm>> -> memref<1x1x128xi32, #tpu.memory_space<hbm>>
      %dma_wait3A_150 = tpu.memref_squeeze %dma_wait3A_149 : memref<1x1x128xi32, #tpu.memory_space<hbm>> -> memref<1x128xi32, #tpu.memory_space<hbm>>
      tpu.wait_dma2 semaphore(%arg17 : memref<!tpu.dma_semaphore, #tpu.memory_space<semaphore_mem>>) src(%dma_wait3A_150 : memref<1x128xi32, #tpu.memory_space<hbm>>) dst(%arg10 : memref<1x128xi32, #tpu.memory_space<vmem>>)
      %dma_wait3A_151 = arith.constant 0 : i32
      %dma_wait3A_152 = tpu.memref_slice %arg8[%dma_wait3A_151] : memref<10240xi32, #tpu.memory_space<vmem>> -> memref<128xi32, #tpu.memory_space<vmem>>
      %dma_wait3A_153 = arith.constant 0 : i32
      %dma_wait3A_154 = arith.constant 0 : i32
      %dma_wait3A_155 = tpu.memref_slice %arg2[%dma_wait3A_153, %dma_wait3A_154] : memref<10000x128xf32, #tpu.memory_space<hbm>> -> memref<10000x128xf32, #tpu.memory_space<hbm>>
      tpu.wait_indirect_dma semaphore(%arg15 : memref<!tpu.dma_semaphore, #tpu.memory_space<semaphore_mem>>) src(%dma_wait3A_155 : memref<10000x128xf32, #tpu.memory_space<hbm>>) dst(%arg12 : memref<128x128xf32, #tpu.memory_space<vmem>>)
      %run_scoped3A_156 = arith.constant 0 : i32
      "tpu.region"() ({
        %run_scoped3A_174 = tpu.sem_alloc : memref<!tpu.dma_semaphore, #tpu.memory_space<semaphore_mem>>
        %dma_start3A_175 = arith.constant 0 : i32
        %dma_start3A_176 = tpu.memref_slice %arg10[%run_scoped3A_156, %dma_start3A_175] : memref<1x128xi32, #tpu.memory_space<vmem>> -> memref<1x128xi32, #tpu.memory_space<vmem>>
        %dma_start3A_177 = tpu.memref_squeeze %dma_start3A_176 : memref<1x128xi32, #tpu.memory_space<vmem>> -> memref<128xi32, #tpu.memory_space<vmem>>
        %dma_start3A_178 = arith.constant 0 : i32
        %dma_start3A_179 = arith.constant 0 : i32
        %dma_start3A_180 = tpu.memref_slice %arg13[%dma_start3A_178, %dma_start3A_179] : memref<10240x128xf32, #tpu.memory_space<vmem_shared>> -> memref<10240x128xf32, #tpu.memory_space<vmem_shared>>
        tpu.enqueue_indirect_dma source(%arg12 : memref<128x128xf32, #tpu.memory_space<vmem>>) target(%dma_start3A_180 : memref<10240x128xf32, #tpu.memory_space<vmem_shared>>) offsets(%dma_start3A_177 : memref<128xi32, #tpu.memory_space<vmem>>) semaphore(%run_scoped3A_174 : memref<!tpu.dma_semaphore, #tpu.memory_space<semaphore_mem>>) {add = true}
        %dma_wait3A_181 = arith.constant 0 : i32
        %dma_wait3A_182 = tpu.memref_slice %arg10[%run_scoped3A_156, %dma_wait3A_181] : memref<1x128xi32, #tpu.memory_space<vmem>> -> memref<1x128xi32, #tpu.memory_space<vmem>>
        %dma_wait3A_183 = tpu.memref_squeeze %dma_wait3A_182 : memref<1x128xi32, #tpu.memory_space<vmem>> -> memref<128xi32, #tpu.memory_space<vmem>>
        %dma_wait3A_184 = arith.constant 0 : i32
        %dma_wait3A_185 = arith.constant 0 : i32
        %dma_wait3A_186 = tpu.memref_slice %arg13[%dma_wait3A_184, %dma_wait3A_185] : memref<10240x128xf32, #tpu.memory_space<vmem_shared>> -> memref<10240x128xf32, #tpu.memory_space<vmem_shared>>
        tpu.wait_indirect_dma semaphore(%run_scoped3A_174 : memref<!tpu.dma_semaphore, #tpu.memory_space<semaphore_mem>>) src(%arg12 : memref<128x128xf32, #tpu.memory_space<vmem>>) dst(%dma_wait3A_186 : memref<10240x128xf32, #tpu.memory_space<vmem_shared>>)
        tpu.yield
      }) : () -> ()
      %add3A_157 = arith.constant 2 : i32
      %add3A_158 = arith.addi %add3A_141, %add3A_157 : i32
      %add3A_159 = arith.addi %select_n3A_8, %add3A_158 : i32
      %dma_start3A_160 = arith.constant 0 : i32
      %dma_start3A_161 = arith.constant 0 : i32
      %dma_start3A_162 = tpu.memref_slice %arg4[%add3A_159, %dma_start3A_160, %dma_start3A_161] : memref<2560x1x128xi32, #tpu.memory_space<hbm>> -> memref<1x1x128xi32, #tpu.memory_space<hbm>>
      %dma_start3A_163 = tpu.memref_squeeze %dma_start3A_162 : memref<1x1x128xi32, #tpu.memory_space<hbm>> -> memref<1x128xi32, #tpu.memory_space<hbm>>
      %dma_start3A_164 = arith.constant 0 : i32
      %dma_start3A_165 = arith.constant 0 : i32
      %dma_start3A_166 = tpu.memref_slice %arg4[%add3A_159, %dma_start3A_164, %dma_start3A_165] : memref<2560x1x128xi32, #tpu.memory_space<hbm>> -> memref<1x1x128xi32, #tpu.memory_space<hbm>>
      %dma_start3A_167 = tpu.memref_squeeze %dma_start3A_166 : memref<1x1x128xi32, #tpu.memory_space<hbm>> -> memref<1x128xi32, #tpu.memory_space<hbm>>
      tpu.enqueue_dma source(%dma_start3A_167 : memref<1x128xi32, #tpu.memory_space<hbm>>) target(%arg10 : memref<1x128xi32, #tpu.memory_space<vmem>>) target_semaphore(%arg17 : memref<!tpu.dma_semaphore, #tpu.memory_space<semaphore_mem>>)
      %mul3A_168 = arith.constant 128 : i32
      %mul3A_169 = arith.muli %add3A_158, %mul3A_168 : i32
      %dma_start3A_170 = tpu.memref_slice %arg8[%mul3A_169] : memref<10240xi32, #tpu.memory_space<vmem>> -> memref<128xi32, #tpu.memory_space<vmem>>
      %dma_start3A_171 = arith.constant 0 : i32
      %dma_start3A_172 = arith.constant 0 : i32
      %dma_start3A_173 = tpu.memref_slice %arg2[%dma_start3A_171, %dma_start3A_172] : memref<10000x128xf32, #tpu.memory_space<hbm>> -> memref<10000x128xf32, #tpu.memory_space<hbm>>
      tpu.enqueue_indirect_dma source(%dma_start3A_173 : memref<10000x128xf32, #tpu.memory_space<hbm>>) target(%arg12 : memref<128x128xf32, #tpu.memory_space<vmem>>) offsets(%dma_start3A_170 : memref<128xi32, #tpu.memory_space<vmem>>) semaphore(%arg15 : memref<!tpu.dma_semaphore, #tpu.memory_space<semaphore_mem>>)
    }
    %dma_wait3A = arith.constant 0 : i32
    %dma_wait3A_70 = arith.constant 0 : i32
    %dma_wait3A_71 = arith.constant 0 : i32
    %dma_wait3A_72 = tpu.memref_slice %arg4[%dma_wait3A, %dma_wait3A_70, %dma_wait3A_71] : memref<2560x1x128xi32, #tpu.memory_space<hbm>> -> memref<1x1x128xi32, #tpu.memory_space<hbm>>
    %dma_wait3A_73 = tpu.memref_squeeze %dma_wait3A_72 : memref<1x1x128xi32, #tpu.memory_space<hbm>> -> memref<1x128xi32, #tpu.memory_space<hbm>>
    %dma_wait3A_74 = arith.constant 0 : i32
    %dma_wait3A_75 = arith.constant 0 : i32
    %dma_wait3A_76 = tpu.memref_slice %arg4[%dma_wait3A, %dma_wait3A_74, %dma_wait3A_75] : memref<2560x1x128xi32, #tpu.memory_space<hbm>> -> memref<1x1x128xi32, #tpu.memory_space<hbm>>
    %dma_wait3A_77 = tpu.memref_squeeze %dma_wait3A_76 : memref<1x1x128xi32, #tpu.memory_space<hbm>> -> memref<1x128xi32, #tpu.memory_space<hbm>>
    tpu.wait_dma2 semaphore(%arg16 : memref<!tpu.dma_semaphore, #tpu.memory_space<semaphore_mem>>) src(%dma_wait3A_77 : memref<1x128xi32, #tpu.memory_space<hbm>>) dst(%arg9 : memref<1x128xi32, #tpu.memory_space<vmem>>)
    %dma_wait3A_78 = arith.constant 0 : i32
    %dma_wait3A_79 = tpu.memref_slice %arg8[%dma_wait3A_78] : memref<10240xi32, #tpu.memory_space<vmem>> -> memref<128xi32, #tpu.memory_space<vmem>>
    %dma_wait3A_80 = arith.constant 0 : i32
    %dma_wait3A_81 = arith.constant 0 : i32
    %dma_wait3A_82 = tpu.memref_slice %arg2[%dma_wait3A_80, %dma_wait3A_81] : memref<10000x128xf32, #tpu.memory_space<hbm>> -> memref<10000x128xf32, #tpu.memory_space<hbm>>
    tpu.wait_indirect_dma semaphore(%arg14 : memref<!tpu.dma_semaphore, #tpu.memory_space<semaphore_mem>>) src(%dma_wait3A_82 : memref<10000x128xf32, #tpu.memory_space<hbm>>) dst(%arg11 : memref<128x128xf32, #tpu.memory_space<vmem>>)
    %run_scoped3A = arith.constant 0 : i32
    "tpu.region"() ({
      %run_scoped3A_101 = tpu.sem_alloc : memref<!tpu.dma_semaphore, #tpu.memory_space<semaphore_mem>>
      %dma_start3A_102 = arith.constant 0 : i32
      %dma_start3A_103 = tpu.memref_slice %arg9[%run_scoped3A, %dma_start3A_102] : memref<1x128xi32, #tpu.memory_space<vmem>> -> memref<1x128xi32, #tpu.memory_space<vmem>>
      %dma_start3A_104 = tpu.memref_squeeze %dma_start3A_103 : memref<1x128xi32, #tpu.memory_space<vmem>> -> memref<128xi32, #tpu.memory_space<vmem>>
      %dma_start3A_105 = arith.constant 0 : i32
      %dma_start3A_106 = arith.constant 0 : i32
      %dma_start3A_107 = tpu.memref_slice %arg13[%dma_start3A_105, %dma_start3A_106] : memref<10240x128xf32, #tpu.memory_space<vmem_shared>> -> memref<10240x128xf32, #tpu.memory_space<vmem_shared>>
      tpu.enqueue_indirect_dma source(%arg11 : memref<128x128xf32, #tpu.memory_space<vmem>>) target(%dma_start3A_107 : memref<10240x128xf32, #tpu.memory_space<vmem_shared>>) offsets(%dma_start3A_104 : memref<128xi32, #tpu.memory_space<vmem>>) semaphore(%run_scoped3A_101 : memref<!tpu.dma_semaphore, #tpu.memory_space<semaphore_mem>>) {add = true}
      %dma_wait3A_108 = arith.constant 0 : i32
      %dma_wait3A_109 = tpu.memref_slice %arg9[%run_scoped3A, %dma_wait3A_108] : memref<1x128xi32, #tpu.memory_space<vmem>> -> memref<1x128xi32, #tpu.memory_space<vmem>>
      %dma_wait3A_110 = tpu.memref_squeeze %dma_wait3A_109 : memref<1x128xi32, #tpu.memory_space<vmem>> -> memref<128xi32, #tpu.memory_space<vmem>>
      %dma_wait3A_111 = arith.constant 0 : i32
      %dma_wait3A_112 = arith.constant 0 : i32
      %dma_wait3A_113 = tpu.memref_slice %arg13[%dma_wait3A_111, %dma_wait3A_112] : memref<10240x128xf32, #tpu.memory_space<vmem_shared>> -> memref<10240x128xf32, #tpu.memory_space<vmem_shared>>
      tpu.wait_indirect_dma semaphore(%run_scoped3A_101 : memref<!tpu.dma_semaphore, #tpu.memory_space<semaphore_mem>>) src(%arg11 : memref<128x128xf32, #tpu.memory_space<vmem>>) dst(%dma_wait3A_113 : memref<10240x128xf32, #tpu.memory_space<vmem_shared>>)
      tpu.yield
    }) : () -> ()
    %dma_wait3A_83 = arith.constant 0 : i32
    %dma_wait3A_84 = arith.constant 0 : i32
    %dma_wait3A_85 = arith.constant 0 : i32
    %dma_wait3A_86 = tpu.memref_slice %arg4[%dma_wait3A_83, %dma_wait3A_84, %dma_wait3A_85] : memref<2560x1x128xi32, #tpu.memory_space<hbm>> -> memref<1x1x128xi32, #tpu.memory_space<hbm>>
    %dma_wait3A_87 = tpu.memref_squeeze %dma_wait3A_86 : memref<1x1x128xi32, #tpu.memory_space<hbm>> -> memref<1x128xi32, #tpu.memory_space<hbm>>
    %dma_wait3A_88 = arith.constant 0 : i32
    %dma_wait3A_89 = arith.constant 0 : i32
    %dma_wait3A_90 = tpu.memref_slice %arg4[%dma_wait3A_83, %dma_wait3A_88, %dma_wait3A_89] : memref<2560x1x128xi32, #tpu.memory_space<hbm>> -> memref<1x1x128xi32, #tpu.memory_space<hbm>>
    %dma_wait3A_91 = tpu.memref_squeeze %dma_wait3A_90 : memref<1x1x128xi32, #tpu.memory_space<hbm>> -> memref<1x128xi32, #tpu.memory_space<hbm>>
    tpu.wait_dma2 semaphore(%arg17 : memref<!tpu.dma_semaphore, #tpu.memory_space<semaphore_mem>>) src(%dma_wait3A_91 : memref<1x128xi32, #tpu.memory_space<hbm>>) dst(%arg10 : memref<1x128xi32, #tpu.memory_space<vmem>>)
    %dma_wait3A_92 = arith.constant 0 : i32
    %dma_wait3A_93 = tpu.memref_slice %arg8[%dma_wait3A_92] : memref<10240xi32, #tpu.memory_space<vmem>> -> memref<128xi32, #tpu.memory_space<vmem>>
    %dma_wait3A_94 = arith.constant 0 : i32
    %dma_wait3A_95 = arith.constant 0 : i32
    %dma_wait3A_96 = tpu.memref_slice %arg2[%dma_wait3A_94, %dma_wait3A_95] : memref<10000x128xf32, #tpu.memory_space<hbm>> -> memref<10000x128xf32, #tpu.memory_space<hbm>>
    tpu.wait_indirect_dma semaphore(%arg15 : memref<!tpu.dma_semaphore, #tpu.memory_space<semaphore_mem>>) src(%dma_wait3A_96 : memref<10000x128xf32, #tpu.memory_space<hbm>>) dst(%arg12 : memref<128x128xf32, #tpu.memory_space<vmem>>)
    %run_scoped3A_97 = arith.constant 0 : i32
    "tpu.region"() ({
      %run_scoped3A_101 = tpu.sem_alloc : memref<!tpu.dma_semaphore, #tpu.memory_space<semaphore_mem>>
      %dma_start3A_102 = arith.constant 0 : i32
      %dma_start3A_103 = tpu.memref_slice %arg10[%run_scoped3A_97, %dma_start3A_102] : memref<1x128xi32, #tpu.memory_space<vmem>> -> memref<1x128xi32, #tpu.memory_space<vmem>>
      %dma_start3A_104 = tpu.memref_squeeze %dma_start3A_103 : memref<1x128xi32, #tpu.memory_space<vmem>> -> memref<128xi32, #tpu.memory_space<vmem>>
      %dma_start3A_105 = arith.constant 0 : i32
      %dma_start3A_106 = arith.constant 0 : i32
      %dma_start3A_107 = tpu.memref_slice %arg13[%dma_start3A_105, %dma_start3A_106] : memref<10240x128xf32, #tpu.memory_space<vmem_shared>> -> memref<10240x128xf32, #tpu.memory_space<vmem_shared>>
      tpu.enqueue_indirect_dma source(%arg12 : memref<128x128xf32, #tpu.memory_space<vmem>>) target(%dma_start3A_107 : memref<10240x128xf32, #tpu.memory_space<vmem_shared>>) offsets(%dma_start3A_104 : memref<128xi32, #tpu.memory_space<vmem>>) semaphore(%run_scoped3A_101 : memref<!tpu.dma_semaphore, #tpu.memory_space<semaphore_mem>>) {add = true}
      %dma_wait3A_108 = arith.constant 0 : i32
      %dma_wait3A_109 = tpu.memref_slice %arg10[%run_scoped3A_97, %dma_wait3A_108] : memref<1x128xi32, #tpu.memory_space<vmem>> -> memref<1x128xi32, #tpu.memory_space<vmem>>
      %dma_wait3A_110 = tpu.memref_squeeze %dma_wait3A_109 : memref<1x128xi32, #tpu.memory_space<vmem>> -> memref<128xi32, #tpu.memory_space<vmem>>
      %dma_wait3A_111 = arith.constant 0 : i32
      %dma_wait3A_112 = arith.constant 0 : i32
      %dma_wait3A_113 = tpu.memref_slice %arg13[%dma_wait3A_111, %dma_wait3A_112] : memref<10240x128xf32, #tpu.memory_space<vmem_shared>> -> memref<10240x128xf32, #tpu.memory_space<vmem_shared>>
      tpu.wait_indirect_dma semaphore(%run_scoped3A_101 : memref<!tpu.dma_semaphore, #tpu.memory_space<semaphore_mem>>) src(%arg12 : memref<128x128xf32, #tpu.memory_space<vmem>>) dst(%dma_wait3A_113 : memref<10240x128xf32, #tpu.memory_space<vmem_shared>>)
      tpu.yield
    }) : () -> ()
    %gt3A = arith.constant 80 : i32
    %gt3A_98 = arith.cmpi sgt, %select_n3A, %gt3A : i32
    %convert_element_type3A = arith.extui %gt3A_98 : i1 to i32
    %cond3A = arith.constant 0 : i32
    %cond3A_99 = arith.cmpi ne, %convert_element_type3A, %cond3A : i32
    scf.if %cond3A_99 {
      %add3A_101 = arith.constant 80 : i32
      %add3A_102 = arith.addi %select_n3A_8, %add3A_101 : i32
      %sub3A_103 = arith.constant 80 : i32
      %sub3A_104 = arith.subi %select_n3A, %sub3A_103 : i32
      %mul3A_105 = arith.constant 128 : i32
      %mul3A_106 = arith.muli %add3A_102, %mul3A_105 : i32
      %multiple_of3A_107 = tpu.assume_multiple %mul3A_106, 128 : i32
      "tpu.region"() ({
        %run_scoped3A_204 = tpu.sem_alloc : memref<!tpu.dma_semaphore, #tpu.memory_space<semaphore_mem>>
        %dma_start3A_205 = tpu.memref_slice %arg3[%multiple_of3A_107] : memref<337920xi32, #tpu.memory_space<hbm>> -> memref<10240xi32, #tpu.memory_space<hbm>>
        %dma_start3A_206 = tpu.memref_slice %arg3[%multiple_of3A_107] : memref<337920xi32, #tpu.memory_space<hbm>> -> memref<10240xi32, #tpu.memory_space<hbm>>
        tpu.enqueue_dma source(%dma_start3A_206 : memref<10240xi32, #tpu.memory_space<hbm>>) target(%arg8 : memref<10240xi32, #tpu.memory_space<vmem>>) target_semaphore(%run_scoped3A_204 : memref<!tpu.dma_semaphore, #tpu.memory_space<semaphore_mem>>)
        %dma_wait3A_207 = tpu.memref_slice %arg3[%multiple_of3A_107] : memref<337920xi32, #tpu.memory_space<hbm>> -> memref<10240xi32, #tpu.memory_space<hbm>>
        %dma_wait3A_208 = tpu.memref_slice %arg3[%multiple_of3A_107] : memref<337920xi32, #tpu.memory_space<hbm>> -> memref<10240xi32, #tpu.memory_space<hbm>>
        tpu.wait_dma2 semaphore(%run_scoped3A_204 : memref<!tpu.dma_semaphore, #tpu.memory_space<semaphore_mem>>) src(%dma_wait3A_208 : memref<10240xi32, #tpu.memory_space<hbm>>) dst(%arg8 : memref<10240xi32, #tpu.memory_space<vmem>>)
        tpu.yield
      }) : () -> ()
      %add3A_108 = arith.constant 0 : i32
      %add3A_109 = arith.addi %add3A_102, %add3A_108 : i32
      %dma_start3A_110 = arith.constant 0 : i32
      %dma_start3A_111 = arith.constant 0 : i32
      %dma_start3A_112 = tpu.memref_slice %arg4[%add3A_109, %dma_start3A_110, %dma_start3A_111] : memref<2560x1x128xi32, #tpu.memory_space<hbm>> -> memref<1x1x128xi32, #tpu.memory_space<hbm>>
      %dma_start3A_113 = tpu.memref_squeeze %dma_start3A_112 : memref<1x1x128xi32, #tpu.memory_space<hbm>> -> memref<1x128xi32, #tpu.memory_space<hbm>>
      %dma_start3A_114 = arith.constant 0 : i32
      %dma_start3A_115 = arith.constant 0 : i32
      %dma_start3A_116 = tpu.memref_slice %arg4[%add3A_109, %dma_start3A_114, %dma_start3A_115] : memref<2560x1x128xi32, #tpu.memory_space<hbm>> -> memref<1x1x128xi32, #tpu.memory_space<hbm>>
      %dma_start3A_117 = tpu.memref_squeeze %dma_start3A_116 : memref<1x1x128xi32, #tpu.memory_space<hbm>> -> memref<1x128xi32, #tpu.memory_space<hbm>>
      tpu.enqueue_dma source(%dma_start3A_117 : memref<1x128xi32, #tpu.memory_space<hbm>>) target(%arg9 : memref<1x128xi32, #tpu.memory_space<vmem>>) target_semaphore(%arg16 : memref<!tpu.dma_semaphore, #tpu.memory_space<semaphore_mem>>)
      %dma_start3A_118 = arith.constant 0 : i32
      %dma_start3A_119 = tpu.memref_slice %arg8[%dma_start3A_118] : memref<10240xi32, #tpu.memory_space<vmem>> -> memref<128xi32, #tpu.memory_space<vmem>>
      %dma_start3A_120 = arith.constant 0 : i32
      %dma_start3A_121 = arith.constant 0 : i32
      %dma_start3A_122 = tpu.memref_slice %arg2[%dma_start3A_120, %dma_start3A_121] : memref<10000x128xf32, #tpu.memory_space<hbm>> -> memref<10000x128xf32, #tpu.memory_space<hbm>>
      tpu.enqueue_indirect_dma source(%dma_start3A_122 : memref<10000x128xf32, #tpu.memory_space<hbm>>) target(%arg11 : memref<128x128xf32, #tpu.memory_space<vmem>>) offsets(%dma_start3A_119 : memref<128xi32, #tpu.memory_space<vmem>>) semaphore(%arg14 : memref<!tpu.dma_semaphore, #tpu.memory_space<semaphore_mem>>)
      %add3A_123 = arith.constant 1 : i32
      %add3A_124 = arith.addi %add3A_102, %add3A_123 : i32
      %dma_start3A_125 = arith.constant 0 : i32
      %dma_start3A_126 = arith.constant 0 : i32
      %dma_start3A_127 = tpu.memref_slice %arg4[%add3A_124, %dma_start3A_125, %dma_start3A_126] : memref<2560x1x128xi32, #tpu.memory_space<hbm>> -> memref<1x1x128xi32, #tpu.memory_space<hbm>>
      %dma_start3A_128 = tpu.memref_squeeze %dma_start3A_127 : memref<1x1x128xi32, #tpu.memory_space<hbm>> -> memref<1x128xi32, #tpu.memory_space<hbm>>
      %dma_start3A_129 = arith.constant 0 : i32
      %dma_start3A_130 = arith.constant 0 : i32
      %dma_start3A_131 = tpu.memref_slice %arg4[%add3A_124, %dma_start3A_129, %dma_start3A_130] : memref<2560x1x128xi32, #tpu.memory_space<hbm>> -> memref<1x1x128xi32, #tpu.memory_space<hbm>>
      %dma_start3A_132 = tpu.memref_squeeze %dma_start3A_131 : memref<1x1x128xi32, #tpu.memory_space<hbm>> -> memref<1x128xi32, #tpu.memory_space<hbm>>
      tpu.enqueue_dma source(%dma_start3A_132 : memref<1x128xi32, #tpu.memory_space<hbm>>) target(%arg10 : memref<1x128xi32, #tpu.memory_space<vmem>>) target_semaphore(%arg17 : memref<!tpu.dma_semaphore, #tpu.memory_space<semaphore_mem>>)
      %dma_start3A_133 = arith.constant 128 : i32
      %dma_start3A_134 = tpu.memref_slice %arg8[%dma_start3A_133] : memref<10240xi32, #tpu.memory_space<vmem>> -> memref<128xi32, #tpu.memory_space<vmem>>
      %dma_start3A_135 = arith.constant 0 : i32
      %dma_start3A_136 = arith.constant 0 : i32
      %dma_start3A_137 = tpu.memref_slice %arg2[%dma_start3A_135, %dma_start3A_136] : memref<10000x128xf32, #tpu.memory_space<hbm>> -> memref<10000x128xf32, #tpu.memory_space<hbm>>
      tpu.enqueue_indirect_dma source(%dma_start3A_137 : memref<10000x128xf32, #tpu.memory_space<hbm>>) target(%arg12 : memref<128x128xf32, #tpu.memory_space<vmem>>) offsets(%dma_start3A_134 : memref<128xi32, #tpu.memory_space<vmem>>) semaphore(%arg15 : memref<!tpu.dma_semaphore, #tpu.memory_space<semaphore_mem>>)
      %jit3A_138 = arith.constant 2 : i32
      %div3A_139 = arith.divsi %sub3A_104, %jit3A_138 : i32
      %sign3A_140 = arith.constant 0 : i32
      %sign3A_141 = arith.cmpi sgt, %sub3A_104, %sign3A_140 : i32
      %sign3A_142 = arith.extui %sign3A_141 : i1 to i32
      %sign3A_143 = arith.constant 0 : i32
      %sign3A_144 = arith.cmpi slt, %sub3A_104, %sign3A_143 : i32
      %sign3A_145 = arith.extui %sign3A_144 : i1 to i32
      %sign3A_146 = arith.subi %sign3A_142, %sign3A_145 : i32
      %sign3A_147 = arith.constant 0 : i32
      %sign3A_148 = arith.cmpi sgt, %jit3A_138, %sign3A_147 : i32
      %sign3A_149 = arith.extui %sign3A_148 : i1 to i32
      %sign3A_150 = arith.constant 0 : i32
      %sign3A_151 = arith.cmpi slt, %jit3A_138, %sign3A_150 : i32
      %sign3A_152 = arith.extui %sign3A_151 : i1 to i32
      %sign3A_153 = arith.subi %sign3A_149, %sign3A_152 : i32
      %ne3A_154 = arith.cmpi ne, %sign3A_146, %sign3A_153 : i32
      %rem3A_155 = arith.remsi %sub3A_104, %jit3A_138 : i32
      %ne3A_156 = arith.constant 0 : i32
      %ne3A_157 = arith.cmpi ne, %rem3A_155, %ne3A_156 : i32
      %and3A_158 = arith.andi %ne3A_154, %ne3A_157 : i1
      %sub3A_159 = arith.constant 1 : i32
      %sub3A_160 = arith.subi %div3A_139, %sub3A_159 : i32
      %select_n3A_161 = arith.select %and3A_158, %sub3A_160, %div3A_139 : i32
      %sub3A_162 = arith.constant 1 : i32
      %sub3A_163 = arith.subi %select_n3A_161, %sub3A_162 : i32
      %while3A_164 = arith.constant 0 : i32
      %while3A_165 = arith.constant 0 : i32
      %while3A_166 = arith.subi %sub3A_163, %while3A_165 : i32
      %while3A_167 = arith.addi %while3A_165, %while3A_166 : i32
      %while3A_168 = arith.constant 1 : i32
      %while3A_169 = arith.divsi %while3A_166, %while3A_168 : i32
      %while3A_170 = arith.muli %while3A_169, %while3A_168 : i32
      %while3A_171 = arith.addi %while3A_165, %while3A_170 : i32
      %while3A_172 = arith.constant 1 : i32
      scf.for %while3A_204 = %while3A_165 to %while3A_171 step %while3A_172  : i32 {
        %mul3A_205 = arith.constant 2 : i32
        %mul3A_206 = arith.muli %while3A_204, %mul3A_205 : i32
        %add3A_207 = arith.constant 0 : i32
        %add3A_208 = arith.addi %mul3A_206, %add3A_207 : i32
        %dma_wait3A_209 = arith.constant 0 : i32
        %dma_wait3A_210 = arith.constant 0 : i32
        %dma_wait3A_211 = arith.constant 0 : i32
        %dma_wait3A_212 = tpu.memref_slice %arg4[%dma_wait3A_209, %dma_wait3A_210, %dma_wait3A_211] : memref<2560x1x128xi32, #tpu.memory_space<hbm>> -> memref<1x1x128xi32, #tpu.memory_space<hbm>>
        %dma_wait3A_213 = tpu.memref_squeeze %dma_wait3A_212 : memref<1x1x128xi32, #tpu.memory_space<hbm>> -> memref<1x128xi32, #tpu.memory_space<hbm>>
        %dma_wait3A_214 = arith.constant 0 : i32
        %dma_wait3A_215 = arith.constant 0 : i32
        %dma_wait3A_216 = tpu.memref_slice %arg4[%dma_wait3A_209, %dma_wait3A_214, %dma_wait3A_215] : memref<2560x1x128xi32, #tpu.memory_space<hbm>> -> memref<1x1x128xi32, #tpu.memory_space<hbm>>
        %dma_wait3A_217 = tpu.memref_squeeze %dma_wait3A_216 : memref<1x1x128xi32, #tpu.memory_space<hbm>> -> memref<1x128xi32, #tpu.memory_space<hbm>>
        tpu.wait_dma2 semaphore(%arg16 : memref<!tpu.dma_semaphore, #tpu.memory_space<semaphore_mem>>) src(%dma_wait3A_217 : memref<1x128xi32, #tpu.memory_space<hbm>>) dst(%arg9 : memref<1x128xi32, #tpu.memory_space<vmem>>)
        %dma_wait3A_218 = arith.constant 0 : i32
        %dma_wait3A_219 = tpu.memref_slice %arg8[%dma_wait3A_218] : memref<10240xi32, #tpu.memory_space<vmem>> -> memref<128xi32, #tpu.memory_space<vmem>>
        %dma_wait3A_220 = arith.constant 0 : i32
        %dma_wait3A_221 = arith.constant 0 : i32
        %dma_wait3A_222 = tpu.memref_slice %arg2[%dma_wait3A_220, %dma_wait3A_221] : memref<10000x128xf32, #tpu.memory_space<hbm>> -> memref<10000x128xf32, #tpu.memory_space<hbm>>
        tpu.wait_indirect_dma semaphore(%arg14 : memref<!tpu.dma_semaphore, #tpu.memory_space<semaphore_mem>>) src(%dma_wait3A_222 : memref<10000x128xf32, #tpu.memory_space<hbm>>) dst(%arg11 : memref<128x128xf32, #tpu.memory_space<vmem>>)
        %run_scoped3A_223 = arith.constant 0 : i32
        "tpu.region"() ({
          %run_scoped3A_277 = tpu.sem_alloc : memref<!tpu.dma_semaphore, #tpu.memory_space<semaphore_mem>>
          %dma_start3A_278 = arith.constant 0 : i32
          %dma_start3A_279 = tpu.memref_slice %arg9[%run_scoped3A_223, %dma_start3A_278] : memref<1x128xi32, #tpu.memory_space<vmem>> -> memref<1x128xi32, #tpu.memory_space<vmem>>
          %dma_start3A_280 = tpu.memref_squeeze %dma_start3A_279 : memref<1x128xi32, #tpu.memory_space<vmem>> -> memref<128xi32, #tpu.memory_space<vmem>>
          %dma_start3A_281 = arith.constant 0 : i32
          %dma_start3A_282 = arith.constant 0 : i32
          %dma_start3A_283 = tpu.memref_slice %arg13[%dma_start3A_281, %dma_start3A_282] : memref<10240x128xf32, #tpu.memory_space<vmem_shared>> -> memref<10240x128xf32, #tpu.memory_space<vmem_shared>>
          tpu.enqueue_indirect_dma source(%arg11 : memref<128x128xf32, #tpu.memory_space<vmem>>) target(%dma_start3A_283 : memref<10240x128xf32, #tpu.memory_space<vmem_shared>>) offsets(%dma_start3A_280 : memref<128xi32, #tpu.memory_space<vmem>>) semaphore(%run_scoped3A_277 : memref<!tpu.dma_semaphore, #tpu.memory_space<semaphore_mem>>) {add = true}
          %dma_wait3A_284 = arith.constant 0 : i32
          %dma_wait3A_285 = tpu.memref_slice %arg9[%run_scoped3A_223, %dma_wait3A_284] : memref<1x128xi32, #tpu.memory_space<vmem>> -> memref<1x128xi32, #tpu.memory_space<vmem>>
          %dma_wait3A_286 = tpu.memref_squeeze %dma_wait3A_285 : memref<1x128xi32, #tpu.memory_space<vmem>> -> memref<128xi32, #tpu.memory_space<vmem>>
          %dma_wait3A_287 = arith.constant 0 : i32
          %dma_wait3A_288 = arith.constant 0 : i32
          %dma_wait3A_289 = tpu.memref_slice %arg13[%dma_wait3A_287, %dma_wait3A_288] : memref<10240x128xf32, #tpu.memory_space<vmem_shared>> -> memref<10240x128xf32, #tpu.memory_space<vmem_shared>>
          tpu.wait_indirect_dma semaphore(%run_scoped3A_277 : memref<!tpu.dma_semaphore, #tpu.memory_space<semaphore_mem>>) src(%arg11 : memref<128x128xf32, #tpu.memory_space<vmem>>) dst(%dma_wait3A_289 : memref<10240x128xf32, #tpu.memory_space<vmem_shared>>)
          tpu.yield
        }) : () -> ()
        %add3A_224 = arith.constant 2 : i32
        %add3A_225 = arith.addi %add3A_208, %add3A_224 : i32
        %add3A_226 = arith.addi %add3A_102, %add3A_225 : i32
        %dma_start3A_227 = arith.constant 0 : i32
        %dma_start3A_228 = arith.constant 0 : i32
        %dma_start3A_229 = tpu.memref_slice %arg4[%add3A_226, %dma_start3A_227, %dma_start3A_228] : memref<2560x1x128xi32, #tpu.memory_space<hbm>> -> memref<1x1x128xi32, #tpu.memory_space<hbm>>
        %dma_start3A_230 = tpu.memref_squeeze %dma_start3A_229 : memref<1x1x128xi32, #tpu.memory_space<hbm>> -> memref<1x128xi32, #tpu.memory_space<hbm>>
        %dma_start3A_231 = arith.constant 0 : i32
        %dma_start3A_232 = arith.constant 0 : i32
        %dma_start3A_233 = tpu.memref_slice %arg4[%add3A_226, %dma_start3A_231, %dma_start3A_232] : memref<2560x1x128xi32, #tpu.memory_space<hbm>> -> memref<1x1x128xi32, #tpu.memory_space<hbm>>
        %dma_start3A_234 = tpu.memref_squeeze %dma_start3A_233 : memref<1x1x128xi32, #tpu.memory_space<hbm>> -> memref<1x128xi32, #tpu.memory_space<hbm>>
        tpu.enqueue_dma source(%dma_start3A_234 : memref<1x128xi32, #tpu.memory_space<hbm>>) target(%arg9 : memref<1x128xi32, #tpu.memory_space<vmem>>) target_semaphore(%arg16 : memref<!tpu.dma_semaphore, #tpu.memory_space<semaphore_mem>>)
        %mul3A_235 = arith.constant 128 : i32
        %mul3A_236 = arith.muli %add3A_225, %mul3A_235 : i32
        %dma_start3A_237 = tpu.memref_slice %arg8[%mul3A_236] : memref<10240xi32, #tpu.memory_space<vmem>> -> memref<128xi32, #tpu.memory_space<vmem>>
        %dma_start3A_238 = arith.constant 0 : i32
        %dma_start3A_239 = arith.constant 0 : i32
        %dma_start3A_240 = tpu.memref_slice %arg2[%dma_start3A_238, %dma_start3A_239] : memref<10000x128xf32, #tpu.memory_space<hbm>> -> memref<10000x128xf32, #tpu.memory_space<hbm>>
        tpu.enqueue_indirect_dma source(%dma_start3A_240 : memref<10000x128xf32, #tpu.memory_space<hbm>>) target(%arg11 : memref<128x128xf32, #tpu.memory_space<vmem>>) offsets(%dma_start3A_237 : memref<128xi32, #tpu.memory_space<vmem>>) semaphore(%arg14 : memref<!tpu.dma_semaphore, #tpu.memory_space<semaphore_mem>>)
        %mul3A_241 = arith.constant 2 : i32
        %mul3A_242 = arith.muli %while3A_204, %mul3A_241 : i32
        %add3A_243 = arith.constant 1 : i32
        %add3A_244 = arith.addi %mul3A_242, %add3A_243 : i32
        %dma_wait3A_245 = arith.constant 0 : i32
        %dma_wait3A_246 = arith.constant 0 : i32
        %dma_wait3A_247 = arith.constant 0 : i32
        %dma_wait3A_248 = tpu.memref_slice %arg4[%dma_wait3A_245, %dma_wait3A_246, %dma_wait3A_247] : memref<2560x1x128xi32, #tpu.memory_space<hbm>> -> memref<1x1x128xi32, #tpu.memory_space<hbm>>
        %dma_wait3A_249 = tpu.memref_squeeze %dma_wait3A_248 : memref<1x1x128xi32, #tpu.memory_space<hbm>> -> memref<1x128xi32, #tpu.memory_space<hbm>>
        %dma_wait3A_250 = arith.constant 0 : i32
        %dma_wait3A_251 = arith.constant 0 : i32
        %dma_wait3A_252 = tpu.memref_slice %arg4[%dma_wait3A_245, %dma_wait3A_250, %dma_wait3A_251] : memref<2560x1x128xi32, #tpu.memory_space<hbm>> -> memref<1x1x128xi32, #tpu.memory_space<hbm>>
        %dma_wait3A_253 = tpu.memref_squeeze %dma_wait3A_252 : memref<1x1x128xi32, #tpu.memory_space<hbm>> -> memref<1x128xi32, #tpu.memory_space<hbm>>
        tpu.wait_dma2 semaphore(%arg17 : memref<!tpu.dma_semaphore, #tpu.memory_space<semaphore_mem>>) src(%dma_wait3A_253 : memref<1x128xi32, #tpu.memory_space<hbm>>) dst(%arg10 : memref<1x128xi32, #tpu.memory_space<vmem>>)
        %dma_wait3A_254 = arith.constant 0 : i32
        %dma_wait3A_255 = tpu.memref_slice %arg8[%dma_wait3A_254] : memref<10240xi32, #tpu.memory_space<vmem>> -> memref<128xi32, #tpu.memory_space<vmem>>
        %dma_wait3A_256 = arith.constant 0 : i32
        %dma_wait3A_257 = arith.constant 0 : i32
        %dma_wait3A_258 = tpu.memref_slice %arg2[%dma_wait3A_256, %dma_wait3A_257] : memref<10000x128xf32, #tpu.memory_space<hbm>> -> memref<10000x128xf32, #tpu.memory_space<hbm>>
        tpu.wait_indirect_dma semaphore(%arg15 : memref<!tpu.dma_semaphore, #tpu.memory_space<semaphore_mem>>) src(%dma_wait3A_258 : memref<10000x128xf32, #tpu.memory_space<hbm>>) dst(%arg12 : memref<128x128xf32, #tpu.memory_space<vmem>>)
        %run_scoped3A_259 = arith.constant 0 : i32
        "tpu.region"() ({
          %run_scoped3A_277 = tpu.sem_alloc : memref<!tpu.dma_semaphore, #tpu.memory_space<semaphore_mem>>
          %dma_start3A_278 = arith.constant 0 : i32
          %dma_start3A_279 = tpu.memref_slice %arg10[%run_scoped3A_259, %dma_start3A_278] : memref<1x128xi32, #tpu.memory_space<vmem>> -> memref<1x128xi32, #tpu.memory_space<vmem>>
          %dma_start3A_280 = tpu.memref_squeeze %dma_start3A_279 : memref<1x128xi32, #tpu.memory_space<vmem>> -> memref<128xi32, #tpu.memory_space<vmem>>
          %dma_start3A_281 = arith.constant 0 : i32
          %dma_start3A_282 = arith.constant 0 : i32
          %dma_start3A_283 = tpu.memref_slice %arg13[%dma_start3A_281, %dma_start3A_282] : memref<10240x128xf32, #tpu.memory_space<vmem_shared>> -> memref<10240x128xf32, #tpu.memory_space<vmem_shared>>
          tpu.enqueue_indirect_dma source(%arg12 : memref<128x128xf32, #tpu.memory_space<vmem>>) target(%dma_start3A_283 : memref<10240x128xf32, #tpu.memory_space<vmem_shared>>) offsets(%dma_start3A_280 : memref<128xi32, #tpu.memory_space<vmem>>) semaphore(%run_scoped3A_277 : memref<!tpu.dma_semaphore, #tpu.memory_space<semaphore_mem>>) {add = true}
          %dma_wait3A_284 = arith.constant 0 : i32
          %dma_wait3A_285 = tpu.memref_slice %arg10[%run_scoped3A_259, %dma_wait3A_284] : memref<1x128xi32, #tpu.memory_space<vmem>> -> memref<1x128xi32, #tpu.memory_space<vmem>>
          %dma_wait3A_286 = tpu.memref_squeeze %dma_wait3A_285 : memref<1x128xi32, #tpu.memory_space<vmem>> -> memref<128xi32, #tpu.memory_space<vmem>>
          %dma_wait3A_287 = arith.constant 0 : i32
          %dma_wait3A_288 = arith.constant 0 : i32
          %dma_wait3A_289 = tpu.memref_slice %arg13[%dma_wait3A_287, %dma_wait3A_288] : memref<10240x128xf32, #tpu.memory_space<vmem_shared>> -> memref<10240x128xf32, #tpu.memory_space<vmem_shared>>
          tpu.wait_indirect_dma semaphore(%run_scoped3A_277 : memref<!tpu.dma_semaphore, #tpu.memory_space<semaphore_mem>>) src(%arg12 : memref<128x128xf32, #tpu.memory_space<vmem>>) dst(%dma_wait3A_289 : memref<10240x128xf32, #tpu.memory_space<vmem_shared>>)
          tpu.yield
        }) : () -> ()
        %add3A_260 = arith.constant 2 : i32
        %add3A_261 = arith.addi %add3A_244, %add3A_260 : i32
        %add3A_262 = arith.addi %add3A_102, %add3A_261 : i32
        %dma_start3A_263 = arith.constant 0 : i32
        %dma_start3A_264 = arith.constant 0 : i32
        %dma_start3A_265 = tpu.memref_slice %arg4[%add3A_262, %dma_start3A_263, %dma_start3A_264] : memref<2560x1x128xi32, #tpu.memory_space<hbm>> -> memref<1x1x128xi32, #tpu.memory_space<hbm>>
        %dma_start3A_266 = tpu.memref_squeeze %dma_start3A_265 : memref<1x1x128xi32, #tpu.memory_space<hbm>> -> memref<1x128xi32, #tpu.memory_space<hbm>>
        %dma_start3A_267 = arith.constant 0 : i32
        %dma_start3A_268 = arith.constant 0 : i32
        %dma_start3A_269 = tpu.memref_slice %arg4[%add3A_262, %dma_start3A_267, %dma_start3A_268] : memref<2560x1x128xi32, #tpu.memory_space<hbm>> -> memref<1x1x128xi32, #tpu.memory_space<hbm>>
        %dma_start3A_270 = tpu.memref_squeeze %dma_start3A_269 : memref<1x1x128xi32, #tpu.memory_space<hbm>> -> memref<1x128xi32, #tpu.memory_space<hbm>>
        tpu.enqueue_dma source(%dma_start3A_270 : memref<1x128xi32, #tpu.memory_space<hbm>>) target(%arg10 : memref<1x128xi32, #tpu.memory_space<vmem>>) target_semaphore(%arg17 : memref<!tpu.dma_semaphore, #tpu.memory_space<semaphore_mem>>)
        %mul3A_271 = arith.constant 128 : i32
        %mul3A_272 = arith.muli %add3A_261, %mul3A_271 : i32
        %dma_start3A_273 = tpu.memref_slice %arg8[%mul3A_272] : memref<10240xi32, #tpu.memory_space<vmem>> -> memref<128xi32, #tpu.memory_space<vmem>>
        %dma_start3A_274 = arith.constant 0 : i32
        %dma_start3A_275 = arith.constant 0 : i32
        %dma_start3A_276 = tpu.memref_slice %arg2[%dma_start3A_274, %dma_start3A_275] : memref<10000x128xf32, #tpu.memory_space<hbm>> -> memref<10000x128xf32, #tpu.memory_space<hbm>>
        tpu.enqueue_indirect_dma source(%dma_start3A_276 : memref<10000x128xf32, #tpu.memory_space<hbm>>) target(%arg12 : memref<128x128xf32, #tpu.memory_space<vmem>>) offsets(%dma_start3A_273 : memref<128xi32, #tpu.memory_space<vmem>>) semaphore(%arg15 : memref<!tpu.dma_semaphore, #tpu.memory_space<semaphore_mem>>)
      }
      %while3A_173 = arith.constant 1 : i32
      scf.for %while3A_204 = %while3A_171 to %while3A_167 step %while3A_173  : i32 {
        %mul3A_205 = arith.constant 2 : i32
        %mul3A_206 = arith.muli %while3A_204, %mul3A_205 : i32
        %add3A_207 = arith.constant 0 : i32
        %add3A_208 = arith.addi %mul3A_206, %add3A_207 : i32
        %dma_wait3A_209 = arith.constant 0 : i32
        %dma_wait3A_210 = arith.constant 0 : i32
        %dma_wait3A_211 = arith.constant 0 : i32
        %dma_wait3A_212 = tpu.memref_slice %arg4[%dma_wait3A_209, %dma_wait3A_210, %dma_wait3A_211] : memref<2560x1x128xi32, #tpu.memory_space<hbm>> -> memref<1x1x128xi32, #tpu.memory_space<hbm>>
        %dma_wait3A_213 = tpu.memref_squeeze %dma_wait3A_212 : memref<1x1x128xi32, #tpu.memory_space<hbm>> -> memref<1x128xi32, #tpu.memory_space<hbm>>
        %dma_wait3A_214 = arith.constant 0 : i32
        %dma_wait3A_215 = arith.constant 0 : i32
        %dma_wait3A_216 = tpu.memref_slice %arg4[%dma_wait3A_209, %dma_wait3A_214, %dma_wait3A_215] : memref<2560x1x128xi32, #tpu.memory_space<hbm>> -> memref<1x1x128xi32, #tpu.memory_space<hbm>>
        %dma_wait3A_217 = tpu.memref_squeeze %dma_wait3A_216 : memref<1x1x128xi32, #tpu.memory_space<hbm>> -> memref<1x128xi32, #tpu.memory_space<hbm>>
        tpu.wait_dma2 semaphore(%arg16 : memref<!tpu.dma_semaphore, #tpu.memory_space<semaphore_mem>>) src(%dma_wait3A_217 : memref<1x128xi32, #tpu.memory_space<hbm>>) dst(%arg9 : memref<1x128xi32, #tpu.memory_space<vmem>>)
        %dma_wait3A_218 = arith.constant 0 : i32
        %dma_wait3A_219 = tpu.memref_slice %arg8[%dma_wait3A_218] : memref<10240xi32, #tpu.memory_space<vmem>> -> memref<128xi32, #tpu.memory_space<vmem>>
        %dma_wait3A_220 = arith.constant 0 : i32
        %dma_wait3A_221 = arith.constant 0 : i32
        %dma_wait3A_222 = tpu.memref_slice %arg2[%dma_wait3A_220, %dma_wait3A_221] : memref<10000x128xf32, #tpu.memory_space<hbm>> -> memref<10000x128xf32, #tpu.memory_space<hbm>>
        tpu.wait_indirect_dma semaphore(%arg14 : memref<!tpu.dma_semaphore, #tpu.memory_space<semaphore_mem>>) src(%dma_wait3A_222 : memref<10000x128xf32, #tpu.memory_space<hbm>>) dst(%arg11 : memref<128x128xf32, #tpu.memory_space<vmem>>)
        %run_scoped3A_223 = arith.constant 0 : i32
        "tpu.region"() ({
          %run_scoped3A_277 = tpu.sem_alloc : memref<!tpu.dma_semaphore, #tpu.memory_space<semaphore_mem>>
          %dma_start3A_278 = arith.constant 0 : i32
          %dma_start3A_279 = tpu.memref_slice %arg9[%run_scoped3A_223, %dma_start3A_278] : memref<1x128xi32, #tpu.memory_space<vmem>> -> memref<1x128xi32, #tpu.memory_space<vmem>>
          %dma_start3A_280 = tpu.memref_squeeze %dma_start3A_279 : memref<1x128xi32, #tpu.memory_space<vmem>> -> memref<128xi32, #tpu.memory_space<vmem>>
          %dma_start3A_281 = arith.constant 0 : i32
          %dma_start3A_282 = arith.constant 0 : i32
          %dma_start3A_283 = tpu.memref_slice %arg13[%dma_start3A_281, %dma_start3A_282] : memref<10240x128xf32, #tpu.memory_space<vmem_shared>> -> memref<10240x128xf32, #tpu.memory_space<vmem_shared>>
          tpu.enqueue_indirect_dma source(%arg11 : memref<128x128xf32, #tpu.memory_space<vmem>>) target(%dma_start3A_283 : memref<10240x128xf32, #tpu.memory_space<vmem_shared>>) offsets(%dma_start3A_280 : memref<128xi32, #tpu.memory_space<vmem>>) semaphore(%run_scoped3A_277 : memref<!tpu.dma_semaphore, #tpu.memory_space<semaphore_mem>>) {add = true}
          %dma_wait3A_284 = arith.constant 0 : i32
          %dma_wait3A_285 = tpu.memref_slice %arg9[%run_scoped3A_223, %dma_wait3A_284] : memref<1x128xi32, #tpu.memory_space<vmem>> -> memref<1x128xi32, #tpu.memory_space<vmem>>
          %dma_wait3A_286 = tpu.memref_squeeze %dma_wait3A_285 : memref<1x128xi32, #tpu.memory_space<vmem>> -> memref<128xi32, #tpu.memory_space<vmem>>
          %dma_wait3A_287 = arith.constant 0 : i32
          %dma_wait3A_288 = arith.constant 0 : i32
          %dma_wait3A_289 = tpu.memref_slice %arg13[%dma_wait3A_287, %dma_wait3A_288] : memref<10240x128xf32, #tpu.memory_space<vmem_shared>> -> memref<10240x128xf32, #tpu.memory_space<vmem_shared>>
          tpu.wait_indirect_dma semaphore(%run_scoped3A_277 : memref<!tpu.dma_semaphore, #tpu.memory_space<semaphore_mem>>) src(%arg11 : memref<128x128xf32, #tpu.memory_space<vmem>>) dst(%dma_wait3A_289 : memref<10240x128xf32, #tpu.memory_space<vmem_shared>>)
          tpu.yield
        }) : () -> ()
        %add3A_224 = arith.constant 2 : i32
        %add3A_225 = arith.addi %add3A_208, %add3A_224 : i32
        %add3A_226 = arith.addi %add3A_102, %add3A_225 : i32
        %dma_start3A_227 = arith.constant 0 : i32
        %dma_start3A_228 = arith.constant 0 : i32
        %dma_start3A_229 = tpu.memref_slice %arg4[%add3A_226, %dma_start3A_227, %dma_start3A_228] : memref<2560x1x128xi32, #tpu.memory_space<hbm>> -> memref<1x1x128xi32, #tpu.memory_space<hbm>>
        %dma_start3A_230 = tpu.memref_squeeze %dma_start3A_229 : memref<1x1x128xi32, #tpu.memory_space<hbm>> -> memref<1x128xi32, #tpu.memory_space<hbm>>
        %dma_start3A_231 = arith.constant 0 : i32
        %dma_start3A_232 = arith.constant 0 : i32
        %dma_start3A_233 = tpu.memref_slice %arg4[%add3A_226, %dma_start3A_231, %dma_start3A_232] : memref<2560x1x128xi32, #tpu.memory_space<hbm>> -> memref<1x1x128xi32, #tpu.memory_space<hbm>>
        %dma_start3A_234 = tpu.memref_squeeze %dma_start3A_233 : memref<1x1x128xi32, #tpu.memory_space<hbm>> -> memref<1x128xi32, #tpu.memory_space<hbm>>
        tpu.enqueue_dma source(%dma_start3A_234 : memref<1x128xi32, #tpu.memory_space<hbm>>) target(%arg9 : memref<1x128xi32, #tpu.memory_space<vmem>>) target_semaphore(%arg16 : memref<!tpu.dma_semaphore, #tpu.memory_space<semaphore_mem>>)
        %mul3A_235 = arith.constant 128 : i32
        %mul3A_236 = arith.muli %add3A_225, %mul3A_235 : i32
        %dma_start3A_237 = tpu.memref_slice %arg8[%mul3A_236] : memref<10240xi32, #tpu.memory_space<vmem>> -> memref<128xi32, #tpu.memory_space<vmem>>
        %dma_start3A_238 = arith.constant 0 : i32
        %dma_start3A_239 = arith.constant 0 : i32
        %dma_start3A_240 = tpu.memref_slice %arg2[%dma_start3A_238, %dma_start3A_239] : memref<10000x128xf32, #tpu.memory_space<hbm>> -> memref<10000x128xf32, #tpu.memory_space<hbm>>
        tpu.enqueue_indirect_dma source(%dma_start3A_240 : memref<10000x128xf32, #tpu.memory_space<hbm>>) target(%arg11 : memref<128x128xf32, #tpu.memory_space<vmem>>) offsets(%dma_start3A_237 : memref<128xi32, #tpu.memory_space<vmem>>) semaphore(%arg14 : memref<!tpu.dma_semaphore, #tpu.memory_space<semaphore_mem>>)
        %mul3A_241 = arith.constant 2 : i32
        %mul3A_242 = arith.muli %while3A_204, %mul3A_241 : i32
        %add3A_243 = arith.constant 1 : i32
        %add3A_244 = arith.addi %mul3A_242, %add3A_243 : i32
        %dma_wait3A_245 = arith.constant 0 : i32
        %dma_wait3A_246 = arith.constant 0 : i32
        %dma_wait3A_247 = arith.constant 0 : i32
        %dma_wait3A_248 = tpu.memref_slice %arg4[%dma_wait3A_245, %dma_wait3A_246, %dma_wait3A_247] : memref<2560x1x128xi32, #tpu.memory_space<hbm>> -> memref<1x1x128xi32, #tpu.memory_space<hbm>>
        %dma_wait3A_249 = tpu.memref_squeeze %dma_wait3A_248 : memref<1x1x128xi32, #tpu.memory_space<hbm>> -> memref<1x128xi32, #tpu.memory_space<hbm>>
        %dma_wait3A_250 = arith.constant 0 : i32
        %dma_wait3A_251 = arith.constant 0 : i32
        %dma_wait3A_252 = tpu.memref_slice %arg4[%dma_wait3A_245, %dma_wait3A_250, %dma_wait3A_251] : memref<2560x1x128xi32, #tpu.memory_space<hbm>> -> memref<1x1x128xi32, #tpu.memory_space<hbm>>
        %dma_wait3A_253 = tpu.memref_squeeze %dma_wait3A_252 : memref<1x1x128xi32, #tpu.memory_space<hbm>> -> memref<1x128xi32, #tpu.memory_space<hbm>>
        tpu.wait_dma2 semaphore(%arg17 : memref<!tpu.dma_semaphore, #tpu.memory_space<semaphore_mem>>) src(%dma_wait3A_253 : memref<1x128xi32, #tpu.memory_space<hbm>>) dst(%arg10 : memref<1x128xi32, #tpu.memory_space<vmem>>)
        %dma_wait3A_254 = arith.constant 0 : i32
        %dma_wait3A_255 = tpu.memref_slice %arg8[%dma_wait3A_254] : memref<10240xi32, #tpu.memory_space<vmem>> -> memref<128xi32, #tpu.memory_space<vmem>>
        %dma_wait3A_256 = arith.constant 0 : i32
        %dma_wait3A_257 = arith.constant 0 : i32
        %dma_wait3A_258 = tpu.memref_slice %arg2[%dma_wait3A_256, %dma_wait3A_257] : memref<10000x128xf32, #tpu.memory_space<hbm>> -> memref<10000x128xf32, #tpu.memory_space<hbm>>
        tpu.wait_indirect_dma semaphore(%arg15 : memref<!tpu.dma_semaphore, #tpu.memory_space<semaphore_mem>>) src(%dma_wait3A_258 : memref<10000x128xf32, #tpu.memory_space<hbm>>) dst(%arg12 : memref<128x128xf32, #tpu.memory_space<vmem>>)
        %run_scoped3A_259 = arith.constant 0 : i32
        "tpu.region"() ({
          %run_scoped3A_277 = tpu.sem_alloc : memref<!tpu.dma_semaphore, #tpu.memory_space<semaphore_mem>>
          %dma_start3A_278 = arith.constant 0 : i32
          %dma_start3A_279 = tpu.memref_slice %arg10[%run_scoped3A_259, %dma_start3A_278] : memref<1x128xi32, #tpu.memory_space<vmem>> -> memref<1x128xi32, #tpu.memory_space<vmem>>
          %dma_start3A_280 = tpu.memref_squeeze %dma_start3A_279 : memref<1x128xi32, #tpu.memory_space<vmem>> -> memref<128xi32, #tpu.memory_space<vmem>>
          %dma_start3A_281 = arith.constant 0 : i32
          %dma_start3A_282 = arith.constant 0 : i32
          %dma_start3A_283 = tpu.memref_slice %arg13[%dma_start3A_281, %dma_start3A_282] : memref<10240x128xf32, #tpu.memory_space<vmem_shared>> -> memref<10240x128xf32, #tpu.memory_space<vmem_shared>>
          tpu.enqueue_indirect_dma source(%arg12 : memref<128x128xf32, #tpu.memory_space<vmem>>) target(%dma_start3A_283 : memref<10240x128xf32, #tpu.memory_space<vmem_shared>>) offsets(%dma_start3A_280 : memref<128xi32, #tpu.memory_space<vmem>>) semaphore(%run_scoped3A_277 : memref<!tpu.dma_semaphore, #tpu.memory_space<semaphore_mem>>) {add = true}
          %dma_wait3A_284 = arith.constant 0 : i32
          %dma_wait3A_285 = tpu.memref_slice %arg10[%run_scoped3A_259, %dma_wait3A_284] : memref<1x128xi32, #tpu.memory_space<vmem>> -> memref<1x128xi32, #tpu.memory_space<vmem>>
          %dma_wait3A_286 = tpu.memref_squeeze %dma_wait3A_285 : memref<1x128xi32, #tpu.memory_space<vmem>> -> memref<128xi32, #tpu.memory_space<vmem>>
          %dma_wait3A_287 = arith.constant 0 : i32
          %dma_wait3A_288 = arith.constant 0 : i32
          %dma_wait3A_289 = tpu.memref_slice %arg13[%dma_wait3A_287, %dma_wait3A_288] : memref<10240x128xf32, #tpu.memory_space<vmem_shared>> -> memref<10240x128xf32, #tpu.memory_space<vmem_shared>>
          tpu.wait_indirect_dma semaphore(%run_scoped3A_277 : memref<!tpu.dma_semaphore, #tpu.memory_space<semaphore_mem>>) src(%arg12 : memref<128x128xf32, #tpu.memory_space<vmem>>) dst(%dma_wait3A_289 : memref<10240x128xf32, #tpu.memory_space<vmem_shared>>)
          tpu.yield
        }) : () -> ()
        %add3A_260 = arith.constant 2 : i32
        %add3A_261 = arith.addi %add3A_244, %add3A_260 : i32
        %add3A_262 = arith.addi %add3A_102, %add3A_261 : i32
        %dma_start3A_263 = arith.constant 0 : i32
        %dma_start3A_264 = arith.constant 0 : i32
        %dma_start3A_265 = tpu.memref_slice %arg4[%add3A_262, %dma_start3A_263, %dma_start3A_264] : memref<2560x1x128xi32, #tpu.memory_space<hbm>> -> memref<1x1x128xi32, #tpu.memory_space<hbm>>
        %dma_start3A_266 = tpu.memref_squeeze %dma_start3A_265 : memref<1x1x128xi32, #tpu.memory_space<hbm>> -> memref<1x128xi32, #tpu.memory_space<hbm>>
        %dma_start3A_267 = arith.constant 0 : i32
        %dma_start3A_268 = arith.constant 0 : i32
        %dma_start3A_269 = tpu.memref_slice %arg4[%add3A_262, %dma_start3A_267, %dma_start3A_268] : memref<2560x1x128xi32, #tpu.memory_space<hbm>> -> memref<1x1x128xi32, #tpu.memory_space<hbm>>
        %dma_start3A_270 = tpu.memref_squeeze %dma_start3A_269 : memref<1x1x128xi32, #tpu.memory_space<hbm>> -> memref<1x128xi32, #tpu.memory_space<hbm>>
        tpu.enqueue_dma source(%dma_start3A_270 : memref<1x128xi32, #tpu.memory_space<hbm>>) target(%arg10 : memref<1x128xi32, #tpu.memory_space<vmem>>) target_semaphore(%arg17 : memref<!tpu.dma_semaphore, #tpu.memory_space<semaphore_mem>>)
        %mul3A_271 = arith.constant 128 : i32
        %mul3A_272 = arith.muli %add3A_261, %mul3A_271 : i32
        %dma_start3A_273 = tpu.memref_slice %arg8[%mul3A_272] : memref<10240xi32, #tpu.memory_space<vmem>> -> memref<128xi32, #tpu.memory_space<vmem>>
        %dma_start3A_274 = arith.constant 0 : i32
        %dma_start3A_275 = arith.constant 0 : i32
        %dma_start3A_276 = tpu.memref_slice %arg2[%dma_start3A_274, %dma_start3A_275] : memref<10000x128xf32, #tpu.memory_space<hbm>> -> memref<10000x128xf32, #tpu.memory_space<hbm>>
        tpu.enqueue_indirect_dma source(%dma_start3A_276 : memref<10000x128xf32, #tpu.memory_space<hbm>>) target(%arg12 : memref<128x128xf32, #tpu.memory_space<vmem>>) offsets(%dma_start3A_273 : memref<128xi32, #tpu.memory_space<vmem>>) semaphore(%arg15 : memref<!tpu.dma_semaphore, #tpu.memory_space<semaphore_mem>>)
      }
      %dma_wait3A_174 = arith.constant 0 : i32
      %dma_wait3A_175 = arith.constant 0 : i32
      %dma_wait3A_176 = arith.constant 0 : i32
      %dma_wait3A_177 = tpu.memref_slice %arg4[%dma_wait3A_174, %dma_wait3A_175, %dma_wait3A_176] : memref<2560x1x128xi32, #tpu.memory_space<hbm>> -> memref<1x1x128xi32, #tpu.memory_space<hbm>>
      %dma_wait3A_178 = tpu.memref_squeeze %dma_wait3A_177 : memref<1x1x128xi32, #tpu.memory_space<hbm>> -> memref<1x128xi32, #tpu.memory_space<hbm>>
      %dma_wait3A_179 = arith.constant 0 : i32
      %dma_wait3A_180 = arith.constant 0 : i32
      %dma_wait3A_181 = tpu.memref_slice %arg4[%dma_wait3A_174, %dma_wait3A_179, %dma_wait3A_180] : memref<2560x1x128xi32, #tpu.memory_space<hbm>> -> memref<1x1x128xi32, #tpu.memory_space<hbm>>
      %dma_wait3A_182 = tpu.memref_squeeze %dma_wait3A_181 : memref<1x1x128xi32, #tpu.memory_space<hbm>> -> memref<1x128xi32, #tpu.memory_space<hbm>>
      tpu.wait_dma2 semaphore(%arg16 : memref<!tpu.dma_semaphore, #tpu.memory_space<semaphore_mem>>) src(%dma_wait3A_182 : memref<1x128xi32, #tpu.memory_space<hbm>>) dst(%arg9 : memref<1x128xi32, #tpu.memory_space<vmem>>)
      %dma_wait3A_183 = arith.constant 0 : i32
      %dma_wait3A_184 = tpu.memref_slice %arg8[%dma_wait3A_183] : memref<10240xi32, #tpu.memory_space<vmem>> -> memref<128xi32, #tpu.memory_space<vmem>>
      %dma_wait3A_185 = arith.constant 0 : i32
      %dma_wait3A_186 = arith.constant 0 : i32
      %dma_wait3A_187 = tpu.memref_slice %arg2[%dma_wait3A_185, %dma_wait3A_186] : memref<10000x128xf32, #tpu.memory_space<hbm>> -> memref<10000x128xf32, #tpu.memory_space<hbm>>
      tpu.wait_indirect_dma semaphore(%arg14 : memref<!tpu.dma_semaphore, #tpu.memory_space<semaphore_mem>>) src(%dma_wait3A_187 : memref<10000x128xf32, #tpu.memory_space<hbm>>) dst(%arg11 : memref<128x128xf32, #tpu.memory_space<vmem>>)
      %run_scoped3A_188 = arith.constant 0 : i32
      "tpu.region"() ({
        %run_scoped3A_204 = tpu.sem_alloc : memref<!tpu.dma_semaphore, #tpu.memory_space<semaphore_mem>>
        %dma_start3A_205 = arith.constant 0 : i32
        %dma_start3A_206 = tpu.memref_slice %arg9[%run_scoped3A_188, %dma_start3A_205] : memref<1x128xi32, #tpu.memory_space<vmem>> -> memref<1x128xi32, #tpu.memory_space<vmem>>
        %dma_start3A_207 = tpu.memref_squeeze %dma_start3A_206 : memref<1x128xi32, #tpu.memory_space<vmem>> -> memref<128xi32, #tpu.memory_space<vmem>>
        %dma_start3A_208 = arith.constant 0 : i32
        %dma_start3A_209 = arith.constant 0 : i32
        %dma_start3A_210 = tpu.memref_slice %arg13[%dma_start3A_208, %dma_start3A_209] : memref<10240x128xf32, #tpu.memory_space<vmem_shared>> -> memref<10240x128xf32, #tpu.memory_space<vmem_shared>>
        tpu.enqueue_indirect_dma source(%arg11 : memref<128x128xf32, #tpu.memory_space<vmem>>) target(%dma_start3A_210 : memref<10240x128xf32, #tpu.memory_space<vmem_shared>>) offsets(%dma_start3A_207 : memref<128xi32, #tpu.memory_space<vmem>>) semaphore(%run_scoped3A_204 : memref<!tpu.dma_semaphore, #tpu.memory_space<semaphore_mem>>) {add = true}
        %dma_wait3A_211 = arith.constant 0 : i32
        %dma_wait3A_212 = tpu.memref_slice %arg9[%run_scoped3A_188, %dma_wait3A_211] : memref<1x128xi32, #tpu.memory_space<vmem>> -> memref<1x128xi32, #tpu.memory_space<vmem>>
        %dma_wait3A_213 = tpu.memref_squeeze %dma_wait3A_212 : memref<1x128xi32, #tpu.memory_space<vmem>> -> memref<128xi32, #tpu.memory_space<vmem>>
        %dma_wait3A_214 = arith.constant 0 : i32
        %dma_wait3A_215 = arith.constant 0 : i32
        %dma_wait3A_216 = tpu.memref_slice %arg13[%dma_wait3A_214, %dma_wait3A_215] : memref<10240x128xf32, #tpu.memory_space<vmem_shared>> -> memref<10240x128xf32, #tpu.memory_space<vmem_shared>>
        tpu.wait_indirect_dma semaphore(%run_scoped3A_204 : memref<!tpu.dma_semaphore, #tpu.memory_space<semaphore_mem>>) src(%arg11 : memref<128x128xf32, #tpu.memory_space<vmem>>) dst(%dma_wait3A_216 : memref<10240x128xf32, #tpu.memory_space<vmem_shared>>)
        tpu.yield
      }) : () -> ()
      %dma_wait3A_189 = arith.constant 0 : i32
      %dma_wait3A_190 = arith.constant 0 : i32
      %dma_wait3A_191 = arith.constant 0 : i32
      %dma_wait3A_192 = tpu.memref_slice %arg4[%dma_wait3A_189, %dma_wait3A_190, %dma_wait3A_191] : memref<2560x1x128xi32, #tpu.memory_space<hbm>> -> memref<1x1x128xi32, #tpu.memory_space<hbm>>
      %dma_wait3A_193 = tpu.memref_squeeze %dma_wait3A_192 : memref<1x1x128xi32, #tpu.memory_space<hbm>> -> memref<1x128xi32, #tpu.memory_space<hbm>>
      %dma_wait3A_194 = arith.constant 0 : i32
      %dma_wait3A_195 = arith.constant 0 : i32
      %dma_wait3A_196 = tpu.memref_slice %arg4[%dma_wait3A_189, %dma_wait3A_194, %dma_wait3A_195] : memref<2560x1x128xi32, #tpu.memory_space<hbm>> -> memref<1x1x128xi32, #tpu.memory_space<hbm>>
      %dma_wait3A_197 = tpu.memref_squeeze %dma_wait3A_196 : memref<1x1x128xi32, #tpu.memory_space<hbm>> -> memref<1x128xi32, #tpu.memory_space<hbm>>
      tpu.wait_dma2 semaphore(%arg17 : memref<!tpu.dma_semaphore, #tpu.memory_space<semaphore_mem>>) src(%dma_wait3A_197 : memref<1x128xi32, #tpu.memory_space<hbm>>) dst(%arg10 : memref<1x128xi32, #tpu.memory_space<vmem>>)
      %dma_wait3A_198 = arith.constant 0 : i32
      %dma_wait3A_199 = tpu.memref_slice %arg8[%dma_wait3A_198] : memref<10240xi32, #tpu.memory_space<vmem>> -> memref<128xi32, #tpu.memory_space<vmem>>
      %dma_wait3A_200 = arith.constant 0 : i32
      %dma_wait3A_201 = arith.constant 0 : i32
      %dma_wait3A_202 = tpu.memref_slice %arg2[%dma_wait3A_200, %dma_wait3A_201] : memref<10000x128xf32, #tpu.memory_space<hbm>> -> memref<10000x128xf32, #tpu.memory_space<hbm>>
      tpu.wait_indirect_dma semaphore(%arg15 : memref<!tpu.dma_semaphore, #tpu.memory_space<semaphore_mem>>) src(%dma_wait3A_202 : memref<10000x128xf32, #tpu.memory_space<hbm>>) dst(%arg12 : memref<128x128xf32, #tpu.memory_space<vmem>>)
      %run_scoped3A_203 = arith.constant 0 : i32
      "tpu.region"() ({
        %run_scoped3A_204 = tpu.sem_alloc : memref<!tpu.dma_semaphore, #tpu.memory_space<semaphore_mem>>
        %dma_start3A_205 = arith.constant 0 : i32
        %dma_start3A_206 = tpu.memref_slice %arg10[%run_scoped3A_203, %dma_start3A_205] : memref<1x128xi32, #tpu.memory_space<vmem>> -> memref<1x128xi32, #tpu.memory_space<vmem>>
        %dma_start3A_207 = tpu.memref_squeeze %dma_start3A_206 : memref<1x128xi32, #tpu.memory_space<vmem>> -> memref<128xi32, #tpu.memory_space<vmem>>
        %dma_start3A_208 = arith.constant 0 : i32
        %dma_start3A_209 = arith.constant 0 : i32
        %dma_start3A_210 = tpu.memref_slice %arg13[%dma_start3A_208, %dma_start3A_209] : memref<10240x128xf32, #tpu.memory_space<vmem_shared>> -> memref<10240x128xf32, #tpu.memory_space<vmem_shared>>
        tpu.enqueue_indirect_dma source(%arg12 : memref<128x128xf32, #tpu.memory_space<vmem>>) target(%dma_start3A_210 : memref<10240x128xf32, #tpu.memory_space<vmem_shared>>) offsets(%dma_start3A_207 : memref<128xi32, #tpu.memory_space<vmem>>) semaphore(%run_scoped3A_204 : memref<!tpu.dma_semaphore, #tpu.memory_space<semaphore_mem>>) {add = true}
        %dma_wait3A_211 = arith.constant 0 : i32
        %dma_wait3A_212 = tpu.memref_slice %arg10[%run_scoped3A_203, %dma_wait3A_211] : memref<1x128xi32, #tpu.memory_space<vmem>> -> memref<1x128xi32, #tpu.memory_space<vmem>>
        %dma_wait3A_213 = tpu.memref_squeeze %dma_wait3A_212 : memref<1x128xi32, #tpu.memory_space<vmem>> -> memref<128xi32, #tpu.memory_space<vmem>>
        %dma_wait3A_214 = arith.constant 0 : i32
        %dma_wait3A_215 = arith.constant 0 : i32
        %dma_wait3A_216 = tpu.memref_slice %arg13[%dma_wait3A_214, %dma_wait3A_215] : memref<10240x128xf32, #tpu.memory_space<vmem_shared>> -> memref<10240x128xf32, #tpu.memory_space<vmem_shared>>
        tpu.wait_indirect_dma semaphore(%run_scoped3A_204 : memref<!tpu.dma_semaphore, #tpu.memory_space<semaphore_mem>>) src(%arg12 : memref<128x128xf32, #tpu.memory_space<vmem>>) dst(%dma_wait3A_216 : memref<10240x128xf32, #tpu.memory_space<vmem_shared>>)
        tpu.yield
      }) : () -> ()
    } else {
    }
    %barrier3A_100 = arith.constant 0 : index
    tpu.barrier barrier_id(%barrier3A_100)
    "tpu.region"() ({
      %run_scoped3A_101 = tpu.sem_alloc : memref<!tpu.dma_semaphore, #tpu.memory_space<semaphore_mem>>
      %dma_start3A_102 = arith.constant 0 : i32
      %dma_start3A_103 = tpu.memref_slice %arg7[%arg0, %mul3A_0, %dma_start3A_102] : memref<2x10240x128xf32, #tpu.memory_space<hbm>> -> memref<1x640x128xf32, #tpu.memory_space<hbm>>
      %dma_start3A_104 = tpu.memref_squeeze %dma_start3A_103 : memref<1x640x128xf32, #tpu.memory_space<hbm>> -> memref<640x128xf32, #tpu.memory_space<hbm>>
      %dma_start3A_105 = arith.constant 0 : i32
      %dma_start3A_106 = tpu.memref_slice %arg13[%mul3A_0, %dma_start3A_105] : memref<10240x128xf32, #tpu.memory_space<vmem_shared>> -> memref<640x128xf32, #tpu.memory_space<vmem_shared>>
      tpu.enqueue_dma source(%dma_start3A_106 : memref<640x128xf32, #tpu.memory_space<vmem_shared>>) target(%dma_start3A_104 : memref<640x128xf32, #tpu.memory_space<hbm>>) target_semaphore(%run_scoped3A_101 : memref<!tpu.dma_semaphore, #tpu.memory_space<semaphore_mem>>)
      %dma_wait3A_107 = arith.constant 0 : i32
      %dma_wait3A_108 = tpu.memref_slice %arg7[%arg0, %mul3A_0, %dma_wait3A_107] : memref<2x10240x128xf32, #tpu.memory_space<hbm>> -> memref<1x640x128xf32, #tpu.memory_space<hbm>>
      %dma_wait3A_109 = tpu.memref_squeeze %dma_wait3A_108 : memref<1x640x128xf32, #tpu.memory_space<hbm>> -> memref<640x128xf32, #tpu.memory_space<hbm>>
      %dma_wait3A_110 = arith.constant 0 : i32
      %dma_wait3A_111 = tpu.memref_slice %arg13[%mul3A_0, %dma_wait3A_110] : memref<10240x128xf32, #tpu.memory_space<vmem_shared>> -> memref<640x128xf32, #tpu.memory_space<vmem_shared>>
      tpu.wait_dma2 semaphore(%run_scoped3A_101 : memref<!tpu.dma_semaphore, #tpu.memory_space<semaphore_mem>>) src(%dma_wait3A_111 : memref<640x128xf32, #tpu.memory_space<vmem_shared>>) dst(%dma_wait3A_109 : memref<640x128xf32, #tpu.memory_space<hbm>>)
      tpu.yield
    }) : () -> ()
    return
  }
}

module attributes {stable_mosaic.version = 14 : i64} {
  func.func @_tc_root_body(%arg0: i32, %arg1: memref<2000x128xf32, #tpu.memory_space<vmem>>, %arg2: memref<128x128xf32, #tpu.memory_space<vmem>>, %arg3: memref<1x128xf32, #tpu.memory_space<vmem>>, %arg4: memref<2000x128xf32, #tpu.memory_space<vmem>>) attributes {dimension_semantics = [#tpu.dimension_semantics<arbitrary>], iteration_bounds = array<i64: 5>, scalar_prefetch = 0 : i64, scratch_operands = 0 : i64, tpu.core_type = #tpu.core_type<tc>, window_params = [{transform_indices = @transform_0, window_bounds = array<i64: 2000, 128>}, {pipeline_mode = #tpu.pipeline_mode<synchronous>, transform_indices = @transform_1, window_bounds = array<i64: 128, 128>}, {pipeline_mode = #tpu.pipeline_mode<synchronous>, transform_indices = @transform_2, window_bounds = array<i64: 1, 128>}, {transform_indices = @transform_3, window_bounds = array<i64: 2000, 128>}]} {
    %get3A = arith.constant 0 : index
    %get3A_0 = arith.constant 0 : index
    %get3A_1 = vector.load %arg1[%get3A, %get3A_0] : memref<2000x128xf32, #tpu.memory_space<vmem>>, vector<2000x128xf32>
    %get3A_2 = arith.constant 0 : index
    %get3A_3 = arith.constant 0 : index
    %get3A_4 = vector.load %arg2[%get3A_2, %get3A_3] : memref<128x128xf32, #tpu.memory_space<vmem>>, vector<128x128xf32>
    %dot_general3A = arith.constant dense<0.000000e+00> : vector<2000x128xf32>
    %dot_general3A_5 = tpu.matmul %get3A_1, %get3A_4, %dot_general3A {dimension_numbers = #tpu.dot_dimension_numbers<[1], [0], [0], [1], [0, 0, 1, 1], [], []>, transpose_lhs_hint = false} : vector<2000x128xf32>, vector<128x128xf32>, vector<2000x128xf32> -> vector<2000x128xf32>
    %get3A_6 = arith.constant 0 : index
    %get3A_7 = arith.constant 0 : index
    %get3A_8 = vector.load %arg3[%get3A_6, %get3A_7] : memref<1x128xf32, #tpu.memory_space<vmem>>, vector<1x128xf32>
    %add3A = vector.broadcast %get3A_8 : vector<1x128xf32> to vector<2000x128xf32>
    %add3A_9 = arith.addf %dot_general3A_5, %add3A : vector<2000x128xf32>
    %swap3A = arith.constant 0 : index
    %swap3A_10 = arith.constant 0 : index
    %swap3A_11 = vector.load %arg4[%swap3A, %swap3A_10] : memref<2000x128xf32, #tpu.memory_space<vmem>>, vector<2000x128xf32>
    tpu.vector_store %arg4[%swap3A, %swap3A_10], %add3A_9 {strides = array<i32>} : memref<2000x128xf32, #tpu.memory_space<vmem>>, vector<2000x128xf32>,
    return
  }
  func.func @transform_0(%arg0: i32) -> (i32, i32) {
    %c0_i32 = arith.constant 0 : i32
    %c0_i32_0 = arith.constant 0 : i32
    return %arg0, %c0_i32 : i32, i32
  }
  func.func @transform_1(%arg0: i32) -> (i32, i32) {
    %c0_i32 = arith.constant 0 : i32
    %c0_i32_0 = arith.constant 0 : i32
    %c0_i32_1 = arith.constant 0 : i32
    return %c0_i32, %c0_i32_0 : i32, i32
  }
  func.func @transform_2(%arg0: i32) -> (i32, i32) {
    %c0_i32 = arith.constant 0 : i32
    %c0_i32_0 = arith.constant 0 : i32
    %c0_i32_1 = arith.constant 0 : i32
    return %c0_i32, %c0_i32_0 : i32, i32
  }
  func.func @transform_3(%arg0: i32) -> (i32, i32) {
    %c0_i32 = arith.constant 0 : i32
    %c0_i32_0 = arith.constant 0 : i32
    return %arg0, %c0_i32 : i32, i32
  }
}

module attributes {stable_mosaic.version = 14 : i64} {
  func.func @_tc_layer_body(%arg0: i32, %arg1: memref<2000x128xf32, #tpu.memory_space<vmem>>, %arg2: memref<1x2000x128xf32, #tpu.memory_space<vmem>>, %arg3: memref<1x2000x128xf32, #tpu.memory_space<vmem>>, %arg4: memref<2000x1xf32, #tpu.memory_space<vmem>>, %arg5: memref<2000x1xf32, #tpu.memory_space<vmem>>, %arg6: memref<128x128xf32, #tpu.memory_space<vmem>>, %arg7: memref<1x128xf32, #tpu.memory_space<vmem>>, %arg8: memref<1x128xf32, #tpu.memory_space<vmem>>, %arg9: memref<2000x128xf32, #tpu.memory_space<vmem>>) attributes {dimension_semantics = [#tpu.dimension_semantics<arbitrary>], iteration_bounds = array<i64: 5>, scalar_prefetch = 0 : i64, scratch_operands = 0 : i64, tpu.core_type = #tpu.core_type<tc>, window_params = [{transform_indices = @transform_0, window_bounds = array<i64: 2000, 128>}, {transform_indices = @transform_1, window_bounds = array<i64: 1, 2000, 128>}, {transform_indices = @transform_2, window_bounds = array<i64: 1, 2000, 128>}, {transform_indices = @transform_3, window_bounds = array<i64: 2000, 1>}, {transform_indices = @transform_4, window_bounds = array<i64: 2000, 1>}, {pipeline_mode = #tpu.pipeline_mode<synchronous>, transform_indices = @transform_5, window_bounds = array<i64: 128, 128>}, {pipeline_mode = #tpu.pipeline_mode<synchronous>, transform_indices = @transform_6, window_bounds = array<i64: 1, 128>}, {pipeline_mode = #tpu.pipeline_mode<synchronous>, transform_indices = @transform_7, window_bounds = array<i64: 1, 128>}, {transform_indices = @transform_8, window_bounds = array<i64: 2000, 128>}]} {
    %get3A = arith.constant 0 : index
    %get3A_0 = arith.constant 0 : index
    %get3A_1 = vector.load %arg4[%get3A, %get3A_0] : memref<2000x1xf32, #tpu.memory_space<vmem>>, vector<2000x1xf32>
    %get3A_2 = arith.constant 0 : index
    %get3A_3 = arith.constant 0 : index
    %get3A_4 = vector.load %arg5[%get3A_2, %get3A_3] : memref<2000x1xf32, #tpu.memory_space<vmem>>, vector<2000x1xf32>
    %add3A = arith.addf %get3A_1, %get3A_4 : vector<2000x1xf32>
    %max3A = arith.constant 1.000000e+00 : f32
    %max3A_5 = vector.broadcast %max3A : f32 to vector<2000x1xf32>
    %max3A_6 = arith.maximumf %add3A, %max3A_5 : vector<2000x1xf32>
    %get3A_7 = arith.constant 0 : index
    %get3A_8 = arith.constant 0 : index
    %get3A_9 = arith.constant 0 : index
    %get3A_10 = vector.load %arg2[%get3A_7, %get3A_8, %get3A_9] : memref<1x2000x128xf32, #tpu.memory_space<vmem>>, vector<1x2000x128xf32>
    %get3A_11 = vector.shape_cast %get3A_10 : vector<1x2000x128xf32> to vector<2000x128xf32>
    %get3A_12 = arith.constant 0 : index
    %get3A_13 = arith.constant 0 : index
    %get3A_14 = arith.constant 0 : index
    %get3A_15 = vector.load %arg3[%get3A_12, %get3A_13, %get3A_14] : memref<1x2000x128xf32, #tpu.memory_space<vmem>>, vector<1x2000x128xf32>
    %get3A_16 = vector.shape_cast %get3A_15 : vector<1x2000x128xf32> to vector<2000x128xf32>
    %add3A_17 = arith.addf %get3A_11, %get3A_16 : vector<2000x128xf32>
    %div3A = vector.broadcast %max3A_6 : vector<2000x1xf32> to vector<2000x128xf32>
    %div3A_18 = arith.divf %add3A_17, %div3A : vector<2000x128xf32>
    %get3A_19 = arith.constant 0 : index
    %get3A_20 = arith.constant 0 : index
    %get3A_21 = vector.load %arg6[%get3A_19, %get3A_20] : memref<128x128xf32, #tpu.memory_space<vmem>>, vector<128x128xf32>
    %dot_general3A = arith.constant dense<0.000000e+00> : vector<2000x128xf32>
    %dot_general3A_22 = tpu.matmul %div3A_18, %get3A_21, %dot_general3A {dimension_numbers = #tpu.dot_dimension_numbers<[1], [0], [0], [1], [0, 0, 1, 1], [], []>, transpose_lhs_hint = false} : vector<2000x128xf32>, vector<128x128xf32>, vector<2000x128xf32> -> vector<2000x128xf32>
    %get3A_23 = arith.constant 0 : index
    %get3A_24 = arith.constant 0 : index
    %get3A_25 = vector.load %arg1[%get3A_23, %get3A_24] : memref<2000x128xf32, #tpu.memory_space<vmem>>, vector<2000x128xf32>
    %add3A_26 = arith.addf %dot_general3A_22, %get3A_25 : vector<2000x128xf32>
    %max3A_27 = arith.constant 0.000000e+00 : f32
    %max3A_28 = vector.broadcast %max3A_27 : f32 to vector<2000x128xf32>
    %max3A_29 = arith.maximumf %add3A_26, %max3A_28 : vector<2000x128xf32>
    %reduce_sum3A = arith.constant dense<0.000000e+00> : vector<2000xf32>
    %reduce_sum3A_30 = vector.multi_reduction <add>, %max3A_29, %reduce_sum3A [1] : vector<2000x128xf32> to vector<2000xf32>
    %broadcast_in_dim3A = vector.shape_cast %reduce_sum3A_30 : vector<2000xf32> to vector<2000x1xf32>
    %div3A_31 = arith.constant 1.280000e+02 : f32
    %div3A_32 = vector.broadcast %div3A_31 : f32 to vector<2000x1xf32>
    %div3A_33 = arith.divf %broadcast_in_dim3A, %div3A_32 : vector<2000x1xf32>
    %sub3A = vector.broadcast %div3A_33 : vector<2000x1xf32> to vector<2000x128xf32>
    %sub3A_34 = arith.subf %max3A_29, %sub3A : vector<2000x128xf32>
    %integer_pow3A = arith.mulf %sub3A_34, %sub3A_34 : vector<2000x128xf32>
    %reduce_sum3A_35 = arith.constant dense<0.000000e+00> : vector<2000xf32>
    %reduce_sum3A_36 = vector.multi_reduction <add>, %integer_pow3A, %reduce_sum3A_35 [1] : vector<2000x128xf32> to vector<2000xf32>
    %broadcast_in_dim3A_37 = vector.shape_cast %reduce_sum3A_36 : vector<2000xf32> to vector<2000x1xf32>
    %div3A_38 = arith.constant 1.280000e+02 : f32
    %div3A_39 = vector.broadcast %div3A_38 : f32 to vector<2000x1xf32>
    %div3A_40 = arith.divf %broadcast_in_dim3A_37, %div3A_39 : vector<2000x1xf32>
    %sub3A_41 = vector.broadcast %div3A_33 : vector<2000x1xf32> to vector<2000x128xf32>
    %sub3A_42 = arith.subf %max3A_29, %sub3A_41 : vector<2000x128xf32>
    %add3A_43 = arith.constant 9.99999974E-6 : f32
    %add3A_44 = vector.broadcast %add3A_43 : f32 to vector<2000x1xf32>
    %add3A_45 = arith.addf %div3A_40, %add3A_44 : vector<2000x1xf32>
    %rsqrt3A = math.rsqrt %add3A_45 : vector<2000x1xf32>
    %mul3A = vector.broadcast %rsqrt3A : vector<2000x1xf32> to vector<2000x128xf32>
    %mul3A_46 = arith.mulf %sub3A_42, %mul3A : vector<2000x128xf32>
    %get3A_47 = arith.constant 0 : index
    %get3A_48 = arith.constant 0 : index
    %get3A_49 = vector.load %arg7[%get3A_47, %get3A_48] : memref<1x128xf32, #tpu.memory_space<vmem>>, vector<1x128xf32>
    %mul3A_50 = vector.broadcast %get3A_49 : vector<1x128xf32> to vector<2000x128xf32>
    %mul3A_51 = arith.mulf %mul3A_46, %mul3A_50 : vector<2000x128xf32>
    %get3A_52 = arith.constant 0 : index
    %get3A_53 = arith.constant 0 : index
    %get3A_54 = vector.load %arg8[%get3A_52, %get3A_53] : memref<1x128xf32, #tpu.memory_space<vmem>>, vector<1x128xf32>
    %add3A_55 = vector.broadcast %get3A_54 : vector<1x128xf32> to vector<2000x128xf32>
    %add3A_56 = arith.addf %mul3A_51, %add3A_55 : vector<2000x128xf32>
    %swap3A = arith.constant 0 : index
    %swap3A_57 = arith.constant 0 : index
    %swap3A_58 = vector.load %arg9[%swap3A, %swap3A_57] : memref<2000x128xf32, #tpu.memory_space<vmem>>, vector<2000x128xf32>
    tpu.vector_store %arg9[%swap3A, %swap3A_57], %add3A_56 {strides = array<i32>} : memref<2000x128xf32, #tpu.memory_space<vmem>>, vector<2000x128xf32>,
    return
  }
  func.func @transform_0(%arg0: i32) -> (i32, i32) {
    %c0_i32 = arith.constant 0 : i32
    %c0_i32_0 = arith.constant 0 : i32
    return %arg0, %c0_i32 : i32, i32
  }
  func.func @transform_1(%arg0: i32) -> (i32, i32, i32) {
    %c0_i32 = arith.constant 0 : i32
    %c0_i32_0 = arith.constant 0 : i32
    %c0_i32_1 = arith.constant 0 : i32
    return %c0_i32, %arg0, %c0_i32_0 : i32, i32, i32
  }
  func.func @transform_2(%arg0: i32) -> (i32, i32, i32) {
    %c1_i32 = arith.constant 1 : i32
    %c0_i32 = arith.constant 0 : i32
    %c0_i32_0 = arith.constant 0 : i32
    return %c1_i32, %arg0, %c0_i32 : i32, i32, i32
  }
  func.func @transform_3(%arg0: i32) -> (i32, i32) {
    %c0_i32 = arith.constant 0 : i32
    %c0_i32_0 = arith.constant 0 : i32
    return %arg0, %c0_i32 : i32, i32
  }
  func.func @transform_4(%arg0: i32) -> (i32, i32) {
    %c0_i32 = arith.constant 0 : i32
    %c0_i32_0 = arith.constant 0 : i32
    return %arg0, %c0_i32 : i32, i32
  }
  func.func @transform_5(%arg0: i32) -> (i32, i32) {
    %c0_i32 = arith.constant 0 : i32
    %c0_i32_0 = arith.constant 0 : i32
    %c0_i32_1 = arith.constant 0 : i32
    return %c0_i32, %c0_i32_0 : i32, i32
  }
  func.func @transform_6(%arg0: i32) -> (i32, i32) {
    %c0_i32 = arith.constant 0 : i32
    %c0_i32_0 = arith.constant 0 : i32
    %c0_i32_1 = arith.constant 0 : i32
    return %c0_i32, %c0_i32_0 : i32, i32
  }
  func.func @transform_7(%arg0: i32) -> (i32, i32) {
    %c0_i32 = arith.constant 0 : i32
    %c0_i32_0 = arith.constant 0 : i32
    %c0_i32_1 = arith.constant 0 : i32
    return %c0_i32, %c0_i32_0 : i32, i32
  }
  func.func @transform_8(%arg0: i32) -> (i32, i32) {
    %c0_i32 = arith.constant 0 : i32
    %c0_i32_0 = arith.constant 0 : i32
    return %arg0, %c0_i32 : i32, i32
  }
}

module attributes {stable_mosaic.version = 14 : i64} {
  func.func @_tc_final_body(%arg0: i32, %arg1: memref<2000x128xf32, #tpu.memory_space<vmem>>, %arg2: memref<1x2000x128xf32, #tpu.memory_space<vmem>>, %arg3: memref<1x2000x128xf32, #tpu.memory_space<vmem>>, %arg4: memref<2000x1xf32, #tpu.memory_space<vmem>>, %arg5: memref<2000x1xf32, #tpu.memory_space<vmem>>, %arg6: memref<128x128xf32, #tpu.memory_space<vmem>>, %arg7: memref<128x64xf32, #tpu.memory_space<vmem>>, %arg8: memref<1x64xf32, #tpu.memory_space<vmem>>, %arg9: memref<64x40xf32, #tpu.memory_space<vmem>>, %arg10: memref<1x40xf32, #tpu.memory_space<vmem>>, %arg11: memref<2000x128xf32, #tpu.memory_space<vmem>>, %arg12: memref<2000x40xf32, #tpu.memory_space<vmem>>) attributes {dimension_semantics = [#tpu.dimension_semantics<arbitrary>], iteration_bounds = array<i64: 5>, scalar_prefetch = 0 : i64, scratch_operands = 0 : i64, tpu.core_type = #tpu.core_type<tc>, window_params = [{transform_indices = @transform_0, window_bounds = array<i64: 2000, 128>}, {transform_indices = @transform_1, window_bounds = array<i64: 1, 2000, 128>}, {transform_indices = @transform_2, window_bounds = array<i64: 1, 2000, 128>}, {transform_indices = @transform_3, window_bounds = array<i64: 2000, 1>}, {transform_indices = @transform_4, window_bounds = array<i64: 2000, 1>}, {pipeline_mode = #tpu.pipeline_mode<synchronous>, transform_indices = @transform_5, window_bounds = array<i64: 128, 128>}, {pipeline_mode = #tpu.pipeline_mode<synchronous>, transform_indices = @transform_6, window_bounds = array<i64: 128, 64>}, {pipeline_mode = #tpu.pipeline_mode<synchronous>, transform_indices = @transform_7, window_bounds = array<i64: 1, 64>}, {pipeline_mode = #tpu.pipeline_mode<synchronous>, transform_indices = @transform_8, window_bounds = array<i64: 64, 40>}, {pipeline_mode = #tpu.pipeline_mode<synchronous>, transform_indices = @transform_9, window_bounds = array<i64: 1, 40>}, {transform_indices = @transform_10, window_bounds = array<i64: 2000, 128>}, {transform_indices = @transform_11, window_bounds = array<i64: 2000, 40>}]} {
    %get3A = arith.constant 0 : index
    %get3A_0 = arith.constant 0 : index
    %get3A_1 = vector.load %arg4[%get3A, %get3A_0] : memref<2000x1xf32, #tpu.memory_space<vmem>>, vector<2000x1xf32>
    %get3A_2 = arith.constant 0 : index
    %get3A_3 = arith.constant 0 : index
    %get3A_4 = vector.load %arg5[%get3A_2, %get3A_3] : memref<2000x1xf32, #tpu.memory_space<vmem>>, vector<2000x1xf32>
    %add3A = arith.addf %get3A_1, %get3A_4 : vector<2000x1xf32>
    %max3A = arith.constant 1.000000e+00 : f32
    %max3A_5 = vector.broadcast %max3A : f32 to vector<2000x1xf32>
    %max3A_6 = arith.maximumf %add3A, %max3A_5 : vector<2000x1xf32>
    %get3A_7 = arith.constant 0 : index
    %get3A_8 = arith.constant 0 : index
    %get3A_9 = arith.constant 0 : index
    %get3A_10 = vector.load %arg2[%get3A_7, %get3A_8, %get3A_9] : memref<1x2000x128xf32, #tpu.memory_space<vmem>>, vector<1x2000x128xf32>
    %get3A_11 = vector.shape_cast %get3A_10 : vector<1x2000x128xf32> to vector<2000x128xf32>
    %get3A_12 = arith.constant 0 : index
    %get3A_13 = arith.constant 0 : index
    %get3A_14 = arith.constant 0 : index
    %get3A_15 = vector.load %arg3[%get3A_12, %get3A_13, %get3A_14] : memref<1x2000x128xf32, #tpu.memory_space<vmem>>, vector<1x2000x128xf32>
    %get3A_16 = vector.shape_cast %get3A_15 : vector<1x2000x128xf32> to vector<2000x128xf32>
    %add3A_17 = arith.addf %get3A_11, %get3A_16 : vector<2000x128xf32>
    %div3A = vector.broadcast %max3A_6 : vector<2000x1xf32> to vector<2000x128xf32>
    %div3A_18 = arith.divf %add3A_17, %div3A : vector<2000x128xf32>
    %get3A_19 = arith.constant 0 : index
    %get3A_20 = arith.constant 0 : index
    %get3A_21 = vector.load %arg6[%get3A_19, %get3A_20] : memref<128x128xf32, #tpu.memory_space<vmem>>, vector<128x128xf32>
    %dot_general3A = arith.constant dense<0.000000e+00> : vector<2000x128xf32>
    %dot_general3A_22 = tpu.matmul %div3A_18, %get3A_21, %dot_general3A {dimension_numbers = #tpu.dot_dimension_numbers<[1], [0], [0], [1], [0, 0, 1, 1], [], []>, transpose_lhs_hint = false} : vector<2000x128xf32>, vector<128x128xf32>, vector<2000x128xf32> -> vector<2000x128xf32>
    %get3A_23 = arith.constant 0 : index
    %get3A_24 = arith.constant 0 : index
    %get3A_25 = vector.load %arg1[%get3A_23, %get3A_24] : memref<2000x128xf32, #tpu.memory_space<vmem>>, vector<2000x128xf32>
    %add3A_26 = arith.addf %dot_general3A_22, %get3A_25 : vector<2000x128xf32>
    %max3A_27 = arith.constant 0.000000e+00 : f32
    %max3A_28 = vector.broadcast %max3A_27 : f32 to vector<2000x128xf32>
    %max3A_29 = arith.maximumf %add3A_26, %max3A_28 : vector<2000x128xf32>
    %swap3A = arith.constant 0 : index
    %swap3A_30 = arith.constant 0 : index
    %swap3A_31 = vector.load %arg11[%swap3A, %swap3A_30] : memref<2000x128xf32, #tpu.memory_space<vmem>>, vector<2000x128xf32>
    tpu.vector_store %arg11[%swap3A, %swap3A_30], %max3A_29 {strides = array<i32>} : memref<2000x128xf32, #tpu.memory_space<vmem>>, vector<2000x128xf32>,
    %get3A_32 = arith.constant 0 : index
    %get3A_33 = arith.constant 0 : index
    %get3A_34 = vector.load %arg7[%get3A_32, %get3A_33] : memref<128x64xf32, #tpu.memory_space<vmem>>, vector<128x64xf32>
    %dot_general3A_35 = arith.constant dense<0.000000e+00> : vector<2000x64xf32>
    %dot_general3A_36 = tpu.matmul %max3A_29, %get3A_34, %dot_general3A_35 {dimension_numbers = #tpu.dot_dimension_numbers<[1], [0], [0], [1], [0, 0, 1, 1], [], []>, transpose_lhs_hint = false} : vector<2000x128xf32>, vector<128x64xf32>, vector<2000x64xf32> -> vector<2000x64xf32>
    %get3A_37 = arith.constant 0 : index
    %get3A_38 = arith.constant 0 : index
    %get3A_39 = vector.load %arg8[%get3A_37, %get3A_38] : memref<1x64xf32, #tpu.memory_space<vmem>>, vector<1x64xf32>
    %add3A_40 = vector.broadcast %get3A_39 : vector<1x64xf32> to vector<2000x64xf32>
    %add3A_41 = arith.addf %dot_general3A_36, %add3A_40 : vector<2000x64xf32>
    %max3A_42 = arith.constant 0.000000e+00 : f32
    %max3A_43 = vector.broadcast %max3A_42 : f32 to vector<2000x64xf32>
    %max3A_44 = arith.maximumf %add3A_41, %max3A_43 : vector<2000x64xf32>
    %get3A_45 = arith.constant 0 : index
    %get3A_46 = arith.constant 0 : index
    %get3A_47 = vector.load %arg9[%get3A_45, %get3A_46] : memref<64x40xf32, #tpu.memory_space<vmem>>, vector<64x40xf32>
    %dot_general3A_48 = arith.constant dense<0.000000e+00> : vector<2000x40xf32>
    %dot_general3A_49 = tpu.matmul %max3A_44, %get3A_47, %dot_general3A_48 {dimension_numbers = #tpu.dot_dimension_numbers<[1], [0], [0], [1], [0, 0, 1, 1], [], []>, transpose_lhs_hint = false} : vector<2000x64xf32>, vector<64x40xf32>, vector<2000x40xf32> -> vector<2000x40xf32>
    %get3A_50 = arith.constant 0 : index
    %get3A_51 = arith.constant 0 : index
    %get3A_52 = vector.load %arg10[%get3A_50, %get3A_51] : memref<1x40xf32, #tpu.memory_space<vmem>>, vector<1x40xf32>
    %add3A_53 = vector.broadcast %get3A_52 : vector<1x40xf32> to vector<2000x40xf32>
    %add3A_54 = arith.addf %dot_general3A_49, %add3A_53 : vector<2000x40xf32>
    %reduce_max3A = arith.constant dense<0xFF800000> : vector<2000xf32>
    %reduce_max3A_55 = vector.multi_reduction <maximumf>, %add3A_54, %reduce_max3A [1] : vector<2000x40xf32> to vector<2000xf32>
    %broadcast_in_dim3A = vector.shape_cast %reduce_max3A_55 : vector<2000xf32> to vector<2000x1xf32>
    %sub3A = vector.broadcast %broadcast_in_dim3A : vector<2000x1xf32> to vector<2000x40xf32>
    %sub3A_56 = arith.subf %add3A_54, %sub3A : vector<2000x40xf32>
    %exp3A = math.exp %sub3A_56 : vector<2000x40xf32>
    %reduce_sum3A = arith.constant dense<0.000000e+00> : vector<2000xf32>
    %reduce_sum3A_57 = vector.multi_reduction <add>, %exp3A, %reduce_sum3A [1] : vector<2000x40xf32> to vector<2000xf32>
    %broadcast_in_dim3A_58 = vector.shape_cast %reduce_sum3A_57 : vector<2000xf32> to vector<2000x1xf32>
    %log3A = math.log %broadcast_in_dim3A_58 : vector<2000x1xf32>
    %add3A_59 = arith.addf %log3A, %broadcast_in_dim3A : vector<2000x1xf32>
    %sub3A_60 = vector.broadcast %add3A_59 : vector<2000x1xf32> to vector<2000x40xf32>
    %sub3A_61 = arith.subf %add3A_54, %sub3A_60 : vector<2000x40xf32>
    %swap3A_62 = arith.constant 0 : index
    %swap3A_63 = arith.constant 0 : index
    %swap3A_64 = vector.load %arg12[%swap3A_62, %swap3A_63] : memref<2000x40xf32, #tpu.memory_space<vmem>>, vector<2000x40xf32>
    tpu.vector_store %arg12[%swap3A_62, %swap3A_63], %sub3A_61 {strides = array<i32>} : memref<2000x40xf32, #tpu.memory_space<vmem>>, vector<2000x40xf32>,
    return
  }
  func.func @transform_0(%arg0: i32) -> (i32, i32) {
    %c0_i32 = arith.constant 0 : i32
    %c0_i32_0 = arith.constant 0 : i32
    return %arg0, %c0_i32 : i32, i32
  }
  func.func @transform_1(%arg0: i32) -> (i32, i32, i32) {
    %c0_i32 = arith.constant 0 : i32
    %c0_i32_0 = arith.constant 0 : i32
    %c0_i32_1 = arith.constant 0 : i32
    return %c0_i32, %arg0, %c0_i32_0 : i32, i32, i32
  }
  func.func @transform_2(%arg0: i32) -> (i32, i32, i32) {
    %c1_i32 = arith.constant 1 : i32
    %c0_i32 = arith.constant 0 : i32
    %c0_i32_0 = arith.constant 0 : i32
    return %c1_i32, %arg0, %c0_i32 : i32, i32, i32
  }
  func.func @transform_3(%arg0: i32) -> (i32, i32) {
    %c0_i32 = arith.constant 0 : i32
    %c0_i32_0 = arith.constant 0 : i32
    return %arg0, %c0_i32 : i32, i32
  }
  func.func @transform_4(%arg0: i32) -> (i32, i32) {
    %c0_i32 = arith.constant 0 : i32
    %c0_i32_0 = arith.constant 0 : i32
    return %arg0, %c0_i32 : i32, i32
  }
  func.func @transform_5(%arg0: i32) -> (i32, i32) {
    %c0_i32 = arith.constant 0 : i32
    %c0_i32_0 = arith.constant 0 : i32
    %c0_i32_1 = arith.constant 0 : i32
    return %c0_i32, %c0_i32_0 : i32, i32
  }
  func.func @transform_6(%arg0: i32) -> (i32, i32) {
    %c0_i32 = arith.constant 0 : i32
    %c0_i32_0 = arith.constant 0 : i32
    %c0_i32_1 = arith.constant 0 : i32
    return %c0_i32, %c0_i32_0 : i32, i32
  }
  func.func @transform_7(%arg0: i32) -> (i32, i32) {
    %c0_i32 = arith.constant 0 : i32
    %c0_i32_0 = arith.constant 0 : i32
    %c0_i32_1 = arith.constant 0 : i32
    return %c0_i32, %c0_i32_0 : i32, i32
  }
  func.func @transform_8(%arg0: i32) -> (i32, i32) {
    %c0_i32 = arith.constant 0 : i32
    %c0_i32_0 = arith.constant 0 : i32
    %c0_i32_1 = arith.constant 0 : i32
    return %c0_i32, %c0_i32_0 : i32, i32
  }
  func.func @transform_9(%arg0: i32) -> (i32, i32) {
    %c0_i32 = arith.constant 0 : i32
    %c0_i32_0 = arith.constant 0 : i32
    %c0_i32_1 = arith.constant 0 : i32
    return %c0_i32, %c0_i32_0 : i32, i32
  }
  func.func @transform_10(%arg0: i32) -> (i32, i32) {
    %c0_i32 = arith.constant 0 : i32
    %c0_i32_0 = arith.constant 0 : i32
    return %arg0, %c0_i32 : i32, i32
  }
  func.func @transform_11(%arg0: i32) -> (i32, i32) {
    %c0_i32 = arith.constant 0 : i32
    %c0_i32_0 = arith.constant 0 : i32
    return %arg0, %c0_i32 : i32, i32
  }
}

</mosaic_0001>

<sc_bundles>
// kernel: kernel.11.cloned.1.call-start
scs
__scs_entry_jumppad:
0x0: {  	(pc) =	sbr.rel $0x88, $3  }
0x1: {  	(tag) =	ssettag $0x0;
	lr =	simm.s32 $0x1  }
0x2: {  	[smem:$0x3F8E] =	sst lr;
	_ =	strace $0xD0000000  }
0x3: {  	_ = 	snop  }
0x4: {  	_ = 	snop  }
0x5: {  	_ = 	snop  }
0x6: {  	_ = 	snop  }
0x7: {  	_ = 	snop  }
__scs_overlays_trampoline_lowered:
0x8: {  	[smem:$0x3F9D] =	sst s0  }
0x9: {  	[smem:$0x3F9E] =	sst s1  }
0xa: {  	[smem:$0x3F9F] =	sst s2  }
0xb: {  	[smem:$0x3FA0] =	sst s3  }
0xc: {  	[smem:$0x3FA1] =	sst s4  }
0xd: {  	[smem:$0x3FA2] =	sst s5  }
0xe: {  	[smem:$0x3FA3] =	sst s6  }
0xf: {  	[smem:$0x3FA4] =	sst s7  }
0x10: {  	[smem:$0x3FA5] =	sst s8  }
0x11: {  	[smem:$0x3FA6] =	sst s9;
	s0 =	simm.s32 @!p0 $0x0  }
0x12: {  	s1 =	sld [smem:$0x3F8C];
	s0 =	simm.s32 @p0 $0x1  }
0x13: {  	[smem:$0x3FA7] =	sst s0;
	s0 =	simm.s32 @!p1 $0x0  }
0x14: {  	s2 =	sld [smem:$0x3F8B];
	s0 =	simm.s32 @p1 $0x1  }
0x15: {  	[smem:$0x3FA8] =	sst s0;
	s0 =	simm.s32 @!p2 $0x0  }
0x16: {  	s3 =	sld [smem:$0x3FDB];
	s0 =	simm.s32 @p2 $0x1  }
0x17: {  	s4 =	simm.s32 $0x1BF5;
	[smem:$0x3FAA] =	sst s0  }
0x18: {  	s0 =	sld [smem:$0x3F8D];
	_ =	swait.ge [sflag:s4], $0x0  }
0x19: {  	s7 =	sld [smem:$0x3F8E]  }
0x1a: {  	s8 =	sadd.s32 $0xFFFFE003, lr  }
0x1b: {  	s9 =	sadd.s32 $0xFFFFFEF7, lr;
	s5 =	simm.s32 $0xFFFFFFFF;
	p2 =	slt.u32 s8, $0xFFFFF086  }
0x1c: {  	p1 =	slt.u32 s9, $0xF7A;
	s5 =	simm.s32 @!p2 $0x0  }
0x1d: {  	s5 =	simm.s32 @p1 $0x1;
	p0 =	seq.s32 s7, s2  }
0x1e: {  	s7 =	smul.u32 @!p0 $0xF7A, s2;
	p2 =	seq.s32 @!p0 s5, $0x0  }
0x1f: {  	s9 =	smul.u32 $0xF7A, s1;
	s8 =	simm.s32 @!p0 $0x1BF5;
	p2 =	por !p2, p0  }
0x20: {  	[sflag:s8] =	ssyncset.s32 @!p0 $0xFFFFF086;
	s6 =	sadd.s32 @!p0 s3, s7;
	s7 =	simm.s32 @!p0 $0x108  }
0x21: {  	s3 =	sadd.s32 s3, s9;
	s6 =	sadd.s32 @!p0 $0x88, s6;
	s7 =	simm.s32 @p2 $0x1082  }
0x22: {  	[simem:s7], [sflag:s8] =	dma.local @!p0 [hbm:s6], $0xF7A  }
0x23: {  	s9 =	sor.u32 $0xD0000000, s2;
	s6 =	simm.s32 $0x108;
	_ =	swait.ge @!p0 [sflag:s8], $0x0  }
0x24: {  	s3 =	sadd.s32 $0x88, s3;
	s6 =	simm.s32 @!p1 $0x1082;
	[sflag:s4] =	ssyncset.s32 $0xFFFFF086  }
0x25: {  	[simem:s6], [sflag:s4] =	dma.local [hbm:s3], $0xF7A  }
0x26: {  	[smem:$0x3F8E] =	sst s1;
	(tag) =	ssettag s2;
	_ =	strace s9  }
0x27: {  	s1 =	sld [smem:$0x3F9E]  }
0x28: {  	s2 =	sld [smem:$0x3F9F]  }
0x29: {  	s4 =	sld [smem:$0x3FA1]  }
0x2a: {  	p0 =	seq.s32 s5, $0x0;
	s5 =	sld [smem:$0x3FA2]  }
0x2b: {  	s6 =	sld [smem:$0x3FA3]  }
0x2c: {  	s7 =	sld [smem:$0x3FA4]  }
0x2d: {  	s3 =	simm.s32 $0x108;
	s8 =	sld [smem:$0x3FA5]  }
0x2e: {  	s3 =	simm.s32 @!p0 $0x1082;
	s9 =	sld [smem:$0x3FA6]  }
0x2f: {  	lr =	sadd.s32 s0, s3;
	s0 =	sld [smem:$0x3F9D]  }
0x30: {  	s3 =	sld [smem:$0x3FA0]  }
0x31: {  	[smem:$0x3FA9] =	sst s10  }
0x32: {  	s10 =	sld [smem:$0x3FA7];
	_ =	sdelay $0x3  }
0x33: {  	p0 =	seq.s32 s10, $0x1;
	s10 =	sld [smem:$0x3FA9];
	_ =	sdelay $0x3  }
0x34: {  	[smem:$0x3FA9] =	sst s10  }
0x35: {  	s10 =	sld [smem:$0x3FA8];
	_ =	sdelay $0x3  }
0x36: {  	p1 =	seq.s32 s10, $0x1;
	s10 =	sld [smem:$0x3FA9];
	_ =	sdelay $0x3  }
0x37: {  	[smem:$0x3FA9] =	sst s10  }
0x38: {  	s10 =	sld [smem:$0x3FAA]  }
0x39: {  	_ = 	snop;
	(pc) =	sbr.ind lr, $3  }
0x3a: {  	_ = 	snop  }
0x3b: {  	_ = 	snop  }
0x3c: {  	p2 =	seq.s32 s10, $0x1;
	s10 =	sld [smem:$0x3FA9]  }
0x3d: {  	_ =	shalt  }
0x3e: {  	_ =	shalt  }
0x3f: {  	_ =	shalt  }
0x40: {  	_ =	shalt  }
0x41: {  	_ =	shalt  }
0x42: {  	_ =	shalt  }
0x43: {  	_ =	shalt  }
0x44: {  	_ =	shalt  }
0x45: {  	_ =	shalt  }
0x46: {  	_ =	shalt  }
0x47: {  	_ =	shalt  }
0x48: {  	_ =	shalt  }
0x49: {  	_ =	shalt  }
0x4a: {  	_ =	shalt  }
0x4b: {  	_ =	shalt  }
0x4c: {  	_ =	shalt  }
0x4d: {  	_ =	shalt  }
0x4e: {  	_ =	shalt  }
0x4f: {  	_ =	shalt  }
0x50: {  	_ =	shalt  }
0x51: {  	_ =	shalt  }
0x52: {  	_ =	shalt  }
0x53: {  	_ =	shalt  }
0x54: {  	_ =	shalt  }
0x55: {  	_ =	shalt  }
0x56: {  	_ =	shalt  }
0x57: {  	_ =	shalt  }
0x58: {  	_ =	shalt  }
0x59: {  	_ =	shalt  }
0x5a: {  	_ =	shalt  }
0x5b: {  	_ =	shalt  }
0x5c: {  	_ =	shalt  }
0x5d: {  	_ =	shalt  }
0x5e: {  	_ =	shalt  }
0x5f: {  	_ =	shalt  }
0x60: {  	_ =	shalt  }
0x61: {  	_ =	shalt  }
0x62: {  	_ =	shalt  }
0x63: {  	_ =	shalt  }
0x64: {  	_ =	shalt  }
0x65: {  	_ =	shalt  }
0x66: {  	_ =	shalt  }
0x67: {  	_ =	shalt  }
0x68: {  	_ =	shalt  }
0x69: {  	_ =	shalt  }
0x6a: {  	_ =	shalt  }
0x6b: {  	_ =	shalt  }
0x6c: {  	_ =	shalt  }
0x6d: {  	_ =	shalt  }
0x6e: {  	_ =	shalt  }
0x6f: {  	_ =	shalt  }
0x70: {  	_ =	shalt  }
0x71: {  	_ =	shalt  }
0x72: {  	_ =	shalt  }
0x73: {  	_ =	shalt  }
0x74: {  	_ =	shalt  }
0x75: {  	_ =	shalt  }
0x76: {  	_ =	shalt  }
0x77: {  	_ =	shalt  }
0x78: {  	_ =	shalt  }
0x79: {  	_ =	shalt  }
0x7a: {  	_ =	shalt  }
0x7b: {  	_ =	shalt  }
0x7c: {  	_ =	shalt  }
0x7d: {  	_ =	shalt  }
0x7e: {  	_ =	shalt  }
0x7f: {  	_ =	shalt  }
0x80: {  	_ =	shalt  }
0x81: {  	_ =	shalt  }
0x82: {  	_ =	shalt  }
0x83: {  	_ =	shalt  }
0x84: {  	_ =	shalt  }
0x85: {  	_ =	shalt  }
0x86: {  	_ =	shalt  }
0x87: {  	_ =	shalt  }
.Lfunc_end0:
.L_simem_size_0:
called_computation_lowered:
.L_overlay_start_0:
0x88: {  	s2 =	sld [smem:$0x3FD9]  }
0x89: {  	s3 =	sld [smem:$0x3FFE];
	_ =	sdelay $0x1  }
0x8a: {  	s1 =	srdreg.scid  }
0x8b: {  	s0 =	sand.u32 $0x1, s1  }
0x8c: {  	s14 =	sshll.u32 s0, $0xA;
	s2 =	sadd.s32 s3, s2  }
0x8d: {  	s2 =	sadd.s32 s2, s14  }
0x8e: {  	[smem:$0x3FB5] =	sst s2  }
0x8f: {  	_ = 	snop  }
0x90: {  	s2 =	sld [smem:$0x3FD0];
	_ =	sdelay $0x2  }
0x91: {  	s4 =	simm.s32 $0xA;
	s5 =	simm.s32 $0x10;
	s15 =	sld [smem:$0x3FC9]  }
0x92: {  	[smem:s5], [sflag:s4] =	dma.local [hbm:s2], $0x1  }
0x93: {  	_ =	swait.eq [sflag:s4], $0x1  }
0x94: {  	[sflag:s4] =	ssyncset.done $0x0  }
0x95: {  	s16 =	sld [smem:$0x10];
	[sflag:s4] =	ssyncadd.s32 $0xFFFFFFFF  }
0x96: {  	s17 =	sld [smem:$0x11];
	(tm) =	ssettm $0x1  }
0x97: {  	s18 =	sld [smem:$0x3FFB];
	_ =	sdelay $0x3  }
0x98: {  	_ =	strace s18  }
0x99: {  	s5 =	sld [smem:$0x3FFC];
	_ =	sdelay $0x3  }
0x9a: {  	_ =	strace s5  }
0x9b: {  	s5 =	sld [smem:$0x3FFD];
	_ =	sdelay $0x3  }
0x9c: {  	_ =	strace s5  }
0x9d: {  	_ =	strace $0x8FFFFFFF  }
0x9e: {  	s19 =	sld [smem:$0x3FDB];
	_ =	sdelay $0x1  }
0x9f: {  	s6 =	simm.s32 $_scs_section_size  }
0xa0: {  	s7 =	simm.s32 $_size__tile_overlayer_lowered;
	s8 =	simm.s32 $_tile_overlayer_lowered  }
0xa1: {  	s22 =	simm.s32 $0x1BFF;
	s21 =	sshll.u32 s8, $0x1;
	s5 =	sadd.s32 s6, s19  }
0xa2: {  	s9 =	simm.s32 $0x0;
	s20 =	sshll.u32 s7, $0x1;
	s7 =	sadd.s32 s21, s5  }
0xa3: {  	[timem:s9], [sflag:s22] =	dma.local [hbm:s7], s20  }
0xa4: {  	_ =	swait.ge [sflag:s22], s20  }
0xa5: {  	s6 =	ssub.s32 $0x0, s20;
	[sflag:s22] =	ssyncset.done $0x0  }
0xa6: {  	[sflag:s22] =	ssyncadd.s32 s6;
	_ =	sdelay $0x1  }
0xa7: {  	s23 =	simm.s32 $0x1B8B  }
0xa8: {  	_ =	swait.ge [sflag:s23], $0x1  }
0xa9: {  	[sflag:s23] =	ssyncset.done $0x0  }
0xaa: {  	s25 =	simm.s32 $0x1B8E;
	s24 =	sld [smem:$0x3FFE];
	[sflag:s23] =	ssyncadd.s32 $0xFFFFFFFF  }
0xab: {  	s26 =	simm.s32 $execute0_lowered;
	[smem:$0x3FD2] =	sst s25  }
0xac: {  	s7 =	sshll.u32 s26, $0x1;
	_ =	strace $0x80000046;
	[dreg:$0x1] =	wrdreg $0xFFFFFFFF  }
0xad: {  	s28 =	simm.s32 $_size_execute0_lowered;
	s5 =	sadd.s32 s5, s7;
	[dreg:$0x0] =	wrdreg $0x0  }
0xae: {  	s7 =	sshll.u32 s28, $0x1;
	[dreg:$0x2] =	wrdreg s5  }
0xaf: {  	[dreg:$0x3] =	wrdreg s7  }
0xb0: {  	[dreg:$0x4] =	wrdreg $0xC0  }
0xb1: {  	_ =	task [dreg:s9], $0x5FFFF  }
0xb2: {  	[dreg:$0x1] =	wrdreg $0xFFFFFFFF  }
0xb3: {  	[dreg:$0x0] =	wrdreg $0x60  }
0xb4: {  	[dreg:$0x2] =	wrdreg s15  }
0xb5: {  	[dreg:$0x3] =	wrdreg s17  }
0xb6: {  	[dreg:$0x4] =	wrdreg s24  }
0xb7: {  	[dreg:$0x5] =	wrdreg s16  }
0xb8: {  	[dreg:$0x6] =	wrdreg $0xA9000  }
0xb9: {  	[dreg:$0x7] =	wrdreg $0x1E9800  }
0xba: {  	[dreg:$0x8] =	wrdreg $0x9  }
0xbb: {  	_ =	task.clear_ibuf [dreg:s9], $0x9FFFF;
	_ =	strace $0x90000046  }
0xbc: {  	s29 =	simm.s32 $0x9;
	_ =	strace $0x80000048  }
0xbd: {  	_ =	swait.ge [sflag:s29], $0x1  }
0xbe: {  	[sflag:s29] =	ssyncadd.s32 $0xFFFFFFFF  }
0xbf: {  	_ =	strace $0x90000048  }
0xc0: {  	_ =	sfence  }
0xc1: {  	s30 =	sld [smem:$0x0];
	_ =	sdelay $0x2  }
0xc2: {  	s31 =	sshll.u32 s1, $0xD;
	s1 =	sshrl.u32 s1, $0x2  }
0xc3: {  	s3 =	sand.u32 $0x4000, s31;
	s1 =	sadd.s32 s1, s30  }
0xc4: {  	s0 =	sor.u32 s3, s0;
	s1 =	sshll.u32 s1, $0x11  }
0xc5: {  	s0 =	sor.u32 s1, s0  }
0xc6: {  	s0 =	sadd.s32 $0x8F2B, s0  }
0xc7: {  	[sflag:s0] =	ssyncadd.remote.s32 $0x1  }
0xc8: {  	_ =	sfence.sel $0xFFFF  }
0xc9: {  	[dreg:$0x0] =	wrdreg $0xFFFFFFFF;
	(pc) =	sbr.abs _section_cstart, $3  }
0xca: {  	[dreg:$0x1] =	wrdreg $0xFFFFFFFF  }
0xcb: {  	_ =	task.clear_ibuf [dreg:s9], $0x2FFFF;
	_ =	strace $0x9FFFFFFF  }
0xcc: {  	(tm) =	ssettm $0x7FFFFFFF  }
0xcd: {  	_ =	shalt  }
tec
execute0_lowered:
.L_overlay_start_1:
0x0: {  	(tag) =	ssettag $0x1  }
0x1: {  	s1 =	rddreg [dreg:$0x0]  }
0x2: {  	s0 =	rddreg [dreg:$0x1]  }
0x3: {  	s2 =	rddreg [dreg:$0x2]  }
0x4: {  	s12 =	rddreg [dreg:$0x3]  }
0x5: {  	s3 =	rddreg [dreg:$0x4];
	s18 =	stileid.u32  }
0x6: {  	s4 =	rddreg [dreg:$0x5];
	s5 =	simm.s32 $0x0;
	s7 =	smul.u32 $0x50, s18  }
0x7: {  	s6 =	srdreg.scid;
	s28 =	simm.s32 $0x4;
	s9 =	smul.u32 $0x14000, s18  }
0x8: {  	s29 =	simm.s32 $0x2;
	s30 =	simm.s32 $0x0;
	s10 =	smul.u32 $0x280, s18  }
0x9: {  	[smem:$0x7FF] =	sst s5;
	s6 =	sand.u32 $0x1, s6;
	s22 =	smul.u32 $0x50000, s18  }
0xa: {  	s25 =	sshll.u32 s18, $0x6;
	p0 =	seq.s32 s6, $0x0;
	_ =	strace $0x80000047  }
0xb: {  	s20 =	smul.u32 $0x140000, s6;
	s6 =	ssub.s32 $0x2, s6;
	s8 =	sadd.s32 $0x500, s7  }
0xc: {  	s21 =	sshrl.u32 s9, $0x3;
	s14 =	sshrl.u32 s10, $0x3;
	s23 =	sshrl.u32 s6, $0x1  }
0xd: {  	s24 =	sshrl.u32 s22, $0x2;
	s19 =	sadd.s32 s10, s4;
	s22 =	simm.s32 $0x2880  }
0xe: {  	s8 =	smov.u32 @p0 s7;
	s13 =	sadd.s32 s14, s2;
	s7 =	sadd.s32 s9, s20  }
0xf: {  	s17 =	ssub.s32 s6, s23;
	s26 =	sadd.s32 s24, s3;
	s18 =	sshrl.u32 s19, $0x3  }
0x10: {  	s19 =	simm.s32 $0x2800;
	s20 =	simm.s32 $0x80;
	s23 =	simm.s32 $0x6900  }
0x11: {  	s24 =	simm.s32 $0x3;
	s11 =	sshll.u32 s8, $0x4;
	s8 =	sadd.s32 s21, s2  }
0x12: {  	s7 =	sshrl.u32 s7, $0x3;
	s21 =	simm.s32 $0x2900;
	s15 =	sadd.s32 s11, s2  }
0x13: {  	s16 =	sadd.s32 s7, s2;
	s2 =	sadd.s32 $0x36400, s2;
	s31 =	sadd.s32 $0xDE00, s8  }
0x14: {  	s7 =	sor.u32 $0x1C05, s25;
	s8 =	sadd.s32 $0x35E00, s13;
	s9 =	sadd.s32 s0, s11  }
0x15: {  	s13 =	smax.u32 s17, $0x1;
	s17 =	simm.s32 $0x5;
	s25 =	simm.s32 $0x1  }
0x16: {  	[dreg:$0x7] =	wrdreg s31;
	s10 =	sadd.s32 $0x3E00, s15;
	s11 =	sadd.s32 $0x3E10, s15  }
0x17: {  	s2 =	smov.u32 @p0 s12;
	s12 =	sadd.s32 $0x36A00, s16;
	s15 =	sadd.s32 $0x3E20, s15  }
0x18: {  	v0 =	vimm.f32 $1.000000000e+00;
	s16 =	sshrl.u32 s26, $0x3;
	s26 =	simm.s32 $0x1E900;
	s14 =	sadd.s32 s2, s14  }
.LBB2_1:
0x19: {  	s0 =	rddreg [dreg:$0x7]  }
0x1a: {  	[spmem:s16], [sflag:s7] =	dma.local [hbm:s0], $0x2800  }
0x1b: {  	_ =	swait.ge [sflag:s17], $0x2800  }
0x1c: {  	[sflag:s17] =	ssyncset.done $0x0  }
0x1d: {  	[sflag:s17] =	ssyncadd.s32 $0xFFFFD800  }
0x1e: {  	[spmem:s18], [sflag:s7] =	dma.local [hbm:s8], $0x50  }
0x1f: {  	_ =	swait.ge [sflag:s17], $0x50  }
0x20: {  	[sflag:s17] =	ssyncset.done $0x0  }
0x21: {  	[sflag:s17] =	ssyncadd.s32 $0xFFFFFFB0  }
0x22: {  	[tilespmem:$0x1E900] =	vst v0  }
0x23: {  	[tilespmem:$0x1E910] =	vst v0  }
0x24: {  	[tilespmem:$0x1E920] =	vst v0  }
0x25: {  	[tilespmem:$0x1E930] =	vst v0  }
0x26: {  	[tilespmem:$0x1E940] =	vst v0  }
0x27: {  	[tilespmem:$0x1E950] =	vst v0  }
0x28: {  	[tilespmem:$0x1E960] =	vst v0  }
0x29: {  	[tilespmem:$0x1E970] =	vst v0  }
0x2a: {  	[bflag:$0x0] =	sbarrier.arrive $0xFFFF  }
0x2b: {  	[tilespmem:s5], [sflag:$0x5] =	stream.linear.gather [hbm4b:s9+s5], $0x2800, $0x38;
	[tilespmem:$0x1EC00] =	vst v63  }
0x2c: {  	_ =	swait.ge [sflag:s17], $0x2800  }
0x2d: {  	[sflag:s17] =	ssyncset.done $0x0  }
0x2e: {  	[sflag:s17] =	ssyncadd.s32 $0xFFFFD800  }
0x2f: {  	[tilespmem:s19], [sflag:$0x3] =	stream.linear.gather [hbm4b:s10+s5], $0x80, $0x38;
	[tilespmem:$0x1EC00] =	vst v63  }
0x30: {  	_ = 	snop  }
0x31: {  	[tilespmem:s21], [sflag:$0x1] =	stream.indirect.gather [hbm4b:s1+s20], $0x80, s5, s20, $0xb8;
	[tilespmem:$0x1EC00] =	vst v63  }
0x32: {  	_ = 	snop  }
0x33: {  	[tilespmem:s22], [sflag:$0x4] =	stream.linear.gather [hbm4b:s11+s5], $0x80, $0x38;
	[tilespmem:$0x1EC00] =	vst v63  }
0x34: {  	_ = 	snop  }
0x35: {  	[tilespmem:s23], [sflag:$0x2] =	stream.indirect.gather [hbm4b:s1+s20], $0x80, s20, s20, $0xb8;
	[tilespmem:$0x1EC00] =	vst v63  }
0x36: {  	_ =	swait.ge [sflag:s24], $0x80  }
0x37: {  	[sflag:s24] =	ssyncset.done $0x0  }
0x38: {  	[sflag:s24] =	ssyncadd.s32 $0xFFFFFF80  }
0x39: {  	_ =	swait.ge [sflag:s25], $0x4000  }
0x3a: {  	[sflag:s25] =	ssyncset.done $0x0  }
0x3b: {  	[sflag:s25] =	ssyncadd.s32 $0xFFFFC000  }
0x3c: {  	[spmem:s3] =	stream.indirect.scatter.add.f32 [tilespmem:s21], [sflag:$0x5], $0x80, s19, s20, $0xb8;
	[tilespmem:$0x1EC00] =	vst v63  }
0x3d: {  	_ =	swait.ge [sflag:s17], $0x4000  }
0x3e: {  	[sflag:s17] =	ssyncset.done $0x0  }
0x3f: {  	[sflag:s17] =	ssyncadd.s32 $0xFFFFC000  }
0x40: {  	[spmem:s4] =	stream.indirect.scatter.add.f32 [tilespmem:s26], [sflag:$0x5], $0x1, s19, s20, $0xb8;
	[tilespmem:$0x1EC00] =	vst v63  }
0x41: {  	_ =	swait.ge [sflag:s17], $0x80  }
0x42: {  	[sflag:s17] =	ssyncset.done $0x0  }
0x43: {  	[sflag:s17] =	ssyncadd.s32 $0xFFFFFF80  }
0x44: {  	[tilespmem:s19], [sflag:$0x3] =	stream.linear.gather [hbm4b:s15+s5], $0x80, $0x38;
	[tilespmem:$0x1EC00] =	vst v63  }
0x45: {  	s2 =	simm.s32 $0x100  }
0x46: {  	[tilespmem:s21], [sflag:$0x1] =	stream.indirect.gather [hbm4b:s1+s20], $0x80, s2, s20, $0xb8;
	[tilespmem:$0x1EC00] =	vst v63  }
0x47: {  	_ =	swait.ge [sflag:s28], $0x80  }
0x48: {  	[sflag:s28] =	ssyncset.done $0x0  }
0x49: {  	[sflag:s28] =	ssyncadd.s32 $0xFFFFFF80  }
0x4a: {  	_ =	swait.ge [sflag:s29], $0x4000  }
0x4b: {  	[sflag:s29] =	ssyncset.done $0x0  }
0x4c: {  	[sflag:s29] =	ssyncadd.s32 $0xFFFFC000  }
0x4d: {  	[spmem:s3] =	stream.indirect.scatter.add.f32 [tilespmem:s23], [sflag:$0x5], $0x80, s22, s20, $0xb8;
	[tilespmem:$0x1EC00] =	vst v63  }
0x4e: {  	_ =	swait.ge [sflag:s17], $0x4000  }
0x4f: {  	[sflag:s17] =	ssyncset.done $0x0  }
0x50: {  	[sflag:s17] =	ssyncadd.s32 $0xFFFFC000  }
0x51: {  	[spmem:s4] =	stream.indirect.scatter.add.f32 [tilespmem:s26], [sflag:$0x5], $0x1, s22, s20, $0xb8;
	[tilespmem:$0x1EC00] =	vst v63  }
0x52: {  	_ =	swait.ge [sflag:s17], $0x80  }
0x53: {  	s6 =	sadd.s32 $0x10, s15;
	s31 =	simm.s32 $0xFFFF6800;
	[sflag:s17] =	ssyncset.done $0x0  }
0x54: {  	s0 =	sadd.s32 $0x20, s15;
	s2 =	simm.s32 $0x180;
	[sflag:s17] =	ssyncadd.s32 $0xFFFFFF80  }
0x55: {  	[tilespmem:s22], [sflag:$0x4] =	stream.linear.gather [hbm4b:s6+s5], $0x80, $0x38;
	[tilespmem:$0x1EC00] =	vst v63  }
.LBB2_2:
0x56: {  	[tilespmem:s23], [sflag:$0x2] =	stream.indirect.gather [hbm4b:s1+s20], $0x80, s2, s20, $0xb8;
	[tilespmem:$0x1EC00] =	vst v63  }
0x57: {  	s2 =	smov.u32 s31  }
0x58: {  	p0 =	sne.s32 s31, $0xFFFFFC00;
	s31 =	sadd.s32 $0x400, s31;
	_ =	swait.ge [sflag:s24], $0x80  }
0x59: {  	[sflag:s24] =	ssyncset.done $0x0  }
0x5a: {  	[sflag:s24] =	ssyncadd.s32 $0xFFFFFF80  }
0x5b: {  	_ =	swait.ge [sflag:s25], $0x4000  }
0x5c: {  	[sflag:s25] =	ssyncset.done $0x0  }
0x5d: {  	[sflag:s25] =	ssyncadd.s32 $0xFFFFC000  }
0x5e: {  	[spmem:s3] =	stream.indirect.scatter.add.f32 [tilespmem:s21], [sflag:$0x5], $0x80, s19, s20, $0xb8;
	[tilespmem:$0x1EC00] =	vst v63  }
0x5f: {  	_ =	swait.ge [sflag:s17], $0x4000  }
0x60: {  	[sflag:s17] =	ssyncset.done $0x0  }
0x61: {  	[sflag:s17] =	ssyncadd.s32 $0xFFFFC000  }
0x62: {  	[spmem:s4] =	stream.indirect.scatter.add.f32 [tilespmem:s26], [sflag:$0x5], $0x1, s19, s20, $0xb8;
	[tilespmem:$0x1EC00] =	vst v63  }
0x63: {  	_ =	swait.ge [sflag:s17], $0x80  }
0x64: {  	[sflag:s17] =	ssyncset.done $0x0  }
0x65: {  	s2 =	sshra.s32 s2, $0x2;
	[sflag:s17] =	ssyncadd.s32 $0xFFFFFF80  }
0x66: {  	[tilespmem:s19], [sflag:$0x3] =	stream.linear.gather [hbm4b:s0+s5], $0x80, $0x38;
	[tilespmem:$0x1EC00] =	vst v63  }
0x67: {  	s6 =	sadd.s32 $0x2800, s2  }
0x68: {  	[tilespmem:s21], [sflag:$0x1] =	stream.indirect.gather [hbm4b:s1+s20], $0x80, s6, s20, $0xb8;
	[tilespmem:$0x1EC00] =	vst v63  }
0x69: {  	_ =	swait.ge [sflag:s28], $0x80  }
0x6a: {  	[sflag:s28] =	ssyncset.done $0x0  }
0x6b: {  	[sflag:s28] =	ssyncadd.s32 $0xFFFFFF80  }
0x6c: {  	_ =	swait.ge [sflag:s29], $0x4000  }
0x6d: {  	[sflag:s29] =	ssyncset.done $0x0  }
0x6e: {  	[sflag:s29] =	ssyncadd.s32 $0xFFFFC000  }
0x6f: {  	[spmem:s3] =	stream.indirect.scatter.add.f32 [tilespmem:s23], [sflag:$0x5], $0x80, s22, s20, $0xb8;
	[tilespmem:$0x1EC00] =	vst v63  }
0x70: {  	_ =	swait.ge [sflag:s17], $0x4000  }
0x71: {  	[sflag:s17] =	ssyncset.done $0x0  }
0x72: {  	[sflag:s17] =	ssyncadd.s32 $0xFFFFC000  }
0x73: {  	[spmem:s4] =	stream.indirect.scatter.add.f32 [tilespmem:s26], [sflag:$0x5], $0x1, s22, s20, $0xb8;
	[tilespmem:$0x1EC00] =	vst v63  }
.Ltmp0:
0x74: {  	_ =	swait.ge [sflag:s17], $0x80;
	(pc) =	sbr.rel @p0 .LBB2_2-.Ltmp0, $4  }
0x75: {  	[sflag:s17] =	ssyncset.done $0x0  }
0x76: {  	s6 =	sadd.s32 $0x10, s0;
	[sflag:s17] =	ssyncadd.s32 $0xFFFFFF80  }
0x77: {  	[tilespmem:s22], [sflag:$0x4] =	stream.linear.gather [hbm4b:s6+s5], $0x80, $0x38;
	[tilespmem:$0x1EC00] =	vst v63  }
0x78: {  	s2 =	sadd.s32 $0x2880, s2;
	s0 =	sadd.s32 $0x20, s0  }
0x79: {  	[tilespmem:s23], [sflag:$0x2] =	stream.indirect.gather [hbm4b:s1+s20], $0x80, s2, s20, $0xb8;
	[tilespmem:$0x1EC00] =	vst v63  }
0x7a: {  	_ =	swait.ge [sflag:s24], $0x80  }
0x7b: {  	[sflag:s24] =	ssyncset.done $0x0  }
0x7c: {  	[sflag:s24] =	ssyncadd.s32 $0xFFFFFF80  }
0x7d: {  	_ =	swait.ge [sflag:s25], $0x4000  }
0x7e: {  	[sflag:s25] =	ssyncset.done $0x0  }
0x7f: {  	[sflag:s25] =	ssyncadd.s32 $0xFFFFC000  }
0x80: {  	[spmem:s3] =	stream.indirect.scatter.add.f32 [tilespmem:s21], [sflag:$0x5], $0x80, s19, s20, $0xb8;
	[tilespmem:$0x1EC00] =	vst v63  }
0x81: {  	_ =	swait.ge [sflag:s17], $0x4000  }
0x82: {  	[sflag:s17] =	ssyncset.done $0x0  }
0x83: {  	[sflag:s17] =	ssyncadd.s32 $0xFFFFC000  }
0x84: {  	[spmem:s4] =	stream.indirect.scatter.add.f32 [tilespmem:s26], [sflag:$0x5], $0x1, s19, s20, $0xb8;
	[tilespmem:$0x1EC00] =	vst v63  }
0x85: {  	_ =	swait.ge [sflag:s17], $0x80  }
0x86: {  	[sflag:s17] =	ssyncset.done $0x0  }
0x87: {  	[sflag:s17] =	ssyncadd.s32 $0xFFFFFF80  }
0x88: {  	_ =	swait.ge [sflag:s28], $0x80  }
0x89: {  	[sflag:s28] =	ssyncset.done $0x0  }
0x8a: {  	[sflag:s28] =	ssyncadd.s32 $0xFFFFFF80  }
0x8b: {  	_ =	swait.ge [sflag:s29], $0x4000  }
0x8c: {  	[sflag:s29] =	ssyncset.done $0x0  }
0x8d: {  	[sflag:s29] =	ssyncadd.s32 $0xFFFFC000  }
0x8e: {  	[spmem:s3] =	stream.indirect.scatter.add.f32 [tilespmem:s23], [sflag:$0x5], $0x80, s22, s20, $0xb8;
	[tilespmem:$0x1EC00] =	vst v63  }
0x8f: {  	_ =	swait.ge [sflag:s17], $0x4000  }
0x90: {  	[sflag:s17] =	ssyncset.done $0x0  }
0x91: {  	[sflag:s17] =	ssyncadd.s32 $0xFFFFC000  }
0x92: {  	[spmem:s4] =	stream.indirect.scatter.add.f32 [tilespmem:s26], [sflag:$0x5], $0x1, s22, s20, $0xb8;
	[tilespmem:$0x1EC00] =	vst v63  }
0x93: {  	_ =	swait.ge [sflag:s17], $0x80  }
0x94: {  	[sflag:s17] =	ssyncset.done $0x0  }
0x95: {  	[sflag:s17] =	ssyncadd.s32 $0xFFFFFF80  }
0x96: {  	[bflag:$0x0] =	sbarrier.arrive $0xFFFF  }
0x97: {  	[hbm:s12], [sflag:s7] =	dma.local [spmem:s16], $0x2800  }
0x98: {  	s30 =	sadd.s32 $0x1, s30;
	_ =	swait.ge [sflag:s17], $0x2800  }
0x99: {  	p0 =	sne.s32 s30, s13;
	[sflag:s17] =	ssyncset.done $0x0  }
.Ltmp1:
0x9a: {  	[sflag:s17] =	ssyncadd.s32 $0xFFFFD800;
	(pc) =	sbr.rel @p0 .LBB2_1-.Ltmp1, $4  }
0x9b: {  	[hbm:s14], [sflag:s7] =	dma.local [spmem:s18], $0x50  }
0x9c: {  	_ =	swait.ge [sflag:s17], $0x50  }
0x9d: {  	[sflag:s17] =	ssyncset.done $0x0  }
0x9e: {  	[sflag:s17] =	ssyncadd.s32 $0xFFFFFFB0  }
0x9f: {  	_ =	sfence.sel $0x180000  }
0xa0: {  	[bflag:$0x0] =	sbarrier.arrive $0xFFFF  }
0xa1: {  	_ =	strace $0x90000047  }
0xa2: {  	s0 =	stileid.u32;
	[bflag:$0x2] =	sbarrier.arrive $0xFFFF  }
0xa3: {  	p0 =	sne.s32 s0, $0x0;
	s0 =	rddreg [dreg:$0x6]  }
0xa4: {  	s0 =	sadd.s32 @!p0 $0x100000, s0  }
0xa5: {  	[sflag:s0] =	ssyncadd.tile.s32 @!p0 $0x1;
	_ =	shalt  }
.Lfunc_end2:
_tile_overlayer_lowered:
.L_overlay_start_2:
0xa6: {  	(tag) =	ssettag $0x2  }
0xa7: {  	s0 =	rddreg [dreg:$0x0];
	s2 =	stileid.u32  }
0xa8: {  	s1 =	rddreg [dreg:$0x1];
	p0 =	sne.s32 s2, $0x0  }
0xa9: {  	s3 =	rddreg [dreg:$0x2];
	[bflag:$0x3] =	sbarrier.arrive $0xFFFF;
	s2 =	simm.s32 @!p0 $0x1C05  }
0xaa: {  	[timem:s3], [sflag:s2] =	dma.local @!p0 [hbm:s0], s1  }
0xab: {  	s0 =	simm.s32 @!p0 $0x5  }
0xac: {  	_ =	swait.ge @!p0 [sflag:s0], s1  }
0xad: {  	s1 =	ssub.s32 @!p0 $0x0, s1;
	[sflag:s0] =	ssyncset.done @!p0 $0x0  }
0xae: {  	[sflag:s0] =	ssyncadd.s32 @!p0 s1  }
0xaf: {  	[bflag:$0x3] =	sbarrier.arrive $0xFFFF  }
0xb0: {  	_ =	shalt  }

// kernel: kernel.14.cloned.1.call-start
scs
__scs_entry_jumppad:
0x0: {  	(pc) =	sbr.rel $0x88, $3  }
0x1: {  	(tag) =	ssettag $0x0;
	lr =	simm.s32 $0x1  }
0x2: {  	[smem:$0x3F8E] =	sst lr;
	_ =	strace $0xD0000000  }
0x3: {  	_ = 	snop  }
0x4: {  	_ = 	snop  }
0x5: {  	_ = 	snop  }
0x6: {  	_ = 	snop  }
0x7: {  	_ = 	snop  }
__scs_overlays_trampoline_lowered:
0x8: {  	[smem:$0x3F9D] =	sst s0  }
0x9: {  	[smem:$0x3F9E] =	sst s1  }
0xa: {  	[smem:$0x3F9F] =	sst s2  }
0xb: {  	[smem:$0x3FA0] =	sst s3  }
0xc: {  	[smem:$0x3FA1] =	sst s4  }
0xd: {  	[smem:$0x3FA2] =	sst s5  }
0xe: {  	[smem:$0x3FA3] =	sst s6  }
0xf: {  	[smem:$0x3FA4] =	sst s7  }
0x10: {  	[smem:$0x3FA5] =	sst s8  }
0x11: {  	[smem:$0x3FA6] =	sst s9;
	s0 =	simm.s32 @!p0 $0x0  }
0x12: {  	s1 =	sld [smem:$0x3F8C];
	s0 =	simm.s32 @p0 $0x1  }
0x13: {  	[smem:$0x3FA7] =	sst s0;
	s0 =	simm.s32 @!p1 $0x0  }
0x14: {  	s2 =	sld [smem:$0x3F8B];
	s0 =	simm.s32 @p1 $0x1  }
0x15: {  	[smem:$0x3FA8] =	sst s0;
	s0 =	simm.s32 @!p2 $0x0  }
0x16: {  	s3 =	sld [smem:$0x3FDB];
	s0 =	simm.s32 @p2 $0x1  }
0x17: {  	s4 =	simm.s32 $0x1BF5;
	[smem:$0x3FAA] =	sst s0  }
0x18: {  	s0 =	sld [smem:$0x3F8D];
	_ =	swait.ge [sflag:s4], $0x0  }
0x19: {  	s7 =	sld [smem:$0x3F8E]  }
0x1a: {  	s8 =	sadd.s32 $0xFFFFE003, lr  }
0x1b: {  	s9 =	sadd.s32 $0xFFFFFEF7, lr;
	s5 =	simm.s32 $0xFFFFFFFF;
	p2 =	slt.u32 s8, $0xFFFFF086  }
0x1c: {  	p1 =	slt.u32 s9, $0xF7A;
	s5 =	simm.s32 @!p2 $0x0  }
0x1d: {  	s5 =	simm.s32 @p1 $0x1;
	p0 =	seq.s32 s7, s2  }
0x1e: {  	s7 =	smul.u32 @!p0 $0xF7A, s2;
	p2 =	seq.s32 @!p0 s5, $0x0  }
0x1f: {  	s9 =	smul.u32 $0xF7A, s1;
	s8 =	simm.s32 @!p0 $0x1BF5;
	p2 =	por !p2, p0  }
0x20: {  	[sflag:s8] =	ssyncset.s32 @!p0 $0xFFFFF086;
	s6 =	sadd.s32 @!p0 s3, s7;
	s7 =	simm.s32 @!p0 $0x108  }
0x21: {  	s3 =	sadd.s32 s3, s9;
	s6 =	sadd.s32 @!p0 $0x88, s6;
	s7 =	simm.s32 @p2 $0x1082  }
0x22: {  	[simem:s7], [sflag:s8] =	dma.local @!p0 [hbm:s6], $0xF7A  }
0x23: {  	s9 =	sor.u32 $0xD0000000, s2;
	s6 =	simm.s32 $0x108;
	_ =	swait.ge @!p0 [sflag:s8], $0x0  }
0x24: {  	s3 =	sadd.s32 $0x88, s3;
	s6 =	simm.s32 @!p1 $0x1082;
	[sflag:s4] =	ssyncset.s32 $0xFFFFF086  }
0x25: {  	[simem:s6], [sflag:s4] =	dma.local [hbm:s3], $0xF7A  }
0x26: {  	[smem:$0x3F8E] =	sst s1;
	(tag) =	ssettag s2;
	_ =	strace s9  }
0x27: {  	s1 =	sld [smem:$0x3F9E]  }
0x28: {  	s2 =	sld [smem:$0x3F9F]  }
0x29: {  	s4 =	sld [smem:$0x3FA1]  }
0x2a: {  	p0 =	seq.s32 s5, $0x0;
	s5 =	sld [smem:$0x3FA2]  }
0x2b: {  	s6 =	sld [smem:$0x3FA3]  }
0x2c: {  	s7 =	sld [smem:$0x3FA4]  }
0x2d: {  	s3 =	simm.s32 $0x108;
	s8 =	sld [smem:$0x3FA5]  }
0x2e: {  	s3 =	simm.s32 @!p0 $0x1082;
	s9 =	sld [smem:$0x3FA6]  }
0x2f: {  	lr =	sadd.s32 s0, s3;
	s0 =	sld [smem:$0x3F9D]  }
0x30: {  	s3 =	sld [smem:$0x3FA0]  }
0x31: {  	[smem:$0x3FA9] =	sst s10  }
0x32: {  	s10 =	sld [smem:$0x3FA7];
	_ =	sdelay $0x3  }
0x33: {  	p0 =	seq.s32 s10, $0x1;
	s10 =	sld [smem:$0x3FA9];
	_ =	sdelay $0x3  }
0x34: {  	[smem:$0x3FA9] =	sst s10  }
0x35: {  	s10 =	sld [smem:$0x3FA8];
	_ =	sdelay $0x3  }
0x36: {  	p1 =	seq.s32 s10, $0x1;
	s10 =	sld [smem:$0x3FA9];
	_ =	sdelay $0x3  }
0x37: {  	[smem:$0x3FA9] =	sst s10  }
0x38: {  	s10 =	sld [smem:$0x3FAA]  }
0x39: {  	_ = 	snop;
	(pc) =	sbr.ind lr, $3  }
0x3a: {  	_ = 	snop  }
0x3b: {  	_ = 	snop  }
0x3c: {  	p2 =	seq.s32 s10, $0x1;
	s10 =	sld [smem:$0x3FA9]  }
0x3d: {  	_ =	shalt  }
0x3e: {  	_ =	shalt  }
0x3f: {  	_ =	shalt  }
0x40: {  	_ =	shalt  }
0x41: {  	_ =	shalt  }
0x42: {  	_ =	shalt  }
0x43: {  	_ =	shalt  }
0x44: {  	_ =	shalt  }
0x45: {  	_ =	shalt  }
0x46: {  	_ =	shalt  }
0x47: {  	_ =	shalt  }
0x48: {  	_ =	shalt  }
0x49: {  	_ =	shalt  }
0x4a: {  	_ =	shalt  }
0x4b: {  	_ =	shalt  }
0x4c: {  	_ =	shalt  }
0x4d: {  	_ =	shalt  }
0x4e: {  	_ =	shalt  }
0x4f: {  	_ =	shalt  }
0x50: {  	_ =	shalt  }
0x51: {  	_ =	shalt  }
0x52: {  	_ =	shalt  }
0x53: {  	_ =	shalt  }
0x54: {  	_ =	shalt  }
0x55: {  	_ =	shalt  }
0x56: {  	_ =	shalt  }
0x57: {  	_ =	shalt  }
0x58: {  	_ =	shalt  }
0x59: {  	_ =	shalt  }
0x5a: {  	_ =	shalt  }
0x5b: {  	_ =	shalt  }
0x5c: {  	_ =	shalt  }
0x5d: {  	_ =	shalt  }
0x5e: {  	_ =	shalt  }
0x5f: {  	_ =	shalt  }
0x60: {  	_ =	shalt  }
0x61: {  	_ =	shalt  }
0x62: {  	_ =	shalt  }
0x63: {  	_ =	shalt  }
0x64: {  	_ =	shalt  }
0x65: {  	_ =	shalt  }
0x66: {  	_ =	shalt  }
0x67: {  	_ =	shalt  }
0x68: {  	_ =	shalt  }
0x69: {  	_ =	shalt  }
0x6a: {  	_ =	shalt  }
0x6b: {  	_ =	shalt  }
0x6c: {  	_ =	shalt  }
0x6d: {  	_ =	shalt  }
0x6e: {  	_ =	shalt  }
0x6f: {  	_ =	shalt  }
0x70: {  	_ =	shalt  }
0x71: {  	_ =	shalt  }
0x72: {  	_ =	shalt  }
0x73: {  	_ =	shalt  }
0x74: {  	_ =	shalt  }
0x75: {  	_ =	shalt  }
0x76: {  	_ =	shalt  }
0x77: {  	_ =	shalt  }
0x78: {  	_ =	shalt  }
0x79: {  	_ =	shalt  }
0x7a: {  	_ =	shalt  }
0x7b: {  	_ =	shalt  }
0x7c: {  	_ =	shalt  }
0x7d: {  	_ =	shalt  }
0x7e: {  	_ =	shalt  }
0x7f: {  	_ =	shalt  }
0x80: {  	_ =	shalt  }
0x81: {  	_ =	shalt  }
0x82: {  	_ =	shalt  }
0x83: {  	_ =	shalt  }
0x84: {  	_ =	shalt  }
0x85: {  	_ =	shalt  }
0x86: {  	_ =	shalt  }
0x87: {  	_ =	shalt  }
.Lfunc_end0:
.L_simem_size_0:
called_computation.1_lowered:
.L_overlay_start_0:
0x88: {  	s2 =	sld [smem:$0x3FD9]  }
0x89: {  	s3 =	sld [smem:$0x3FFE];
	_ =	sdelay $0x1  }
0x8a: {  	s1 =	srdreg.scid  }
0x8b: {  	s0 =	sand.u32 $0x1, s1  }
0x8c: {  	s14 =	sshll.u32 s0, $0xA;
	s2 =	sadd.s32 s3, s2  }
0x8d: {  	s2 =	sadd.s32 s2, s14  }
0x8e: {  	[smem:$0x3FB5] =	sst s2  }
0x8f: {  	_ = 	snop  }
0x90: {  	s2 =	sld [smem:$0x3FD0];
	_ =	sdelay $0x2  }
0x91: {  	s15 =	simm.s32 $0xA;
	s4 =	simm.s32 $0x10  }
0x92: {  	[smem:s4], [sflag:s15] =	dma.local [hbm:s2], $0x1  }
0x93: {  	_ =	swait.eq [sflag:s15], $0x1  }
0x94: {  	[sflag:s15] =	ssyncset.done $0x0  }
0x95: {  	s16 =	sld [smem:$0x10];
	[sflag:s15] =	ssyncadd.s32 $0xFFFFFFFF  }
0x96: {  	s17 =	sld [smem:$0x11];
	(tm) =	ssettm $0x1  }
0x97: {  	s18 =	sld [smem:$0x3FFB];
	_ =	sdelay $0x3  }
0x98: {  	_ =	strace s18  }
0x99: {  	s4 =	sld [smem:$0x3FFC];
	_ =	sdelay $0x3  }
0x9a: {  	_ =	strace s4  }
0x9b: {  	s4 =	sld [smem:$0x3FFD];
	_ =	sdelay $0x3  }
0x9c: {  	_ =	strace s4  }
0x9d: {  	_ =	strace $0x8FFFFFFF  }
0x9e: {  	s19 =	sld [smem:$0x3FDB];
	_ =	sdelay $0x1  }
0x9f: {  	s5 =	simm.s32 $_scs_section_size  }
0xa0: {  	s6 =	simm.s32 $_size__tile_overlayer_lowered;
	s7 =	simm.s32 $_tile_overlayer_lowered  }
0xa1: {  	s22 =	simm.s32 $0x1BFF;
	s21 =	sshll.u32 s7, $0x1;
	s4 =	sadd.s32 s5, s19  }
0xa2: {  	s8 =	simm.s32 $0x0;
	s20 =	sshll.u32 s6, $0x1;
	s6 =	sadd.s32 s21, s4  }
0xa3: {  	[timem:s8], [sflag:s22] =	dma.local [hbm:s6], s20  }
0xa4: {  	_ =	swait.ge [sflag:s22], s20  }
0xa5: {  	s5 =	ssub.s32 $0x0, s20;
	[sflag:s22] =	ssyncset.done $0x0  }
0xa6: {  	[sflag:s22] =	ssyncadd.s32 s5;
	_ =	sdelay $0x1  }
0xa7: {  	s23 =	simm.s32 $0x1B8B  }
0xa8: {  	_ =	swait.ge [sflag:s23], $0x1  }
0xa9: {  	[sflag:s23] =	ssyncset.done $0x0  }
0xaa: {  	s25 =	simm.s32 $0x1B8E;
	s24 =	sld [smem:$0x3FFE];
	[sflag:s23] =	ssyncadd.s32 $0xFFFFFFFF  }
0xab: {  	s26 =	simm.s32 $execute0_lowered;
	[smem:$0x3FD2] =	sst s25  }
0xac: {  	s6 =	sshll.u32 s26, $0x1;
	_ =	strace $0x80000049;
	[dreg:$0x1] =	wrdreg $0xFFFFFFFF  }
0xad: {  	s28 =	simm.s32 $_size_execute0_lowered;
	s4 =	sadd.s32 s4, s6;
	[dreg:$0x0] =	wrdreg $0x0  }
0xae: {  	s6 =	sshll.u32 s28, $0x1;
	[dreg:$0x2] =	wrdreg s4  }
0xaf: {  	[dreg:$0x3] =	wrdreg s6  }
0xb0: {  	[dreg:$0x4] =	wrdreg $0xC0  }
0xb1: {  	_ =	task [dreg:s8], $0x5FFFF  }
0xb2: {  	[dreg:$0x1] =	wrdreg $0xFFFFFFFF  }
0xb3: {  	[dreg:$0x0] =	wrdreg $0x60  }
0xb4: {  	[dreg:$0x2] =	wrdreg s16  }
0xb5: {  	[dreg:$0x3] =	wrdreg s17  }
0xb6: {  	[dreg:$0x4] =	wrdreg s24  }
0xb7: {  	[dreg:$0x5] =	wrdreg $0xA9000  }
0xb8: {  	[dreg:$0x6] =	wrdreg $0x9  }
0xb9: {  	_ =	task.clear_ibuf [dreg:s8], $0x7FFFF;
	_ =	strace $0x90000049  }
0xba: {  	s29 =	simm.s32 $0x9;
	_ =	strace $0x8000004B  }
0xbb: {  	_ =	swait.ge [sflag:s29], $0x1  }
0xbc: {  	[sflag:s29] =	ssyncadd.s32 $0xFFFFFFFF  }
0xbd: {  	_ =	strace $0x9000004B  }
0xbe: {  	_ =	sfence  }
0xbf: {  	s30 =	sld [smem:$0x0];
	_ =	sdelay $0x2  }
0xc0: {  	s31 =	sshll.u32 s1, $0xD;
	s1 =	sshrl.u32 s1, $0x2  }
0xc1: {  	s3 =	sand.u32 $0x4000, s31;
	s1 =	sadd.s32 s1, s30  }
0xc2: {  	s0 =	sor.u32 s3, s0;
	s1 =	sshll.u32 s1, $0x11  }
0xc3: {  	s0 =	sor.u32 s1, s0  }
0xc4: {  	s0 =	sadd.s32 $0x8F2B, s0  }
0xc5: {  	[sflag:s0] =	ssyncadd.remote.s32 $0x1  }
0xc6: {  	_ =	sfence.sel $0xFFFF  }
0xc7: {  	[dreg:$0x0] =	wrdreg $0xFFFFFFFF;
	(pc) =	sbr.abs _section_cstart, $3  }
0xc8: {  	[dreg:$0x1] =	wrdreg $0xFFFFFFFF  }
0xc9: {  	_ =	task.clear_ibuf [dreg:s8], $0x2FFFF;
	_ =	strace $0x9FFFFFFF  }
0xca: {  	(tm) =	ssettm $0x7FFFFFFF  }
0xcb: {  	_ =	shalt  }
tec
execute0_lowered:
.L_overlay_start_1:
0x0: {  	(tag) =	ssettag $0x1  }
0x1: {  	s1 =	rddreg [dreg:$0x0]  }
0x2: {  	s7 =	rddreg [dreg:$0x1]  }
0x3: {  	s5 =	rddreg [dreg:$0x2]  }
0x4: {  	s3 =	rddreg [dreg:$0x3]  }
0x5: {  	s0 =	rddreg [dreg:$0x4];
	s2 =	stileid.u32  }
0x6: {  	s4 =	simm.s32 $0x0;
	s6 =	srdreg.scid;
	s16 =	simm.s32 $0x80  }
0x7: {  	s17 =	simm.s32 $0x2900;
	s18 =	simm.s32 $0x2880;
	s19 =	simm.s32 $0x6900  }
0x8: {  	s20 =	simm.s32 $0x3;
	s21 =	simm.s32 $0x1;
	s22 =	simm.s32 $0x4  }
0x9: {  	s23 =	simm.s32 $0x2;
	s24 =	simm.s32 $0x0;
	s8 =	smul.u32 $0x50, s2  }
0xa: {  	[smem:$0x7FF] =	sst s4;
	s6 =	sand.u32 $0x1, s6;
	s10 =	smul.u32 $0x14000, s2  }
0xb: {  	s28 =	smul.u32 $0x50000, s2;
	s31 =	sshll.u32 s2, $0x6;
	p0 =	seq.s32 s6, $0x0  }
0xc: {  	s26 =	smul.u32 $0x140000, s6;
	_ =	strace $0x8000004A;
	s6 =	ssub.s32 $0x2, s6  }
0xd: {  	s9 =	sadd.s32 $0x500, s8;
	s11 =	sshrl.u32 s10, $0x3;
	s29 =	sshrl.u32 s6, $0x1  }
0xe: {  	s30 =	sshrl.u32 s28, $0x2;
	s9 =	smov.u32 @p0 s8;
	s8 =	sadd.s32 s10, s26  }
0xf: {  	s11 =	sadd.s32 s11, s5;
	s14 =	ssub.s32 s6, s29;
	s15 =	sadd.s32 s30, s3  }
0x10: {  	s6 =	sor.u32 $0x1C05, s31;
	s9 =	sshll.u32 s9, $0x4;
	s8 =	sshrl.u32 s8, $0x3  }
0x11: {  	s12 =	sadd.s32 s9, s5;
	s13 =	sadd.s32 s8, s5;
	s5 =	sadd.s32 $0xDE00, s11  }
0x12: {  	s7 =	sadd.s32 s7, s9;
	s11 =	smax.u32 s14, $0x1;
	s14 =	simm.s32 $0x5  }
0x13: {  	s8 =	sadd.s32 $0x3E00, s12;
	s9 =	sadd.s32 $0x3E10, s12;
	s10 =	sadd.s32 $0x36400, s13  }
0x14: {  	s12 =	sadd.s32 $0x3E20, s12;
	s13 =	sshrl.u32 s15, $0x3;
	s15 =	simm.s32 $0x2800  }
.LBB2_1:
0x15: {  	[spmem:s13], [sflag:s6] =	dma.local [hbm:s5], $0x2800  }
0x16: {  	_ =	swait.ge [sflag:s14], $0x2800  }
0x17: {  	[sflag:s14] =	ssyncset.done $0x0  }
0x18: {  	[sflag:s14] =	ssyncadd.s32 $0xFFFFD800  }
0x19: {  	[bflag:$0x0] =	sbarrier.arrive $0xFFFF  }
0x1a: {  	[tilespmem:s4], [sflag:$0x5] =	stream.linear.gather [hbm4b:s7+s4], $0x2800, $0x38;
	[tilespmem:$0x1E900] =	vst v63  }
0x1b: {  	_ =	swait.ge [sflag:s14], $0x2800  }
0x1c: {  	[sflag:s14] =	ssyncset.done $0x0  }
0x1d: {  	[sflag:s14] =	ssyncadd.s32 $0xFFFFD800  }
0x1e: {  	[tilespmem:s15], [sflag:$0x3] =	stream.linear.gather [hbm4b:s8+s4], $0x80, $0x38;
	[tilespmem:$0x1E900] =	vst v63  }
0x1f: {  	_ = 	snop  }
0x20: {  	[tilespmem:s17], [sflag:$0x1] =	stream.indirect.gather [hbm4b:s1+s16], $0x80, s4, s16, $0xb8;
	[tilespmem:$0x1E900] =	vst v63  }
0x21: {  	_ = 	snop  }
0x22: {  	[tilespmem:s18], [sflag:$0x4] =	stream.linear.gather [hbm4b:s9+s4], $0x80, $0x38;
	[tilespmem:$0x1E900] =	vst v63  }
0x23: {  	_ = 	snop  }
0x24: {  	[tilespmem:s19], [sflag:$0x2] =	stream.indirect.gather [hbm4b:s1+s16], $0x80, s16, s16, $0xb8;
	[tilespmem:$0x1E900] =	vst v63  }
0x25: {  	_ =	swait.ge [sflag:s20], $0x80  }
0x26: {  	[sflag:s20] =	ssyncset.done $0x0  }
0x27: {  	[sflag:s20] =	ssyncadd.s32 $0xFFFFFF80  }
0x28: {  	_ =	swait.ge [sflag:s21], $0x4000  }
0x29: {  	[sflag:s21] =	ssyncset.done $0x0  }
0x2a: {  	[sflag:s21] =	ssyncadd.s32 $0xFFFFC000  }
0x2b: {  	[spmem:s3] =	stream.indirect.scatter.add.f32 [tilespmem:s17], [sflag:$0x5], $0x80, s15, s16, $0xb8;
	[tilespmem:$0x1E900] =	vst v63  }
0x2c: {  	_ =	swait.ge [sflag:s14], $0x4000  }
0x2d: {  	[sflag:s14] =	ssyncset.done $0x0  }
0x2e: {  	[sflag:s14] =	ssyncadd.s32 $0xFFFFC000  }
0x2f: {  	[tilespmem:s15], [sflag:$0x3] =	stream.linear.gather [hbm4b:s12+s4], $0x80, $0x38;
	[tilespmem:$0x1E900] =	vst v63  }
0x30: {  	s25 =	simm.s32 $0x100  }
0x31: {  	[tilespmem:s17], [sflag:$0x1] =	stream.indirect.gather [hbm4b:s1+s16], $0x80, s25, s16, $0xb8;
	[tilespmem:$0x1E900] =	vst v63  }
0x32: {  	_ =	swait.ge [sflag:s22], $0x80  }
0x33: {  	[sflag:s22] =	ssyncset.done $0x0  }
0x34: {  	[sflag:s22] =	ssyncadd.s32 $0xFFFFFF80  }
0x35: {  	_ =	swait.ge [sflag:s23], $0x4000  }
0x36: {  	[sflag:s23] =	ssyncset.done $0x0  }
0x37: {  	[sflag:s23] =	ssyncadd.s32 $0xFFFFC000  }
0x38: {  	[spmem:s3] =	stream.indirect.scatter.add.f32 [tilespmem:s19], [sflag:$0x5], $0x80, s18, s16, $0xb8;
	[tilespmem:$0x1E900] =	vst v63  }
0x39: {  	_ =	swait.ge [sflag:s14], $0x4000  }
0x3a: {  	s31 =	sadd.s32 $0x10, s12;
	s28 =	simm.s32 $0x180;
	[sflag:s14] =	ssyncset.done $0x0  }
0x3b: {  	s26 =	sadd.s32 $0x20, s12;
	s25 =	simm.s32 $0xFFFF6800;
	[sflag:s14] =	ssyncadd.s32 $0xFFFFC000  }
0x3c: {  	[tilespmem:s18], [sflag:$0x4] =	stream.linear.gather [hbm4b:s31+s4], $0x80, $0x38;
	[tilespmem:$0x1E900] =	vst v63  }
.LBB2_2:
0x3d: {  	[tilespmem:s19], [sflag:$0x2] =	stream.indirect.gather [hbm4b:s1+s16], $0x80, s28, s16, $0xb8;
	[tilespmem:$0x1E900] =	vst v63  }
0x3e: {  	s28 =	smov.u32 s25  }
0x3f: {  	p0 =	sne.s32 s25, $0xFFFFFC00;
	s25 =	sadd.s32 $0x400, s25;
	_ =	swait.ge [sflag:s20], $0x80  }
0x40: {  	[sflag:s20] =	ssyncset.done $0x0  }
0x41: {  	[sflag:s20] =	ssyncadd.s32 $0xFFFFFF80  }
0x42: {  	_ =	swait.ge [sflag:s21], $0x4000  }
0x43: {  	[sflag:s21] =	ssyncset.done $0x0  }
0x44: {  	[sflag:s21] =	ssyncadd.s32 $0xFFFFC000  }
0x45: {  	[spmem:s3] =	stream.indirect.scatter.add.f32 [tilespmem:s17], [sflag:$0x5], $0x80, s15, s16, $0xb8;
	[tilespmem:$0x1E900] =	vst v63  }
0x46: {  	_ =	swait.ge [sflag:s14], $0x4000  }
0x47: {  	[sflag:s14] =	ssyncset.done $0x0  }
0x48: {  	s28 =	sshra.s32 s28, $0x2;
	[sflag:s14] =	ssyncadd.s32 $0xFFFFC000  }
0x49: {  	[tilespmem:s15], [sflag:$0x3] =	stream.linear.gather [hbm4b:s26+s4], $0x80, $0x38;
	[tilespmem:$0x1E900] =	vst v63  }
0x4a: {  	s29 =	sadd.s32 $0x2800, s28  }
0x4b: {  	[tilespmem:s17], [sflag:$0x1] =	stream.indirect.gather [hbm4b:s1+s16], $0x80, s29, s16, $0xb8;
	[tilespmem:$0x1E900] =	vst v63  }
0x4c: {  	_ =	swait.ge [sflag:s22], $0x80  }
0x4d: {  	[sflag:s22] =	ssyncset.done $0x0  }
0x4e: {  	[sflag:s22] =	ssyncadd.s32 $0xFFFFFF80  }
0x4f: {  	_ =	swait.ge [sflag:s23], $0x4000  }
0x50: {  	[sflag:s23] =	ssyncset.done $0x0  }
0x51: {  	[sflag:s23] =	ssyncadd.s32 $0xFFFFC000  }
0x52: {  	[spmem:s3] =	stream.indirect.scatter.add.f32 [tilespmem:s19], [sflag:$0x5], $0x80, s18, s16, $0xb8;
	[tilespmem:$0x1E900] =	vst v63  }
.Ltmp0:
0x53: {  	_ =	swait.ge [sflag:s14], $0x4000;
	(pc) =	sbr.rel @p0 .LBB2_2-.Ltmp0, $4  }
0x54: {  	[sflag:s14] =	ssyncset.done $0x0  }
0x55: {  	s29 =	sadd.s32 $0x10, s26;
	[sflag:s14] =	ssyncadd.s32 $0xFFFFC000  }
0x56: {  	[tilespmem:s18], [sflag:$0x4] =	stream.linear.gather [hbm4b:s29+s4], $0x80, $0x38;
	[tilespmem:$0x1E900] =	vst v63  }
0x57: {  	s28 =	sadd.s32 $0x2880, s28;
	s26 =	sadd.s32 $0x20, s26  }
0x58: {  	[tilespmem:s19], [sflag:$0x2] =	stream.indirect.gather [hbm4b:s1+s16], $0x80, s28, s16, $0xb8;
	[tilespmem:$0x1E900] =	vst v63  }
0x59: {  	_ =	swait.ge [sflag:s20], $0x80  }
0x5a: {  	[sflag:s20] =	ssyncset.done $0x0  }
0x5b: {  	[sflag:s20] =	ssyncadd.s32 $0xFFFFFF80  }
0x5c: {  	_ =	swait.ge [sflag:s21], $0x4000  }
0x5d: {  	[sflag:s21] =	ssyncset.done $0x0  }
0x5e: {  	[sflag:s21] =	ssyncadd.s32 $0xFFFFC000  }
0x5f: {  	[spmem:s3] =	stream.indirect.scatter.add.f32 [tilespmem:s17], [sflag:$0x5], $0x80, s15, s16, $0xb8;
	[tilespmem:$0x1E900] =	vst v63  }
0x60: {  	_ =	swait.ge [sflag:s14], $0x4000  }
0x61: {  	[sflag:s14] =	ssyncset.done $0x0  }
0x62: {  	[sflag:s14] =	ssyncadd.s32 $0xFFFFC000  }
0x63: {  	_ =	swait.ge [sflag:s22], $0x80  }
0x64: {  	[sflag:s22] =	ssyncset.done $0x0  }
0x65: {  	[sflag:s22] =	ssyncadd.s32 $0xFFFFFF80  }
0x66: {  	_ =	swait.ge [sflag:s23], $0x4000  }
0x67: {  	[sflag:s23] =	ssyncset.done $0x0  }
0x68: {  	[sflag:s23] =	ssyncadd.s32 $0xFFFFC000  }
0x69: {  	[spmem:s3] =	stream.indirect.scatter.add.f32 [tilespmem:s19], [sflag:$0x5], $0x80, s18, s16, $0xb8;
	[tilespmem:$0x1E900] =	vst v63  }
0x6a: {  	_ =	swait.ge [sflag:s14], $0x4000  }
0x6b: {  	s24 =	sadd.s32 $0x1, s24;
	[sflag:s14] =	ssyncset.done $0x0  }
0x6c: {  	p0 =	sne.s32 s24, s11;
	[sflag:s14] =	ssyncadd.s32 $0xFFFFC000  }
.Ltmp1:
0x6d: {  	[bflag:$0x0] =	sbarrier.arrive $0xFFFF;
	(pc) =	sbr.rel @p0 .LBB2_1-.Ltmp1, $4  }
0x6e: {  	[hbm:s10], [sflag:s6] =	dma.local [spmem:s13], $0x2800  }
0x6f: {  	_ =	swait.ge [sflag:s14], $0x2800  }
0x70: {  	[sflag:s14] =	ssyncset.done $0x0  }
0x71: {  	[sflag:s14] =	ssyncadd.s32 $0xFFFFD800  }
0x72: {  	_ =	sfence.sel $0x180000  }
0x73: {  	[bflag:$0x0] =	sbarrier.arrive $0xFFFF  }
0x74: {  	p0 =	sne.s32 s2, $0x0;
	_ =	strace $0x9000004A  }
0x75: {  	s0 =	sadd.s32 @!p0 $0x100000, s0;
	[bflag:$0x2] =	sbarrier.arrive $0xFFFF  }
0x76: {  	[sflag:s0] =	ssyncadd.tile.s32 @!p0 $0x1;
	_ =	shalt  }
.Lfunc_end2:
_tile_overlayer_lowered:
.L_overlay_start_2:
0x77: {  	(tag) =	ssettag $0x2  }
0x78: {  	s0 =	rddreg [dreg:$0x0];
	s2 =	stileid.u32  }
0x79: {  	s1 =	rddreg [dreg:$0x1];
	p0 =	sne.s32 s2, $0x0  }
0x7a: {  	s3 =	rddreg [dreg:$0x2];
	[bflag:$0x3] =	sbarrier.arrive $0xFFFF;
	s2 =	simm.s32 @!p0 $0x1C05  }
0x7b: {  	[timem:s3], [sflag:s2] =	dma.local @!p0 [hbm:s0], s1  }
0x7c: {  	s0 =	simm.s32 @!p0 $0x5  }
0x7d: {  	_ =	swait.ge @!p0 [sflag:s0], s1  }
0x7e: {  	s1 =	ssub.s32 @!p0 $0x0, s1;
	[sflag:s0] =	ssyncset.done @!p0 $0x0  }
0x7f: {  	[sflag:s0] =	ssyncadd.s32 @!p0 s1  }
0x80: {  	[bflag:$0x3] =	sbarrier.arrive $0xFFFF  }
0x81: {  	_ =	shalt  }

// kernel: kernel.17.cloned.1.call-start
scs
__scs_entry_jumppad:
0x0: {  	(pc) =	sbr.rel $0x88, $3  }
0x1: {  	(tag) =	ssettag $0x0;
	lr =	simm.s32 $0x1  }
0x2: {  	[smem:$0x3F8E] =	sst lr;
	_ =	strace $0xD0000000  }
0x3: {  	_ = 	snop  }
0x4: {  	_ = 	snop  }
0x5: {  	_ = 	snop  }
0x6: {  	_ = 	snop  }
0x7: {  	_ = 	snop  }
__scs_overlays_trampoline_lowered:
0x8: {  	[smem:$0x3F9D] =	sst s0  }
0x9: {  	[smem:$0x3F9E] =	sst s1  }
0xa: {  	[smem:$0x3F9F] =	sst s2  }
0xb: {  	[smem:$0x3FA0] =	sst s3  }
0xc: {  	[smem:$0x3FA1] =	sst s4  }
0xd: {  	[smem:$0x3FA2] =	sst s5  }
0xe: {  	[smem:$0x3FA3] =	sst s6  }
0xf: {  	[smem:$0x3FA4] =	sst s7  }
0x10: {  	[smem:$0x3FA5] =	sst s8  }
0x11: {  	[smem:$0x3FA6] =	sst s9;
	s0 =	simm.s32 @!p0 $0x0  }
0x12: {  	s1 =	sld [smem:$0x3F8C];
	s0 =	simm.s32 @p0 $0x1  }
0x13: {  	[smem:$0x3FA7] =	sst s0;
	s0 =	simm.s32 @!p1 $0x0  }
0x14: {  	s2 =	sld [smem:$0x3F8B];
	s0 =	simm.s32 @p1 $0x1  }
0x15: {  	[smem:$0x3FA8] =	sst s0;
	s0 =	simm.s32 @!p2 $0x0  }
0x16: {  	s3 =	sld [smem:$0x3FDB];
	s0 =	simm.s32 @p2 $0x1  }
0x17: {  	s4 =	simm.s32 $0x1BF5;
	[smem:$0x3FAA] =	sst s0  }
0x18: {  	s0 =	sld [smem:$0x3F8D];
	_ =	swait.ge [sflag:s4], $0x0  }
0x19: {  	s7 =	sld [smem:$0x3F8E]  }
0x1a: {  	s8 =	sadd.s32 $0xFFFFE003, lr  }
0x1b: {  	s9 =	sadd.s32 $0xFFFFFEF7, lr;
	s5 =	simm.s32 $0xFFFFFFFF;
	p2 =	slt.u32 s8, $0xFFFFF086  }
0x1c: {  	p1 =	slt.u32 s9, $0xF7A;
	s5 =	simm.s32 @!p2 $0x0  }
0x1d: {  	s5 =	simm.s32 @p1 $0x1;
	p0 =	seq.s32 s7, s2  }
0x1e: {  	s7 =	smul.u32 @!p0 $0xF7A, s2;
	p2 =	seq.s32 @!p0 s5, $0x0  }
0x1f: {  	s9 =	smul.u32 $0xF7A, s1;
	s8 =	simm.s32 @!p0 $0x1BF5;
	p2 =	por !p2, p0  }
0x20: {  	[sflag:s8] =	ssyncset.s32 @!p0 $0xFFFFF086;
	s6 =	sadd.s32 @!p0 s3, s7;
	s7 =	simm.s32 @!p0 $0x108  }
0x21: {  	s3 =	sadd.s32 s3, s9;
	s6 =	sadd.s32 @!p0 $0x88, s6;
	s7 =	simm.s32 @p2 $0x1082  }
0x22: {  	[simem:s7], [sflag:s8] =	dma.local @!p0 [hbm:s6], $0xF7A  }
0x23: {  	s9 =	sor.u32 $0xD0000000, s2;
	s6 =	simm.s32 $0x108;
	_ =	swait.ge @!p0 [sflag:s8], $0x0  }
0x24: {  	s3 =	sadd.s32 $0x88, s3;
	s6 =	simm.s32 @!p1 $0x1082;
	[sflag:s4] =	ssyncset.s32 $0xFFFFF086  }
0x25: {  	[simem:s6], [sflag:s4] =	dma.local [hbm:s3], $0xF7A  }
0x26: {  	[smem:$0x3F8E] =	sst s1;
	(tag) =	ssettag s2;
	_ =	strace s9  }
0x27: {  	s1 =	sld [smem:$0x3F9E]  }
0x28: {  	s2 =	sld [smem:$0x3F9F]  }
0x29: {  	s4 =	sld [smem:$0x3FA1]  }
0x2a: {  	p0 =	seq.s32 s5, $0x0;
	s5 =	sld [smem:$0x3FA2]  }
0x2b: {  	s6 =	sld [smem:$0x3FA3]  }
0x2c: {  	s7 =	sld [smem:$0x3FA4]  }
0x2d: {  	s3 =	simm.s32 $0x108;
	s8 =	sld [smem:$0x3FA5]  }
0x2e: {  	s3 =	simm.s32 @!p0 $0x1082;
	s9 =	sld [smem:$0x3FA6]  }
0x2f: {  	lr =	sadd.s32 s0, s3;
	s0 =	sld [smem:$0x3F9D]  }
0x30: {  	s3 =	sld [smem:$0x3FA0]  }
0x31: {  	[smem:$0x3FA9] =	sst s10  }
0x32: {  	s10 =	sld [smem:$0x3FA7];
	_ =	sdelay $0x3  }
0x33: {  	p0 =	seq.s32 s10, $0x1;
	s10 =	sld [smem:$0x3FA9];
	_ =	sdelay $0x3  }
0x34: {  	[smem:$0x3FA9] =	sst s10  }
0x35: {  	s10 =	sld [smem:$0x3FA8];
	_ =	sdelay $0x3  }
0x36: {  	p1 =	seq.s32 s10, $0x1;
	s10 =	sld [smem:$0x3FA9];
	_ =	sdelay $0x3  }
0x37: {  	[smem:$0x3FA9] =	sst s10  }
0x38: {  	s10 =	sld [smem:$0x3FAA]  }
0x39: {  	_ = 	snop;
	(pc) =	sbr.ind lr, $3  }
0x3a: {  	_ = 	snop  }
0x3b: {  	_ = 	snop  }
0x3c: {  	p2 =	seq.s32 s10, $0x1;
	s10 =	sld [smem:$0x3FA9]  }
0x3d: {  	_ =	shalt  }
0x3e: {  	_ =	shalt  }
0x3f: {  	_ =	shalt  }
0x40: {  	_ =	shalt  }
0x41: {  	_ =	shalt  }
0x42: {  	_ =	shalt  }
0x43: {  	_ =	shalt  }
0x44: {  	_ =	shalt  }
0x45: {  	_ =	shalt  }
0x46: {  	_ =	shalt  }
0x47: {  	_ =	shalt  }
0x48: {  	_ =	shalt  }
0x49: {  	_ =	shalt  }
0x4a: {  	_ =	shalt  }
0x4b: {  	_ =	shalt  }
0x4c: {  	_ =	shalt  }
0x4d: {  	_ =	shalt  }
0x4e: {  	_ =	shalt  }
0x4f: {  	_ =	shalt  }
0x50: {  	_ =	shalt  }
0x51: {  	_ =	shalt  }
0x52: {  	_ =	shalt  }
0x53: {  	_ =	shalt  }
0x54: {  	_ =	shalt  }
0x55: {  	_ =	shalt  }
0x56: {  	_ =	shalt  }
0x57: {  	_ =	shalt  }
0x58: {  	_ =	shalt  }
0x59: {  	_ =	shalt  }
0x5a: {  	_ =	shalt  }
0x5b: {  	_ =	shalt  }
0x5c: {  	_ =	shalt  }
0x5d: {  	_ =	shalt  }
0x5e: {  	_ =	shalt  }
0x5f: {  	_ =	shalt  }
0x60: {  	_ =	shalt  }
0x61: {  	_ =	shalt  }
0x62: {  	_ =	shalt  }
0x63: {  	_ =	shalt  }
0x64: {  	_ =	shalt  }
0x65: {  	_ =	shalt  }
0x66: {  	_ =	shalt  }
0x67: {  	_ =	shalt  }
0x68: {  	_ =	shalt  }
0x69: {  	_ =	shalt  }
0x6a: {  	_ =	shalt  }
0x6b: {  	_ =	shalt  }
0x6c: {  	_ =	shalt  }
0x6d: {  	_ =	shalt  }
0x6e: {  	_ =	shalt  }
0x6f: {  	_ =	shalt  }
0x70: {  	_ =	shalt  }
0x71: {  	_ =	shalt  }
0x72: {  	_ =	shalt  }
0x73: {  	_ =	shalt  }
0x74: {  	_ =	shalt  }
0x75: {  	_ =	shalt  }
0x76: {  	_ =	shalt  }
0x77: {  	_ =	shalt  }
0x78: {  	_ =	shalt  }
0x79: {  	_ =	shalt  }
0x7a: {  	_ =	shalt  }
0x7b: {  	_ =	shalt  }
0x7c: {  	_ =	shalt  }
0x7d: {  	_ =	shalt  }
0x7e: {  	_ =	shalt  }
0x7f: {  	_ =	shalt  }
0x80: {  	_ =	shalt  }
0x81: {  	_ =	shalt  }
0x82: {  	_ =	shalt  }
0x83: {  	_ =	shalt  }
0x84: {  	_ =	shalt  }
0x85: {  	_ =	shalt  }
0x86: {  	_ =	shalt  }
0x87: {  	_ =	shalt  }
.Lfunc_end0:
.L_simem_size_0:
called_computation.2_lowered:
.L_overlay_start_0:
0x88: {  	s2 =	sld [smem:$0x3FD9]  }
0x89: {  	s3 =	sld [smem:$0x3FFE];
	_ =	sdelay $0x1  }
0x8a: {  	s1 =	srdreg.scid  }
0x8b: {  	s0 =	sand.u32 $0x1, s1  }
0x8c: {  	s14 =	sshll.u32 s0, $0xA;
	s2 =	sadd.s32 s3, s2  }
0x8d: {  	s2 =	sadd.s32 s2, s14  }
0x8e: {  	[smem:$0x3FB5] =	sst s2  }
0x8f: {  	_ = 	snop  }
0x90: {  	s2 =	sld [smem:$0x3FD0];
	_ =	sdelay $0x2  }
0x91: {  	s15 =	simm.s32 $0xA;
	s4 =	simm.s32 $0x10  }
0x92: {  	[smem:s4], [sflag:s15] =	dma.local [hbm:s2], $0x1  }
0x93: {  	_ =	swait.eq [sflag:s15], $0x1  }
0x94: {  	[sflag:s15] =	ssyncset.done $0x0  }
0x95: {  	s16 =	sld [smem:$0x10];
	[sflag:s15] =	ssyncadd.s32 $0xFFFFFFFF  }
0x96: {  	s17 =	sld [smem:$0x11];
	(tm) =	ssettm $0x1  }
0x97: {  	s18 =	sld [smem:$0x3FFB];
	_ =	sdelay $0x3  }
0x98: {  	_ =	strace s18  }
0x99: {  	s4 =	sld [smem:$0x3FFC];
	_ =	sdelay $0x3  }
0x9a: {  	_ =	strace s4  }
0x9b: {  	s4 =	sld [smem:$0x3FFD];
	_ =	sdelay $0x3  }
0x9c: {  	_ =	strace s4  }
0x9d: {  	_ =	strace $0x8FFFFFFF  }
0x9e: {  	s19 =	sld [smem:$0x3FDB];
	_ =	sdelay $0x1  }
0x9f: {  	s5 =	simm.s32 $_scs_section_size  }
0xa0: {  	s6 =	simm.s32 $_size__tile_overlayer_lowered;
	s7 =	simm.s32 $_tile_overlayer_lowered  }
0xa1: {  	s22 =	simm.s32 $0x1BFF;
	s21 =	sshll.u32 s7, $0x1;
	s4 =	sadd.s32 s5, s19  }
0xa2: {  	s8 =	simm.s32 $0x0;
	s20 =	sshll.u32 s6, $0x1;
	s6 =	sadd.s32 s21, s4  }
0xa3: {  	[timem:s8], [sflag:s22] =	dma.local [hbm:s6], s20  }
0xa4: {  	_ =	swait.ge [sflag:s22], s20  }
0xa5: {  	s5 =	ssub.s32 $0x0, s20;
	[sflag:s22] =	ssyncset.done $0x0  }
0xa6: {  	[sflag:s22] =	ssyncadd.s32 s5;
	_ =	sdelay $0x1  }
0xa7: {  	s23 =	simm.s32 $0x1B8B  }
0xa8: {  	_ =	swait.ge [sflag:s23], $0x1  }
0xa9: {  	[sflag:s23] =	ssyncset.done $0x0  }
0xaa: {  	s25 =	simm.s32 $0x1B8E;
	s24 =	sld [smem:$0x3FFE];
	[sflag:s23] =	ssyncadd.s32 $0xFFFFFFFF  }
0xab: {  	s26 =	simm.s32 $execute0_lowered;
	[smem:$0x3FD2] =	sst s25  }
0xac: {  	s6 =	sshll.u32 s26, $0x1;
	_ =	strace $0x8000004C;
	[dreg:$0x1] =	wrdreg $0xFFFFFFFF  }
0xad: {  	s28 =	simm.s32 $_size_execute0_lowered;
	s4 =	sadd.s32 s4, s6;
	[dreg:$0x0] =	wrdreg $0x0  }
0xae: {  	s6 =	sshll.u32 s28, $0x1;
	[dreg:$0x2] =	wrdreg s4  }
0xaf: {  	[dreg:$0x3] =	wrdreg s6  }
0xb0: {  	[dreg:$0x4] =	wrdreg $0xC0  }
0xb1: {  	_ =	task [dreg:s8], $0x5FFFF  }
0xb2: {  	[dreg:$0x1] =	wrdreg $0xFFFFFFFF  }
0xb3: {  	[dreg:$0x0] =	wrdreg $0x60  }
0xb4: {  	[dreg:$0x2] =	wrdreg s16  }
0xb5: {  	[dreg:$0x3] =	wrdreg s17  }
0xb6: {  	[dreg:$0x4] =	wrdreg s24  }
0xb7: {  	[dreg:$0x5] =	wrdreg $0xA9000  }
0xb8: {  	[dreg:$0x6] =	wrdreg $0x9  }
0xb9: {  	_ =	task.clear_ibuf [dreg:s8], $0x7FFFF;
	_ =	strace $0x9000004C  }
0xba: {  	s29 =	simm.s32 $0x9;
	_ =	strace $0x8000004E  }
0xbb: {  	_ =	swait.ge [sflag:s29], $0x1  }
0xbc: {  	[sflag:s29] =	ssyncadd.s32 $0xFFFFFFFF  }
0xbd: {  	_ =	strace $0x9000004E  }
0xbe: {  	_ =	sfence  }
0xbf: {  	s30 =	sld [smem:$0x0];
	_ =	sdelay $0x2  }
0xc0: {  	s31 =	sshll.u32 s1, $0xD;
	s1 =	sshrl.u32 s1, $0x2  }
0xc1: {  	s3 =	sand.u32 $0x4000, s31;
	s1 =	sadd.s32 s1, s30  }
0xc2: {  	s0 =	sor.u32 s3, s0;
	s1 =	sshll.u32 s1, $0x11  }
0xc3: {  	s0 =	sor.u32 s1, s0  }
0xc4: {  	s0 =	sadd.s32 $0x8F2B, s0  }
0xc5: {  	[sflag:s0] =	ssyncadd.remote.s32 $0x1  }
0xc6: {  	_ =	sfence.sel $0xFFFF  }
0xc7: {  	[dreg:$0x0] =	wrdreg $0xFFFFFFFF;
	(pc) =	sbr.abs _section_cstart, $3  }
0xc8: {  	[dreg:$0x1] =	wrdreg $0xFFFFFFFF  }
0xc9: {  	_ =	task.clear_ibuf [dreg:s8], $0x2FFFF;
	_ =	strace $0x9FFFFFFF  }
0xca: {  	(tm) =	ssettm $0x7FFFFFFF  }
0xcb: {  	_ =	shalt  }
tec
execute0_lowered:
.L_overlay_start_1:
0x0: {  	(tag) =	ssettag $0x1  }
0x1: {  	s1 =	rddreg [dreg:$0x0]  }
0x2: {  	s7 =	rddreg [dreg:$0x1]  }
0x3: {  	s5 =	rddreg [dreg:$0x2]  }
0x4: {  	s3 =	rddreg [dreg:$0x3]  }
0x5: {  	s0 =	rddreg [dreg:$0x4];
	s2 =	stileid.u32  }
0x6: {  	s4 =	simm.s32 $0x0;
	s6 =	srdreg.scid;
	s16 =	simm.s32 $0x80  }
0x7: {  	s17 =	simm.s32 $0x2900;
	s18 =	simm.s32 $0x2880;
	s19 =	simm.s32 $0x6900  }
0x8: {  	s20 =	simm.s32 $0x3;
	s21 =	simm.s32 $0x1;
	s22 =	simm.s32 $0x4  }
0x9: {  	s23 =	simm.s32 $0x2;
	s24 =	simm.s32 $0x0;
	s8 =	smul.u32 $0x50, s2  }
0xa: {  	[smem:$0x7FF] =	sst s4;
	s6 =	sand.u32 $0x1, s6;
	s10 =	smul.u32 $0x14000, s2  }
0xb: {  	s28 =	smul.u32 $0x50000, s2;
	s31 =	sshll.u32 s2, $0x6;
	p0 =	seq.s32 s6, $0x0  }
0xc: {  	s26 =	smul.u32 $0x140000, s6;
	_ =	strace $0x8000004D;
	s6 =	ssub.s32 $0x2, s6  }
0xd: {  	s9 =	sadd.s32 $0x500, s8;
	s11 =	sshrl.u32 s10, $0x3;
	s29 =	sshrl.u32 s6, $0x1  }
0xe: {  	s30 =	sshrl.u32 s28, $0x2;
	s9 =	smov.u32 @p0 s8;
	s8 =	sadd.s32 s10, s26  }
0xf: {  	s11 =	sadd.s32 s11, s5;
	s14 =	ssub.s32 s6, s29;
	s15 =	sadd.s32 s30, s3  }
0x10: {  	s6 =	sor.u32 $0x1C05, s31;
	s9 =	sshll.u32 s9, $0x4;
	s8 =	sshrl.u32 s8, $0x3  }
0x11: {  	s12 =	sadd.s32 s9, s5;
	s13 =	sadd.s32 s8, s5;
	s5 =	sadd.s32 $0xDE00, s11  }
0x12: {  	s7 =	sadd.s32 s7, s9;
	s11 =	smax.u32 s14, $0x1;
	s14 =	simm.s32 $0x5  }
0x13: {  	s8 =	sadd.s32 $0x3E00, s12;
	s9 =	sadd.s32 $0x3E10, s12;
	s10 =	sadd.s32 $0x36400, s13  }
0x14: {  	s12 =	sadd.s32 $0x3E20, s12;
	s13 =	sshrl.u32 s15, $0x3;
	s15 =	simm.s32 $0x2800  }
.LBB2_1:
0x15: {  	[spmem:s13], [sflag:s6] =	dma.local [hbm:s5], $0x2800  }
0x16: {  	_ =	swait.ge [sflag:s14], $0x2800  }
0x17: {  	[sflag:s14] =	ssyncset.done $0x0  }
0x18: {  	[sflag:s14] =	ssyncadd.s32 $0xFFFFD800  }
0x19: {  	[bflag:$0x0] =	sbarrier.arrive $0xFFFF  }
0x1a: {  	[tilespmem:s4], [sflag:$0x5] =	stream.linear.gather [hbm4b:s7+s4], $0x2800, $0x38;
	[tilespmem:$0x1E900] =	vst v63  }
0x1b: {  	_ =	swait.ge [sflag:s14], $0x2800  }
0x1c: {  	[sflag:s14] =	ssyncset.done $0x0  }
0x1d: {  	[sflag:s14] =	ssyncadd.s32 $0xFFFFD800  }
0x1e: {  	[tilespmem:s15], [sflag:$0x3] =	stream.linear.gather [hbm4b:s8+s4], $0x80, $0x38;
	[tilespmem:$0x1E900] =	vst v63  }
0x1f: {  	_ = 	snop  }
0x20: {  	[tilespmem:s17], [sflag:$0x1] =	stream.indirect.gather [hbm4b:s1+s16], $0x80, s4, s16, $0xb8;
	[tilespmem:$0x1E900] =	vst v63  }
0x21: {  	_ = 	snop  }
0x22: {  	[tilespmem:s18], [sflag:$0x4] =	stream.linear.gather [hbm4b:s9+s4], $0x80, $0x38;
	[tilespmem:$0x1E900] =	vst v63  }
0x23: {  	_ = 	snop  }
0x24: {  	[tilespmem:s19], [sflag:$0x2] =	stream.indirect.gather [hbm4b:s1+s16], $0x80, s16, s16, $0xb8;
	[tilespmem:$0x1E900] =	vst v63  }
0x25: {  	_ =	swait.ge [sflag:s20], $0x80  }
0x26: {  	[sflag:s20] =	ssyncset.done $0x0  }
0x27: {  	[sflag:s20] =	ssyncadd.s32 $0xFFFFFF80  }
0x28: {  	_ =	swait.ge [sflag:s21], $0x4000  }
0x29: {  	[sflag:s21] =	ssyncset.done $0x0  }
0x2a: {  	[sflag:s21] =	ssyncadd.s32 $0xFFFFC000  }
0x2b: {  	[spmem:s3] =	stream.indirect.scatter.add.f32 [tilespmem:s17], [sflag:$0x5], $0x80, s15, s16, $0xb8;
	[tilespmem:$0x1E900] =	vst v63  }
0x2c: {  	_ =	swait.ge [sflag:s14], $0x4000  }
0x2d: {  	[sflag:s14] =	ssyncset.done $0x0  }
0x2e: {  	[sflag:s14] =	ssyncadd.s32 $0xFFFFC000  }
0x2f: {  	[tilespmem:s15], [sflag:$0x3] =	stream.linear.gather [hbm4b:s12+s4], $0x80, $0x38;
	[tilespmem:$0x1E900] =	vst v63  }
0x30: {  	s25 =	simm.s32 $0x100  }
0x31: {  	[tilespmem:s17], [sflag:$0x1] =	stream.indirect.gather [hbm4b:s1+s16], $0x80, s25, s16, $0xb8;
	[tilespmem:$0x1E900] =	vst v63  }
0x32: {  	_ =	swait.ge [sflag:s22], $0x80  }
0x33: {  	[sflag:s22] =	ssyncset.done $0x0  }
0x34: {  	[sflag:s22] =	ssyncadd.s32 $0xFFFFFF80  }
0x35: {  	_ =	swait.ge [sflag:s23], $0x4000  }
0x36: {  	[sflag:s23] =	ssyncset.done $0x0  }
0x37: {  	[sflag:s23] =	ssyncadd.s32 $0xFFFFC000  }
0x38: {  	[spmem:s3] =	stream.indirect.scatter.add.f32 [tilespmem:s19], [sflag:$0x5], $0x80, s18, s16, $0xb8;
	[tilespmem:$0x1E900] =	vst v63  }
0x39: {  	_ =	swait.ge [sflag:s14], $0x4000  }
0x3a: {  	s31 =	sadd.s32 $0x10, s12;
	s28 =	simm.s32 $0x180;
	[sflag:s14] =	ssyncset.done $0x0  }
0x3b: {  	s26 =	sadd.s32 $0x20, s12;
	s25 =	simm.s32 $0xFFFF6800;
	[sflag:s14] =	ssyncadd.s32 $0xFFFFC000  }
0x3c: {  	[tilespmem:s18], [sflag:$0x4] =	stream.linear.gather [hbm4b:s31+s4], $0x80, $0x38;
	[tilespmem:$0x1E900] =	vst v63  }
.LBB2_2:
0x3d: {  	[tilespmem:s19], [sflag:$0x2] =	stream.indirect.gather [hbm4b:s1+s16], $0x80, s28, s16, $0xb8;
	[tilespmem:$0x1E900] =	vst v63  }
0x3e: {  	s28 =	smov.u32 s25  }
0x3f: {  	p0 =	sne.s32 s25, $0xFFFFFC00;
	s25 =	sadd.s32 $0x400, s25;
	_ =	swait.ge [sflag:s20], $0x80  }
0x40: {  	[sflag:s20] =	ssyncset.done $0x0  }
0x41: {  	[sflag:s20] =	ssyncadd.s32 $0xFFFFFF80  }
0x42: {  	_ =	swait.ge [sflag:s21], $0x4000  }
0x43: {  	[sflag:s21] =	ssyncset.done $0x0  }
0x44: {  	[sflag:s21] =	ssyncadd.s32 $0xFFFFC000  }
0x45: {  	[spmem:s3] =	stream.indirect.scatter.add.f32 [tilespmem:s17], [sflag:$0x5], $0x80, s15, s16, $0xb8;
	[tilespmem:$0x1E900] =	vst v63  }
0x46: {  	_ =	swait.ge [sflag:s14], $0x4000  }
0x47: {  	[sflag:s14] =	ssyncset.done $0x0  }
0x48: {  	s28 =	sshra.s32 s28, $0x2;
	[sflag:s14] =	ssyncadd.s32 $0xFFFFC000  }
0x49: {  	[tilespmem:s15], [sflag:$0x3] =	stream.linear.gather [hbm4b:s26+s4], $0x80, $0x38;
	[tilespmem:$0x1E900] =	vst v63  }
0x4a: {  	s29 =	sadd.s32 $0x2800, s28  }
0x4b: {  	[tilespmem:s17], [sflag:$0x1] =	stream.indirect.gather [hbm4b:s1+s16], $0x80, s29, s16, $0xb8;
	[tilespmem:$0x1E900] =	vst v63  }
0x4c: {  	_ =	swait.ge [sflag:s22], $0x80  }
0x4d: {  	[sflag:s22] =	ssyncset.done $0x0  }
0x4e: {  	[sflag:s22] =	ssyncadd.s32 $0xFFFFFF80  }
0x4f: {  	_ =	swait.ge [sflag:s23], $0x4000  }
0x50: {  	[sflag:s23] =	ssyncset.done $0x0  }
0x51: {  	[sflag:s23] =	ssyncadd.s32 $0xFFFFC000  }
0x52: {  	[spmem:s3] =	stream.indirect.scatter.add.f32 [tilespmem:s19], [sflag:$0x5], $0x80, s18, s16, $0xb8;
	[tilespmem:$0x1E900] =	vst v63  }
.Ltmp0:
0x53: {  	_ =	swait.ge [sflag:s14], $0x4000;
	(pc) =	sbr.rel @p0 .LBB2_2-.Ltmp0, $4  }
0x54: {  	[sflag:s14] =	ssyncset.done $0x0  }
0x55: {  	s29 =	sadd.s32 $0x10, s26;
	[sflag:s14] =	ssyncadd.s32 $0xFFFFC000  }
0x56: {  	[tilespmem:s18], [sflag:$0x4] =	stream.linear.gather [hbm4b:s29+s4], $0x80, $0x38;
	[tilespmem:$0x1E900] =	vst v63  }
0x57: {  	s28 =	sadd.s32 $0x2880, s28;
	s26 =	sadd.s32 $0x20, s26  }
0x58: {  	[tilespmem:s19], [sflag:$0x2] =	stream.indirect.gather [hbm4b:s1+s16], $0x80, s28, s16, $0xb8;
	[tilespmem:$0x1E900] =	vst v63  }
0x59: {  	_ =	swait.ge [sflag:s20], $0x80  }
0x5a: {  	[sflag:s20] =	ssyncset.done $0x0  }
0x5b: {  	[sflag:s20] =	ssyncadd.s32 $0xFFFFFF80  }
0x5c: {  	_ =	swait.ge [sflag:s21], $0x4000  }
0x5d: {  	[sflag:s21] =	ssyncset.done $0x0  }
0x5e: {  	[sflag:s21] =	ssyncadd.s32 $0xFFFFC000  }
0x5f: {  	[spmem:s3] =	stream.indirect.scatter.add.f32 [tilespmem:s17], [sflag:$0x5], $0x80, s15, s16, $0xb8;
	[tilespmem:$0x1E900] =	vst v63  }
0x60: {  	_ =	swait.ge [sflag:s14], $0x4000  }
0x61: {  	[sflag:s14] =	ssyncset.done $0x0  }
0x62: {  	[sflag:s14] =	ssyncadd.s32 $0xFFFFC000  }
0x63: {  	_ =	swait.ge [sflag:s22], $0x80  }
0x64: {  	[sflag:s22] =	ssyncset.done $0x0  }
0x65: {  	[sflag:s22] =	ssyncadd.s32 $0xFFFFFF80  }
0x66: {  	_ =	swait.ge [sflag:s23], $0x4000  }
0x67: {  	[sflag:s23] =	ssyncset.done $0x0  }
0x68: {  	[sflag:s23] =	ssyncadd.s32 $0xFFFFC000  }
0x69: {  	[spmem:s3] =	stream.indirect.scatter.add.f32 [tilespmem:s19], [sflag:$0x5], $0x80, s18, s16, $0xb8;
	[tilespmem:$0x1E900] =	vst v63  }
0x6a: {  	_ =	swait.ge [sflag:s14], $0x4000  }
0x6b: {  	s24 =	sadd.s32 $0x1, s24;
	[sflag:s14] =	ssyncset.done $0x0  }
0x6c: {  	p0 =	sne.s32 s24, s11;
	[sflag:s14] =	ssyncadd.s32 $0xFFFFC000  }
.Ltmp1:
0x6d: {  	[bflag:$0x0] =	sbarrier.arrive $0xFFFF;
	(pc) =	sbr.rel @p0 .LBB2_1-.Ltmp1, $4  }
0x6e: {  	[hbm:s10], [sflag:s6] =	dma.local [spmem:s13], $0x2800  }
0x6f: {  	_ =	swait.ge [sflag:s14], $0x2800  }
0x70: {  	[sflag:s14] =	ssyncset.done $0x0  }
0x71: {  	[sflag:s14] =	ssyncadd.s32 $0xFFFFD800  }
0x72: {  	_ =	sfence.sel $0x180000  }
0x73: {  	[bflag:$0x0] =	sbarrier.arrive $0xFFFF  }
0x74: {  	p0 =	sne.s32 s2, $0x0;
	_ =	strace $0x9000004D  }
0x75: {  	s0 =	sadd.s32 @!p0 $0x100000, s0;
	[bflag:$0x2] =	sbarrier.arrive $0xFFFF  }
0x76: {  	[sflag:s0] =	ssyncadd.tile.s32 @!p0 $0x1;
	_ =	shalt  }
.Lfunc_end2:
_tile_overlayer_lowered:
.L_overlay_start_2:
0x77: {  	(tag) =	ssettag $0x2  }
0x78: {  	s0 =	rddreg [dreg:$0x0];
	s2 =	stileid.u32  }
0x79: {  	s1 =	rddreg [dreg:$0x1];
	p0 =	sne.s32 s2, $0x0  }
0x7a: {  	s3 =	rddreg [dreg:$0x2];
	[bflag:$0x3] =	sbarrier.arrive $0xFFFF;
	s2 =	simm.s32 @!p0 $0x1C05  }
0x7b: {  	[timem:s3], [sflag:s2] =	dma.local @!p0 [hbm:s0], s1  }
0x7c: {  	s0 =	simm.s32 @!p0 $0x5  }
0x7d: {  	_ =	swait.ge @!p0 [sflag:s0], s1  }
0x7e: {  	s1 =	ssub.s32 @!p0 $0x0, s1;
	[sflag:s0] =	ssyncset.done @!p0 $0x0  }
0x7f: {  	[sflag:s0] =	ssyncadd.s32 @!p0 s1  }
0x80: {  	[bflag:$0x3] =	sbarrier.arrive $0xFFFF  }
0x81: {  	_ =	shalt  }

</sc_bundles>
